<compile_context>
chip_gen: v7x
topology: tpu7x:2x2x1
jax: 0.10.2.dev20260603
libtpu: 0.0.44.dev20260713+nightly
codegen_flags: <defaults>
</compile_context>

<pallas_src>
import functools

import jax
import jax.numpy as jnp
from jax import lax
from jax.experimental import pallas as pl
from jax.experimental.pallas import tpu as pltpu
from jax.experimental.pallas import tpu_sc as plsc

N = 10000
F = 128
E = 320000
K_PROP = 10
ALPHA = 0.1

NC = 2
NS = 16
NPAD = 10240
RPT = NPAD // NS
RSUB = 128
NSUB = RPT // RSUB
CHUNK = 128
EPT = E // NS
NCH = 162
FP = 16
NPASS = (F // NC) // FP
G = NC * NPASS

_mesh = plsc.VectorSubcoreMesh(core_axis_name="cc", subcore_axis_name="ss")


def _mlp_body(x_ref, w1_ref, b1_ref, w2_ref, b2_ref, o_ref):
    h1 = jnp.dot(x_ref[...], w1_ref[...], preferred_element_type=jnp.float32)
    h1 = jnp.maximum(h1 + b1_ref[...], 0.0)
    o_ref[...] = (
        jnp.dot(h1, w2_ref[...], preferred_element_type=jnp.float32)
        + b2_ref[...]
    )


_BM = 512


def _mlp(x_pad, W1, b1, W2, b2):
    grid = (NPAD // _BM,)
    return pl.pallas_call(
        _mlp_body,
        grid=grid,
        in_specs=[
            pl.BlockSpec((_BM, F), lambda i: (i, 0)),
            pl.BlockSpec((F, F), lambda i: (0, 0)),
            pl.BlockSpec((1, F), lambda i: (0, 0)),
            pl.BlockSpec((F, F), lambda i: (0, 0)),
            pl.BlockSpec((1, F), lambda i: (0, 0)),
        ],
        out_specs=pl.BlockSpec((_BM, F), lambda i: (i, 0)),
        out_shape=jax.ShapeDtypeStruct((NPAD, F), jnp.float32),
    )(x_pad, W1, b1, W2, b2)


def _deg_body(dst_hbm, deg_out, dst_v, ones_v, tmp_v, deg_sh):
    cid = lax.axis_index("cc")
    sid = lax.axis_index("ss")
    base = sid * RPT
    pltpu.sync_copy(dst_hbm.at[sid], dst_v)

    def fill_ones(i, carry):
        ones_v[pl.ds(i * 16, 16)] = jnp.full((16,), 1.0, jnp.float32)
        return carry

    lax.fori_loop(0, CHUNK // 16, fill_ones, 0)

    def fill_zero(i, carry):
        tmp_v[pl.ds(i * 16, 16)] = jnp.zeros((16,), jnp.float32)
        return carry

    lax.fori_loop(0, RPT // 16, fill_zero, 0)
    pltpu.sync_copy(tmp_v, deg_sh.at[pl.ds(base, RPT)])
    plsc.subcore_barrier()

    half = NCH // NC

    def scat(j, carry):
        pltpu.sync_copy(ones_v, deg_sh.at[dst_v.at[cid * half + j]], add=True)
        return carry

    lax.fori_loop(0, half, scat, 0)
    plsc.subcore_barrier()
    pltpu.sync_copy(deg_sh.at[pl.ds(base, RPT)], tmp_v)
    pltpu.sync_copy(tmp_v, deg_out.at[cid, pl.ds(base, RPT)])


_deg_call = functools.partial(
    pl.kernel,
    out_type=jax.ShapeDtypeStruct((NC, NPAD), jnp.float32),
    mesh=_mesh,
    compiler_params=pltpu.CompilerParams(use_tc_tiling_on_sc=False),
    scratch_types=[
        pltpu.VMEM((NCH, CHUNK), jnp.int32),
        pltpu.VMEM((CHUNK,), jnp.float32),
        pltpu.VMEM((RPT,), jnp.float32),
        pltpu.VMEM_SHARED((NPAD,), jnp.float32),
    ],
)(_deg_body)


def _prep_body(deg_ref, h_ref, y0_ref, c_ref, dis_ref):
    pid = pl.program_id(0)
    rows = lax.broadcasted_iota(jnp.int32, (_BM, 1), 0) + pid * _BM
    valid = rows < N
    degp = deg_ref[:, 0:1] + deg_ref[:, 1:2] + 1.0
    dis = lax.rsqrt(degp)
    c = 1.0 / degp
    dis = jnp.where(valid, dis, 0.0)
    c = jnp.where(valid, c, 0.0)
    y0_ref[...] = dis * h_ref[...]
    c_ref[...] = c
    dis_ref[...] = dis


def _prep(deg2t, h_pad):
    grid = (NPAD // _BM,)
    return pl.pallas_call(
        _prep_body,
        grid=grid,
        in_specs=[
            pl.BlockSpec((_BM, 2), lambda i: (i, 0)),
            pl.BlockSpec((_BM, F), lambda i: (i, 0)),
        ],
        out_specs=[
            pl.BlockSpec((_BM, F), lambda i: (i, 0)),
            pl.BlockSpec((_BM, 1), lambda i: (i, 0)),
            pl.BlockSpec((_BM, 1), lambda i: (i, 0)),
        ],
        out_shape=[
            jax.ShapeDtypeStruct((NPAD, F), jnp.float32),
            jax.ShapeDtypeStruct((NPAD, 1), jnp.float32),
            jax.ShapeDtypeStruct((NPAD, 1), jnp.float32),
        ],
    )(deg2t, h_pad)


def _prop_body(
    y0_hbm, c_hbm, src_hbm, dst_hbm, y_hbm,
    src_v, dst_v, gbuf, ybuf, sbuf, zbuf, g_v, c_v, s_sh,
):
    cid = lax.axis_index("cc")
    sid = lax.axis_index("ss")
    base = sid * RPT

    pltpu.sync_copy(src_hbm.at[sid], src_v)
    pltpu.sync_copy(dst_hbm.at[sid], dst_v)
    pltpu.sync_copy(c_hbm.at[pl.ds(base, RPT)], c_v)

    for p in range(NPASS):
        slab = cid * NPASS + p
        pltpu.sync_copy(y0_hbm.at[slab, pl.ds(base, RPT)], g_v.at[p])
        pltpu.sync_copy(g_v.at[p], y_hbm.at[pl.ds(slab * NPAD + base, RPT)])

    def g_scale(r, carry):
        for p in range(NPASS):
            g_v[p, r, :] = g_v[p, r, :] * ALPHA
        return carry

    lax.fori_loop(0, RPT, g_scale, 0)

    def z_fill(r, carry):
        zbuf[r, :] = jnp.zeros((FP,), jnp.float32)
        return carry

    lax.fori_loop(0, RSUB, z_fill, 0)

    def s_zero(i, carry):
        pltpu.sync_copy(zbuf, s_sh.at[pl.ds(base + i * RSUB, RSUB)])
        return carry

    for p in range(NPASS):
        slab = cid * NPASS + p
        goff = slab * NPAD
        delta = (cid * NPASS) * NPAD if p == 0 else NPAD

        def adj(b, carry):
            row = b // (CHUNK // 16)
            col = (b % (CHUNK // 16)) * 16
            sl = pl.ds(col, 16)
            src_v[row, sl] = src_v[row, sl] + delta
            return carry

        lax.fori_loop(0, NCH * (CHUNK // 16), adj, 0)

        lax.fori_loop(0, NSUB, s_zero, 0)
        plsc.subcore_barrier()

        def step(k, carry):
            def edge(j, c2):
                pltpu.sync_copy(y_hbm.at[src_v.at[j]], gbuf)
                pltpu.sync_copy(gbuf, s_sh.at[dst_v.at[j]], add=True)
                return c2

            lax.fori_loop(0, NCH, edge, 0)
            plsc.subcore_barrier()

            def dense(i, c2):
                srows = pl.ds(base + i * RSUB, RSUB)
                yrows = pl.ds(goff + base + i * RSUB, RSUB)
                pltpu.sync_copy(y_hbm.at[yrows], ybuf)
                pltpu.sync_copy(s_sh.at[srows], sbuf)

                def dgroup(rb, c3):
                    c16 = c_v[pl.ds(i * RSUB + rb * 16, 16)] * (1.0 - ALPHA)
                    for r2 in range(16):
                        r = rb * 16 + r2
                        gr = i * RSUB + r
                        cs = c16[r2]
                        ybuf[r, :] = (
                            (sbuf[r, :] + ybuf[r, :]) * cs + g_v[p, gr, :]
                        )
                    return c3

                lax.fori_loop(0, RSUB // 16, dgroup, 0)
                pltpu.sync_copy(ybuf, y_hbm.at[yrows])
                pltpu.sync_copy(zbuf, s_sh.at[srows])
                return c2

            lax.fori_loop(0, NSUB, dense, 0)
            plsc.subcore_barrier()
            return carry

        lax.fori_loop(0, K_PROP, step, 0)


_prop_call = functools.partial(
    pl.kernel,
    out_type=jax.ShapeDtypeStruct((G * NPAD, FP), jnp.float32),
    mesh=_mesh,
    compiler_params=pltpu.CompilerParams(use_tc_tiling_on_sc=False),
    scratch_types=[
        pltpu.VMEM((NCH, CHUNK), jnp.int32),
        pltpu.VMEM((NCH, CHUNK), jnp.int32),
        pltpu.VMEM((CHUNK, FP), jnp.float32),
        pltpu.VMEM((RSUB, FP), jnp.float32),
        pltpu.VMEM((RSUB, FP), jnp.float32),
        pltpu.VMEM((RSUB, FP), jnp.float32),
        pltpu.VMEM((NPASS, RPT, FP), jnp.float32),
        pltpu.VMEM((RPT,), jnp.float32),
        pltpu.VMEM_SHARED((NPAD, FP), jnp.float32),
    ],
)(_prop_body)


_BO = 400


def _out_body(y_ref, dis_ref, o_ref):
    z = y_ref[...] / dis_ref[...]
    m = jnp.max(z, axis=1, keepdims=True)
    zc = z - m
    ssum = jnp.sum(jnp.exp(zc), axis=1, keepdims=True)
    o_ref[...] = zc - jnp.log(ssum)


def _final(y_full, dis_n):
    grid = (N // _BO,)
    return pl.pallas_call(
        _out_body,
        grid=grid,
        in_specs=[
            pl.BlockSpec((_BO, F), lambda i: (i, 0)),
            pl.BlockSpec((_BO, 1), lambda i: (i, 0)),
        ],
        out_specs=pl.BlockSpec((_BO, F), lambda i: (i, 0)),
        out_shape=jax.ShapeDtypeStruct((N, F), jnp.float32),
    )(y_full, dis_n)


def kernel(x, W1, b1, W2, b2, edge_index):
    src = edge_index[0].astype(jnp.int32)
    dst = edge_index[1].astype(jnp.int32)
    pad_e = NCH * CHUNK - EPT
    srcc = jnp.pad(
        src.reshape(NS, EPT), ((0, 0), (0, pad_e)), constant_values=0
    ).reshape(NS, NCH, CHUNK)
    dstc = jnp.pad(
        dst.reshape(NS, EPT), ((0, 0), (0, pad_e)), constant_values=NPAD - 1
    ).reshape(NS, NCH, CHUNK)

    x_pad = jnp.pad(x, ((0, NPAD - N), (0, 0)))
    h_pad = _mlp(x_pad, W1, b1.reshape(1, F), W2, b2.reshape(1, F))

    deg2 = _deg_call(dstc)
    deg2t = deg2.T

    y0, c, dis = _prep(deg2t, h_pad)
    y0g = y0.reshape(NPAD, G, FP).transpose(1, 0, 2)

    yK = _prop_call(y0g, c.reshape(NPAD), srcc, dstc)

    y_full = (
        yK.reshape(G, NPAD, FP).transpose(1, 0, 2).reshape(NPAD, F)[:N]
    )
    return _final(y_full, dis[:N])

# --- scband reference (transcript-rebuilt; emitter-appended) ---
"""Pipeline reference for scband-appnp-14370960572524 (READ-ONLY COPY).

The authoritative reference and input builder live on the scoring server;
editing this copy changes nothing except your own understanding.
"""

import jax, jax.numpy as jnp
import numpy as np

N_NODES = 10000
N_EDGES = 320000
IN_CH = 128
HID_CH = 128
OUT_CH = 128
K_PROP = 10
ALPHA = 0.1

def setup_inputs(seed: int = 0) -> dict:
    key = jax.random.key(seed)
    k1, k2, k3, k4, k5, k6 = jax.random.split(key, 6)
    x = jax.random.normal(k1, (N_NODES, IN_CH), dtype=jnp.float32)
    edge_index = jax.random.randint(k2, (2, N_EDGES), 0, N_NODES, dtype=jnp.int64)
    lim1 = 1.0 / np.sqrt(IN_CH)
    W1 = jax.random.uniform(k3, (IN_CH, HID_CH), minval=-lim1, maxval=lim1, dtype=jnp.float32)
    b1 = jax.random.uniform(k4, (HID_CH,), minval=-lim1, maxval=lim1, dtype=jnp.float32)
    lim2 = 1.0 / np.sqrt(HID_CH)
    W2 = jax.random.uniform(k5, (HID_CH, OUT_CH), minval=-lim2, maxval=lim2, dtype=jnp.float32)
    b2 = jax.random.uniform(k6, (OUT_CH,), minval=-lim2, maxval=lim2, dtype=jnp.float32)
    return {"x": x, "W1": W1, "b1": b1, "W2": W2, "b2": b2, "edge_index": edge_index}

def reference(x, W1, b1, W2, b2, edge_index):
    # eval mode: dropout is identity
    N = x.shape[0]
    h = jax.nn.relu(x @ W1 + b1)
    h = h @ W2 + b2
    # gcn_norm with self loops (edge_weight = 1)
    loop = jnp.arange(N, dtype=edge_index.dtype)
    src = jnp.concatenate([edge_index[0], loop])
    dst = jnp.concatenate([edge_index[1], loop])
    deg = jnp.zeros((N,), dtype=jnp.float32).at[dst].add(1.0)
    deg_inv_sqrt = jnp.where(deg > 0, jax.lax.rsqrt(jnp.maximum(deg, 1e-12)), 0.0)
    norm = deg_inv_sqrt[src] * deg_inv_sqrt[dst]
    # APPNP propagation: z <- (1 - alpha) * A_hat z + alpha * h
    z = h
    for _ in range(K_PROP):
        msg = norm[:, None] * jnp.take(z, src, axis=0)
        agg = jax.ops.segment_sum(msg, dst, num_segments=N)
        z = (1.0 - ALPHA) * agg + ALPHA * h
    return jax.nn.log_softmax(z, axis=1)

if __name__ == "__main__":
    import jax
    _d = setup_inputs()
    print(jax.jit(kernel)(*tuple(_d.values())))

</pallas_src>

<mosaic_0001>
#map = affine_map<(d0, d1) -> (0, 0, 0)>
#map1 = affine_map<(d0, d1) -> (0)>
#map2 = affine_map<(d0, d1) -> (0, 0)>
module attributes {stable_mosaic.version = 14 : i64} {
  func.func @_prop_body(%arg0: i32, %arg1: i32, %arg2: memref<8x10240x16xf32, #tpu.memory_space<hbm>>, %arg3: memref<10240xf32, #tpu.memory_space<hbm>>, %arg4: memref<16x162x128xi32, #tpu.memory_space<hbm>>, %arg5: memref<16x162x128xi32, #tpu.memory_space<hbm>>, %arg6: memref<81920x16xf32, #tpu.memory_space<hbm>>, %arg7: memref<162x128xi32, #tpu.memory_space<vmem>>, %arg8: memref<162x128xi32, #tpu.memory_space<vmem>>, %arg9: memref<128x16xf32, #tpu.memory_space<vmem>>, %arg10: memref<128x16xf32, #tpu.memory_space<vmem>>, %arg11: memref<128x16xf32, #tpu.memory_space<vmem>>, %arg12: memref<128x16xf32, #tpu.memory_space<vmem>>, %arg13: memref<4x640x16xf32, #tpu.memory_space<vmem>>, %arg14: memref<640xf32, #tpu.memory_space<vmem>>, %arg15: memref<10240x16xf32, #tpu.memory_space<vmem_shared>>) attributes {dimension_semantics = [#tpu.dimension_semantics<core_parallel>, #tpu.dimension_semantics<subcore_parallel>], iteration_bounds = array<i64: 2, 16>, scalar_prefetch = 0 : i64, scratch_operands = 9 : i64, tpu.core_type = #tpu.core_type<sc_vector_subcore>, window_params = [{transform_indices = #map}, {transform_indices = #map1}, {transform_indices = #map}, {transform_indices = #map}, {transform_indices = #map2}]} {
    %mul3A = arith.constant 640 : i32
    %mul3A_0 = arith.muli %arg1, %mul3A : i32
    "tpu.region"() ({
      %run_scoped3A_149 = tpu.sem_alloc : memref<!tpu.dma_semaphore, #tpu.memory_space<semaphore_mem>>
      %dma_start3A = arith.constant 0 : i32
      %dma_start3A_150 = arith.constant 0 : i32
      %dma_start3A_151 = tpu.memref_slice %arg4[%arg1, %dma_start3A, %dma_start3A_150] : memref<16x162x128xi32, #tpu.memory_space<hbm>> -> memref<1x162x128xi32, #tpu.memory_space<hbm>>
      %dma_start3A_152 = tpu.memref_squeeze %dma_start3A_151 : memref<1x162x128xi32, #tpu.memory_space<hbm>> -> memref<162x128xi32, #tpu.memory_space<hbm>>
      %dma_start3A_153 = arith.constant 0 : i32
      %dma_start3A_154 = arith.constant 0 : i32
      %dma_start3A_155 = tpu.memref_slice %arg4[%arg1, %dma_start3A_153, %dma_start3A_154] : memref<16x162x128xi32, #tpu.memory_space<hbm>> -> memref<1x162x128xi32, #tpu.memory_space<hbm>>
      %dma_start3A_156 = tpu.memref_squeeze %dma_start3A_155 : memref<1x162x128xi32, #tpu.memory_space<hbm>> -> memref<162x128xi32, #tpu.memory_space<hbm>>
      tpu.enqueue_dma source(%dma_start3A_156 : memref<162x128xi32, #tpu.memory_space<hbm>>) target(%arg7 : memref<162x128xi32, #tpu.memory_space<vmem>>) target_semaphore(%run_scoped3A_149 : memref<!tpu.dma_semaphore, #tpu.memory_space<semaphore_mem>>)
      %dma_wait3A = arith.constant 0 : i32
      %dma_wait3A_157 = arith.constant 0 : i32
      %dma_wait3A_158 = tpu.memref_slice %arg4[%arg1, %dma_wait3A, %dma_wait3A_157] : memref<16x162x128xi32, #tpu.memory_space<hbm>> -> memref<1x162x128xi32, #tpu.memory_space<hbm>>
      %dma_wait3A_159 = tpu.memref_squeeze %dma_wait3A_158 : memref<1x162x128xi32, #tpu.memory_space<hbm>> -> memref<162x128xi32, #tpu.memory_space<hbm>>
      %dma_wait3A_160 = arith.constant 0 : i32
      %dma_wait3A_161 = arith.constant 0 : i32
      %dma_wait3A_162 = tpu.memref_slice %arg4[%arg1, %dma_wait3A_160, %dma_wait3A_161] : memref<16x162x128xi32, #tpu.memory_space<hbm>> -> memref<1x162x128xi32, #tpu.memory_space<hbm>>
      %dma_wait3A_163 = tpu.memref_squeeze %dma_wait3A_162 : memref<1x162x128xi32, #tpu.memory_space<hbm>> -> memref<162x128xi32, #tpu.memory_space<hbm>>
      tpu.wait_dma2 semaphore(%run_scoped3A_149 : memref<!tpu.dma_semaphore, #tpu.memory_space<semaphore_mem>>) src(%dma_wait3A_163 : memref<162x128xi32, #tpu.memory_space<hbm>>) dst(%arg7 : memref<162x128xi32, #tpu.memory_space<vmem>>)
      tpu.yield
    }) : () -> ()
    "tpu.region"() ({
      %run_scoped3A_149 = tpu.sem_alloc : memref<!tpu.dma_semaphore, #tpu.memory_space<semaphore_mem>>
      %dma_start3A = arith.constant 0 : i32
      %dma_start3A_150 = arith.constant 0 : i32
      %dma_start3A_151 = tpu.memref_slice %arg5[%arg1, %dma_start3A, %dma_start3A_150] : memref<16x162x128xi32, #tpu.memory_space<hbm>> -> memref<1x162x128xi32, #tpu.memory_space<hbm>>
      %dma_start3A_152 = tpu.memref_squeeze %dma_start3A_151 : memref<1x162x128xi32, #tpu.memory_space<hbm>> -> memref<162x128xi32, #tpu.memory_space<hbm>>
      %dma_start3A_153 = arith.constant 0 : i32
      %dma_start3A_154 = arith.constant 0 : i32
      %dma_start3A_155 = tpu.memref_slice %arg5[%arg1, %dma_start3A_153, %dma_start3A_154] : memref<16x162x128xi32, #tpu.memory_space<hbm>> -> memref<1x162x128xi32, #tpu.memory_space<hbm>>
      %dma_start3A_156 = tpu.memref_squeeze %dma_start3A_155 : memref<1x162x128xi32, #tpu.memory_space<hbm>> -> memref<162x128xi32, #tpu.memory_space<hbm>>
      tpu.enqueue_dma source(%dma_start3A_156 : memref<162x128xi32, #tpu.memory_space<hbm>>) target(%arg8 : memref<162x128xi32, #tpu.memory_space<vmem>>) target_semaphore(%run_scoped3A_149 : memref<!tpu.dma_semaphore, #tpu.memory_space<semaphore_mem>>)
      %dma_wait3A = arith.constant 0 : i32
      %dma_wait3A_157 = arith.constant 0 : i32
      %dma_wait3A_158 = tpu.memref_slice %arg5[%arg1, %dma_wait3A, %dma_wait3A_157] : memref<16x162x128xi32, #tpu.memory_space<hbm>> -> memref<1x162x128xi32, #tpu.memory_space<hbm>>
      %dma_wait3A_159 = tpu.memref_squeeze %dma_wait3A_158 : memref<1x162x128xi32, #tpu.memory_space<hbm>> -> memref<162x128xi32, #tpu.memory_space<hbm>>
      %dma_wait3A_160 = arith.constant 0 : i32
      %dma_wait3A_161 = arith.constant 0 : i32
      %dma_wait3A_162 = tpu.memref_slice %arg5[%arg1, %dma_wait3A_160, %dma_wait3A_161] : memref<16x162x128xi32, #tpu.memory_space<hbm>> -> memref<1x162x128xi32, #tpu.memory_space<hbm>>
      %dma_wait3A_163 = tpu.memref_squeeze %dma_wait3A_162 : memref<1x162x128xi32, #tpu.memory_space<hbm>> -> memref<162x128xi32, #tpu.memory_space<hbm>>
      tpu.wait_dma2 semaphore(%run_scoped3A_149 : memref<!tpu.dma_semaphore, #tpu.memory_space<semaphore_mem>>) src(%dma_wait3A_163 : memref<162x128xi32, #tpu.memory_space<hbm>>) dst(%arg8 : memref<162x128xi32, #tpu.memory_space<vmem>>)
      tpu.yield
    }) : () -> ()
    "tpu.region"() ({
      %run_scoped3A_149 = tpu.sem_alloc : memref<!tpu.dma_semaphore, #tpu.memory_space<semaphore_mem>>
      %dma_start3A = tpu.memref_slice %arg3[%mul3A_0] : memref<10240xf32, #tpu.memory_space<hbm>> -> memref<640xf32, #tpu.memory_space<hbm>>
      %dma_start3A_150 = tpu.memref_slice %arg3[%mul3A_0] : memref<10240xf32, #tpu.memory_space<hbm>> -> memref<640xf32, #tpu.memory_space<hbm>>
      tpu.enqueue_dma source(%dma_start3A_150 : memref<640xf32, #tpu.memory_space<hbm>>) target(%arg14 : memref<640xf32, #tpu.memory_space<vmem>>) target_semaphore(%run_scoped3A_149 : memref<!tpu.dma_semaphore, #tpu.memory_space<semaphore_mem>>)
      %dma_wait3A = tpu.memref_slice %arg3[%mul3A_0] : memref<10240xf32, #tpu.memory_space<hbm>> -> memref<640xf32, #tpu.memory_space<hbm>>
      %dma_wait3A_151 = tpu.memref_slice %arg3[%mul3A_0] : memref<10240xf32, #tpu.memory_space<hbm>> -> memref<640xf32, #tpu.memory_space<hbm>>
      tpu.wait_dma2 semaphore(%run_scoped3A_149 : memref<!tpu.dma_semaphore, #tpu.memory_space<semaphore_mem>>) src(%dma_wait3A_151 : memref<640xf32, #tpu.memory_space<hbm>>) dst(%arg14 : memref<640xf32, #tpu.memory_space<vmem>>)
      tpu.yield
    }) : () -> ()
    %mul3A_1 = arith.constant 4 : i32
    %mul3A_2 = arith.muli %arg0, %mul3A_1 : i32
    %add3A = arith.constant 0 : i32
    %add3A_3 = arith.addi %mul3A_2, %add3A : i32
    %run_scoped3A = arith.constant 0 : i32
    "tpu.region"() ({
      %run_scoped3A_149 = tpu.sem_alloc : memref<!tpu.dma_semaphore, #tpu.memory_space<semaphore_mem>>
      %dma_start3A = arith.constant 0 : i32
      %dma_start3A_150 = arith.constant 0 : i32
      %dma_start3A_151 = tpu.memref_slice %arg13[%run_scoped3A, %dma_start3A, %dma_start3A_150] : memref<4x640x16xf32, #tpu.memory_space<vmem>> -> memref<1x640x16xf32, #tpu.memory_space<vmem>>
      %dma_start3A_152 = tpu.memref_squeeze %dma_start3A_151 : memref<1x640x16xf32, #tpu.memory_space<vmem>> -> memref<640x16xf32, #tpu.memory_space<vmem>>
      %dma_start3A_153 = arith.constant 0 : i32
      %dma_start3A_154 = tpu.memref_slice %arg2[%add3A_3, %mul3A_0, %dma_start3A_153] : memref<8x10240x16xf32, #tpu.memory_space<hbm>> -> memref<1x640x16xf32, #tpu.memory_space<hbm>>
      %dma_start3A_155 = tpu.memref_squeeze %dma_start3A_154 : memref<1x640x16xf32, #tpu.memory_space<hbm>> -> memref<640x16xf32, #tpu.memory_space<hbm>>
      %dma_start3A_156 = arith.constant 0 : i32
      %dma_start3A_157 = arith.constant 0 : i32
      %dma_start3A_158 = tpu.memref_slice %arg13[%run_scoped3A, %dma_start3A_156, %dma_start3A_157] : memref<4x640x16xf32, #tpu.memory_space<vmem>> -> memref<1x640x16xf32, #tpu.memory_space<vmem>>
      %dma_start3A_159 = tpu.memref_squeeze %dma_start3A_158 : memref<1x640x16xf32, #tpu.memory_space<vmem>> -> memref<640x16xf32, #tpu.memory_space<vmem>>
      %dma_start3A_160 = arith.constant 0 : i32
      %dma_start3A_161 = tpu.memref_slice %arg2[%add3A_3, %mul3A_0, %dma_start3A_160] : memref<8x10240x16xf32, #tpu.memory_space<hbm>> -> memref<1x640x16xf32, #tpu.memory_space<hbm>>
      %dma_start3A_162 = tpu.memref_squeeze %dma_start3A_161 : memref<1x640x16xf32, #tpu.memory_space<hbm>> -> memref<640x16xf32, #tpu.memory_space<hbm>>
      tpu.enqueue_dma source(%dma_start3A_162 : memref<640x16xf32, #tpu.memory_space<hbm>>) target(%dma_start3A_159 : memref<640x16xf32, #tpu.memory_space<vmem>>) target_semaphore(%run_scoped3A_149 : memref<!tpu.dma_semaphore, #tpu.memory_space<semaphore_mem>>)
      %dma_wait3A = arith.constant 0 : i32
      %dma_wait3A_163 = arith.constant 0 : i32
      %dma_wait3A_164 = tpu.memref_slice %arg13[%run_scoped3A, %dma_wait3A, %dma_wait3A_163] : memref<4x640x16xf32, #tpu.memory_space<vmem>> -> memref<1x640x16xf32, #tpu.memory_space<vmem>>
      %dma_wait3A_165 = tpu.memref_squeeze %dma_wait3A_164 : memref<1x640x16xf32, #tpu.memory_space<vmem>> -> memref<640x16xf32, #tpu.memory_space<vmem>>
      %dma_wait3A_166 = arith.constant 0 : i32
      %dma_wait3A_167 = tpu.memref_slice %arg2[%add3A_3, %mul3A_0, %dma_wait3A_166] : memref<8x10240x16xf32, #tpu.memory_space<hbm>> -> memref<1x640x16xf32, #tpu.memory_space<hbm>>
      %dma_wait3A_168 = tpu.memref_squeeze %dma_wait3A_167 : memref<1x640x16xf32, #tpu.memory_space<hbm>> -> memref<640x16xf32, #tpu.memory_space<hbm>>
      %dma_wait3A_169 = arith.constant 0 : i32
      %dma_wait3A_170 = arith.constant 0 : i32
      %dma_wait3A_171 = tpu.memref_slice %arg13[%run_scoped3A, %dma_wait3A_169, %dma_wait3A_170] : memref<4x640x16xf32, #tpu.memory_space<vmem>> -> memref<1x640x16xf32, #tpu.memory_space<vmem>>
      %dma_wait3A_172 = tpu.memref_squeeze %dma_wait3A_171 : memref<1x640x16xf32, #tpu.memory_space<vmem>> -> memref<640x16xf32, #tpu.memory_space<vmem>>
      %dma_wait3A_173 = arith.constant 0 : i32
      %dma_wait3A_174 = tpu.memref_slice %arg2[%add3A_3, %mul3A_0, %dma_wait3A_173] : memref<8x10240x16xf32, #tpu.memory_space<hbm>> -> memref<1x640x16xf32, #tpu.memory_space<hbm>>
      %dma_wait3A_175 = tpu.memref_squeeze %dma_wait3A_174 : memref<1x640x16xf32, #tpu.memory_space<hbm>> -> memref<640x16xf32, #tpu.memory_space<hbm>>
      tpu.wait_dma2 semaphore(%run_scoped3A_149 : memref<!tpu.dma_semaphore, #tpu.memory_space<semaphore_mem>>) src(%dma_wait3A_175 : memref<640x16xf32, #tpu.memory_space<hbm>>) dst(%dma_wait3A_172 : memref<640x16xf32, #tpu.memory_space<vmem>>)
      tpu.yield
    }) : () -> ()
    %mul3A_4 = arith.constant 10240 : i32
    %mul3A_5 = arith.muli %add3A_3, %mul3A_4 : i32
    %add3A_6 = arith.addi %mul3A_5, %mul3A_0 : i32
    %run_scoped3A_7 = arith.constant 0 : i32
    "tpu.region"() ({
      %run_scoped3A_149 = tpu.sem_alloc : memref<!tpu.dma_semaphore, #tpu.memory_space<semaphore_mem>>
      %dma_start3A = arith.constant 0 : i32
      %dma_start3A_150 = arith.constant 0 : i32
      %dma_start3A_151 = tpu.memref_slice %arg13[%run_scoped3A_7, %dma_start3A, %dma_start3A_150] : memref<4x640x16xf32, #tpu.memory_space<vmem>> -> memref<1x640x16xf32, #tpu.memory_space<vmem>>
      %dma_start3A_152 = tpu.memref_squeeze %dma_start3A_151 : memref<1x640x16xf32, #tpu.memory_space<vmem>> -> memref<640x16xf32, #tpu.memory_space<vmem>>
      %dma_start3A_153 = arith.constant 0 : i32
      %dma_start3A_154 = tpu.memref_slice %arg6[%add3A_6, %dma_start3A_153] : memref<81920x16xf32, #tpu.memory_space<hbm>> -> memref<640x16xf32, #tpu.memory_space<hbm>>
      %dma_start3A_155 = arith.constant 0 : i32
      %dma_start3A_156 = tpu.memref_slice %arg6[%add3A_6, %dma_start3A_155] : memref<81920x16xf32, #tpu.memory_space<hbm>> -> memref<640x16xf32, #tpu.memory_space<hbm>>
      %dma_start3A_157 = arith.constant 0 : i32
      %dma_start3A_158 = arith.constant 0 : i32
      %dma_start3A_159 = tpu.memref_slice %arg13[%run_scoped3A_7, %dma_start3A_157, %dma_start3A_158] : memref<4x640x16xf32, #tpu.memory_space<vmem>> -> memref<1x640x16xf32, #tpu.memory_space<vmem>>
      %dma_start3A_160 = tpu.memref_squeeze %dma_start3A_159 : memref<1x640x16xf32, #tpu.memory_space<vmem>> -> memref<640x16xf32, #tpu.memory_space<vmem>>
      tpu.enqueue_dma source(%dma_start3A_160 : memref<640x16xf32, #tpu.memory_space<vmem>>) target(%dma_start3A_156 : memref<640x16xf32, #tpu.memory_space<hbm>>) target_semaphore(%run_scoped3A_149 : memref<!tpu.dma_semaphore, #tpu.memory_space<semaphore_mem>>)
      %dma_wait3A = arith.constant 0 : i32
      %dma_wait3A_161 = arith.constant 0 : i32
      %dma_wait3A_162 = tpu.memref_slice %arg13[%run_scoped3A_7, %dma_wait3A, %dma_wait3A_161] : memref<4x640x16xf32, #tpu.memory_space<vmem>> -> memref<1x640x16xf32, #tpu.memory_space<vmem>>
      %dma_wait3A_163 = tpu.memref_squeeze %dma_wait3A_162 : memref<1x640x16xf32, #tpu.memory_space<vmem>> -> memref<640x16xf32, #tpu.memory_space<vmem>>
      %dma_wait3A_164 = arith.constant 0 : i32
      %dma_wait3A_165 = tpu.memref_slice %arg6[%add3A_6, %dma_wait3A_164] : memref<81920x16xf32, #tpu.memory_space<hbm>> -> memref<640x16xf32, #tpu.memory_space<hbm>>
      %dma_wait3A_166 = arith.constant 0 : i32
      %dma_wait3A_167 = tpu.memref_slice %arg6[%add3A_6, %dma_wait3A_166] : memref<81920x16xf32, #tpu.memory_space<hbm>> -> memref<640x16xf32, #tpu.memory_space<hbm>>
      %dma_wait3A_168 = arith.constant 0 : i32
      %dma_wait3A_169 = arith.constant 0 : i32
      %dma_wait3A_170 = tpu.memref_slice %arg13[%run_scoped3A_7, %dma_wait3A_168, %dma_wait3A_169] : memref<4x640x16xf32, #tpu.memory_space<vmem>> -> memref<1x640x16xf32, #tpu.memory_space<vmem>>
      %dma_wait3A_171 = tpu.memref_squeeze %dma_wait3A_170 : memref<1x640x16xf32, #tpu.memory_space<vmem>> -> memref<640x16xf32, #tpu.memory_space<vmem>>
      tpu.wait_dma2 semaphore(%run_scoped3A_149 : memref<!tpu.dma_semaphore, #tpu.memory_space<semaphore_mem>>) src(%dma_wait3A_171 : memref<640x16xf32, #tpu.memory_space<vmem>>) dst(%dma_wait3A_167 : memref<640x16xf32, #tpu.memory_space<hbm>>)
      tpu.yield
    }) : () -> ()
    %mul3A_8 = arith.constant 4 : i32
    %mul3A_9 = arith.muli %arg0, %mul3A_8 : i32
    %add3A_10 = arith.constant 1 : i32
    %add3A_11 = arith.addi %mul3A_9, %add3A_10 : i32
    %run_scoped3A_12 = arith.constant 1 : i32
    "tpu.region"() ({
      %run_scoped3A_149 = tpu.sem_alloc : memref<!tpu.dma_semaphore, #tpu.memory_space<semaphore_mem>>
      %dma_start3A = arith.constant 0 : i32
      %dma_start3A_150 = arith.constant 0 : i32
      %dma_start3A_151 = tpu.memref_slice %arg13[%run_scoped3A_12, %dma_start3A, %dma_start3A_150] : memref<4x640x16xf32, #tpu.memory_space<vmem>> -> memref<1x640x16xf32, #tpu.memory_space<vmem>>
      %dma_start3A_152 = tpu.memref_squeeze %dma_start3A_151 : memref<1x640x16xf32, #tpu.memory_space<vmem>> -> memref<640x16xf32, #tpu.memory_space<vmem>>
      %dma_start3A_153 = arith.constant 0 : i32
      %dma_start3A_154 = tpu.memref_slice %arg2[%add3A_11, %mul3A_0, %dma_start3A_153] : memref<8x10240x16xf32, #tpu.memory_space<hbm>> -> memref<1x640x16xf32, #tpu.memory_space<hbm>>
      %dma_start3A_155 = tpu.memref_squeeze %dma_start3A_154 : memref<1x640x16xf32, #tpu.memory_space<hbm>> -> memref<640x16xf32, #tpu.memory_space<hbm>>
      %dma_start3A_156 = arith.constant 0 : i32
      %dma_start3A_157 = arith.constant 0 : i32
      %dma_start3A_158 = tpu.memref_slice %arg13[%run_scoped3A_12, %dma_start3A_156, %dma_start3A_157] : memref<4x640x16xf32, #tpu.memory_space<vmem>> -> memref<1x640x16xf32, #tpu.memory_space<vmem>>
      %dma_start3A_159 = tpu.memref_squeeze %dma_start3A_158 : memref<1x640x16xf32, #tpu.memory_space<vmem>> -> memref<640x16xf32, #tpu.memory_space<vmem>>
      %dma_start3A_160 = arith.constant 0 : i32
      %dma_start3A_161 = tpu.memref_slice %arg2[%add3A_11, %mul3A_0, %dma_start3A_160] : memref<8x10240x16xf32, #tpu.memory_space<hbm>> -> memref<1x640x16xf32, #tpu.memory_space<hbm>>
      %dma_start3A_162 = tpu.memref_squeeze %dma_start3A_161 : memref<1x640x16xf32, #tpu.memory_space<hbm>> -> memref<640x16xf32, #tpu.memory_space<hbm>>
      tpu.enqueue_dma source(%dma_start3A_162 : memref<640x16xf32, #tpu.memory_space<hbm>>) target(%dma_start3A_159 : memref<640x16xf32, #tpu.memory_space<vmem>>) target_semaphore(%run_scoped3A_149 : memref<!tpu.dma_semaphore, #tpu.memory_space<semaphore_mem>>)
      %dma_wait3A = arith.constant 0 : i32
      %dma_wait3A_163 = arith.constant 0 : i32
      %dma_wait3A_164 = tpu.memref_slice %arg13[%run_scoped3A_12, %dma_wait3A, %dma_wait3A_163] : memref<4x640x16xf32, #tpu.memory_space<vmem>> -> memref<1x640x16xf32, #tpu.memory_space<vmem>>
      %dma_wait3A_165 = tpu.memref_squeeze %dma_wait3A_164 : memref<1x640x16xf32, #tpu.memory_space<vmem>> -> memref<640x16xf32, #tpu.memory_space<vmem>>
      %dma_wait3A_166 = arith.constant 0 : i32
      %dma_wait3A_167 = tpu.memref_slice %arg2[%add3A_11, %mul3A_0, %dma_wait3A_166] : memref<8x10240x16xf32, #tpu.memory_space<hbm>> -> memref<1x640x16xf32, #tpu.memory_space<hbm>>
      %dma_wait3A_168 = tpu.memref_squeeze %dma_wait3A_167 : memref<1x640x16xf32, #tpu.memory_space<hbm>> -> memref<640x16xf32, #tpu.memory_space<hbm>>
      %dma_wait3A_169 = arith.constant 0 : i32
      %dma_wait3A_170 = arith.constant 0 : i32
      %dma_wait3A_171 = tpu.memref_slice %arg13[%run_scoped3A_12, %dma_wait3A_169, %dma_wait3A_170] : memref<4x640x16xf32, #tpu.memory_space<vmem>> -> memref<1x640x16xf32, #tpu.memory_space<vmem>>
      %dma_wait3A_172 = tpu.memref_squeeze %dma_wait3A_171 : memref<1x640x16xf32, #tpu.memory_space<vmem>> -> memref<640x16xf32, #tpu.memory_space<vmem>>
      %dma_wait3A_173 = arith.constant 0 : i32
      %dma_wait3A_174 = tpu.memref_slice %arg2[%add3A_11, %mul3A_0, %dma_wait3A_173] : memref<8x10240x16xf32, #tpu.memory_space<hbm>> -> memref<1x640x16xf32, #tpu.memory_space<hbm>>
      %dma_wait3A_175 = tpu.memref_squeeze %dma_wait3A_174 : memref<1x640x16xf32, #tpu.memory_space<hbm>> -> memref<640x16xf32, #tpu.memory_space<hbm>>
      tpu.wait_dma2 semaphore(%run_scoped3A_149 : memref<!tpu.dma_semaphore, #tpu.memory_space<semaphore_mem>>) src(%dma_wait3A_175 : memref<640x16xf32, #tpu.memory_space<hbm>>) dst(%dma_wait3A_172 : memref<640x16xf32, #tpu.memory_space<vmem>>)
      tpu.yield
    }) : () -> ()
    %mul3A_13 = arith.constant 10240 : i32
    %mul3A_14 = arith.muli %add3A_11, %mul3A_13 : i32
    %add3A_15 = arith.addi %mul3A_14, %mul3A_0 : i32
    %run_scoped3A_16 = arith.constant 1 : i32
    "tpu.region"() ({
      %run_scoped3A_149 = tpu.sem_alloc : memref<!tpu.dma_semaphore, #tpu.memory_space<semaphore_mem>>
      %dma_start3A = arith.constant 0 : i32
      %dma_start3A_150 = arith.constant 0 : i32
      %dma_start3A_151 = tpu.memref_slice %arg13[%run_scoped3A_16, %dma_start3A, %dma_start3A_150] : memref<4x640x16xf32, #tpu.memory_space<vmem>> -> memref<1x640x16xf32, #tpu.memory_space<vmem>>
      %dma_start3A_152 = tpu.memref_squeeze %dma_start3A_151 : memref<1x640x16xf32, #tpu.memory_space<vmem>> -> memref<640x16xf32, #tpu.memory_space<vmem>>
      %dma_start3A_153 = arith.constant 0 : i32
      %dma_start3A_154 = tpu.memref_slice %arg6[%add3A_15, %dma_start3A_153] : memref<81920x16xf32, #tpu.memory_space<hbm>> -> memref<640x16xf32, #tpu.memory_space<hbm>>
      %dma_start3A_155 = arith.constant 0 : i32
      %dma_start3A_156 = tpu.memref_slice %arg6[%add3A_15, %dma_start3A_155] : memref<81920x16xf32, #tpu.memory_space<hbm>> -> memref<640x16xf32, #tpu.memory_space<hbm>>
      %dma_start3A_157 = arith.constant 0 : i32
      %dma_start3A_158 = arith.constant 0 : i32
      %dma_start3A_159 = tpu.memref_slice %arg13[%run_scoped3A_16, %dma_start3A_157, %dma_start3A_158] : memref<4x640x16xf32, #tpu.memory_space<vmem>> -> memref<1x640x16xf32, #tpu.memory_space<vmem>>
      %dma_start3A_160 = tpu.memref_squeeze %dma_start3A_159 : memref<1x640x16xf32, #tpu.memory_space<vmem>> -> memref<640x16xf32, #tpu.memory_space<vmem>>
      tpu.enqueue_dma source(%dma_start3A_160 : memref<640x16xf32, #tpu.memory_space<vmem>>) target(%dma_start3A_156 : memref<640x16xf32, #tpu.memory_space<hbm>>) target_semaphore(%run_scoped3A_149 : memref<!tpu.dma_semaphore, #tpu.memory_space<semaphore_mem>>)
      %dma_wait3A = arith.constant 0 : i32
      %dma_wait3A_161 = arith.constant 0 : i32
      %dma_wait3A_162 = tpu.memref_slice %arg13[%run_scoped3A_16, %dma_wait3A, %dma_wait3A_161] : memref<4x640x16xf32, #tpu.memory_space<vmem>> -> memref<1x640x16xf32, #tpu.memory_space<vmem>>
      %dma_wait3A_163 = tpu.memref_squeeze %dma_wait3A_162 : memref<1x640x16xf32, #tpu.memory_space<vmem>> -> memref<640x16xf32, #tpu.memory_space<vmem>>
      %dma_wait3A_164 = arith.constant 0 : i32
      %dma_wait3A_165 = tpu.memref_slice %arg6[%add3A_15, %dma_wait3A_164] : memref<81920x16xf32, #tpu.memory_space<hbm>> -> memref<640x16xf32, #tpu.memory_space<hbm>>
      %dma_wait3A_166 = arith.constant 0 : i32
      %dma_wait3A_167 = tpu.memref_slice %arg6[%add3A_15, %dma_wait3A_166] : memref<81920x16xf32, #tpu.memory_space<hbm>> -> memref<640x16xf32, #tpu.memory_space<hbm>>
      %dma_wait3A_168 = arith.constant 0 : i32
      %dma_wait3A_169 = arith.constant 0 : i32
      %dma_wait3A_170 = tpu.memref_slice %arg13[%run_scoped3A_16, %dma_wait3A_168, %dma_wait3A_169] : memref<4x640x16xf32, #tpu.memory_space<vmem>> -> memref<1x640x16xf32, #tpu.memory_space<vmem>>
      %dma_wait3A_171 = tpu.memref_squeeze %dma_wait3A_170 : memref<1x640x16xf32, #tpu.memory_space<vmem>> -> memref<640x16xf32, #tpu.memory_space<vmem>>
      tpu.wait_dma2 semaphore(%run_scoped3A_149 : memref<!tpu.dma_semaphore, #tpu.memory_space<semaphore_mem>>) src(%dma_wait3A_171 : memref<640x16xf32, #tpu.memory_space<vmem>>) dst(%dma_wait3A_167 : memref<640x16xf32, #tpu.memory_space<hbm>>)
      tpu.yield
    }) : () -> ()
    %mul3A_17 = arith.constant 4 : i32
    %mul3A_18 = arith.muli %arg0, %mul3A_17 : i32
    %add3A_19 = arith.constant 2 : i32
    %add3A_20 = arith.addi %mul3A_18, %add3A_19 : i32
    %run_scoped3A_21 = arith.constant 2 : i32
    "tpu.region"() ({
      %run_scoped3A_149 = tpu.sem_alloc : memref<!tpu.dma_semaphore, #tpu.memory_space<semaphore_mem>>
      %dma_start3A = arith.constant 0 : i32
      %dma_start3A_150 = arith.constant 0 : i32
      %dma_start3A_151 = tpu.memref_slice %arg13[%run_scoped3A_21, %dma_start3A, %dma_start3A_150] : memref<4x640x16xf32, #tpu.memory_space<vmem>> -> memref<1x640x16xf32, #tpu.memory_space<vmem>>
      %dma_start3A_152 = tpu.memref_squeeze %dma_start3A_151 : memref<1x640x16xf32, #tpu.memory_space<vmem>> -> memref<640x16xf32, #tpu.memory_space<vmem>>
      %dma_start3A_153 = arith.constant 0 : i32
      %dma_start3A_154 = tpu.memref_slice %arg2[%add3A_20, %mul3A_0, %dma_start3A_153] : memref<8x10240x16xf32, #tpu.memory_space<hbm>> -> memref<1x640x16xf32, #tpu.memory_space<hbm>>
      %dma_start3A_155 = tpu.memref_squeeze %dma_start3A_154 : memref<1x640x16xf32, #tpu.memory_space<hbm>> -> memref<640x16xf32, #tpu.memory_space<hbm>>
      %dma_start3A_156 = arith.constant 0 : i32
      %dma_start3A_157 = arith.constant 0 : i32
      %dma_start3A_158 = tpu.memref_slice %arg13[%run_scoped3A_21, %dma_start3A_156, %dma_start3A_157] : memref<4x640x16xf32, #tpu.memory_space<vmem>> -> memref<1x640x16xf32, #tpu.memory_space<vmem>>
      %dma_start3A_159 = tpu.memref_squeeze %dma_start3A_158 : memref<1x640x16xf32, #tpu.memory_space<vmem>> -> memref<640x16xf32, #tpu.memory_space<vmem>>
      %dma_start3A_160 = arith.constant 0 : i32
      %dma_start3A_161 = tpu.memref_slice %arg2[%add3A_20, %mul3A_0, %dma_start3A_160] : memref<8x10240x16xf32, #tpu.memory_space<hbm>> -> memref<1x640x16xf32, #tpu.memory_space<hbm>>
      %dma_start3A_162 = tpu.memref_squeeze %dma_start3A_161 : memref<1x640x16xf32, #tpu.memory_space<hbm>> -> memref<640x16xf32, #tpu.memory_space<hbm>>
      tpu.enqueue_dma source(%dma_start3A_162 : memref<640x16xf32, #tpu.memory_space<hbm>>) target(%dma_start3A_159 : memref<640x16xf32, #tpu.memory_space<vmem>>) target_semaphore(%run_scoped3A_149 : memref<!tpu.dma_semaphore, #tpu.memory_space<semaphore_mem>>)
      %dma_wait3A = arith.constant 0 : i32
      %dma_wait3A_163 = arith.constant 0 : i32
      %dma_wait3A_164 = tpu.memref_slice %arg13[%run_scoped3A_21, %dma_wait3A, %dma_wait3A_163] : memref<4x640x16xf32, #tpu.memory_space<vmem>> -> memref<1x640x16xf32, #tpu.memory_space<vmem>>
      %dma_wait3A_165 = tpu.memref_squeeze %dma_wait3A_164 : memref<1x640x16xf32, #tpu.memory_space<vmem>> -> memref<640x16xf32, #tpu.memory_space<vmem>>
      %dma_wait3A_166 = arith.constant 0 : i32
      %dma_wait3A_167 = tpu.memref_slice %arg2[%add3A_20, %mul3A_0, %dma_wait3A_166] : memref<8x10240x16xf32, #tpu.memory_space<hbm>> -> memref<1x640x16xf32, #tpu.memory_space<hbm>>
      %dma_wait3A_168 = tpu.memref_squeeze %dma_wait3A_167 : memref<1x640x16xf32, #tpu.memory_space<hbm>> -> memref<640x16xf32, #tpu.memory_space<hbm>>
      %dma_wait3A_169 = arith.constant 0 : i32
      %dma_wait3A_170 = arith.constant 0 : i32
      %dma_wait3A_171 = tpu.memref_slice %arg13[%run_scoped3A_21, %dma_wait3A_169, %dma_wait3A_170] : memref<4x640x16xf32, #tpu.memory_space<vmem>> -> memref<1x640x16xf32, #tpu.memory_space<vmem>>
      %dma_wait3A_172 = tpu.memref_squeeze %dma_wait3A_171 : memref<1x640x16xf32, #tpu.memory_space<vmem>> -> memref<640x16xf32, #tpu.memory_space<vmem>>
      %dma_wait3A_173 = arith.constant 0 : i32
      %dma_wait3A_174 = tpu.memref_slice %arg2[%add3A_20, %mul3A_0, %dma_wait3A_173] : memref<8x10240x16xf32, #tpu.memory_space<hbm>> -> memref<1x640x16xf32, #tpu.memory_space<hbm>>
      %dma_wait3A_175 = tpu.memref_squeeze %dma_wait3A_174 : memref<1x640x16xf32, #tpu.memory_space<hbm>> -> memref<640x16xf32, #tpu.memory_space<hbm>>
      tpu.wait_dma2 semaphore(%run_scoped3A_149 : memref<!tpu.dma_semaphore, #tpu.memory_space<semaphore_mem>>) src(%dma_wait3A_175 : memref<640x16xf32, #tpu.memory_space<hbm>>) dst(%dma_wait3A_172 : memref<640x16xf32, #tpu.memory_space<vmem>>)
      tpu.yield
    }) : () -> ()
    %mul3A_22 = arith.constant 10240 : i32
    %mul3A_23 = arith.muli %add3A_20, %mul3A_22 : i32
    %add3A_24 = arith.addi %mul3A_23, %mul3A_0 : i32
    %run_scoped3A_25 = arith.constant 2 : i32
    "tpu.region"() ({
      %run_scoped3A_149 = tpu.sem_alloc : memref<!tpu.dma_semaphore, #tpu.memory_space<semaphore_mem>>
      %dma_start3A = arith.constant 0 : i32
      %dma_start3A_150 = arith.constant 0 : i32
      %dma_start3A_151 = tpu.memref_slice %arg13[%run_scoped3A_25, %dma_start3A, %dma_start3A_150] : memref<4x640x16xf32, #tpu.memory_space<vmem>> -> memref<1x640x16xf32, #tpu.memory_space<vmem>>
      %dma_start3A_152 = tpu.memref_squeeze %dma_start3A_151 : memref<1x640x16xf32, #tpu.memory_space<vmem>> -> memref<640x16xf32, #tpu.memory_space<vmem>>
      %dma_start3A_153 = arith.constant 0 : i32
      %dma_start3A_154 = tpu.memref_slice %arg6[%add3A_24, %dma_start3A_153] : memref<81920x16xf32, #tpu.memory_space<hbm>> -> memref<640x16xf32, #tpu.memory_space<hbm>>
      %dma_start3A_155 = arith.constant 0 : i32
      %dma_start3A_156 = tpu.memref_slice %arg6[%add3A_24, %dma_start3A_155] : memref<81920x16xf32, #tpu.memory_space<hbm>> -> memref<640x16xf32, #tpu.memory_space<hbm>>
      %dma_start3A_157 = arith.constant 0 : i32
      %dma_start3A_158 = arith.constant 0 : i32
      %dma_start3A_159 = tpu.memref_slice %arg13[%run_scoped3A_25, %dma_start3A_157, %dma_start3A_158] : memref<4x640x16xf32, #tpu.memory_space<vmem>> -> memref<1x640x16xf32, #tpu.memory_space<vmem>>
      %dma_start3A_160 = tpu.memref_squeeze %dma_start3A_159 : memref<1x640x16xf32, #tpu.memory_space<vmem>> -> memref<640x16xf32, #tpu.memory_space<vmem>>
      tpu.enqueue_dma source(%dma_start3A_160 : memref<640x16xf32, #tpu.memory_space<vmem>>) target(%dma_start3A_156 : memref<640x16xf32, #tpu.memory_space<hbm>>) target_semaphore(%run_scoped3A_149 : memref<!tpu.dma_semaphore, #tpu.memory_space<semaphore_mem>>)
      %dma_wait3A = arith.constant 0 : i32
      %dma_wait3A_161 = arith.constant 0 : i32
      %dma_wait3A_162 = tpu.memref_slice %arg13[%run_scoped3A_25, %dma_wait3A, %dma_wait3A_161] : memref<4x640x16xf32, #tpu.memory_space<vmem>> -> memref<1x640x16xf32, #tpu.memory_space<vmem>>
      %dma_wait3A_163 = tpu.memref_squeeze %dma_wait3A_162 : memref<1x640x16xf32, #tpu.memory_space<vmem>> -> memref<640x16xf32, #tpu.memory_space<vmem>>
      %dma_wait3A_164 = arith.constant 0 : i32
      %dma_wait3A_165 = tpu.memref_slice %arg6[%add3A_24, %dma_wait3A_164] : memref<81920x16xf32, #tpu.memory_space<hbm>> -> memref<640x16xf32, #tpu.memory_space<hbm>>
      %dma_wait3A_166 = arith.constant 0 : i32
      %dma_wait3A_167 = tpu.memref_slice %arg6[%add3A_24, %dma_wait3A_166] : memref<81920x16xf32, #tpu.memory_space<hbm>> -> memref<640x16xf32, #tpu.memory_space<hbm>>
      %dma_wait3A_168 = arith.constant 0 : i32
      %dma_wait3A_169 = arith.constant 0 : i32
      %dma_wait3A_170 = tpu.memref_slice %arg13[%run_scoped3A_25, %dma_wait3A_168, %dma_wait3A_169] : memref<4x640x16xf32, #tpu.memory_space<vmem>> -> memref<1x640x16xf32, #tpu.memory_space<vmem>>
      %dma_wait3A_171 = tpu.memref_squeeze %dma_wait3A_170 : memref<1x640x16xf32, #tpu.memory_space<vmem>> -> memref<640x16xf32, #tpu.memory_space<vmem>>
      tpu.wait_dma2 semaphore(%run_scoped3A_149 : memref<!tpu.dma_semaphore, #tpu.memory_space<semaphore_mem>>) src(%dma_wait3A_171 : memref<640x16xf32, #tpu.memory_space<vmem>>) dst(%dma_wait3A_167 : memref<640x16xf32, #tpu.memory_space<hbm>>)
      tpu.yield
    }) : () -> ()
    %mul3A_26 = arith.constant 4 : i32
    %mul3A_27 = arith.muli %arg0, %mul3A_26 : i32
    %add3A_28 = arith.constant 3 : i32
    %add3A_29 = arith.addi %mul3A_27, %add3A_28 : i32
    %run_scoped3A_30 = arith.constant 3 : i32
    "tpu.region"() ({
      %run_scoped3A_149 = tpu.sem_alloc : memref<!tpu.dma_semaphore, #tpu.memory_space<semaphore_mem>>
      %dma_start3A = arith.constant 0 : i32
      %dma_start3A_150 = arith.constant 0 : i32
      %dma_start3A_151 = tpu.memref_slice %arg13[%run_scoped3A_30, %dma_start3A, %dma_start3A_150] : memref<4x640x16xf32, #tpu.memory_space<vmem>> -> memref<1x640x16xf32, #tpu.memory_space<vmem>>
      %dma_start3A_152 = tpu.memref_squeeze %dma_start3A_151 : memref<1x640x16xf32, #tpu.memory_space<vmem>> -> memref<640x16xf32, #tpu.memory_space<vmem>>
      %dma_start3A_153 = arith.constant 0 : i32
      %dma_start3A_154 = tpu.memref_slice %arg2[%add3A_29, %mul3A_0, %dma_start3A_153] : memref<8x10240x16xf32, #tpu.memory_space<hbm>> -> memref<1x640x16xf32, #tpu.memory_space<hbm>>
      %dma_start3A_155 = tpu.memref_squeeze %dma_start3A_154 : memref<1x640x16xf32, #tpu.memory_space<hbm>> -> memref<640x16xf32, #tpu.memory_space<hbm>>
      %dma_start3A_156 = arith.constant 0 : i32
      %dma_start3A_157 = arith.constant 0 : i32
      %dma_start3A_158 = tpu.memref_slice %arg13[%run_scoped3A_30, %dma_start3A_156, %dma_start3A_157] : memref<4x640x16xf32, #tpu.memory_space<vmem>> -> memref<1x640x16xf32, #tpu.memory_space<vmem>>
      %dma_start3A_159 = tpu.memref_squeeze %dma_start3A_158 : memref<1x640x16xf32, #tpu.memory_space<vmem>> -> memref<640x16xf32, #tpu.memory_space<vmem>>
      %dma_start3A_160 = arith.constant 0 : i32
      %dma_start3A_161 = tpu.memref_slice %arg2[%add3A_29, %mul3A_0, %dma_start3A_160] : memref<8x10240x16xf32, #tpu.memory_space<hbm>> -> memref<1x640x16xf32, #tpu.memory_space<hbm>>
      %dma_start3A_162 = tpu.memref_squeeze %dma_start3A_161 : memref<1x640x16xf32, #tpu.memory_space<hbm>> -> memref<640x16xf32, #tpu.memory_space<hbm>>
      tpu.enqueue_dma source(%dma_start3A_162 : memref<640x16xf32, #tpu.memory_space<hbm>>) target(%dma_start3A_159 : memref<640x16xf32, #tpu.memory_space<vmem>>) target_semaphore(%run_scoped3A_149 : memref<!tpu.dma_semaphore, #tpu.memory_space<semaphore_mem>>)
      %dma_wait3A = arith.constant 0 : i32
      %dma_wait3A_163 = arith.constant 0 : i32
      %dma_wait3A_164 = tpu.memref_slice %arg13[%run_scoped3A_30, %dma_wait3A, %dma_wait3A_163] : memref<4x640x16xf32, #tpu.memory_space<vmem>> -> memref<1x640x16xf32, #tpu.memory_space<vmem>>
      %dma_wait3A_165 = tpu.memref_squeeze %dma_wait3A_164 : memref<1x640x16xf32, #tpu.memory_space<vmem>> -> memref<640x16xf32, #tpu.memory_space<vmem>>
      %dma_wait3A_166 = arith.constant 0 : i32
      %dma_wait3A_167 = tpu.memref_slice %arg2[%add3A_29, %mul3A_0, %dma_wait3A_166] : memref<8x10240x16xf32, #tpu.memory_space<hbm>> -> memref<1x640x16xf32, #tpu.memory_space<hbm>>
      %dma_wait3A_168 = tpu.memref_squeeze %dma_wait3A_167 : memref<1x640x16xf32, #tpu.memory_space<hbm>> -> memref<640x16xf32, #tpu.memory_space<hbm>>
      %dma_wait3A_169 = arith.constant 0 : i32
      %dma_wait3A_170 = arith.constant 0 : i32
      %dma_wait3A_171 = tpu.memref_slice %arg13[%run_scoped3A_30, %dma_wait3A_169, %dma_wait3A_170] : memref<4x640x16xf32, #tpu.memory_space<vmem>> -> memref<1x640x16xf32, #tpu.memory_space<vmem>>
      %dma_wait3A_172 = tpu.memref_squeeze %dma_wait3A_171 : memref<1x640x16xf32, #tpu.memory_space<vmem>> -> memref<640x16xf32, #tpu.memory_space<vmem>>
      %dma_wait3A_173 = arith.constant 0 : i32
      %dma_wait3A_174 = tpu.memref_slice %arg2[%add3A_29, %mul3A_0, %dma_wait3A_173] : memref<8x10240x16xf32, #tpu.memory_space<hbm>> -> memref<1x640x16xf32, #tpu.memory_space<hbm>>
      %dma_wait3A_175 = tpu.memref_squeeze %dma_wait3A_174 : memref<1x640x16xf32, #tpu.memory_space<hbm>> -> memref<640x16xf32, #tpu.memory_space<hbm>>
      tpu.wait_dma2 semaphore(%run_scoped3A_149 : memref<!tpu.dma_semaphore, #tpu.memory_space<semaphore_mem>>) src(%dma_wait3A_175 : memref<640x16xf32, #tpu.memory_space<hbm>>) dst(%dma_wait3A_172 : memref<640x16xf32, #tpu.memory_space<vmem>>)
      tpu.yield
    }) : () -> ()
    %mul3A_31 = arith.constant 10240 : i32
    %mul3A_32 = arith.muli %add3A_29, %mul3A_31 : i32
    %add3A_33 = arith.addi %mul3A_32, %mul3A_0 : i32
    %run_scoped3A_34 = arith.constant 3 : i32
    "tpu.region"() ({
      %run_scoped3A_149 = tpu.sem_alloc : memref<!tpu.dma_semaphore, #tpu.memory_space<semaphore_mem>>
      %dma_start3A = arith.constant 0 : i32
      %dma_start3A_150 = arith.constant 0 : i32
      %dma_start3A_151 = tpu.memref_slice %arg13[%run_scoped3A_34, %dma_start3A, %dma_start3A_150] : memref<4x640x16xf32, #tpu.memory_space<vmem>> -> memref<1x640x16xf32, #tpu.memory_space<vmem>>
      %dma_start3A_152 = tpu.memref_squeeze %dma_start3A_151 : memref<1x640x16xf32, #tpu.memory_space<vmem>> -> memref<640x16xf32, #tpu.memory_space<vmem>>
      %dma_start3A_153 = arith.constant 0 : i32
      %dma_start3A_154 = tpu.memref_slice %arg6[%add3A_33, %dma_start3A_153] : memref<81920x16xf32, #tpu.memory_space<hbm>> -> memref<640x16xf32, #tpu.memory_space<hbm>>
      %dma_start3A_155 = arith.constant 0 : i32
      %dma_start3A_156 = tpu.memref_slice %arg6[%add3A_33, %dma_start3A_155] : memref<81920x16xf32, #tpu.memory_space<hbm>> -> memref<640x16xf32, #tpu.memory_space<hbm>>
      %dma_start3A_157 = arith.constant 0 : i32
      %dma_start3A_158 = arith.constant 0 : i32
      %dma_start3A_159 = tpu.memref_slice %arg13[%run_scoped3A_34, %dma_start3A_157, %dma_start3A_158] : memref<4x640x16xf32, #tpu.memory_space<vmem>> -> memref<1x640x16xf32, #tpu.memory_space<vmem>>
      %dma_start3A_160 = tpu.memref_squeeze %dma_start3A_159 : memref<1x640x16xf32, #tpu.memory_space<vmem>> -> memref<640x16xf32, #tpu.memory_space<vmem>>
      tpu.enqueue_dma source(%dma_start3A_160 : memref<640x16xf32, #tpu.memory_space<vmem>>) target(%dma_start3A_156 : memref<640x16xf32, #tpu.memory_space<hbm>>) target_semaphore(%run_scoped3A_149 : memref<!tpu.dma_semaphore, #tpu.memory_space<semaphore_mem>>)
      %dma_wait3A = arith.constant 0 : i32
      %dma_wait3A_161 = arith.constant 0 : i32
      %dma_wait3A_162 = tpu.memref_slice %arg13[%run_scoped3A_34, %dma_wait3A, %dma_wait3A_161] : memref<4x640x16xf32, #tpu.memory_space<vmem>> -> memref<1x640x16xf32, #tpu.memory_space<vmem>>
      %dma_wait3A_163 = tpu.memref_squeeze %dma_wait3A_162 : memref<1x640x16xf32, #tpu.memory_space<vmem>> -> memref<640x16xf32, #tpu.memory_space<vmem>>
      %dma_wait3A_164 = arith.constant 0 : i32
      %dma_wait3A_165 = tpu.memref_slice %arg6[%add3A_33, %dma_wait3A_164] : memref<81920x16xf32, #tpu.memory_space<hbm>> -> memref<640x16xf32, #tpu.memory_space<hbm>>
      %dma_wait3A_166 = arith.constant 0 : i32
      %dma_wait3A_167 = tpu.memref_slice %arg6[%add3A_33, %dma_wait3A_166] : memref<81920x16xf32, #tpu.memory_space<hbm>> -> memref<640x16xf32, #tpu.memory_space<hbm>>
      %dma_wait3A_168 = arith.constant 0 : i32
      %dma_wait3A_169 = arith.constant 0 : i32
      %dma_wait3A_170 = tpu.memref_slice %arg13[%run_scoped3A_34, %dma_wait3A_168, %dma_wait3A_169] : memref<4x640x16xf32, #tpu.memory_space<vmem>> -> memref<1x640x16xf32, #tpu.memory_space<vmem>>
      %dma_wait3A_171 = tpu.memref_squeeze %dma_wait3A_170 : memref<1x640x16xf32, #tpu.memory_space<vmem>> -> memref<640x16xf32, #tpu.memory_space<vmem>>
      tpu.wait_dma2 semaphore(%run_scoped3A_149 : memref<!tpu.dma_semaphore, #tpu.memory_space<semaphore_mem>>) src(%dma_wait3A_171 : memref<640x16xf32, #tpu.memory_space<vmem>>) dst(%dma_wait3A_167 : memref<640x16xf32, #tpu.memory_space<hbm>>)
      tpu.yield
    }) : () -> ()
    %scan3A = arith.constant 0 : i32
    %scan3A_35 = arith.constant 0 : i32
    %scan3A_36 = arith.constant 640 : i32
    %scan3A_37 = arith.addi %scan3A_35, %scan3A_36 : i32
    %scan3A_38 = arith.constant 1 : i32
    scf.for %scan3A_149 = %scan3A_35 to %scan3A_37 step %scan3A_38  : i32 {
      %get3A = arith.constant 0 : i32
      %get3A_150 = arith.index_cast %get3A : i32 to index
      %get3A_151 = arith.index_cast %scan3A_149 : i32 to index
      %get3A_152 = arith.constant 0 : index
      %get3A_153 = tpu.vector_load %arg13[%get3A_150, %get3A_151, %get3A_152] {strides = array<i32>} : memref<4x640x16xf32, #tpu.memory_space<vmem>>, vector<1x1x16xf32>,
      %get3A_154 = vector.shape_cast %get3A_153 : vector<1x1x16xf32> to vector<16xf32>
      %mul3A_155 = arith.constant 1.000000e-01 : f32
      %mul3A_156 = vector.broadcast %mul3A_155 : f32 to vector<16xf32>
      %mul3A_157 = arith.mulf %get3A_154, %mul3A_156 : vector<16xf32>
      %swap3A = arith.constant 0 : i32
      %swap3A_158 = arith.index_cast %swap3A : i32 to index
      %swap3A_159 = arith.index_cast %scan3A_149 : i32 to index
      %swap3A_160 = arith.constant 0 : index
      %swap3A_161 = tpu.vector_load %arg13[%swap3A_158, %swap3A_159, %swap3A_160] {strides = array<i32>} : memref<4x640x16xf32, #tpu.memory_space<vmem>>, vector<1x1x16xf32>,
      %swap3A_162 = vector.shape_cast %swap3A_161 : vector<1x1x16xf32> to vector<16xf32>
      %swap3A_163 = vector.shape_cast %mul3A_157 : vector<16xf32> to vector<1x1x16xf32>
      tpu.vector_store %arg13[%swap3A_158, %swap3A_159, %swap3A_160], %swap3A_163 {strides = array<i32>} : memref<4x640x16xf32, #tpu.memory_space<vmem>>, vector<1x1x16xf32>,
      %get3A_164 = arith.constant 1 : i32
      %get3A_165 = arith.index_cast %get3A_164 : i32 to index
      %get3A_166 = arith.index_cast %scan3A_149 : i32 to index
      %get3A_167 = arith.constant 0 : index
      %get3A_168 = tpu.vector_load %arg13[%get3A_165, %get3A_166, %get3A_167] {strides = array<i32>} : memref<4x640x16xf32, #tpu.memory_space<vmem>>, vector<1x1x16xf32>,
      %get3A_169 = vector.shape_cast %get3A_168 : vector<1x1x16xf32> to vector<16xf32>
      %mul3A_170 = arith.constant 1.000000e-01 : f32
      %mul3A_171 = vector.broadcast %mul3A_170 : f32 to vector<16xf32>
      %mul3A_172 = arith.mulf %get3A_169, %mul3A_171 : vector<16xf32>
      %swap3A_173 = arith.constant 1 : i32
      %swap3A_174 = arith.index_cast %swap3A_173 : i32 to index
      %swap3A_175 = arith.index_cast %scan3A_149 : i32 to index
      %swap3A_176 = arith.constant 0 : index
      %swap3A_177 = tpu.vector_load %arg13[%swap3A_174, %swap3A_175, %swap3A_176] {strides = array<i32>} : memref<4x640x16xf32, #tpu.memory_space<vmem>>, vector<1x1x16xf32>,
      %swap3A_178 = vector.shape_cast %swap3A_177 : vector<1x1x16xf32> to vector<16xf32>
      %swap3A_179 = vector.shape_cast %mul3A_172 : vector<16xf32> to vector<1x1x16xf32>
      tpu.vector_store %arg13[%swap3A_174, %swap3A_175, %swap3A_176], %swap3A_179 {strides = array<i32>} : memref<4x640x16xf32, #tpu.memory_space<vmem>>, vector<1x1x16xf32>,
      %get3A_180 = arith.constant 2 : i32
      %get3A_181 = arith.index_cast %get3A_180 : i32 to index
      %get3A_182 = arith.index_cast %scan3A_149 : i32 to index
      %get3A_183 = arith.constant 0 : index
      %get3A_184 = tpu.vector_load %arg13[%get3A_181, %get3A_182, %get3A_183] {strides = array<i32>} : memref<4x640x16xf32, #tpu.memory_space<vmem>>, vector<1x1x16xf32>,
      %get3A_185 = vector.shape_cast %get3A_184 : vector<1x1x16xf32> to vector<16xf32>
      %mul3A_186 = arith.constant 1.000000e-01 : f32
      %mul3A_187 = vector.broadcast %mul3A_186 : f32 to vector<16xf32>
      %mul3A_188 = arith.mulf %get3A_185, %mul3A_187 : vector<16xf32>
      %swap3A_189 = arith.constant 2 : i32
      %swap3A_190 = arith.index_cast %swap3A_189 : i32 to index
      %swap3A_191 = arith.index_cast %scan3A_149 : i32 to index
      %swap3A_192 = arith.constant 0 : index
      %swap3A_193 = tpu.vector_load %arg13[%swap3A_190, %swap3A_191, %swap3A_192] {strides = array<i32>} : memref<4x640x16xf32, #tpu.memory_space<vmem>>, vector<1x1x16xf32>,
      %swap3A_194 = vector.shape_cast %swap3A_193 : vector<1x1x16xf32> to vector<16xf32>
      %swap3A_195 = vector.shape_cast %mul3A_188 : vector<16xf32> to vector<1x1x16xf32>
      tpu.vector_store %arg13[%swap3A_190, %swap3A_191, %swap3A_192], %swap3A_195 {strides = array<i32>} : memref<4x640x16xf32, #tpu.memory_space<vmem>>, vector<1x1x16xf32>,
      %get3A_196 = arith.constant 3 : i32
      %get3A_197 = arith.index_cast %get3A_196 : i32 to index
      %get3A_198 = arith.index_cast %scan3A_149 : i32 to index
      %get3A_199 = arith.constant 0 : index
      %get3A_200 = tpu.vector_load %arg13[%get3A_197, %get3A_198, %get3A_199] {strides = array<i32>} : memref<4x640x16xf32, #tpu.memory_space<vmem>>, vector<1x1x16xf32>,
      %get3A_201 = vector.shape_cast %get3A_200 : vector<1x1x16xf32> to vector<16xf32>
      %mul3A_202 = arith.constant 1.000000e-01 : f32
      %mul3A_203 = vector.broadcast %mul3A_202 : f32 to vector<16xf32>
      %mul3A_204 = arith.mulf %get3A_201, %mul3A_203 : vector<16xf32>
      %swap3A_205 = arith.constant 3 : i32
      %swap3A_206 = arith.index_cast %swap3A_205 : i32 to index
      %swap3A_207 = arith.index_cast %scan3A_149 : i32 to index
      %swap3A_208 = arith.constant 0 : index
      %swap3A_209 = tpu.vector_load %arg13[%swap3A_206, %swap3A_207, %swap3A_208] {strides = array<i32>} : memref<4x640x16xf32, #tpu.memory_space<vmem>>, vector<1x1x16xf32>,
      %swap3A_210 = vector.shape_cast %swap3A_209 : vector<1x1x16xf32> to vector<16xf32>
      %swap3A_211 = vector.shape_cast %mul3A_204 : vector<16xf32> to vector<1x1x16xf32>
      tpu.vector_store %arg13[%swap3A_206, %swap3A_207, %swap3A_208], %swap3A_211 {strides = array<i32>} : memref<4x640x16xf32, #tpu.memory_space<vmem>>, vector<1x1x16xf32>,
    }
    %scan3A_39 = arith.constant 640 : i32
    %scan3A_40 = arith.constant 0 : i32
    %scan3A_41 = arith.constant 0 : i32
    %scan3A_42 = arith.constant 128 : i32
    %scan3A_43 = arith.addi %scan3A_41, %scan3A_42 : i32
    %scan3A_44 = arith.constant 1 : i32
    scf.for %scan3A_149 = %scan3A_41 to %scan3A_43 step %scan3A_44  : i32 {
      %broadcast_in_dim3A = arith.constant 0.000000e+00 : f32
      %broadcast_in_dim3A_150 = vector.broadcast %broadcast_in_dim3A : f32 to vector<16xf32>
      %swap3A = arith.index_cast %scan3A_149 : i32 to index
      %swap3A_151 = arith.constant 0 : index
      %swap3A_152 = tpu.vector_load %arg12[%swap3A, %swap3A_151] {strides = array<i32>} : memref<128x16xf32, #tpu.memory_space<vmem>>, vector<1x16xf32>,
      %swap3A_153 = vector.shape_cast %swap3A_152 : vector<1x16xf32> to vector<16xf32>
      %swap3A_154 = vector.shape_cast %broadcast_in_dim3A_150 : vector<16xf32> to vector<1x16xf32>
      tpu.vector_store %arg12[%swap3A, %swap3A_151], %swap3A_154 {strides = array<i32>} : memref<128x16xf32, #tpu.memory_space<vmem>>, vector<1x16xf32>,
    }
    %scan3A_45 = arith.constant 128 : i32
    %mul3A_46 = arith.constant 4 : i32
    %mul3A_47 = arith.muli %arg0, %mul3A_46 : i32
    %add3A_48 = arith.constant 0 : i32
    %add3A_49 = arith.addi %mul3A_47, %add3A_48 : i32
    %mul3A_50 = arith.constant 10240 : i32
    %mul3A_51 = arith.muli %add3A_49, %mul3A_50 : i32
    %mul3A_52 = arith.constant 4 : i32
    %mul3A_53 = arith.muli %arg0, %mul3A_52 : i32
    %mul3A_54 = arith.constant 10240 : i32
    %mul3A_55 = arith.muli %mul3A_53, %mul3A_54 : i32
    %scan3A_56 = arith.constant 0 : i32
    %scan3A_57 = arith.constant 0 : i32
    %scan3A_58 = arith.constant 1296 : i32
    %scan3A_59 = arith.addi %scan3A_57, %scan3A_58 : i32
    %scan3A_60 = arith.constant 1 : i32
    scf.for %scan3A_149 = %scan3A_57 to %scan3A_59 step %scan3A_60  : i32 {
      %jit3A = arith.constant 8 : i32
      %div3A = arith.divsi %scan3A_149, %jit3A : i32
      %sign3A = arith.constant 0 : i32
      %sign3A_150 = arith.cmpi sgt, %scan3A_149, %sign3A : i32
      %sign3A_151 = arith.extui %sign3A_150 : i1 to i32
      %sign3A_152 = arith.constant 0 : i32
      %sign3A_153 = arith.cmpi slt, %scan3A_149, %sign3A_152 : i32
      %sign3A_154 = arith.extui %sign3A_153 : i1 to i32
      %sign3A_155 = arith.subi %sign3A_151, %sign3A_154 : i32
      %sign3A_156 = arith.constant 0 : i32
      %sign3A_157 = arith.cmpi sgt, %jit3A, %sign3A_156 : i32
      %sign3A_158 = arith.extui %sign3A_157 : i1 to i32
      %sign3A_159 = arith.constant 0 : i32
      %sign3A_160 = arith.cmpi slt, %jit3A, %sign3A_159 : i32
      %sign3A_161 = arith.extui %sign3A_160 : i1 to i32
      %sign3A_162 = arith.subi %sign3A_158, %sign3A_161 : i32
      %ne3A = arith.cmpi ne, %sign3A_155, %sign3A_162 : i32
      %rem3A = arith.remsi %scan3A_149, %jit3A : i32
      %ne3A_163 = arith.constant 0 : i32
      %ne3A_164 = arith.cmpi ne, %rem3A, %ne3A_163 : i32
      %and3A = arith.andi %ne3A, %ne3A_164 : i1
      %sub3A = arith.constant 1 : i32
      %sub3A_165 = arith.subi %div3A, %sub3A : i32
      %select_n3A = arith.select %and3A, %sub3A_165, %div3A : i32
      %jit3A_166 = arith.constant 8 : i32
      %eq3A = arith.constant 0 : i32
      %eq3A_167 = arith.cmpi eq, %jit3A_166, %eq3A : i32
      %jit3A_168 = arith.constant 1 : i32
      %select_n3A_169 = arith.select %eq3A_167, %jit3A_168, %jit3A_166 : i32
      %rem3A_170 = arith.remsi %scan3A_149, %select_n3A_169 : i32
      %ne3A_171 = arith.constant 0 : i32
      %ne3A_172 = arith.cmpi ne, %rem3A_170, %ne3A_171 : i32
      %lt3A = arith.constant 0 : i32
      %lt3A_173 = arith.cmpi slt, %rem3A_170, %lt3A : i32
      %lt3A_174 = arith.constant 0 : i32
      %lt3A_175 = arith.cmpi slt, %select_n3A_169, %lt3A_174 : i32
      %ne3A_176 = arith.xori %lt3A_173, %lt3A_175 : i1
      %and3A_177 = arith.andi %ne3A_176, %ne3A_172 : i1
      %add3A_178 = arith.addi %rem3A_170, %select_n3A_169 : i32
      %select_n3A_179 = arith.select %and3A_177, %add3A_178, %rem3A_170 : i32
      %mul3A_180 = arith.constant 16 : i32
      %mul3A_181 = arith.muli %select_n3A_179, %mul3A_180 : i32
      %get3A = arith.index_cast %select_n3A : i32 to index
      %get3A_182 = arith.index_cast %mul3A_181 : i32 to index
      %get3A_183 = tpu.vector_load %arg7[%get3A, %get3A_182] {strides = array<i32>} : memref<162x128xi32, #tpu.memory_space<vmem>>, vector<1x16xi32>,
      %get3A_184 = vector.shape_cast %get3A_183 : vector<1x16xi32> to vector<16xi32>
      %add3A_185 = vector.broadcast %mul3A_55 : i32 to vector<16xi32>
      %add3A_186 = arith.addi %get3A_184, %add3A_185 : vector<16xi32>
      %swap3A = arith.index_cast %select_n3A : i32 to index
      %swap3A_187 = arith.index_cast %mul3A_181 : i32 to index
      %swap3A_188 = tpu.vector_load %arg7[%swap3A, %swap3A_187] {strides = array<i32>} : memref<162x128xi32, #tpu.memory_space<vmem>>, vector<1x16xi32>,
      %swap3A_189 = vector.shape_cast %swap3A_188 : vector<1x16xi32> to vector<16xi32>
      %swap3A_190 = vector.shape_cast %add3A_186 : vector<16xi32> to vector<1x16xi32>
      tpu.vector_store %arg7[%swap3A, %swap3A_187], %swap3A_190 {strides = array<i32>} : memref<162x128xi32, #tpu.memory_space<vmem>>, vector<1x16xi32>,
    }
    %scan3A_61 = arith.constant 1296 : i32
    %scan3A_62 = arith.constant 0 : i32
    %scan3A_63 = arith.constant 0 : i32
    %scan3A_64 = arith.constant 5 : i32
    %scan3A_65 = arith.addi %scan3A_63, %scan3A_64 : i32
    %scan3A_66 = arith.constant 1 : i32
    scf.for %scan3A_149 = %scan3A_63 to %scan3A_65 step %scan3A_66  : i32 {
      %mul3A_150 = arith.constant 128 : i32
      %mul3A_151 = arith.muli %scan3A_149, %mul3A_150 : i32
      %add3A_152 = arith.addi %mul3A_0, %mul3A_151 : i32
      "tpu.region"() ({
        %run_scoped3A_153 = tpu.sem_alloc : memref<!tpu.dma_semaphore, #tpu.memory_space<semaphore_mem>>
        %dma_start3A = arith.constant 0 : i32
        %dma_start3A_154 = tpu.memref_slice %arg15[%add3A_152, %dma_start3A] : memref<10240x16xf32, #tpu.memory_space<vmem_shared>> -> memref<128x16xf32, #tpu.memory_space<vmem_shared>>
        %dma_start3A_155 = arith.constant 0 : i32
        %dma_start3A_156 = tpu.memref_slice %arg15[%add3A_152, %dma_start3A_155] : memref<10240x16xf32, #tpu.memory_space<vmem_shared>> -> memref<128x16xf32, #tpu.memory_space<vmem_shared>>
        tpu.enqueue_dma source(%arg12 : memref<128x16xf32, #tpu.memory_space<vmem>>) target(%dma_start3A_156 : memref<128x16xf32, #tpu.memory_space<vmem_shared>>) target_semaphore(%run_scoped3A_153 : memref<!tpu.dma_semaphore, #tpu.memory_space<semaphore_mem>>)
        %dma_wait3A = arith.constant 0 : i32
        %dma_wait3A_157 = tpu.memref_slice %arg15[%add3A_152, %dma_wait3A] : memref<10240x16xf32, #tpu.memory_space<vmem_shared>> -> memref<128x16xf32, #tpu.memory_space<vmem_shared>>
        %dma_wait3A_158 = arith.constant 0 : i32
        %dma_wait3A_159 = tpu.memref_slice %arg15[%add3A_152, %dma_wait3A_158] : memref<10240x16xf32, #tpu.memory_space<vmem_shared>> -> memref<128x16xf32, #tpu.memory_space<vmem_shared>>
        tpu.wait_dma2 semaphore(%run_scoped3A_153 : memref<!tpu.dma_semaphore, #tpu.memory_space<semaphore_mem>>) src(%arg12 : memref<128x16xf32, #tpu.memory_space<vmem>>) dst(%dma_wait3A_159 : memref<128x16xf32, #tpu.memory_space<vmem_shared>>)
        tpu.yield
      }) : () -> ()
    }
    %scan3A_67 = arith.constant 5 : i32
    %barrier3A = arith.constant 0 : index
    tpu.barrier barrier_id(%barrier3A)
    %scan3A_68 = arith.constant 0 : i32
    %scan3A_69 = arith.constant 0 : i32
    %scan3A_70 = arith.constant 10 : i32
    %scan3A_71 = arith.addi %scan3A_69, %scan3A_70 : i32
    %scan3A_72 = arith.constant 1 : i32
    scf.for %scan3A_149 = %scan3A_69 to %scan3A_71 step %scan3A_72  : i32 {
      %scan3A_150 = arith.constant 0 : i32
      %scan3A_151 = arith.constant 0 : i32
      %scan3A_152 = arith.constant 162 : i32
      %scan3A_153 = arith.addi %scan3A_151, %scan3A_152 : i32
      %scan3A_154 = arith.constant 1 : i32
      scf.for %scan3A_164 = %scan3A_151 to %scan3A_153 step %scan3A_154  : i32 {
        "tpu.region"() ({
          %run_scoped3A_165 = tpu.sem_alloc : memref<!tpu.dma_semaphore, #tpu.memory_space<semaphore_mem>>
          %dma_start3A = arith.constant 0 : i32
          %dma_start3A_166 = tpu.memref_slice %arg7[%scan3A_164, %dma_start3A] : memref<162x128xi32, #tpu.memory_space<vmem>> -> memref<1x128xi32, #tpu.memory_space<vmem>>
          %dma_start3A_167 = tpu.memref_squeeze %dma_start3A_166 : memref<1x128xi32, #tpu.memory_space<vmem>> -> memref<128xi32, #tpu.memory_space<vmem>>
          %dma_start3A_168 = arith.constant 0 : i32
          %dma_start3A_169 = arith.constant 0 : i32
          %dma_start3A_170 = tpu.memref_slice %arg6[%dma_start3A_168, %dma_start3A_169] : memref<81920x16xf32, #tpu.memory_space<hbm>> -> memref<81920x16xf32, #tpu.memory_space<hbm>>
          tpu.enqueue_indirect_dma source(%dma_start3A_170 : memref<81920x16xf32, #tpu.memory_space<hbm>>) target(%arg9 : memref<128x16xf32, #tpu.memory_space<vmem>>) offsets(%dma_start3A_167 : memref<128xi32, #tpu.memory_space<vmem>>) semaphore(%run_scoped3A_165 : memref<!tpu.dma_semaphore, #tpu.memory_space<semaphore_mem>>)
          %dma_wait3A = arith.constant 0 : i32
          %dma_wait3A_171 = tpu.memref_slice %arg7[%scan3A_164, %dma_wait3A] : memref<162x128xi32, #tpu.memory_space<vmem>> -> memref<1x128xi32, #tpu.memory_space<vmem>>
          %dma_wait3A_172 = tpu.memref_squeeze %dma_wait3A_171 : memref<1x128xi32, #tpu.memory_space<vmem>> -> memref<128xi32, #tpu.memory_space<vmem>>
          %dma_wait3A_173 = arith.constant 0 : i32
          %dma_wait3A_174 = arith.constant 0 : i32
          %dma_wait3A_175 = tpu.memref_slice %arg6[%dma_wait3A_173, %dma_wait3A_174] : memref<81920x16xf32, #tpu.memory_space<hbm>> -> memref<81920x16xf32, #tpu.memory_space<hbm>>
          tpu.wait_indirect_dma semaphore(%run_scoped3A_165 : memref<!tpu.dma_semaphore, #tpu.memory_space<semaphore_mem>>) src(%dma_wait3A_175 : memref<81920x16xf32, #tpu.memory_space<hbm>>) dst(%arg9 : memref<128x16xf32, #tpu.memory_space<vmem>>)
          tpu.yield
        }) : () -> ()
        "tpu.region"() ({
          %run_scoped3A_165 = tpu.sem_alloc : memref<!tpu.dma_semaphore, #tpu.memory_space<semaphore_mem>>
          %dma_start3A = arith.constant 0 : i32
          %dma_start3A_166 = tpu.memref_slice %arg8[%scan3A_164, %dma_start3A] : memref<162x128xi32, #tpu.memory_space<vmem>> -> memref<1x128xi32, #tpu.memory_space<vmem>>
          %dma_start3A_167 = tpu.memref_squeeze %dma_start3A_166 : memref<1x128xi32, #tpu.memory_space<vmem>> -> memref<128xi32, #tpu.memory_space<vmem>>
          %dma_start3A_168 = arith.constant 0 : i32
          %dma_start3A_169 = arith.constant 0 : i32
          %dma_start3A_170 = tpu.memref_slice %arg15[%dma_start3A_168, %dma_start3A_169] : memref<10240x16xf32, #tpu.memory_space<vmem_shared>> -> memref<10240x16xf32, #tpu.memory_space<vmem_shared>>
          tpu.enqueue_indirect_dma source(%arg9 : memref<128x16xf32, #tpu.memory_space<vmem>>) target(%dma_start3A_170 : memref<10240x16xf32, #tpu.memory_space<vmem_shared>>) offsets(%dma_start3A_167 : memref<128xi32, #tpu.memory_space<vmem>>) semaphore(%run_scoped3A_165 : memref<!tpu.dma_semaphore, #tpu.memory_space<semaphore_mem>>) {add = true}
          %dma_wait3A = arith.constant 0 : i32
          %dma_wait3A_171 = tpu.memref_slice %arg8[%scan3A_164, %dma_wait3A] : memref<162x128xi32, #tpu.memory_space<vmem>> -> memref<1x128xi32, #tpu.memory_space<vmem>>
          %dma_wait3A_172 = tpu.memref_squeeze %dma_wait3A_171 : memref<1x128xi32, #tpu.memory_space<vmem>> -> memref<128xi32, #tpu.memory_space<vmem>>
          %dma_wait3A_173 = arith.constant 0 : i32
          %dma_wait3A_174 = arith.constant 0 : i32
          %dma_wait3A_175 = tpu.memref_slice %arg15[%dma_wait3A_173, %dma_wait3A_174] : memref<10240x16xf32, #tpu.memory_space<vmem_shared>> -> memref<10240x16xf32, #tpu.memory_space<vmem_shared>>
          tpu.wait_indirect_dma semaphore(%run_scoped3A_165 : memref<!tpu.dma_semaphore, #tpu.memory_space<semaphore_mem>>) src(%arg9 : memref<128x16xf32, #tpu.memory_space<vmem>>) dst(%dma_wait3A_175 : memref<10240x16xf32, #tpu.memory_space<vmem_shared>>)
          tpu.yield
        }) : () -> ()
      }
      %scan3A_155 = arith.constant 162 : i32
      %barrier3A_156 = arith.constant 0 : index
      tpu.barrier barrier_id(%barrier3A_156)
      %scan3A_157 = arith.constant 0 : i32
      %scan3A_158 = arith.constant 0 : i32
      %scan3A_159 = arith.constant 5 : i32
      %scan3A_160 = arith.addi %scan3A_158, %scan3A_159 : i32
      %scan3A_161 = arith.constant 1 : i32
      scf.for %scan3A_164 = %scan3A_158 to %scan3A_160 step %scan3A_161  : i32 {
        %mul3A_165 = arith.constant 128 : i32
        %mul3A_166 = arith.muli %scan3A_164, %mul3A_165 : i32
        %add3A_167 = arith.addi %mul3A_0, %mul3A_166 : i32
        %add3A_168 = arith.addi %mul3A_51, %mul3A_0 : i32
        %mul3A_169 = arith.constant 128 : i32
        %mul3A_170 = arith.muli %scan3A_164, %mul3A_169 : i32
        %add3A_171 = arith.addi %add3A_168, %mul3A_170 : i32
        "tpu.region"() ({
          %run_scoped3A_178 = tpu.sem_alloc : memref<!tpu.dma_semaphore, #tpu.memory_space<semaphore_mem>>
          %dma_start3A = arith.constant 0 : i32
          %dma_start3A_179 = tpu.memref_slice %arg6[%add3A_171, %dma_start3A] : memref<81920x16xf32, #tpu.memory_space<hbm>> -> memref<128x16xf32, #tpu.memory_space<hbm>>
          %dma_start3A_180 = arith.constant 0 : i32
          %dma_start3A_181 = tpu.memref_slice %arg6[%add3A_171, %dma_start3A_180] : memref<81920x16xf32, #tpu.memory_space<hbm>> -> memref<128x16xf32, #tpu.memory_space<hbm>>
          tpu.enqueue_dma source(%dma_start3A_181 : memref<128x16xf32, #tpu.memory_space<hbm>>) target(%arg10 : memref<128x16xf32, #tpu.memory_space<vmem>>) target_semaphore(%run_scoped3A_178 : memref<!tpu.dma_semaphore, #tpu.memory_space<semaphore_mem>>)
          %dma_wait3A = arith.constant 0 : i32
          %dma_wait3A_182 = tpu.memref_slice %arg6[%add3A_171, %dma_wait3A] : memref<81920x16xf32, #tpu.memory_space<hbm>> -> memref<128x16xf32, #tpu.memory_space<hbm>>
          %dma_wait3A_183 = arith.constant 0 : i32
          %dma_wait3A_184 = tpu.memref_slice %arg6[%add3A_171, %dma_wait3A_183] : memref<81920x16xf32, #tpu.memory_space<hbm>> -> memref<128x16xf32, #tpu.memory_space<hbm>>
          tpu.wait_dma2 semaphore(%run_scoped3A_178 : memref<!tpu.dma_semaphore, #tpu.memory_space<semaphore_mem>>) src(%dma_wait3A_184 : memref<128x16xf32, #tpu.memory_space<hbm>>) dst(%arg10 : memref<128x16xf32, #tpu.memory_space<vmem>>)
          tpu.yield
        }) : () -> ()
        "tpu.region"() ({
          %run_scoped3A_178 = tpu.sem_alloc : memref<!tpu.dma_semaphore, #tpu.memory_space<semaphore_mem>>
          %dma_start3A = arith.constant 0 : i32
          %dma_start3A_179 = tpu.memref_slice %arg15[%add3A_167, %dma_start3A] : memref<10240x16xf32, #tpu.memory_space<vmem_shared>> -> memref<128x16xf32, #tpu.memory_space<vmem_shared>>
          %dma_start3A_180 = arith.constant 0 : i32
          %dma_start3A_181 = tpu.memref_slice %arg15[%add3A_167, %dma_start3A_180] : memref<10240x16xf32, #tpu.memory_space<vmem_shared>> -> memref<128x16xf32, #tpu.memory_space<vmem_shared>>
          tpu.enqueue_dma source(%dma_start3A_181 : memref<128x16xf32, #tpu.memory_space<vmem_shared>>) target(%arg11 : memref<128x16xf32, #tpu.memory_space<vmem>>) target_semaphore(%run_scoped3A_178 : memref<!tpu.dma_semaphore, #tpu.memory_space<semaphore_mem>>)
          %dma_wait3A = arith.constant 0 : i32
          %dma_wait3A_182 = tpu.memref_slice %arg15[%add3A_167, %dma_wait3A] : memref<10240x16xf32, #tpu.memory_space<vmem_shared>> -> memref<128x16xf32, #tpu.memory_space<vmem_shared>>
          %dma_wait3A_183 = arith.constant 0 : i32
          %dma_wait3A_184 = tpu.memref_slice %arg15[%add3A_167, %dma_wait3A_183] : memref<10240x16xf32, #tpu.memory_space<vmem_shared>> -> memref<128x16xf32, #tpu.memory_space<vmem_shared>>
          tpu.wait_dma2 semaphore(%run_scoped3A_178 : memref<!tpu.dma_semaphore, #tpu.memory_space<semaphore_mem>>) src(%dma_wait3A_184 : memref<128x16xf32, #tpu.memory_space<vmem_shared>>) dst(%arg11 : memref<128x16xf32, #tpu.memory_space<vmem>>)
          tpu.yield
        }) : () -> ()
        %scan3A_172 = arith.constant 0 : i32
        %scan3A_173 = arith.constant 0 : i32
        %scan3A_174 = arith.constant 8 : i32
        %scan3A_175 = arith.addi %scan3A_173, %scan3A_174 : i32
        %scan3A_176 = arith.constant 1 : i32
        scf.for %scan3A_178 = %scan3A_173 to %scan3A_175 step %scan3A_176  : i32 {
          %mul3A_179 = arith.constant 128 : i32
          %mul3A_180 = arith.muli %scan3A_164, %mul3A_179 : i32
          %mul3A_181 = arith.constant 16 : i32
          %mul3A_182 = arith.muli %scan3A_178, %mul3A_181 : i32
          %add3A_183 = arith.addi %mul3A_180, %mul3A_182 : i32
          %get3A = arith.index_cast %add3A_183 : i32 to index
          %get3A_184 = tpu.vector_load %arg14[%get3A] {strides = array<i32>} : memref<640xf32, #tpu.memory_space<vmem>>, vector<16xf32>,
          %get3A_185 = vector.shape_cast %get3A_184 : vector<16xf32> to vector<16xf32>
          %mul3A_186 = arith.constant 0.899999976 : f32
          %mul3A_187 = vector.broadcast %mul3A_186 : f32 to vector<16xf32>
          %mul3A_188 = arith.mulf %get3A_185, %mul3A_187 : vector<16xf32>
          %mul3A_189 = arith.constant 16 : i32
          %mul3A_190 = arith.muli %scan3A_178, %mul3A_189 : i32
          %add3A_191 = arith.constant 0 : i32
          %add3A_192 = arith.addi %mul3A_190, %add3A_191 : i32
          %mul3A_193 = arith.constant 128 : i32
          %mul3A_194 = arith.muli %scan3A_164, %mul3A_193 : i32
          %add3A_195 = arith.addi %mul3A_194, %add3A_192 : i32
          %slice3A = vector.extract_strided_slice %mul3A_188 {offsets = [0], sizes = [1], strides = [1]} : vector<16xf32> to vector<1xf32>
          %squeeze3A = vector.extract %slice3A[0] : f32 from vector<1xf32>
          %get3A_196 = arith.index_cast %add3A_192 : i32 to index
          %get3A_197 = arith.constant 0 : index
          %get3A_198 = tpu.vector_load %arg11[%get3A_196, %get3A_197] {strides = array<i32>} : memref<128x16xf32, #tpu.memory_space<vmem>>, vector<1x16xf32>,
          %get3A_199 = vector.shape_cast %get3A_198 : vector<1x16xf32> to vector<16xf32>
          %get3A_200 = arith.index_cast %add3A_192 : i32 to index
          %get3A_201 = arith.constant 0 : index
          %get3A_202 = tpu.vector_load %arg10[%get3A_200, %get3A_201] {strides = array<i32>} : memref<128x16xf32, #tpu.memory_space<vmem>>, vector<1x16xf32>,
          %get3A_203 = vector.shape_cast %get3A_202 : vector<1x16xf32> to vector<16xf32>
          %add3A_204 = arith.addf %get3A_199, %get3A_203 : vector<16xf32>
          %mul3A_205 = vector.broadcast %squeeze3A : f32 to vector<16xf32>
          %mul3A_206 = arith.mulf %add3A_204, %mul3A_205 : vector<16xf32>
          %get3A_207 = arith.constant 0 : i32
          %get3A_208 = arith.index_cast %get3A_207 : i32 to index
          %get3A_209 = arith.index_cast %add3A_195 : i32 to index
          %get3A_210 = arith.constant 0 : index
          %get3A_211 = tpu.vector_load %arg13[%get3A_208, %get3A_209, %get3A_210] {strides = array<i32>} : memref<4x640x16xf32, #tpu.memory_space<vmem>>, vector<1x1x16xf32>,
          %get3A_212 = vector.shape_cast %get3A_211 : vector<1x1x16xf32> to vector<16xf32>
          %add3A_213 = arith.addf %mul3A_206, %get3A_212 : vector<16xf32>
          %swap3A = arith.index_cast %add3A_192 : i32 to index
          %swap3A_214 = arith.constant 0 : index
          %swap3A_215 = tpu.vector_load %arg10[%swap3A, %swap3A_214] {strides = array<i32>} : memref<128x16xf32, #tpu.memory_space<vmem>>, vector<1x16xf32>,
          %swap3A_216 = vector.shape_cast %swap3A_215 : vector<1x16xf32> to vector<16xf32>
          %swap3A_217 = vector.shape_cast %add3A_213 : vector<16xf32> to vector<1x16xf32>
          tpu.vector_store %arg10[%swap3A, %swap3A_214], %swap3A_217 {strides = array<i32>} : memref<128x16xf32, #tpu.memory_space<vmem>>, vector<1x16xf32>,
          %mul3A_218 = arith.constant 16 : i32
          %mul3A_219 = arith.muli %scan3A_178, %mul3A_218 : i32
          %add3A_220 = arith.constant 1 : i32
          %add3A_221 = arith.addi %mul3A_219, %add3A_220 : i32
          %mul3A_222 = arith.constant 128 : i32
          %mul3A_223 = arith.muli %scan3A_164, %mul3A_222 : i32
          %add3A_224 = arith.addi %mul3A_223, %add3A_221 : i32
          %slice3A_225 = vector.extract_strided_slice %mul3A_188 {offsets = [1], sizes = [1], strides = [1]} : vector<16xf32> to vector<1xf32>
          %squeeze3A_226 = vector.extract %slice3A_225[0] : f32 from vector<1xf32>
          %get3A_227 = arith.index_cast %add3A_221 : i32 to index
          %get3A_228 = arith.constant 0 : index
          %get3A_229 = tpu.vector_load %arg11[%get3A_227, %get3A_228] {strides = array<i32>} : memref<128x16xf32, #tpu.memory_space<vmem>>, vector<1x16xf32>,
          %get3A_230 = vector.shape_cast %get3A_229 : vector<1x16xf32> to vector<16xf32>
          %get3A_231 = arith.index_cast %add3A_221 : i32 to index
          %get3A_232 = arith.constant 0 : index
          %get3A_233 = tpu.vector_load %arg10[%get3A_231, %get3A_232] {strides = array<i32>} : memref<128x16xf32, #tpu.memory_space<vmem>>, vector<1x16xf32>,
          %get3A_234 = vector.shape_cast %get3A_233 : vector<1x16xf32> to vector<16xf32>
          %add3A_235 = arith.addf %get3A_230, %get3A_234 : vector<16xf32>
          %mul3A_236 = vector.broadcast %squeeze3A_226 : f32 to vector<16xf32>
          %mul3A_237 = arith.mulf %add3A_235, %mul3A_236 : vector<16xf32>
          %get3A_238 = arith.constant 0 : i32
          %get3A_239 = arith.index_cast %get3A_238 : i32 to index
          %get3A_240 = arith.index_cast %add3A_224 : i32 to index
          %get3A_241 = arith.constant 0 : index
          %get3A_242 = tpu.vector_load %arg13[%get3A_239, %get3A_240, %get3A_241] {strides = array<i32>} : memref<4x640x16xf32, #tpu.memory_space<vmem>>, vector<1x1x16xf32>,
          %get3A_243 = vector.shape_cast %get3A_242 : vector<1x1x16xf32> to vector<16xf32>
          %add3A_244 = arith.addf %mul3A_237, %get3A_243 : vector<16xf32>
          %swap3A_245 = arith.index_cast %add3A_221 : i32 to index
          %swap3A_246 = arith.constant 0 : index
          %swap3A_247 = tpu.vector_load %arg10[%swap3A_245, %swap3A_246] {strides = array<i32>} : memref<128x16xf32, #tpu.memory_space<vmem>>, vector<1x16xf32>,
          %swap3A_248 = vector.shape_cast %swap3A_247 : vector<1x16xf32> to vector<16xf32>
          %swap3A_249 = vector.shape_cast %add3A_244 : vector<16xf32> to vector<1x16xf32>
          tpu.vector_store %arg10[%swap3A_245, %swap3A_246], %swap3A_249 {strides = array<i32>} : memref<128x16xf32, #tpu.memory_space<vmem>>, vector<1x16xf32>,
          %mul3A_250 = arith.constant 16 : i32
          %mul3A_251 = arith.muli %scan3A_178, %mul3A_250 : i32
          %add3A_252 = arith.constant 2 : i32
          %add3A_253 = arith.addi %mul3A_251, %add3A_252 : i32
          %mul3A_254 = arith.constant 128 : i32
          %mul3A_255 = arith.muli %scan3A_164, %mul3A_254 : i32
          %add3A_256 = arith.addi %mul3A_255, %add3A_253 : i32
          %slice3A_257 = vector.extract_strided_slice %mul3A_188 {offsets = [2], sizes = [1], strides = [1]} : vector<16xf32> to vector<1xf32>
          %squeeze3A_258 = vector.extract %slice3A_257[0] : f32 from vector<1xf32>
          %get3A_259 = arith.index_cast %add3A_253 : i32 to index
          %get3A_260 = arith.constant 0 : index
          %get3A_261 = tpu.vector_load %arg11[%get3A_259, %get3A_260] {strides = array<i32>} : memref<128x16xf32, #tpu.memory_space<vmem>>, vector<1x16xf32>,
          %get3A_262 = vector.shape_cast %get3A_261 : vector<1x16xf32> to vector<16xf32>
          %get3A_263 = arith.index_cast %add3A_253 : i32 to index
          %get3A_264 = arith.constant 0 : index
          %get3A_265 = tpu.vector_load %arg10[%get3A_263, %get3A_264] {strides = array<i32>} : memref<128x16xf32, #tpu.memory_space<vmem>>, vector<1x16xf32>,
          %get3A_266 = vector.shape_cast %get3A_265 : vector<1x16xf32> to vector<16xf32>
          %add3A_267 = arith.addf %get3A_262, %get3A_266 : vector<16xf32>
          %mul3A_268 = vector.broadcast %squeeze3A_258 : f32 to vector<16xf32>
          %mul3A_269 = arith.mulf %add3A_267, %mul3A_268 : vector<16xf32>
          %get3A_270 = arith.constant 0 : i32
          %get3A_271 = arith.index_cast %get3A_270 : i32 to index
          %get3A_272 = arith.index_cast %add3A_256 : i32 to index
          %get3A_273 = arith.constant 0 : index
          %get3A_274 = tpu.vector_load %arg13[%get3A_271, %get3A_272, %get3A_273] {strides = array<i32>} : memref<4x640x16xf32, #tpu.memory_space<vmem>>, vector<1x1x16xf32>,
          %get3A_275 = vector.shape_cast %get3A_274 : vector<1x1x16xf32> to vector<16xf32>
          %add3A_276 = arith.addf %mul3A_269, %get3A_275 : vector<16xf32>
          %swap3A_277 = arith.index_cast %add3A_253 : i32 to index
          %swap3A_278 = arith.constant 0 : index
          %swap3A_279 = tpu.vector_load %arg10[%swap3A_277, %swap3A_278] {strides = array<i32>} : memref<128x16xf32, #tpu.memory_space<vmem>>, vector<1x16xf32>,
          %swap3A_280 = vector.shape_cast %swap3A_279 : vector<1x16xf32> to vector<16xf32>
          %swap3A_281 = vector.shape_cast %add3A_276 : vector<16xf32> to vector<1x16xf32>
          tpu.vector_store %arg10[%swap3A_277, %swap3A_278], %swap3A_281 {strides = array<i32>} : memref<128x16xf32, #tpu.memory_space<vmem>>, vector<1x16xf32>,
          %mul3A_282 = arith.constant 16 : i32
          %mul3A_283 = arith.muli %scan3A_178, %mul3A_282 : i32
          %add3A_284 = arith.constant 3 : i32
          %add3A_285 = arith.addi %mul3A_283, %add3A_284 : i32
          %mul3A_286 = arith.constant 128 : i32
          %mul3A_287 = arith.muli %scan3A_164, %mul3A_286 : i32
          %add3A_288 = arith.addi %mul3A_287, %add3A_285 : i32
          %slice3A_289 = vector.extract_strided_slice %mul3A_188 {offsets = [3], sizes = [1], strides = [1]} : vector<16xf32> to vector<1xf32>
          %squeeze3A_290 = vector.extract %slice3A_289[0] : f32 from vector<1xf32>
          %get3A_291 = arith.index_cast %add3A_285 : i32 to index
          %get3A_292 = arith.constant 0 : index
          %get3A_293 = tpu.vector_load %arg11[%get3A_291, %get3A_292] {strides = array<i32>} : memref<128x16xf32, #tpu.memory_space<vmem>>, vector<1x16xf32>,
          %get3A_294 = vector.shape_cast %get3A_293 : vector<1x16xf32> to vector<16xf32>
          %get3A_295 = arith.index_cast %add3A_285 : i32 to index
          %get3A_296 = arith.constant 0 : index
          %get3A_297 = tpu.vector_load %arg10[%get3A_295, %get3A_296] {strides = array<i32>} : memref<128x16xf32, #tpu.memory_space<vmem>>, vector<1x16xf32>,
          %get3A_298 = vector.shape_cast %get3A_297 : vector<1x16xf32> to vector<16xf32>
          %add3A_299 = arith.addf %get3A_294, %get3A_298 : vector<16xf32>
          %mul3A_300 = vector.broadcast %squeeze3A_290 : f32 to vector<16xf32>
          %mul3A_301 = arith.mulf %add3A_299, %mul3A_300 : vector<16xf32>
          %get3A_302 = arith.constant 0 : i32
          %get3A_303 = arith.index_cast %get3A_302 : i32 to index
          %get3A_304 = arith.index_cast %add3A_288 : i32 to index
          %get3A_305 = arith.constant 0 : index
          %get3A_306 = tpu.vector_load %arg13[%get3A_303, %get3A_304, %get3A_305] {strides = array<i32>} : memref<4x640x16xf32, #tpu.memory_space<vmem>>, vector<1x1x16xf32>,
          %get3A_307 = vector.shape_cast %get3A_306 : vector<1x1x16xf32> to vector<16xf32>
          %add3A_308 = arith.addf %mul3A_301, %get3A_307 : vector<16xf32>
          %swap3A_309 = arith.index_cast %add3A_285 : i32 to index
          %swap3A_310 = arith.constant 0 : index
          %swap3A_311 = tpu.vector_load %arg10[%swap3A_309, %swap3A_310] {strides = array<i32>} : memref<128x16xf32, #tpu.memory_space<vmem>>, vector<1x16xf32>,
          %swap3A_312 = vector.shape_cast %swap3A_311 : vector<1x16xf32> to vector<16xf32>
          %swap3A_313 = vector.shape_cast %add3A_308 : vector<16xf32> to vector<1x16xf32>
          tpu.vector_store %arg10[%swap3A_309, %swap3A_310], %swap3A_313 {strides = array<i32>} : memref<128x16xf32, #tpu.memory_space<vmem>>, vector<1x16xf32>,
          %mul3A_314 = arith.constant 16 : i32
          %mul3A_315 = arith.muli %scan3A_178, %mul3A_314 : i32
          %add3A_316 = arith.constant 4 : i32
          %add3A_317 = arith.addi %mul3A_315, %add3A_316 : i32
          %mul3A_318 = arith.constant 128 : i32
          %mul3A_319 = arith.muli %scan3A_164, %mul3A_318 : i32
          %add3A_320 = arith.addi %mul3A_319, %add3A_317 : i32
          %slice3A_321 = vector.extract_strided_slice %mul3A_188 {offsets = [4], sizes = [1], strides = [1]} : vector<16xf32> to vector<1xf32>
          %squeeze3A_322 = vector.extract %slice3A_321[0] : f32 from vector<1xf32>
          %get3A_323 = arith.index_cast %add3A_317 : i32 to index
          %get3A_324 = arith.constant 0 : index
          %get3A_325 = tpu.vector_load %arg11[%get3A_323, %get3A_324] {strides = array<i32>} : memref<128x16xf32, #tpu.memory_space<vmem>>, vector<1x16xf32>,
          %get3A_326 = vector.shape_cast %get3A_325 : vector<1x16xf32> to vector<16xf32>
          %get3A_327 = arith.index_cast %add3A_317 : i32 to index
          %get3A_328 = arith.constant 0 : index
          %get3A_329 = tpu.vector_load %arg10[%get3A_327, %get3A_328] {strides = array<i32>} : memref<128x16xf32, #tpu.memory_space<vmem>>, vector<1x16xf32>,
          %get3A_330 = vector.shape_cast %get3A_329 : vector<1x16xf32> to vector<16xf32>
          %add3A_331 = arith.addf %get3A_326, %get3A_330 : vector<16xf32>
          %mul3A_332 = vector.broadcast %squeeze3A_322 : f32 to vector<16xf32>
          %mul3A_333 = arith.mulf %add3A_331, %mul3A_332 : vector<16xf32>
          %get3A_334 = arith.constant 0 : i32
          %get3A_335 = arith.index_cast %get3A_334 : i32 to index
          %get3A_336 = arith.index_cast %add3A_320 : i32 to index
          %get3A_337 = arith.constant 0 : index
          %get3A_338 = tpu.vector_load %arg13[%get3A_335, %get3A_336, %get3A_337] {strides = array<i32>} : memref<4x640x16xf32, #tpu.memory_space<vmem>>, vector<1x1x16xf32>,
          %get3A_339 = vector.shape_cast %get3A_338 : vector<1x1x16xf32> to vector<16xf32>
          %add3A_340 = arith.addf %mul3A_333, %get3A_339 : vector<16xf32>
          %swap3A_341 = arith.index_cast %add3A_317 : i32 to index
          %swap3A_342 = arith.constant 0 : index
          %swap3A_343 = tpu.vector_load %arg10[%swap3A_341, %swap3A_342] {strides = array<i32>} : memref<128x16xf32, #tpu.memory_space<vmem>>, vector<1x16xf32>,
          %swap3A_344 = vector.shape_cast %swap3A_343 : vector<1x16xf32> to vector<16xf32>
          %swap3A_345 = vector.shape_cast %add3A_340 : vector<16xf32> to vector<1x16xf32>
          tpu.vector_store %arg10[%swap3A_341, %swap3A_342], %swap3A_345 {strides = array<i32>} : memref<128x16xf32, #tpu.memory_space<vmem>>, vector<1x16xf32>,
          %mul3A_346 = arith.constant 16 : i32
          %mul3A_347 = arith.muli %scan3A_178, %mul3A_346 : i32
          %add3A_348 = arith.constant 5 : i32
          %add3A_349 = arith.addi %mul3A_347, %add3A_348 : i32
          %mul3A_350 = arith.constant 128 : i32
          %mul3A_351 = arith.muli %scan3A_164, %mul3A_350 : i32
          %add3A_352 = arith.addi %mul3A_351, %add3A_349 : i32
          %slice3A_353 = vector.extract_strided_slice %mul3A_188 {offsets = [5], sizes = [1], strides = [1]} : vector<16xf32> to vector<1xf32>
          %squeeze3A_354 = vector.extract %slice3A_353[0] : f32 from vector<1xf32>
          %get3A_355 = arith.index_cast %add3A_349 : i32 to index
          %get3A_356 = arith.constant 0 : index
          %get3A_357 = tpu.vector_load %arg11[%get3A_355, %get3A_356] {strides = array<i32>} : memref<128x16xf32, #tpu.memory_space<vmem>>, vector<1x16xf32>,
          %get3A_358 = vector.shape_cast %get3A_357 : vector<1x16xf32> to vector<16xf32>
          %get3A_359 = arith.index_cast %add3A_349 : i32 to index
          %get3A_360 = arith.constant 0 : index
          %get3A_361 = tpu.vector_load %arg10[%get3A_359, %get3A_360] {strides = array<i32>} : memref<128x16xf32, #tpu.memory_space<vmem>>, vector<1x16xf32>,
          %get3A_362 = vector.shape_cast %get3A_361 : vector<1x16xf32> to vector<16xf32>
          %add3A_363 = arith.addf %get3A_358, %get3A_362 : vector<16xf32>
          %mul3A_364 = vector.broadcast %squeeze3A_354 : f32 to vector<16xf32>
          %mul3A_365 = arith.mulf %add3A_363, %mul3A_364 : vector<16xf32>
          %get3A_366 = arith.constant 0 : i32
          %get3A_367 = arith.index_cast %get3A_366 : i32 to index
          %get3A_368 = arith.index_cast %add3A_352 : i32 to index
          %get3A_369 = arith.constant 0 : index
          %get3A_370 = tpu.vector_load %arg13[%get3A_367, %get3A_368, %get3A_369] {strides = array<i32>} : memref<4x640x16xf32, #tpu.memory_space<vmem>>, vector<1x1x16xf32>,
          %get3A_371 = vector.shape_cast %get3A_370 : vector<1x1x16xf32> to vector<16xf32>
          %add3A_372 = arith.addf %mul3A_365, %get3A_371 : vector<16xf32>
          %swap3A_373 = arith.index_cast %add3A_349 : i32 to index
          %swap3A_374 = arith.constant 0 : index
          %swap3A_375 = tpu.vector_load %arg10[%swap3A_373, %swap3A_374] {strides = array<i32>} : memref<128x16xf32, #tpu.memory_space<vmem>>, vector<1x16xf32>,
          %swap3A_376 = vector.shape_cast %swap3A_375 : vector<1x16xf32> to vector<16xf32>
          %swap3A_377 = vector.shape_cast %add3A_372 : vector<16xf32> to vector<1x16xf32>
          tpu.vector_store %arg10[%swap3A_373, %swap3A_374], %swap3A_377 {strides = array<i32>} : memref<128x16xf32, #tpu.memory_space<vmem>>, vector<1x16xf32>,
          %mul3A_378 = arith.constant 16 : i32
          %mul3A_379 = arith.muli %scan3A_178, %mul3A_378 : i32
          %add3A_380 = arith.constant 6 : i32
          %add3A_381 = arith.addi %mul3A_379, %add3A_380 : i32
          %mul3A_382 = arith.constant 128 : i32
          %mul3A_383 = arith.muli %scan3A_164, %mul3A_382 : i32
          %add3A_384 = arith.addi %mul3A_383, %add3A_381 : i32
          %slice3A_385 = vector.extract_strided_slice %mul3A_188 {offsets = [6], sizes = [1], strides = [1]} : vector<16xf32> to vector<1xf32>
          %squeeze3A_386 = vector.extract %slice3A_385[0] : f32 from vector<1xf32>
          %get3A_387 = arith.index_cast %add3A_381 : i32 to index
          %get3A_388 = arith.constant 0 : index
          %get3A_389 = tpu.vector_load %arg11[%get3A_387, %get3A_388] {strides = array<i32>} : memref<128x16xf32, #tpu.memory_space<vmem>>, vector<1x16xf32>,
          %get3A_390 = vector.shape_cast %get3A_389 : vector<1x16xf32> to vector<16xf32>
          %get3A_391 = arith.index_cast %add3A_381 : i32 to index
          %get3A_392 = arith.constant 0 : index
          %get3A_393 = tpu.vector_load %arg10[%get3A_391, %get3A_392] {strides = array<i32>} : memref<128x16xf32, #tpu.memory_space<vmem>>, vector<1x16xf32>,
          %get3A_394 = vector.shape_cast %get3A_393 : vector<1x16xf32> to vector<16xf32>
          %add3A_395 = arith.addf %get3A_390, %get3A_394 : vector<16xf32>
          %mul3A_396 = vector.broadcast %squeeze3A_386 : f32 to vector<16xf32>
          %mul3A_397 = arith.mulf %add3A_395, %mul3A_396 : vector<16xf32>
          %get3A_398 = arith.constant 0 : i32
          %get3A_399 = arith.index_cast %get3A_398 : i32 to index
          %get3A_400 = arith.index_cast %add3A_384 : i32 to index
          %get3A_401 = arith.constant 0 : index
          %get3A_402 = tpu.vector_load %arg13[%get3A_399, %get3A_400, %get3A_401] {strides = array<i32>} : memref<4x640x16xf32, #tpu.memory_space<vmem>>, vector<1x1x16xf32>,
          %get3A_403 = vector.shape_cast %get3A_402 : vector<1x1x16xf32> to vector<16xf32>
          %add3A_404 = arith.addf %mul3A_397, %get3A_403 : vector<16xf32>
          %swap3A_405 = arith.index_cast %add3A_381 : i32 to index
          %swap3A_406 = arith.constant 0 : index
          %swap3A_407 = tpu.vector_load %arg10[%swap3A_405, %swap3A_406] {strides = array<i32>} : memref<128x16xf32, #tpu.memory_space<vmem>>, vector<1x16xf32>,
          %swap3A_408 = vector.shape_cast %swap3A_407 : vector<1x16xf32> to vector<16xf32>
          %swap3A_409 = vector.shape_cast %add3A_404 : vector<16xf32> to vector<1x16xf32>
          tpu.vector_store %arg10[%swap3A_405, %swap3A_406], %swap3A_409 {strides = array<i32>} : memref<128x16xf32, #tpu.memory_space<vmem>>, vector<1x16xf32>,
          %mul3A_410 = arith.constant 16 : i32
          %mul3A_411 = arith.muli %scan3A_178, %mul3A_410 : i32
          %add3A_412 = arith.constant 7 : i32
          %add3A_413 = arith.addi %mul3A_411, %add3A_412 : i32
          %mul3A_414 = arith.constant 128 : i32
          %mul3A_415 = arith.muli %scan3A_164, %mul3A_414 : i32
          %add3A_416 = arith.addi %mul3A_415, %add3A_413 : i32
          %slice3A_417 = vector.extract_strided_slice %mul3A_188 {offsets = [7], sizes = [1], strides = [1]} : vector<16xf32> to vector<1xf32>
          %squeeze3A_418 = vector.extract %slice3A_417[0] : f32 from vector<1xf32>
          %get3A_419 = arith.index_cast %add3A_413 : i32 to index
          %get3A_420 = arith.constant 0 : index
          %get3A_421 = tpu.vector_load %arg11[%get3A_419, %get3A_420] {strides = array<i32>} : memref<128x16xf32, #tpu.memory_space<vmem>>, vector<1x16xf32>,
          %get3A_422 = vector.shape_cast %get3A_421 : vector<1x16xf32> to vector<16xf32>
          %get3A_423 = arith.index_cast %add3A_413 : i32 to index
          %get3A_424 = arith.constant 0 : index
          %get3A_425 = tpu.vector_load %arg10[%get3A_423, %get3A_424] {strides = array<i32>} : memref<128x16xf32, #tpu.memory_space<vmem>>, vector<1x16xf32>,
          %get3A_426 = vector.shape_cast %get3A_425 : vector<1x16xf32> to vector<16xf32>
          %add3A_427 = arith.addf %get3A_422, %get3A_426 : vector<16xf32>
          %mul3A_428 = vector.broadcast %squeeze3A_418 : f32 to vector<16xf32>
          %mul3A_429 = arith.mulf %add3A_427, %mul3A_428 : vector<16xf32>
          %get3A_430 = arith.constant 0 : i32
          %get3A_431 = arith.index_cast %get3A_430 : i32 to index
          %get3A_432 = arith.index_cast %add3A_416 : i32 to index
          %get3A_433 = arith.constant 0 : index
          %get3A_434 = tpu.vector_load %arg13[%get3A_431, %get3A_432, %get3A_433] {strides = array<i32>} : memref<4x640x16xf32, #tpu.memory_space<vmem>>, vector<1x1x16xf32>,
          %get3A_435 = vector.shape_cast %get3A_434 : vector<1x1x16xf32> to vector<16xf32>
          %add3A_436 = arith.addf %mul3A_429, %get3A_435 : vector<16xf32>
          %swap3A_437 = arith.index_cast %add3A_413 : i32 to index
          %swap3A_438 = arith.constant 0 : index
          %swap3A_439 = tpu.vector_load %arg10[%swap3A_437, %swap3A_438] {strides = array<i32>} : memref<128x16xf32, #tpu.memory_space<vmem>>, vector<1x16xf32>,
          %swap3A_440 = vector.shape_cast %swap3A_439 : vector<1x16xf32> to vector<16xf32>
          %swap3A_441 = vector.shape_cast %add3A_436 : vector<16xf32> to vector<1x16xf32>
          tpu.vector_store %arg10[%swap3A_437, %swap3A_438], %swap3A_441 {strides = array<i32>} : memref<128x16xf32, #tpu.memory_space<vmem>>, vector<1x16xf32>,
          %mul3A_442 = arith.constant 16 : i32
          %mul3A_443 = arith.muli %scan3A_178, %mul3A_442 : i32
          %add3A_444 = arith.constant 8 : i32
          %add3A_445 = arith.addi %mul3A_443, %add3A_444 : i32
          %mul3A_446 = arith.constant 128 : i32
          %mul3A_447 = arith.muli %scan3A_164, %mul3A_446 : i32
          %add3A_448 = arith.addi %mul3A_447, %add3A_445 : i32
          %slice3A_449 = vector.extract_strided_slice %mul3A_188 {offsets = [8], sizes = [1], strides = [1]} : vector<16xf32> to vector<1xf32>
          %squeeze3A_450 = vector.extract %slice3A_449[0] : f32 from vector<1xf32>
          %get3A_451 = arith.index_cast %add3A_445 : i32 to index
          %get3A_452 = arith.constant 0 : index
          %get3A_453 = tpu.vector_load %arg11[%get3A_451, %get3A_452] {strides = array<i32>} : memref<128x16xf32, #tpu.memory_space<vmem>>, vector<1x16xf32>,
          %get3A_454 = vector.shape_cast %get3A_453 : vector<1x16xf32> to vector<16xf32>
          %get3A_455 = arith.index_cast %add3A_445 : i32 to index
          %get3A_456 = arith.constant 0 : index
          %get3A_457 = tpu.vector_load %arg10[%get3A_455, %get3A_456] {strides = array<i32>} : memref<128x16xf32, #tpu.memory_space<vmem>>, vector<1x16xf32>,
          %get3A_458 = vector.shape_cast %get3A_457 : vector<1x16xf32> to vector<16xf32>
          %add3A_459 = arith.addf %get3A_454, %get3A_458 : vector<16xf32>
          %mul3A_460 = vector.broadcast %squeeze3A_450 : f32 to vector<16xf32>
          %mul3A_461 = arith.mulf %add3A_459, %mul3A_460 : vector<16xf32>
          %get3A_462 = arith.constant 0 : i32
          %get3A_463 = arith.index_cast %get3A_462 : i32 to index
          %get3A_464 = arith.index_cast %add3A_448 : i32 to index
          %get3A_465 = arith.constant 0 : index
          %get3A_466 = tpu.vector_load %arg13[%get3A_463, %get3A_464, %get3A_465] {strides = array<i32>} : memref<4x640x16xf32, #tpu.memory_space<vmem>>, vector<1x1x16xf32>,
          %get3A_467 = vector.shape_cast %get3A_466 : vector<1x1x16xf32> to vector<16xf32>
          %add3A_468 = arith.addf %mul3A_461, %get3A_467 : vector<16xf32>
          %swap3A_469 = arith.index_cast %add3A_445 : i32 to index
          %swap3A_470 = arith.constant 0 : index
          %swap3A_471 = tpu.vector_load %arg10[%swap3A_469, %swap3A_470] {strides = array<i32>} : memref<128x16xf32, #tpu.memory_space<vmem>>, vector<1x16xf32>,
          %swap3A_472 = vector.shape_cast %swap3A_471 : vector<1x16xf32> to vector<16xf32>
          %swap3A_473 = vector.shape_cast %add3A_468 : vector<16xf32> to vector<1x16xf32>
          tpu.vector_store %arg10[%swap3A_469, %swap3A_470], %swap3A_473 {strides = array<i32>} : memref<128x16xf32, #tpu.memory_space<vmem>>, vector<1x16xf32>,
          %mul3A_474 = arith.constant 16 : i32
          %mul3A_475 = arith.muli %scan3A_178, %mul3A_474 : i32
          %add3A_476 = arith.constant 9 : i32
          %add3A_477 = arith.addi %mul3A_475, %add3A_476 : i32
          %mul3A_478 = arith.constant 128 : i32
          %mul3A_479 = arith.muli %scan3A_164, %mul3A_478 : i32
          %add3A_480 = arith.addi %mul3A_479, %add3A_477 : i32
          %slice3A_481 = vector.extract_strided_slice %mul3A_188 {offsets = [9], sizes = [1], strides = [1]} : vector<16xf32> to vector<1xf32>
          %squeeze3A_482 = vector.extract %slice3A_481[0] : f32 from vector<1xf32>
          %get3A_483 = arith.index_cast %add3A_477 : i32 to index
          %get3A_484 = arith.constant 0 : index
          %get3A_485 = tpu.vector_load %arg11[%get3A_483, %get3A_484] {strides = array<i32>} : memref<128x16xf32, #tpu.memory_space<vmem>>, vector<1x16xf32>,
          %get3A_486 = vector.shape_cast %get3A_485 : vector<1x16xf32> to vector<16xf32>
          %get3A_487 = arith.index_cast %add3A_477 : i32 to index
          %get3A_488 = arith.constant 0 : index
          %get3A_489 = tpu.vector_load %arg10[%get3A_487, %get3A_488] {strides = array<i32>} : memref<128x16xf32, #tpu.memory_space<vmem>>, vector<1x16xf32>,
          %get3A_490 = vector.shape_cast %get3A_489 : vector<1x16xf32> to vector<16xf32>
          %add3A_491 = arith.addf %get3A_486, %get3A_490 : vector<16xf32>
          %mul3A_492 = vector.broadcast %squeeze3A_482 : f32 to vector<16xf32>
          %mul3A_493 = arith.mulf %add3A_491, %mul3A_492 : vector<16xf32>
          %get3A_494 = arith.constant 0 : i32
          %get3A_495 = arith.index_cast %get3A_494 : i32 to index
          %get3A_496 = arith.index_cast %add3A_480 : i32 to index
          %get3A_497 = arith.constant 0 : index
          %get3A_498 = tpu.vector_load %arg13[%get3A_495, %get3A_496, %get3A_497] {strides = array<i32>} : memref<4x640x16xf32, #tpu.memory_space<vmem>>, vector<1x1x16xf32>,
          %get3A_499 = vector.shape_cast %get3A_498 : vector<1x1x16xf32> to vector<16xf32>
          %add3A_500 = arith.addf %mul3A_493, %get3A_499 : vector<16xf32>
          %swap3A_501 = arith.index_cast %add3A_477 : i32 to index
          %swap3A_502 = arith.constant 0 : index
          %swap3A_503 = tpu.vector_load %arg10[%swap3A_501, %swap3A_502] {strides = array<i32>} : memref<128x16xf32, #tpu.memory_space<vmem>>, vector<1x16xf32>,
          %swap3A_504 = vector.shape_cast %swap3A_503 : vector<1x16xf32> to vector<16xf32>
          %swap3A_505 = vector.shape_cast %add3A_500 : vector<16xf32> to vector<1x16xf32>
          tpu.vector_store %arg10[%swap3A_501, %swap3A_502], %swap3A_505 {strides = array<i32>} : memref<128x16xf32, #tpu.memory_space<vmem>>, vector<1x16xf32>,
          %mul3A_506 = arith.constant 16 : i32
          %mul3A_507 = arith.muli %scan3A_178, %mul3A_506 : i32
          %add3A_508 = arith.constant 10 : i32
          %add3A_509 = arith.addi %mul3A_507, %add3A_508 : i32
          %mul3A_510 = arith.constant 128 : i32
          %mul3A_511 = arith.muli %scan3A_164, %mul3A_510 : i32
          %add3A_512 = arith.addi %mul3A_511, %add3A_509 : i32
          %slice3A_513 = vector.extract_strided_slice %mul3A_188 {offsets = [10], sizes = [1], strides = [1]} : vector<16xf32> to vector<1xf32>
          %squeeze3A_514 = vector.extract %slice3A_513[0] : f32 from vector<1xf32>
          %get3A_515 = arith.index_cast %add3A_509 : i32 to index
          %get3A_516 = arith.constant 0 : index
          %get3A_517 = tpu.vector_load %arg11[%get3A_515, %get3A_516] {strides = array<i32>} : memref<128x16xf32, #tpu.memory_space<vmem>>, vector<1x16xf32>,
          %get3A_518 = vector.shape_cast %get3A_517 : vector<1x16xf32> to vector<16xf32>
          %get3A_519 = arith.index_cast %add3A_509 : i32 to index
          %get3A_520 = arith.constant 0 : index
          %get3A_521 = tpu.vector_load %arg10[%get3A_519, %get3A_520] {strides = array<i32>} : memref<128x16xf32, #tpu.memory_space<vmem>>, vector<1x16xf32>,
          %get3A_522 = vector.shape_cast %get3A_521 : vector<1x16xf32> to vector<16xf32>
          %add3A_523 = arith.addf %get3A_518, %get3A_522 : vector<16xf32>
          %mul3A_524 = vector.broadcast %squeeze3A_514 : f32 to vector<16xf32>
          %mul3A_525 = arith.mulf %add3A_523, %mul3A_524 : vector<16xf32>
          %get3A_526 = arith.constant 0 : i32
          %get3A_527 = arith.index_cast %get3A_526 : i32 to index
          %get3A_528 = arith.index_cast %add3A_512 : i32 to index
          %get3A_529 = arith.constant 0 : index
          %get3A_530 = tpu.vector_load %arg13[%get3A_527, %get3A_528, %get3A_529] {strides = array<i32>} : memref<4x640x16xf32, #tpu.memory_space<vmem>>, vector<1x1x16xf32>,
          %get3A_531 = vector.shape_cast %get3A_530 : vector<1x1x16xf32> to vector<16xf32>
          %add3A_532 = arith.addf %mul3A_525, %get3A_531 : vector<16xf32>
          %swap3A_533 = arith.index_cast %add3A_509 : i32 to index
          %swap3A_534 = arith.constant 0 : index
          %swap3A_535 = tpu.vector_load %arg10[%swap3A_533, %swap3A_534] {strides = array<i32>} : memref<128x16xf32, #tpu.memory_space<vmem>>, vector<1x16xf32>,
          %swap3A_536 = vector.shape_cast %swap3A_535 : vector<1x16xf32> to vector<16xf32>
          %swap3A_537 = vector.shape_cast %add3A_532 : vector<16xf32> to vector<1x16xf32>
          tpu.vector_store %arg10[%swap3A_533, %swap3A_534], %swap3A_537 {strides = array<i32>} : memref<128x16xf32, #tpu.memory_space<vmem>>, vector<1x16xf32>,
          %mul3A_538 = arith.constant 16 : i32
          %mul3A_539 = arith.muli %scan3A_178, %mul3A_538 : i32
          %add3A_540 = arith.constant 11 : i32
          %add3A_541 = arith.addi %mul3A_539, %add3A_540 : i32
          %mul3A_542 = arith.constant 128 : i32
          %mul3A_543 = arith.muli %scan3A_164, %mul3A_542 : i32
          %add3A_544 = arith.addi %mul3A_543, %add3A_541 : i32
          %slice3A_545 = vector.extract_strided_slice %mul3A_188 {offsets = [11], sizes = [1], strides = [1]} : vector<16xf32> to vector<1xf32>
          %squeeze3A_546 = vector.extract %slice3A_545[0] : f32 from vector<1xf32>
          %get3A_547 = arith.index_cast %add3A_541 : i32 to index
          %get3A_548 = arith.constant 0 : index
          %get3A_549 = tpu.vector_load %arg11[%get3A_547, %get3A_548] {strides = array<i32>} : memref<128x16xf32, #tpu.memory_space<vmem>>, vector<1x16xf32>,
          %get3A_550 = vector.shape_cast %get3A_549 : vector<1x16xf32> to vector<16xf32>
          %get3A_551 = arith.index_cast %add3A_541 : i32 to index
          %get3A_552 = arith.constant 0 : index
          %get3A_553 = tpu.vector_load %arg10[%get3A_551, %get3A_552] {strides = array<i32>} : memref<128x16xf32, #tpu.memory_space<vmem>>, vector<1x16xf32>,
          %get3A_554 = vector.shape_cast %get3A_553 : vector<1x16xf32> to vector<16xf32>
          %add3A_555 = arith.addf %get3A_550, %get3A_554 : vector<16xf32>
          %mul3A_556 = vector.broadcast %squeeze3A_546 : f32 to vector<16xf32>
          %mul3A_557 = arith.mulf %add3A_555, %mul3A_556 : vector<16xf32>
          %get3A_558 = arith.constant 0 : i32
          %get3A_559 = arith.index_cast %get3A_558 : i32 to index
          %get3A_560 = arith.index_cast %add3A_544 : i32 to index
          %get3A_561 = arith.constant 0 : index
          %get3A_562 = tpu.vector_load %arg13[%get3A_559, %get3A_560, %get3A_561] {strides = array<i32>} : memref<4x640x16xf32, #tpu.memory_space<vmem>>, vector<1x1x16xf32>,
          %get3A_563 = vector.shape_cast %get3A_562 : vector<1x1x16xf32> to vector<16xf32>
          %add3A_564 = arith.addf %mul3A_557, %get3A_563 : vector<16xf32>
          %swap3A_565 = arith.index_cast %add3A_541 : i32 to index
          %swap3A_566 = arith.constant 0 : index
          %swap3A_567 = tpu.vector_load %arg10[%swap3A_565, %swap3A_566] {strides = array<i32>} : memref<128x16xf32, #tpu.memory_space<vmem>>, vector<1x16xf32>,
          %swap3A_568 = vector.shape_cast %swap3A_567 : vector<1x16xf32> to vector<16xf32>
          %swap3A_569 = vector.shape_cast %add3A_564 : vector<16xf32> to vector<1x16xf32>
          tpu.vector_store %arg10[%swap3A_565, %swap3A_566], %swap3A_569 {strides = array<i32>} : memref<128x16xf32, #tpu.memory_space<vmem>>, vector<1x16xf32>,
          %mul3A_570 = arith.constant 16 : i32
          %mul3A_571 = arith.muli %scan3A_178, %mul3A_570 : i32
          %add3A_572 = arith.constant 12 : i32
          %add3A_573 = arith.addi %mul3A_571, %add3A_572 : i32
          %mul3A_574 = arith.constant 128 : i32
          %mul3A_575 = arith.muli %scan3A_164, %mul3A_574 : i32
          %add3A_576 = arith.addi %mul3A_575, %add3A_573 : i32
          %slice3A_577 = vector.extract_strided_slice %mul3A_188 {offsets = [12], sizes = [1], strides = [1]} : vector<16xf32> to vector<1xf32>
          %squeeze3A_578 = vector.extract %slice3A_577[0] : f32 from vector<1xf32>
          %get3A_579 = arith.index_cast %add3A_573 : i32 to index
          %get3A_580 = arith.constant 0 : index
          %get3A_581 = tpu.vector_load %arg11[%get3A_579, %get3A_580] {strides = array<i32>} : memref<128x16xf32, #tpu.memory_space<vmem>>, vector<1x16xf32>,
          %get3A_582 = vector.shape_cast %get3A_581 : vector<1x16xf32> to vector<16xf32>
          %get3A_583 = arith.index_cast %add3A_573 : i32 to index
          %get3A_584 = arith.constant 0 : index
          %get3A_585 = tpu.vector_load %arg10[%get3A_583, %get3A_584] {strides = array<i32>} : memref<128x16xf32, #tpu.memory_space<vmem>>, vector<1x16xf32>,
          %get3A_586 = vector.shape_cast %get3A_585 : vector<1x16xf32> to vector<16xf32>
          %add3A_587 = arith.addf %get3A_582, %get3A_586 : vector<16xf32>
          %mul3A_588 = vector.broadcast %squeeze3A_578 : f32 to vector<16xf32>
          %mul3A_589 = arith.mulf %add3A_587, %mul3A_588 : vector<16xf32>
          %get3A_590 = arith.constant 0 : i32
          %get3A_591 = arith.index_cast %get3A_590 : i32 to index
          %get3A_592 = arith.index_cast %add3A_576 : i32 to index
          %get3A_593 = arith.constant 0 : index
          %get3A_594 = tpu.vector_load %arg13[%get3A_591, %get3A_592, %get3A_593] {strides = array<i32>} : memref<4x640x16xf32, #tpu.memory_space<vmem>>, vector<1x1x16xf32>,
          %get3A_595 = vector.shape_cast %get3A_594 : vector<1x1x16xf32> to vector<16xf32>
          %add3A_596 = arith.addf %mul3A_589, %get3A_595 : vector<16xf32>
          %swap3A_597 = arith.index_cast %add3A_573 : i32 to index
          %swap3A_598 = arith.constant 0 : index
          %swap3A_599 = tpu.vector_load %arg10[%swap3A_597, %swap3A_598] {strides = array<i32>} : memref<128x16xf32, #tpu.memory_space<vmem>>, vector<1x16xf32>,
          %swap3A_600 = vector.shape_cast %swap3A_599 : vector<1x16xf32> to vector<16xf32>
          %swap3A_601 = vector.shape_cast %add3A_596 : vector<16xf32> to vector<1x16xf32>
          tpu.vector_store %arg10[%swap3A_597, %swap3A_598], %swap3A_601 {strides = array<i32>} : memref<128x16xf32, #tpu.memory_space<vmem>>, vector<1x16xf32>,
          %mul3A_602 = arith.constant 16 : i32
          %mul3A_603 = arith.muli %scan3A_178, %mul3A_602 : i32
          %add3A_604 = arith.constant 13 : i32
          %add3A_605 = arith.addi %mul3A_603, %add3A_604 : i32
          %mul3A_606 = arith.constant 128 : i32
          %mul3A_607 = arith.muli %scan3A_164, %mul3A_606 : i32
          %add3A_608 = arith.addi %mul3A_607, %add3A_605 : i32
          %slice3A_609 = vector.extract_strided_slice %mul3A_188 {offsets = [13], sizes = [1], strides = [1]} : vector<16xf32> to vector<1xf32>
          %squeeze3A_610 = vector.extract %slice3A_609[0] : f32 from vector<1xf32>
          %get3A_611 = arith.index_cast %add3A_605 : i32 to index
          %get3A_612 = arith.constant 0 : index
          %get3A_613 = tpu.vector_load %arg11[%get3A_611, %get3A_612] {strides = array<i32>} : memref<128x16xf32, #tpu.memory_space<vmem>>, vector<1x16xf32>,
          %get3A_614 = vector.shape_cast %get3A_613 : vector<1x16xf32> to vector<16xf32>
          %get3A_615 = arith.index_cast %add3A_605 : i32 to index
          %get3A_616 = arith.constant 0 : index
          %get3A_617 = tpu.vector_load %arg10[%get3A_615, %get3A_616] {strides = array<i32>} : memref<128x16xf32, #tpu.memory_space<vmem>>, vector<1x16xf32>,
          %get3A_618 = vector.shape_cast %get3A_617 : vector<1x16xf32> to vector<16xf32>
          %add3A_619 = arith.addf %get3A_614, %get3A_618 : vector<16xf32>
          %mul3A_620 = vector.broadcast %squeeze3A_610 : f32 to vector<16xf32>
          %mul3A_621 = arith.mulf %add3A_619, %mul3A_620 : vector<16xf32>
          %get3A_622 = arith.constant 0 : i32
          %get3A_623 = arith.index_cast %get3A_622 : i32 to index
          %get3A_624 = arith.index_cast %add3A_608 : i32 to index
          %get3A_625 = arith.constant 0 : index
          %get3A_626 = tpu.vector_load %arg13[%get3A_623, %get3A_624, %get3A_625] {strides = array<i32>} : memref<4x640x16xf32, #tpu.memory_space<vmem>>, vector<1x1x16xf32>,
          %get3A_627 = vector.shape_cast %get3A_626 : vector<1x1x16xf32> to vector<16xf32>
          %add3A_628 = arith.addf %mul3A_621, %get3A_627 : vector<16xf32>
          %swap3A_629 = arith.index_cast %add3A_605 : i32 to index
          %swap3A_630 = arith.constant 0 : index
          %swap3A_631 = tpu.vector_load %arg10[%swap3A_629, %swap3A_630] {strides = array<i32>} : memref<128x16xf32, #tpu.memory_space<vmem>>, vector<1x16xf32>,
          %swap3A_632 = vector.shape_cast %swap3A_631 : vector<1x16xf32> to vector<16xf32>
          %swap3A_633 = vector.shape_cast %add3A_628 : vector<16xf32> to vector<1x16xf32>
          tpu.vector_store %arg10[%swap3A_629, %swap3A_630], %swap3A_633 {strides = array<i32>} : memref<128x16xf32, #tpu.memory_space<vmem>>, vector<1x16xf32>,
          %mul3A_634 = arith.constant 16 : i32
          %mul3A_635 = arith.muli %scan3A_178, %mul3A_634 : i32
          %add3A_636 = arith.constant 14 : i32
          %add3A_637 = arith.addi %mul3A_635, %add3A_636 : i32
          %mul3A_638 = arith.constant 128 : i32
          %mul3A_639 = arith.muli %scan3A_164, %mul3A_638 : i32
          %add3A_640 = arith.addi %mul3A_639, %add3A_637 : i32
          %slice3A_641 = vector.extract_strided_slice %mul3A_188 {offsets = [14], sizes = [1], strides = [1]} : vector<16xf32> to vector<1xf32>
          %squeeze3A_642 = vector.extract %slice3A_641[0] : f32 from vector<1xf32>
          %get3A_643 = arith.index_cast %add3A_637 : i32 to index
          %get3A_644 = arith.constant 0 : index
          %get3A_645 = tpu.vector_load %arg11[%get3A_643, %get3A_644] {strides = array<i32>} : memref<128x16xf32, #tpu.memory_space<vmem>>, vector<1x16xf32>,
          %get3A_646 = vector.shape_cast %get3A_645 : vector<1x16xf32> to vector<16xf32>
          %get3A_647 = arith.index_cast %add3A_637 : i32 to index
          %get3A_648 = arith.constant 0 : index
          %get3A_649 = tpu.vector_load %arg10[%get3A_647, %get3A_648] {strides = array<i32>} : memref<128x16xf32, #tpu.memory_space<vmem>>, vector<1x16xf32>,
          %get3A_650 = vector.shape_cast %get3A_649 : vector<1x16xf32> to vector<16xf32>
          %add3A_651 = arith.addf %get3A_646, %get3A_650 : vector<16xf32>
          %mul3A_652 = vector.broadcast %squeeze3A_642 : f32 to vector<16xf32>
          %mul3A_653 = arith.mulf %add3A_651, %mul3A_652 : vector<16xf32>
          %get3A_654 = arith.constant 0 : i32
          %get3A_655 = arith.index_cast %get3A_654 : i32 to index
          %get3A_656 = arith.index_cast %add3A_640 : i32 to index
          %get3A_657 = arith.constant 0 : index
          %get3A_658 = tpu.vector_load %arg13[%get3A_655, %get3A_656, %get3A_657] {strides = array<i32>} : memref<4x640x16xf32, #tpu.memory_space<vmem>>, vector<1x1x16xf32>,
          %get3A_659 = vector.shape_cast %get3A_658 : vector<1x1x16xf32> to vector<16xf32>
          %add3A_660 = arith.addf %mul3A_653, %get3A_659 : vector<16xf32>
          %swap3A_661 = arith.index_cast %add3A_637 : i32 to index
          %swap3A_662 = arith.constant 0 : index
          %swap3A_663 = tpu.vector_load %arg10[%swap3A_661, %swap3A_662] {strides = array<i32>} : memref<128x16xf32, #tpu.memory_space<vmem>>, vector<1x16xf32>,
          %swap3A_664 = vector.shape_cast %swap3A_663 : vector<1x16xf32> to vector<16xf32>
          %swap3A_665 = vector.shape_cast %add3A_660 : vector<16xf32> to vector<1x16xf32>
          tpu.vector_store %arg10[%swap3A_661, %swap3A_662], %swap3A_665 {strides = array<i32>} : memref<128x16xf32, #tpu.memory_space<vmem>>, vector<1x16xf32>,
          %mul3A_666 = arith.constant 16 : i32
          %mul3A_667 = arith.muli %scan3A_178, %mul3A_666 : i32
          %add3A_668 = arith.constant 15 : i32
          %add3A_669 = arith.addi %mul3A_667, %add3A_668 : i32
          %mul3A_670 = arith.constant 128 : i32
          %mul3A_671 = arith.muli %scan3A_164, %mul3A_670 : i32
          %add3A_672 = arith.addi %mul3A_671, %add3A_669 : i32
          %slice3A_673 = vector.extract_strided_slice %mul3A_188 {offsets = [15], sizes = [1], strides = [1]} : vector<16xf32> to vector<1xf32>
          %squeeze3A_674 = vector.extract %slice3A_673[0] : f32 from vector<1xf32>
          %get3A_675 = arith.index_cast %add3A_669 : i32 to index
          %get3A_676 = arith.constant 0 : index
          %get3A_677 = tpu.vector_load %arg11[%get3A_675, %get3A_676] {strides = array<i32>} : memref<128x16xf32, #tpu.memory_space<vmem>>, vector<1x16xf32>,
          %get3A_678 = vector.shape_cast %get3A_677 : vector<1x16xf32> to vector<16xf32>
          %get3A_679 = arith.index_cast %add3A_669 : i32 to index
          %get3A_680 = arith.constant 0 : index
          %get3A_681 = tpu.vector_load %arg10[%get3A_679, %get3A_680] {strides = array<i32>} : memref<128x16xf32, #tpu.memory_space<vmem>>, vector<1x16xf32>,
          %get3A_682 = vector.shape_cast %get3A_681 : vector<1x16xf32> to vector<16xf32>
          %add3A_683 = arith.addf %get3A_678, %get3A_682 : vector<16xf32>
          %mul3A_684 = vector.broadcast %squeeze3A_674 : f32 to vector<16xf32>
          %mul3A_685 = arith.mulf %add3A_683, %mul3A_684 : vector<16xf32>
          %get3A_686 = arith.constant 0 : i32
          %get3A_687 = arith.index_cast %get3A_686 : i32 to index
          %get3A_688 = arith.index_cast %add3A_672 : i32 to index
          %get3A_689 = arith.constant 0 : index
          %get3A_690 = tpu.vector_load %arg13[%get3A_687, %get3A_688, %get3A_689] {strides = array<i32>} : memref<4x640x16xf32, #tpu.memory_space<vmem>>, vector<1x1x16xf32>,
          %get3A_691 = vector.shape_cast %get3A_690 : vector<1x1x16xf32> to vector<16xf32>
          %add3A_692 = arith.addf %mul3A_685, %get3A_691 : vector<16xf32>
          %swap3A_693 = arith.index_cast %add3A_669 : i32 to index
          %swap3A_694 = arith.constant 0 : index
          %swap3A_695 = tpu.vector_load %arg10[%swap3A_693, %swap3A_694] {strides = array<i32>} : memref<128x16xf32, #tpu.memory_space<vmem>>, vector<1x16xf32>,
          %swap3A_696 = vector.shape_cast %swap3A_695 : vector<1x16xf32> to vector<16xf32>
          %swap3A_697 = vector.shape_cast %add3A_692 : vector<16xf32> to vector<1x16xf32>
          tpu.vector_store %arg10[%swap3A_693, %swap3A_694], %swap3A_697 {strides = array<i32>} : memref<128x16xf32, #tpu.memory_space<vmem>>, vector<1x16xf32>,
        }
        %scan3A_177 = arith.constant 8 : i32
        "tpu.region"() ({
          %run_scoped3A_178 = tpu.sem_alloc : memref<!tpu.dma_semaphore, #tpu.memory_space<semaphore_mem>>
          %dma_start3A = arith.constant 0 : i32
          %dma_start3A_179 = tpu.memref_slice %arg6[%add3A_171, %dma_start3A] : memref<81920x16xf32, #tpu.memory_space<hbm>> -> memref<128x16xf32, #tpu.memory_space<hbm>>
          %dma_start3A_180 = arith.constant 0 : i32
          %dma_start3A_181 = tpu.memref_slice %arg6[%add3A_171, %dma_start3A_180] : memref<81920x16xf32, #tpu.memory_space<hbm>> -> memref<128x16xf32, #tpu.memory_space<hbm>>
          tpu.enqueue_dma source(%arg10 : memref<128x16xf32, #tpu.memory_space<vmem>>) target(%dma_start3A_181 : memref<128x16xf32, #tpu.memory_space<hbm>>) target_semaphore(%run_scoped3A_178 : memref<!tpu.dma_semaphore, #tpu.memory_space<semaphore_mem>>)
          %dma_wait3A = arith.constant 0 : i32
          %dma_wait3A_182 = tpu.memref_slice %arg6[%add3A_171, %dma_wait3A] : memref<81920x16xf32, #tpu.memory_space<hbm>> -> memref<128x16xf32, #tpu.memory_space<hbm>>
          %dma_wait3A_183 = arith.constant 0 : i32
          %dma_wait3A_184 = tpu.memref_slice %arg6[%add3A_171, %dma_wait3A_183] : memref<81920x16xf32, #tpu.memory_space<hbm>> -> memref<128x16xf32, #tpu.memory_space<hbm>>
          tpu.wait_dma2 semaphore(%run_scoped3A_178 : memref<!tpu.dma_semaphore, #tpu.memory_space<semaphore_mem>>) src(%arg10 : memref<128x16xf32, #tpu.memory_space<vmem>>) dst(%dma_wait3A_184 : memref<128x16xf32, #tpu.memory_space<hbm>>)
          tpu.yield
        }) : () -> ()
        "tpu.region"() ({
          %run_scoped3A_178 = tpu.sem_alloc : memref<!tpu.dma_semaphore, #tpu.memory_space<semaphore_mem>>
          %dma_start3A = arith.constant 0 : i32
          %dma_start3A_179 = tpu.memref_slice %arg15[%add3A_167, %dma_start3A] : memref<10240x16xf32, #tpu.memory_space<vmem_shared>> -> memref<128x16xf32, #tpu.memory_space<vmem_shared>>
          %dma_start3A_180 = arith.constant 0 : i32
          %dma_start3A_181 = tpu.memref_slice %arg15[%add3A_167, %dma_start3A_180] : memref<10240x16xf32, #tpu.memory_space<vmem_shared>> -> memref<128x16xf32, #tpu.memory_space<vmem_shared>>
          tpu.enqueue_dma source(%arg12 : memref<128x16xf32, #tpu.memory_space<vmem>>) target(%dma_start3A_181 : memref<128x16xf32, #tpu.memory_space<vmem_shared>>) target_semaphore(%run_scoped3A_178 : memref<!tpu.dma_semaphore, #tpu.memory_space<semaphore_mem>>)
          %dma_wait3A = arith.constant 0 : i32
          %dma_wait3A_182 = tpu.memref_slice %arg15[%add3A_167, %dma_wait3A] : memref<10240x16xf32, #tpu.memory_space<vmem_shared>> -> memref<128x16xf32, #tpu.memory_space<vmem_shared>>
          %dma_wait3A_183 = arith.constant 0 : i32
          %dma_wait3A_184 = tpu.memref_slice %arg15[%add3A_167, %dma_wait3A_183] : memref<10240x16xf32, #tpu.memory_space<vmem_shared>> -> memref<128x16xf32, #tpu.memory_space<vmem_shared>>
          tpu.wait_dma2 semaphore(%run_scoped3A_178 : memref<!tpu.dma_semaphore, #tpu.memory_space<semaphore_mem>>) src(%arg12 : memref<128x16xf32, #tpu.memory_space<vmem>>) dst(%dma_wait3A_184 : memref<128x16xf32, #tpu.memory_space<vmem_shared>>)
          tpu.yield
        }) : () -> ()
      }
      %scan3A_162 = arith.constant 5 : i32
      %barrier3A_163 = arith.constant 0 : index
      tpu.barrier barrier_id(%barrier3A_163)
    }
    %scan3A_73 = arith.constant 10 : i32
    %mul3A_74 = arith.constant 4 : i32
    %mul3A_75 = arith.muli %arg0, %mul3A_74 : i32
    %add3A_76 = arith.constant 1 : i32
    %add3A_77 = arith.addi %mul3A_75, %add3A_76 : i32
    %mul3A_78 = arith.constant 10240 : i32
    %mul3A_79 = arith.muli %add3A_77, %mul3A_78 : i32
    %scan3A_80 = arith.constant 0 : i32
    %scan3A_81 = arith.constant 0 : i32
    %scan3A_82 = arith.constant 1296 : i32
    %scan3A_83 = arith.addi %scan3A_81, %scan3A_82 : i32
    %scan3A_84 = arith.constant 1 : i32
    scf.for %scan3A_149 = %scan3A_81 to %scan3A_83 step %scan3A_84  : i32 {
      %jit3A = arith.constant 8 : i32
      %div3A = arith.divsi %scan3A_149, %jit3A : i32
      %sign3A = arith.constant 0 : i32
      %sign3A_150 = arith.cmpi sgt, %scan3A_149, %sign3A : i32
      %sign3A_151 = arith.extui %sign3A_150 : i1 to i32
      %sign3A_152 = arith.constant 0 : i32
      %sign3A_153 = arith.cmpi slt, %scan3A_149, %sign3A_152 : i32
      %sign3A_154 = arith.extui %sign3A_153 : i1 to i32
      %sign3A_155 = arith.subi %sign3A_151, %sign3A_154 : i32
      %sign3A_156 = arith.constant 0 : i32
      %sign3A_157 = arith.cmpi sgt, %jit3A, %sign3A_156 : i32
      %sign3A_158 = arith.extui %sign3A_157 : i1 to i32
      %sign3A_159 = arith.constant 0 : i32
      %sign3A_160 = arith.cmpi slt, %jit3A, %sign3A_159 : i32
      %sign3A_161 = arith.extui %sign3A_160 : i1 to i32
      %sign3A_162 = arith.subi %sign3A_158, %sign3A_161 : i32
      %ne3A = arith.cmpi ne, %sign3A_155, %sign3A_162 : i32
      %rem3A = arith.remsi %scan3A_149, %jit3A : i32
      %ne3A_163 = arith.constant 0 : i32
      %ne3A_164 = arith.cmpi ne, %rem3A, %ne3A_163 : i32
      %and3A = arith.andi %ne3A, %ne3A_164 : i1
      %sub3A = arith.constant 1 : i32
      %sub3A_165 = arith.subi %div3A, %sub3A : i32
      %select_n3A = arith.select %and3A, %sub3A_165, %div3A : i32
      %jit3A_166 = arith.constant 8 : i32
      %eq3A = arith.constant 0 : i32
      %eq3A_167 = arith.cmpi eq, %jit3A_166, %eq3A : i32
      %jit3A_168 = arith.constant 1 : i32
      %select_n3A_169 = arith.select %eq3A_167, %jit3A_168, %jit3A_166 : i32
      %rem3A_170 = arith.remsi %scan3A_149, %select_n3A_169 : i32
      %ne3A_171 = arith.constant 0 : i32
      %ne3A_172 = arith.cmpi ne, %rem3A_170, %ne3A_171 : i32
      %lt3A = arith.constant 0 : i32
      %lt3A_173 = arith.cmpi slt, %rem3A_170, %lt3A : i32
      %lt3A_174 = arith.constant 0 : i32
      %lt3A_175 = arith.cmpi slt, %select_n3A_169, %lt3A_174 : i32
      %ne3A_176 = arith.xori %lt3A_173, %lt3A_175 : i1
      %and3A_177 = arith.andi %ne3A_176, %ne3A_172 : i1
      %add3A_178 = arith.addi %rem3A_170, %select_n3A_169 : i32
      %select_n3A_179 = arith.select %and3A_177, %add3A_178, %rem3A_170 : i32
      %mul3A_180 = arith.constant 16 : i32
      %mul3A_181 = arith.muli %select_n3A_179, %mul3A_180 : i32
      %get3A = arith.index_cast %select_n3A : i32 to index
      %get3A_182 = arith.index_cast %mul3A_181 : i32 to index
      %get3A_183 = tpu.vector_load %arg7[%get3A, %get3A_182] {strides = array<i32>} : memref<162x128xi32, #tpu.memory_space<vmem>>, vector<1x16xi32>,
      %get3A_184 = vector.shape_cast %get3A_183 : vector<1x16xi32> to vector<16xi32>
      %add3A_185 = arith.constant 10240 : i32
      %add3A_186 = vector.broadcast %add3A_185 : i32 to vector<16xi32>
      %add3A_187 = arith.addi %get3A_184, %add3A_186 : vector<16xi32>
      %swap3A = arith.index_cast %select_n3A : i32 to index
      %swap3A_188 = arith.index_cast %mul3A_181 : i32 to index
      %swap3A_189 = tpu.vector_load %arg7[%swap3A, %swap3A_188] {strides = array<i32>} : memref<162x128xi32, #tpu.memory_space<vmem>>, vector<1x16xi32>,
      %swap3A_190 = vector.shape_cast %swap3A_189 : vector<1x16xi32> to vector<16xi32>
      %swap3A_191 = vector.shape_cast %add3A_187 : vector<16xi32> to vector<1x16xi32>
      tpu.vector_store %arg7[%swap3A, %swap3A_188], %swap3A_191 {strides = array<i32>} : memref<162x128xi32, #tpu.memory_space<vmem>>, vector<1x16xi32>,
    }
    %scan3A_85 = arith.constant 1296 : i32
    %scan3A_86 = arith.constant 0 : i32
    %scan3A_87 = arith.constant 0 : i32
    %scan3A_88 = arith.constant 5 : i32
    %scan3A_89 = arith.addi %scan3A_87, %scan3A_88 : i32
    %scan3A_90 = arith.constant 1 : i32
    scf.for %scan3A_149 = %scan3A_87 to %scan3A_89 step %scan3A_90  : i32 {
      %mul3A_150 = arith.constant 128 : i32
      %mul3A_151 = arith.muli %scan3A_149, %mul3A_150 : i32
      %add3A_152 = arith.addi %mul3A_0, %mul3A_151 : i32
      "tpu.region"() ({
        %run_scoped3A_153 = tpu.sem_alloc : memref<!tpu.dma_semaphore, #tpu.memory_space<semaphore_mem>>
        %dma_start3A = arith.constant 0 : i32
        %dma_start3A_154 = tpu.memref_slice %arg15[%add3A_152, %dma_start3A] : memref<10240x16xf32, #tpu.memory_space<vmem_shared>> -> memref<128x16xf32, #tpu.memory_space<vmem_shared>>
        %dma_start3A_155 = arith.constant 0 : i32
        %dma_start3A_156 = tpu.memref_slice %arg15[%add3A_152, %dma_start3A_155] : memref<10240x16xf32, #tpu.memory_space<vmem_shared>> -> memref<128x16xf32, #tpu.memory_space<vmem_shared>>
        tpu.enqueue_dma source(%arg12 : memref<128x16xf32, #tpu.memory_space<vmem>>) target(%dma_start3A_156 : memref<128x16xf32, #tpu.memory_space<vmem_shared>>) target_semaphore(%run_scoped3A_153 : memref<!tpu.dma_semaphore, #tpu.memory_space<semaphore_mem>>)
        %dma_wait3A = arith.constant 0 : i32
        %dma_wait3A_157 = tpu.memref_slice %arg15[%add3A_152, %dma_wait3A] : memref<10240x16xf32, #tpu.memory_space<vmem_shared>> -> memref<128x16xf32, #tpu.memory_space<vmem_shared>>
        %dma_wait3A_158 = arith.constant 0 : i32
        %dma_wait3A_159 = tpu.memref_slice %arg15[%add3A_152, %dma_wait3A_158] : memref<10240x16xf32, #tpu.memory_space<vmem_shared>> -> memref<128x16xf32, #tpu.memory_space<vmem_shared>>
        tpu.wait_dma2 semaphore(%run_scoped3A_153 : memref<!tpu.dma_semaphore, #tpu.memory_space<semaphore_mem>>) src(%arg12 : memref<128x16xf32, #tpu.memory_space<vmem>>) dst(%dma_wait3A_159 : memref<128x16xf32, #tpu.memory_space<vmem_shared>>)
        tpu.yield
      }) : () -> ()
    }
    %scan3A_91 = arith.constant 5 : i32
    %barrier3A_92 = arith.constant 0 : index
    tpu.barrier barrier_id(%barrier3A_92)
    %scan3A_93 = arith.constant 0 : i32
    %scan3A_94 = arith.constant 0 : i32
    %scan3A_95 = arith.constant 10 : i32
    %scan3A_96 = arith.addi %scan3A_94, %scan3A_95 : i32
    %scan3A_97 = arith.constant 1 : i32
    scf.for %scan3A_149 = %scan3A_94 to %scan3A_96 step %scan3A_97  : i32 {
      %scan3A_150 = arith.constant 0 : i32
      %scan3A_151 = arith.constant 0 : i32
      %scan3A_152 = arith.constant 162 : i32
      %scan3A_153 = arith.addi %scan3A_151, %scan3A_152 : i32
      %scan3A_154 = arith.constant 1 : i32
      scf.for %scan3A_164 = %scan3A_151 to %scan3A_153 step %scan3A_154  : i32 {
        "tpu.region"() ({
          %run_scoped3A_165 = tpu.sem_alloc : memref<!tpu.dma_semaphore, #tpu.memory_space<semaphore_mem>>
          %dma_start3A = arith.constant 0 : i32
          %dma_start3A_166 = tpu.memref_slice %arg7[%scan3A_164, %dma_start3A] : memref<162x128xi32, #tpu.memory_space<vmem>> -> memref<1x128xi32, #tpu.memory_space<vmem>>
          %dma_start3A_167 = tpu.memref_squeeze %dma_start3A_166 : memref<1x128xi32, #tpu.memory_space<vmem>> -> memref<128xi32, #tpu.memory_space<vmem>>
          %dma_start3A_168 = arith.constant 0 : i32
          %dma_start3A_169 = arith.constant 0 : i32
          %dma_start3A_170 = tpu.memref_slice %arg6[%dma_start3A_168, %dma_start3A_169] : memref<81920x16xf32, #tpu.memory_space<hbm>> -> memref<81920x16xf32, #tpu.memory_space<hbm>>
          tpu.enqueue_indirect_dma source(%dma_start3A_170 : memref<81920x16xf32, #tpu.memory_space<hbm>>) target(%arg9 : memref<128x16xf32, #tpu.memory_space<vmem>>) offsets(%dma_start3A_167 : memref<128xi32, #tpu.memory_space<vmem>>) semaphore(%run_scoped3A_165 : memref<!tpu.dma_semaphore, #tpu.memory_space<semaphore_mem>>)
          %dma_wait3A = arith.constant 0 : i32
          %dma_wait3A_171 = tpu.memref_slice %arg7[%scan3A_164, %dma_wait3A] : memref<162x128xi32, #tpu.memory_space<vmem>> -> memref<1x128xi32, #tpu.memory_space<vmem>>
          %dma_wait3A_172 = tpu.memref_squeeze %dma_wait3A_171 : memref<1x128xi32, #tpu.memory_space<vmem>> -> memref<128xi32, #tpu.memory_space<vmem>>
          %dma_wait3A_173 = arith.constant 0 : i32
          %dma_wait3A_174 = arith.constant 0 : i32
          %dma_wait3A_175 = tpu.memref_slice %arg6[%dma_wait3A_173, %dma_wait3A_174] : memref<81920x16xf32, #tpu.memory_space<hbm>> -> memref<81920x16xf32, #tpu.memory_space<hbm>>
          tpu.wait_indirect_dma semaphore(%run_scoped3A_165 : memref<!tpu.dma_semaphore, #tpu.memory_space<semaphore_mem>>) src(%dma_wait3A_175 : memref<81920x16xf32, #tpu.memory_space<hbm>>) dst(%arg9 : memref<128x16xf32, #tpu.memory_space<vmem>>)
          tpu.yield
        }) : () -> ()
        "tpu.region"() ({
          %run_scoped3A_165 = tpu.sem_alloc : memref<!tpu.dma_semaphore, #tpu.memory_space<semaphore_mem>>
          %dma_start3A = arith.constant 0 : i32
          %dma_start3A_166 = tpu.memref_slice %arg8[%scan3A_164, %dma_start3A] : memref<162x128xi32, #tpu.memory_space<vmem>> -> memref<1x128xi32, #tpu.memory_space<vmem>>
          %dma_start3A_167 = tpu.memref_squeeze %dma_start3A_166 : memref<1x128xi32, #tpu.memory_space<vmem>> -> memref<128xi32, #tpu.memory_space<vmem>>
          %dma_start3A_168 = arith.constant 0 : i32
          %dma_start3A_169 = arith.constant 0 : i32
          %dma_start3A_170 = tpu.memref_slice %arg15[%dma_start3A_168, %dma_start3A_169] : memref<10240x16xf32, #tpu.memory_space<vmem_shared>> -> memref<10240x16xf32, #tpu.memory_space<vmem_shared>>
          tpu.enqueue_indirect_dma source(%arg9 : memref<128x16xf32, #tpu.memory_space<vmem>>) target(%dma_start3A_170 : memref<10240x16xf32, #tpu.memory_space<vmem_shared>>) offsets(%dma_start3A_167 : memref<128xi32, #tpu.memory_space<vmem>>) semaphore(%run_scoped3A_165 : memref<!tpu.dma_semaphore, #tpu.memory_space<semaphore_mem>>) {add = true}
          %dma_wait3A = arith.constant 0 : i32
          %dma_wait3A_171 = tpu.memref_slice %arg8[%scan3A_164, %dma_wait3A] : memref<162x128xi32, #tpu.memory_space<vmem>> -> memref<1x128xi32, #tpu.memory_space<vmem>>
          %dma_wait3A_172 = tpu.memref_squeeze %dma_wait3A_171 : memref<1x128xi32, #tpu.memory_space<vmem>> -> memref<128xi32, #tpu.memory_space<vmem>>
          %dma_wait3A_173 = arith.constant 0 : i32
          %dma_wait3A_174 = arith.constant 0 : i32
          %dma_wait3A_175 = tpu.memref_slice %arg15[%dma_wait3A_173, %dma_wait3A_174] : memref<10240x16xf32, #tpu.memory_space<vmem_shared>> -> memref<10240x16xf32, #tpu.memory_space<vmem_shared>>
          tpu.wait_indirect_dma semaphore(%run_scoped3A_165 : memref<!tpu.dma_semaphore, #tpu.memory_space<semaphore_mem>>) src(%arg9 : memref<128x16xf32, #tpu.memory_space<vmem>>) dst(%dma_wait3A_175 : memref<10240x16xf32, #tpu.memory_space<vmem_shared>>)
          tpu.yield
        }) : () -> ()
      }
      %scan3A_155 = arith.constant 162 : i32
      %barrier3A_156 = arith.constant 0 : index
      tpu.barrier barrier_id(%barrier3A_156)
      %scan3A_157 = arith.constant 0 : i32
      %scan3A_158 = arith.constant 0 : i32
      %scan3A_159 = arith.constant 5 : i32
      %scan3A_160 = arith.addi %scan3A_158, %scan3A_159 : i32
      %scan3A_161 = arith.constant 1 : i32
      scf.for %scan3A_164 = %scan3A_158 to %scan3A_160 step %scan3A_161  : i32 {
        %mul3A_165 = arith.constant 128 : i32
        %mul3A_166 = arith.muli %scan3A_164, %mul3A_165 : i32
        %add3A_167 = arith.addi %mul3A_0, %mul3A_166 : i32
        %add3A_168 = arith.addi %mul3A_79, %mul3A_0 : i32
        %mul3A_169 = arith.constant 128 : i32
        %mul3A_170 = arith.muli %scan3A_164, %mul3A_169 : i32
        %add3A_171 = arith.addi %add3A_168, %mul3A_170 : i32
        "tpu.region"() ({
          %run_scoped3A_178 = tpu.sem_alloc : memref<!tpu.dma_semaphore, #tpu.memory_space<semaphore_mem>>
          %dma_start3A = arith.constant 0 : i32
          %dma_start3A_179 = tpu.memref_slice %arg6[%add3A_171, %dma_start3A] : memref<81920x16xf32, #tpu.memory_space<hbm>> -> memref<128x16xf32, #tpu.memory_space<hbm>>
          %dma_start3A_180 = arith.constant 0 : i32
          %dma_start3A_181 = tpu.memref_slice %arg6[%add3A_171, %dma_start3A_180] : memref<81920x16xf32, #tpu.memory_space<hbm>> -> memref<128x16xf32, #tpu.memory_space<hbm>>
          tpu.enqueue_dma source(%dma_start3A_181 : memref<128x16xf32, #tpu.memory_space<hbm>>) target(%arg10 : memref<128x16xf32, #tpu.memory_space<vmem>>) target_semaphore(%run_scoped3A_178 : memref<!tpu.dma_semaphore, #tpu.memory_space<semaphore_mem>>)
          %dma_wait3A = arith.constant 0 : i32
          %dma_wait3A_182 = tpu.memref_slice %arg6[%add3A_171, %dma_wait3A] : memref<81920x16xf32, #tpu.memory_space<hbm>> -> memref<128x16xf32, #tpu.memory_space<hbm>>
          %dma_wait3A_183 = arith.constant 0 : i32
          %dma_wait3A_184 = tpu.memref_slice %arg6[%add3A_171, %dma_wait3A_183] : memref<81920x16xf32, #tpu.memory_space<hbm>> -> memref<128x16xf32, #tpu.memory_space<hbm>>
          tpu.wait_dma2 semaphore(%run_scoped3A_178 : memref<!tpu.dma_semaphore, #tpu.memory_space<semaphore_mem>>) src(%dma_wait3A_184 : memref<128x16xf32, #tpu.memory_space<hbm>>) dst(%arg10 : memref<128x16xf32, #tpu.memory_space<vmem>>)
          tpu.yield
        }) : () -> ()
        "tpu.region"() ({
          %run_scoped3A_178 = tpu.sem_alloc : memref<!tpu.dma_semaphore, #tpu.memory_space<semaphore_mem>>
          %dma_start3A = arith.constant 0 : i32
          %dma_start3A_179 = tpu.memref_slice %arg15[%add3A_167, %dma_start3A] : memref<10240x16xf32, #tpu.memory_space<vmem_shared>> -> memref<128x16xf32, #tpu.memory_space<vmem_shared>>
          %dma_start3A_180 = arith.constant 0 : i32
          %dma_start3A_181 = tpu.memref_slice %arg15[%add3A_167, %dma_start3A_180] : memref<10240x16xf32, #tpu.memory_space<vmem_shared>> -> memref<128x16xf32, #tpu.memory_space<vmem_shared>>
          tpu.enqueue_dma source(%dma_start3A_181 : memref<128x16xf32, #tpu.memory_space<vmem_shared>>) target(%arg11 : memref<128x16xf32, #tpu.memory_space<vmem>>) target_semaphore(%run_scoped3A_178 : memref<!tpu.dma_semaphore, #tpu.memory_space<semaphore_mem>>)
          %dma_wait3A = arith.constant 0 : i32
          %dma_wait3A_182 = tpu.memref_slice %arg15[%add3A_167, %dma_wait3A] : memref<10240x16xf32, #tpu.memory_space<vmem_shared>> -> memref<128x16xf32, #tpu.memory_space<vmem_shared>>
          %dma_wait3A_183 = arith.constant 0 : i32
          %dma_wait3A_184 = tpu.memref_slice %arg15[%add3A_167, %dma_wait3A_183] : memref<10240x16xf32, #tpu.memory_space<vmem_shared>> -> memref<128x16xf32, #tpu.memory_space<vmem_shared>>
          tpu.wait_dma2 semaphore(%run_scoped3A_178 : memref<!tpu.dma_semaphore, #tpu.memory_space<semaphore_mem>>) src(%dma_wait3A_184 : memref<128x16xf32, #tpu.memory_space<vmem_shared>>) dst(%arg11 : memref<128x16xf32, #tpu.memory_space<vmem>>)
          tpu.yield
        }) : () -> ()
        %scan3A_172 = arith.constant 0 : i32
        %scan3A_173 = arith.constant 0 : i32
        %scan3A_174 = arith.constant 8 : i32
        %scan3A_175 = arith.addi %scan3A_173, %scan3A_174 : i32
        %scan3A_176 = arith.constant 1 : i32
        scf.for %scan3A_178 = %scan3A_173 to %scan3A_175 step %scan3A_176  : i32 {
          %mul3A_179 = arith.constant 128 : i32
          %mul3A_180 = arith.muli %scan3A_164, %mul3A_179 : i32
          %mul3A_181 = arith.constant 16 : i32
          %mul3A_182 = arith.muli %scan3A_178, %mul3A_181 : i32
          %add3A_183 = arith.addi %mul3A_180, %mul3A_182 : i32
          %get3A = arith.index_cast %add3A_183 : i32 to index
          %get3A_184 = tpu.vector_load %arg14[%get3A] {strides = array<i32>} : memref<640xf32, #tpu.memory_space<vmem>>, vector<16xf32>,
          %get3A_185 = vector.shape_cast %get3A_184 : vector<16xf32> to vector<16xf32>
          %mul3A_186 = arith.constant 0.899999976 : f32
          %mul3A_187 = vector.broadcast %mul3A_186 : f32 to vector<16xf32>
          %mul3A_188 = arith.mulf %get3A_185, %mul3A_187 : vector<16xf32>
          %mul3A_189 = arith.constant 16 : i32
          %mul3A_190 = arith.muli %scan3A_178, %mul3A_189 : i32
          %add3A_191 = arith.constant 0 : i32
          %add3A_192 = arith.addi %mul3A_190, %add3A_191 : i32
          %mul3A_193 = arith.constant 128 : i32
          %mul3A_194 = arith.muli %scan3A_164, %mul3A_193 : i32
          %add3A_195 = arith.addi %mul3A_194, %add3A_192 : i32
          %slice3A = vector.extract_strided_slice %mul3A_188 {offsets = [0], sizes = [1], strides = [1]} : vector<16xf32> to vector<1xf32>
          %squeeze3A = vector.extract %slice3A[0] : f32 from vector<1xf32>
          %get3A_196 = arith.index_cast %add3A_192 : i32 to index
          %get3A_197 = arith.constant 0 : index
          %get3A_198 = tpu.vector_load %arg11[%get3A_196, %get3A_197] {strides = array<i32>} : memref<128x16xf32, #tpu.memory_space<vmem>>, vector<1x16xf32>,
          %get3A_199 = vector.shape_cast %get3A_198 : vector<1x16xf32> to vector<16xf32>
          %get3A_200 = arith.index_cast %add3A_192 : i32 to index
          %get3A_201 = arith.constant 0 : index
          %get3A_202 = tpu.vector_load %arg10[%get3A_200, %get3A_201] {strides = array<i32>} : memref<128x16xf32, #tpu.memory_space<vmem>>, vector<1x16xf32>,
          %get3A_203 = vector.shape_cast %get3A_202 : vector<1x16xf32> to vector<16xf32>
          %add3A_204 = arith.addf %get3A_199, %get3A_203 : vector<16xf32>
          %mul3A_205 = vector.broadcast %squeeze3A : f32 to vector<16xf32>
          %mul3A_206 = arith.mulf %add3A_204, %mul3A_205 : vector<16xf32>
          %get3A_207 = arith.constant 1 : i32
          %get3A_208 = arith.index_cast %get3A_207 : i32 to index
          %get3A_209 = arith.index_cast %add3A_195 : i32 to index
          %get3A_210 = arith.constant 0 : index
          %get3A_211 = tpu.vector_load %arg13[%get3A_208, %get3A_209, %get3A_210] {strides = array<i32>} : memref<4x640x16xf32, #tpu.memory_space<vmem>>, vector<1x1x16xf32>,
          %get3A_212 = vector.shape_cast %get3A_211 : vector<1x1x16xf32> to vector<16xf32>
          %add3A_213 = arith.addf %mul3A_206, %get3A_212 : vector<16xf32>
          %swap3A = arith.index_cast %add3A_192 : i32 to index
          %swap3A_214 = arith.constant 0 : index
          %swap3A_215 = tpu.vector_load %arg10[%swap3A, %swap3A_214] {strides = array<i32>} : memref<128x16xf32, #tpu.memory_space<vmem>>, vector<1x16xf32>,
          %swap3A_216 = vector.shape_cast %swap3A_215 : vector<1x16xf32> to vector<16xf32>
          %swap3A_217 = vector.shape_cast %add3A_213 : vector<16xf32> to vector<1x16xf32>
          tpu.vector_store %arg10[%swap3A, %swap3A_214], %swap3A_217 {strides = array<i32>} : memref<128x16xf32, #tpu.memory_space<vmem>>, vector<1x16xf32>,
          %mul3A_218 = arith.constant 16 : i32
          %mul3A_219 = arith.muli %scan3A_178, %mul3A_218 : i32
          %add3A_220 = arith.constant 1 : i32
          %add3A_221 = arith.addi %mul3A_219, %add3A_220 : i32
          %mul3A_222 = arith.constant 128 : i32
          %mul3A_223 = arith.muli %scan3A_164, %mul3A_222 : i32
          %add3A_224 = arith.addi %mul3A_223, %add3A_221 : i32
          %slice3A_225 = vector.extract_strided_slice %mul3A_188 {offsets = [1], sizes = [1], strides = [1]} : vector<16xf32> to vector<1xf32>
          %squeeze3A_226 = vector.extract %slice3A_225[0] : f32 from vector<1xf32>
          %get3A_227 = arith.index_cast %add3A_221 : i32 to index
          %get3A_228 = arith.constant 0 : index
          %get3A_229 = tpu.vector_load %arg11[%get3A_227, %get3A_228] {strides = array<i32>} : memref<128x16xf32, #tpu.memory_space<vmem>>, vector<1x16xf32>,
          %get3A_230 = vector.shape_cast %get3A_229 : vector<1x16xf32> to vector<16xf32>
          %get3A_231 = arith.index_cast %add3A_221 : i32 to index
          %get3A_232 = arith.constant 0 : index
          %get3A_233 = tpu.vector_load %arg10[%get3A_231, %get3A_232] {strides = array<i32>} : memref<128x16xf32, #tpu.memory_space<vmem>>, vector<1x16xf32>,
          %get3A_234 = vector.shape_cast %get3A_233 : vector<1x16xf32> to vector<16xf32>
          %add3A_235 = arith.addf %get3A_230, %get3A_234 : vector<16xf32>
          %mul3A_236 = vector.broadcast %squeeze3A_226 : f32 to vector<16xf32>
          %mul3A_237 = arith.mulf %add3A_235, %mul3A_236 : vector<16xf32>
          %get3A_238 = arith.constant 1 : i32
          %get3A_239 = arith.index_cast %get3A_238 : i32 to index
          %get3A_240 = arith.index_cast %add3A_224 : i32 to index
          %get3A_241 = arith.constant 0 : index
          %get3A_242 = tpu.vector_load %arg13[%get3A_239, %get3A_240, %get3A_241] {strides = array<i32>} : memref<4x640x16xf32, #tpu.memory_space<vmem>>, vector<1x1x16xf32>,
          %get3A_243 = vector.shape_cast %get3A_242 : vector<1x1x16xf32> to vector<16xf32>
          %add3A_244 = arith.addf %mul3A_237, %get3A_243 : vector<16xf32>
          %swap3A_245 = arith.index_cast %add3A_221 : i32 to index
          %swap3A_246 = arith.constant 0 : index
          %swap3A_247 = tpu.vector_load %arg10[%swap3A_245, %swap3A_246] {strides = array<i32>} : memref<128x16xf32, #tpu.memory_space<vmem>>, vector<1x16xf32>,
          %swap3A_248 = vector.shape_cast %swap3A_247 : vector<1x16xf32> to vector<16xf32>
          %swap3A_249 = vector.shape_cast %add3A_244 : vector<16xf32> to vector<1x16xf32>
          tpu.vector_store %arg10[%swap3A_245, %swap3A_246], %swap3A_249 {strides = array<i32>} : memref<128x16xf32, #tpu.memory_space<vmem>>, vector<1x16xf32>,
          %mul3A_250 = arith.constant 16 : i32
          %mul3A_251 = arith.muli %scan3A_178, %mul3A_250 : i32
          %add3A_252 = arith.constant 2 : i32
          %add3A_253 = arith.addi %mul3A_251, %add3A_252 : i32
          %mul3A_254 = arith.constant 128 : i32
          %mul3A_255 = arith.muli %scan3A_164, %mul3A_254 : i32
          %add3A_256 = arith.addi %mul3A_255, %add3A_253 : i32
          %slice3A_257 = vector.extract_strided_slice %mul3A_188 {offsets = [2], sizes = [1], strides = [1]} : vector<16xf32> to vector<1xf32>
          %squeeze3A_258 = vector.extract %slice3A_257[0] : f32 from vector<1xf32>
          %get3A_259 = arith.index_cast %add3A_253 : i32 to index
          %get3A_260 = arith.constant 0 : index
          %get3A_261 = tpu.vector_load %arg11[%get3A_259, %get3A_260] {strides = array<i32>} : memref<128x16xf32, #tpu.memory_space<vmem>>, vector<1x16xf32>,
          %get3A_262 = vector.shape_cast %get3A_261 : vector<1x16xf32> to vector<16xf32>
          %get3A_263 = arith.index_cast %add3A_253 : i32 to index
          %get3A_264 = arith.constant 0 : index
          %get3A_265 = tpu.vector_load %arg10[%get3A_263, %get3A_264] {strides = array<i32>} : memref<128x16xf32, #tpu.memory_space<vmem>>, vector<1x16xf32>,
          %get3A_266 = vector.shape_cast %get3A_265 : vector<1x16xf32> to vector<16xf32>
          %add3A_267 = arith.addf %get3A_262, %get3A_266 : vector<16xf32>
          %mul3A_268 = vector.broadcast %squeeze3A_258 : f32 to vector<16xf32>
          %mul3A_269 = arith.mulf %add3A_267, %mul3A_268 : vector<16xf32>
          %get3A_270 = arith.constant 1 : i32
          %get3A_271 = arith.index_cast %get3A_270 : i32 to index
          %get3A_272 = arith.index_cast %add3A_256 : i32 to index
          %get3A_273 = arith.constant 0 : index
          %get3A_274 = tpu.vector_load %arg13[%get3A_271, %get3A_272, %get3A_273] {strides = array<i32>} : memref<4x640x16xf32, #tpu.memory_space<vmem>>, vector<1x1x16xf32>,
          %get3A_275 = vector.shape_cast %get3A_274 : vector<1x1x16xf32> to vector<16xf32>
          %add3A_276 = arith.addf %mul3A_269, %get3A_275 : vector<16xf32>
          %swap3A_277 = arith.index_cast %add3A_253 : i32 to index
          %swap3A_278 = arith.constant 0 : index
          %swap3A_279 = tpu.vector_load %arg10[%swap3A_277, %swap3A_278] {strides = array<i32>} : memref<128x16xf32, #tpu.memory_space<vmem>>, vector<1x16xf32>,
          %swap3A_280 = vector.shape_cast %swap3A_279 : vector<1x16xf32> to vector<16xf32>
          %swap3A_281 = vector.shape_cast %add3A_276 : vector<16xf32> to vector<1x16xf32>
          tpu.vector_store %arg10[%swap3A_277, %swap3A_278], %swap3A_281 {strides = array<i32>} : memref<128x16xf32, #tpu.memory_space<vmem>>, vector<1x16xf32>,
          %mul3A_282 = arith.constant 16 : i32
          %mul3A_283 = arith.muli %scan3A_178, %mul3A_282 : i32
          %add3A_284 = arith.constant 3 : i32
          %add3A_285 = arith.addi %mul3A_283, %add3A_284 : i32
          %mul3A_286 = arith.constant 128 : i32
          %mul3A_287 = arith.muli %scan3A_164, %mul3A_286 : i32
          %add3A_288 = arith.addi %mul3A_287, %add3A_285 : i32
          %slice3A_289 = vector.extract_strided_slice %mul3A_188 {offsets = [3], sizes = [1], strides = [1]} : vector<16xf32> to vector<1xf32>
          %squeeze3A_290 = vector.extract %slice3A_289[0] : f32 from vector<1xf32>
          %get3A_291 = arith.index_cast %add3A_285 : i32 to index
          %get3A_292 = arith.constant 0 : index
          %get3A_293 = tpu.vector_load %arg11[%get3A_291, %get3A_292] {strides = array<i32>} : memref<128x16xf32, #tpu.memory_space<vmem>>, vector<1x16xf32>,
          %get3A_294 = vector.shape_cast %get3A_293 : vector<1x16xf32> to vector<16xf32>
          %get3A_295 = arith.index_cast %add3A_285 : i32 to index
          %get3A_296 = arith.constant 0 : index
          %get3A_297 = tpu.vector_load %arg10[%get3A_295, %get3A_296] {strides = array<i32>} : memref<128x16xf32, #tpu.memory_space<vmem>>, vector<1x16xf32>,
          %get3A_298 = vector.shape_cast %get3A_297 : vector<1x16xf32> to vector<16xf32>
          %add3A_299 = arith.addf %get3A_294, %get3A_298 : vector<16xf32>
          %mul3A_300 = vector.broadcast %squeeze3A_290 : f32 to vector<16xf32>
          %mul3A_301 = arith.mulf %add3A_299, %mul3A_300 : vector<16xf32>
          %get3A_302 = arith.constant 1 : i32
          %get3A_303 = arith.index_cast %get3A_302 : i32 to index
          %get3A_304 = arith.index_cast %add3A_288 : i32 to index
          %get3A_305 = arith.constant 0 : index
          %get3A_306 = tpu.vector_load %arg13[%get3A_303, %get3A_304, %get3A_305] {strides = array<i32>} : memref<4x640x16xf32, #tpu.memory_space<vmem>>, vector<1x1x16xf32>,
          %get3A_307 = vector.shape_cast %get3A_306 : vector<1x1x16xf32> to vector<16xf32>
          %add3A_308 = arith.addf %mul3A_301, %get3A_307 : vector<16xf32>
          %swap3A_309 = arith.index_cast %add3A_285 : i32 to index
          %swap3A_310 = arith.constant 0 : index
          %swap3A_311 = tpu.vector_load %arg10[%swap3A_309, %swap3A_310] {strides = array<i32>} : memref<128x16xf32, #tpu.memory_space<vmem>>, vector<1x16xf32>,
          %swap3A_312 = vector.shape_cast %swap3A_311 : vector<1x16xf32> to vector<16xf32>
          %swap3A_313 = vector.shape_cast %add3A_308 : vector<16xf32> to vector<1x16xf32>
          tpu.vector_store %arg10[%swap3A_309, %swap3A_310], %swap3A_313 {strides = array<i32>} : memref<128x16xf32, #tpu.memory_space<vmem>>, vector<1x16xf32>,
          %mul3A_314 = arith.constant 16 : i32
          %mul3A_315 = arith.muli %scan3A_178, %mul3A_314 : i32
          %add3A_316 = arith.constant 4 : i32
          %add3A_317 = arith.addi %mul3A_315, %add3A_316 : i32
          %mul3A_318 = arith.constant 128 : i32
          %mul3A_319 = arith.muli %scan3A_164, %mul3A_318 : i32
          %add3A_320 = arith.addi %mul3A_319, %add3A_317 : i32
          %slice3A_321 = vector.extract_strided_slice %mul3A_188 {offsets = [4], sizes = [1], strides = [1]} : vector<16xf32> to vector<1xf32>
          %squeeze3A_322 = vector.extract %slice3A_321[0] : f32 from vector<1xf32>
          %get3A_323 = arith.index_cast %add3A_317 : i32 to index
          %get3A_324 = arith.constant 0 : index
          %get3A_325 = tpu.vector_load %arg11[%get3A_323, %get3A_324] {strides = array<i32>} : memref<128x16xf32, #tpu.memory_space<vmem>>, vector<1x16xf32>,
          %get3A_326 = vector.shape_cast %get3A_325 : vector<1x16xf32> to vector<16xf32>
          %get3A_327 = arith.index_cast %add3A_317 : i32 to index
          %get3A_328 = arith.constant 0 : index
          %get3A_329 = tpu.vector_load %arg10[%get3A_327, %get3A_328] {strides = array<i32>} : memref<128x16xf32, #tpu.memory_space<vmem>>, vector<1x16xf32>,
          %get3A_330 = vector.shape_cast %get3A_329 : vector<1x16xf32> to vector<16xf32>
          %add3A_331 = arith.addf %get3A_326, %get3A_330 : vector<16xf32>
          %mul3A_332 = vector.broadcast %squeeze3A_322 : f32 to vector<16xf32>
          %mul3A_333 = arith.mulf %add3A_331, %mul3A_332 : vector<16xf32>
          %get3A_334 = arith.constant 1 : i32
          %get3A_335 = arith.index_cast %get3A_334 : i32 to index
          %get3A_336 = arith.index_cast %add3A_320 : i32 to index
          %get3A_337 = arith.constant 0 : index
          %get3A_338 = tpu.vector_load %arg13[%get3A_335, %get3A_336, %get3A_337] {strides = array<i32>} : memref<4x640x16xf32, #tpu.memory_space<vmem>>, vector<1x1x16xf32>,
          %get3A_339 = vector.shape_cast %get3A_338 : vector<1x1x16xf32> to vector<16xf32>
          %add3A_340 = arith.addf %mul3A_333, %get3A_339 : vector<16xf32>
          %swap3A_341 = arith.index_cast %add3A_317 : i32 to index
          %swap3A_342 = arith.constant 0 : index
          %swap3A_343 = tpu.vector_load %arg10[%swap3A_341, %swap3A_342] {strides = array<i32>} : memref<128x16xf32, #tpu.memory_space<vmem>>, vector<1x16xf32>,
          %swap3A_344 = vector.shape_cast %swap3A_343 : vector<1x16xf32> to vector<16xf32>
          %swap3A_345 = vector.shape_cast %add3A_340 : vector<16xf32> to vector<1x16xf32>
          tpu.vector_store %arg10[%swap3A_341, %swap3A_342], %swap3A_345 {strides = array<i32>} : memref<128x16xf32, #tpu.memory_space<vmem>>, vector<1x16xf32>,
          %mul3A_346 = arith.constant 16 : i32
          %mul3A_347 = arith.muli %scan3A_178, %mul3A_346 : i32
          %add3A_348 = arith.constant 5 : i32
          %add3A_349 = arith.addi %mul3A_347, %add3A_348 : i32
          %mul3A_350 = arith.constant 128 : i32
          %mul3A_351 = arith.muli %scan3A_164, %mul3A_350 : i32
          %add3A_352 = arith.addi %mul3A_351, %add3A_349 : i32
          %slice3A_353 = vector.extract_strided_slice %mul3A_188 {offsets = [5], sizes = [1], strides = [1]} : vector<16xf32> to vector<1xf32>
          %squeeze3A_354 = vector.extract %slice3A_353[0] : f32 from vector<1xf32>
          %get3A_355 = arith.index_cast %add3A_349 : i32 to index
          %get3A_356 = arith.constant 0 : index
          %get3A_357 = tpu.vector_load %arg11[%get3A_355, %get3A_356] {strides = array<i32>} : memref<128x16xf32, #tpu.memory_space<vmem>>, vector<1x16xf32>,
          %get3A_358 = vector.shape_cast %get3A_357 : vector<1x16xf32> to vector<16xf32>
          %get3A_359 = arith.index_cast %add3A_349 : i32 to index
          %get3A_360 = arith.constant 0 : index
          %get3A_361 = tpu.vector_load %arg10[%get3A_359, %get3A_360] {strides = array<i32>} : memref<128x16xf32, #tpu.memory_space<vmem>>, vector<1x16xf32>,
          %get3A_362 = vector.shape_cast %get3A_361 : vector<1x16xf32> to vector<16xf32>
          %add3A_363 = arith.addf %get3A_358, %get3A_362 : vector<16xf32>
          %mul3A_364 = vector.broadcast %squeeze3A_354 : f32 to vector<16xf32>
          %mul3A_365 = arith.mulf %add3A_363, %mul3A_364 : vector<16xf32>
          %get3A_366 = arith.constant 1 : i32
          %get3A_367 = arith.index_cast %get3A_366 : i32 to index
          %get3A_368 = arith.index_cast %add3A_352 : i32 to index
          %get3A_369 = arith.constant 0 : index
          %get3A_370 = tpu.vector_load %arg13[%get3A_367, %get3A_368, %get3A_369] {strides = array<i32>} : memref<4x640x16xf32, #tpu.memory_space<vmem>>, vector<1x1x16xf32>,
          %get3A_371 = vector.shape_cast %get3A_370 : vector<1x1x16xf32> to vector<16xf32>
          %add3A_372 = arith.addf %mul3A_365, %get3A_371 : vector<16xf32>
          %swap3A_373 = arith.index_cast %add3A_349 : i32 to index
          %swap3A_374 = arith.constant 0 : index
          %swap3A_375 = tpu.vector_load %arg10[%swap3A_373, %swap3A_374] {strides = array<i32>} : memref<128x16xf32, #tpu.memory_space<vmem>>, vector<1x16xf32>,
          %swap3A_376 = vector.shape_cast %swap3A_375 : vector<1x16xf32> to vector<16xf32>
          %swap3A_377 = vector.shape_cast %add3A_372 : vector<16xf32> to vector<1x16xf32>
          tpu.vector_store %arg10[%swap3A_373, %swap3A_374], %swap3A_377 {strides = array<i32>} : memref<128x16xf32, #tpu.memory_space<vmem>>, vector<1x16xf32>,
          %mul3A_378 = arith.constant 16 : i32
          %mul3A_379 = arith.muli %scan3A_178, %mul3A_378 : i32
          %add3A_380 = arith.constant 6 : i32
          %add3A_381 = arith.addi %mul3A_379, %add3A_380 : i32
          %mul3A_382 = arith.constant 128 : i32
          %mul3A_383 = arith.muli %scan3A_164, %mul3A_382 : i32
          %add3A_384 = arith.addi %mul3A_383, %add3A_381 : i32
          %slice3A_385 = vector.extract_strided_slice %mul3A_188 {offsets = [6], sizes = [1], strides = [1]} : vector<16xf32> to vector<1xf32>
          %squeeze3A_386 = vector.extract %slice3A_385[0] : f32 from vector<1xf32>
          %get3A_387 = arith.index_cast %add3A_381 : i32 to index
          %get3A_388 = arith.constant 0 : index
          %get3A_389 = tpu.vector_load %arg11[%get3A_387, %get3A_388] {strides = array<i32>} : memref<128x16xf32, #tpu.memory_space<vmem>>, vector<1x16xf32>,
          %get3A_390 = vector.shape_cast %get3A_389 : vector<1x16xf32> to vector<16xf32>
          %get3A_391 = arith.index_cast %add3A_381 : i32 to index
          %get3A_392 = arith.constant 0 : index
          %get3A_393 = tpu.vector_load %arg10[%get3A_391, %get3A_392] {strides = array<i32>} : memref<128x16xf32, #tpu.memory_space<vmem>>, vector<1x16xf32>,
          %get3A_394 = vector.shape_cast %get3A_393 : vector<1x16xf32> to vector<16xf32>
          %add3A_395 = arith.addf %get3A_390, %get3A_394 : vector<16xf32>
          %mul3A_396 = vector.broadcast %squeeze3A_386 : f32 to vector<16xf32>
          %mul3A_397 = arith.mulf %add3A_395, %mul3A_396 : vector<16xf32>
          %get3A_398 = arith.constant 1 : i32
          %get3A_399 = arith.index_cast %get3A_398 : i32 to index
          %get3A_400 = arith.index_cast %add3A_384 : i32 to index
          %get3A_401 = arith.constant 0 : index
          %get3A_402 = tpu.vector_load %arg13[%get3A_399, %get3A_400, %get3A_401] {strides = array<i32>} : memref<4x640x16xf32, #tpu.memory_space<vmem>>, vector<1x1x16xf32>,
          %get3A_403 = vector.shape_cast %get3A_402 : vector<1x1x16xf32> to vector<16xf32>
          %add3A_404 = arith.addf %mul3A_397, %get3A_403 : vector<16xf32>
          %swap3A_405 = arith.index_cast %add3A_381 : i32 to index
          %swap3A_406 = arith.constant 0 : index
          %swap3A_407 = tpu.vector_load %arg10[%swap3A_405, %swap3A_406] {strides = array<i32>} : memref<128x16xf32, #tpu.memory_space<vmem>>, vector<1x16xf32>,
          %swap3A_408 = vector.shape_cast %swap3A_407 : vector<1x16xf32> to vector<16xf32>
          %swap3A_409 = vector.shape_cast %add3A_404 : vector<16xf32> to vector<1x16xf32>
          tpu.vector_store %arg10[%swap3A_405, %swap3A_406], %swap3A_409 {strides = array<i32>} : memref<128x16xf32, #tpu.memory_space<vmem>>, vector<1x16xf32>,
          %mul3A_410 = arith.constant 16 : i32
          %mul3A_411 = arith.muli %scan3A_178, %mul3A_410 : i32
          %add3A_412 = arith.constant 7 : i32
          %add3A_413 = arith.addi %mul3A_411, %add3A_412 : i32
          %mul3A_414 = arith.constant 128 : i32
          %mul3A_415 = arith.muli %scan3A_164, %mul3A_414 : i32
          %add3A_416 = arith.addi %mul3A_415, %add3A_413 : i32
          %slice3A_417 = vector.extract_strided_slice %mul3A_188 {offsets = [7], sizes = [1], strides = [1]} : vector<16xf32> to vector<1xf32>
          %squeeze3A_418 = vector.extract %slice3A_417[0] : f32 from vector<1xf32>
          %get3A_419 = arith.index_cast %add3A_413 : i32 to index
          %get3A_420 = arith.constant 0 : index
          %get3A_421 = tpu.vector_load %arg11[%get3A_419, %get3A_420] {strides = array<i32>} : memref<128x16xf32, #tpu.memory_space<vmem>>, vector<1x16xf32>,
          %get3A_422 = vector.shape_cast %get3A_421 : vector<1x16xf32> to vector<16xf32>
          %get3A_423 = arith.index_cast %add3A_413 : i32 to index
          %get3A_424 = arith.constant 0 : index
          %get3A_425 = tpu.vector_load %arg10[%get3A_423, %get3A_424] {strides = array<i32>} : memref<128x16xf32, #tpu.memory_space<vmem>>, vector<1x16xf32>,
          %get3A_426 = vector.shape_cast %get3A_425 : vector<1x16xf32> to vector<16xf32>
          %add3A_427 = arith.addf %get3A_422, %get3A_426 : vector<16xf32>
          %mul3A_428 = vector.broadcast %squeeze3A_418 : f32 to vector<16xf32>
          %mul3A_429 = arith.mulf %add3A_427, %mul3A_428 : vector<16xf32>
          %get3A_430 = arith.constant 1 : i32
          %get3A_431 = arith.index_cast %get3A_430 : i32 to index
          %get3A_432 = arith.index_cast %add3A_416 : i32 to index
          %get3A_433 = arith.constant 0 : index
          %get3A_434 = tpu.vector_load %arg13[%get3A_431, %get3A_432, %get3A_433] {strides = array<i32>} : memref<4x640x16xf32, #tpu.memory_space<vmem>>, vector<1x1x16xf32>,
          %get3A_435 = vector.shape_cast %get3A_434 : vector<1x1x16xf32> to vector<16xf32>
          %add3A_436 = arith.addf %mul3A_429, %get3A_435 : vector<16xf32>
          %swap3A_437 = arith.index_cast %add3A_413 : i32 to index
          %swap3A_438 = arith.constant 0 : index
          %swap3A_439 = tpu.vector_load %arg10[%swap3A_437, %swap3A_438] {strides = array<i32>} : memref<128x16xf32, #tpu.memory_space<vmem>>, vector<1x16xf32>,
          %swap3A_440 = vector.shape_cast %swap3A_439 : vector<1x16xf32> to vector<16xf32>
          %swap3A_441 = vector.shape_cast %add3A_436 : vector<16xf32> to vector<1x16xf32>
          tpu.vector_store %arg10[%swap3A_437, %swap3A_438], %swap3A_441 {strides = array<i32>} : memref<128x16xf32, #tpu.memory_space<vmem>>, vector<1x16xf32>,
          %mul3A_442 = arith.constant 16 : i32
          %mul3A_443 = arith.muli %scan3A_178, %mul3A_442 : i32
          %add3A_444 = arith.constant 8 : i32
          %add3A_445 = arith.addi %mul3A_443, %add3A_444 : i32
          %mul3A_446 = arith.constant 128 : i32
          %mul3A_447 = arith.muli %scan3A_164, %mul3A_446 : i32
          %add3A_448 = arith.addi %mul3A_447, %add3A_445 : i32
          %slice3A_449 = vector.extract_strided_slice %mul3A_188 {offsets = [8], sizes = [1], strides = [1]} : vector<16xf32> to vector<1xf32>
          %squeeze3A_450 = vector.extract %slice3A_449[0] : f32 from vector<1xf32>
          %get3A_451 = arith.index_cast %add3A_445 : i32 to index
          %get3A_452 = arith.constant 0 : index
          %get3A_453 = tpu.vector_load %arg11[%get3A_451, %get3A_452] {strides = array<i32>} : memref<128x16xf32, #tpu.memory_space<vmem>>, vector<1x16xf32>,
          %get3A_454 = vector.shape_cast %get3A_453 : vector<1x16xf32> to vector<16xf32>
          %get3A_455 = arith.index_cast %add3A_445 : i32 to index
          %get3A_456 = arith.constant 0 : index
          %get3A_457 = tpu.vector_load %arg10[%get3A_455, %get3A_456] {strides = array<i32>} : memref<128x16xf32, #tpu.memory_space<vmem>>, vector<1x16xf32>,
          %get3A_458 = vector.shape_cast %get3A_457 : vector<1x16xf32> to vector<16xf32>
          %add3A_459 = arith.addf %get3A_454, %get3A_458 : vector<16xf32>
          %mul3A_460 = vector.broadcast %squeeze3A_450 : f32 to vector<16xf32>
          %mul3A_461 = arith.mulf %add3A_459, %mul3A_460 : vector<16xf32>
          %get3A_462 = arith.constant 1 : i32
          %get3A_463 = arith.index_cast %get3A_462 : i32 to index
          %get3A_464 = arith.index_cast %add3A_448 : i32 to index
          %get3A_465 = arith.constant 0 : index
          %get3A_466 = tpu.vector_load %arg13[%get3A_463, %get3A_464, %get3A_465] {strides = array<i32>} : memref<4x640x16xf32, #tpu.memory_space<vmem>>, vector<1x1x16xf32>,
          %get3A_467 = vector.shape_cast %get3A_466 : vector<1x1x16xf32> to vector<16xf32>
          %add3A_468 = arith.addf %mul3A_461, %get3A_467 : vector<16xf32>
          %swap3A_469 = arith.index_cast %add3A_445 : i32 to index
          %swap3A_470 = arith.constant 0 : index
          %swap3A_471 = tpu.vector_load %arg10[%swap3A_469, %swap3A_470] {strides = array<i32>} : memref<128x16xf32, #tpu.memory_space<vmem>>, vector<1x16xf32>,
          %swap3A_472 = vector.shape_cast %swap3A_471 : vector<1x16xf32> to vector<16xf32>
          %swap3A_473 = vector.shape_cast %add3A_468 : vector<16xf32> to vector<1x16xf32>
          tpu.vector_store %arg10[%swap3A_469, %swap3A_470], %swap3A_473 {strides = array<i32>} : memref<128x16xf32, #tpu.memory_space<vmem>>, vector<1x16xf32>,
          %mul3A_474 = arith.constant 16 : i32
          %mul3A_475 = arith.muli %scan3A_178, %mul3A_474 : i32
          %add3A_476 = arith.constant 9 : i32
          %add3A_477 = arith.addi %mul3A_475, %add3A_476 : i32
          %mul3A_478 = arith.constant 128 : i32
          %mul3A_479 = arith.muli %scan3A_164, %mul3A_478 : i32
          %add3A_480 = arith.addi %mul3A_479, %add3A_477 : i32
          %slice3A_481 = vector.extract_strided_slice %mul3A_188 {offsets = [9], sizes = [1], strides = [1]} : vector<16xf32> to vector<1xf32>
          %squeeze3A_482 = vector.extract %slice3A_481[0] : f32 from vector<1xf32>
          %get3A_483 = arith.index_cast %add3A_477 : i32 to index
          %get3A_484 = arith.constant 0 : index
          %get3A_485 = tpu.vector_load %arg11[%get3A_483, %get3A_484] {strides = array<i32>} : memref<128x16xf32, #tpu.memory_space<vmem>>, vector<1x16xf32>,
          %get3A_486 = vector.shape_cast %get3A_485 : vector<1x16xf32> to vector<16xf32>
          %get3A_487 = arith.index_cast %add3A_477 : i32 to index
          %get3A_488 = arith.constant 0 : index
          %get3A_489 = tpu.vector_load %arg10[%get3A_487, %get3A_488] {strides = array<i32>} : memref<128x16xf32, #tpu.memory_space<vmem>>, vector<1x16xf32>,
          %get3A_490 = vector.shape_cast %get3A_489 : vector<1x16xf32> to vector<16xf32>
          %add3A_491 = arith.addf %get3A_486, %get3A_490 : vector<16xf32>
          %mul3A_492 = vector.broadcast %squeeze3A_482 : f32 to vector<16xf32>
          %mul3A_493 = arith.mulf %add3A_491, %mul3A_492 : vector<16xf32>
          %get3A_494 = arith.constant 1 : i32
          %get3A_495 = arith.index_cast %get3A_494 : i32 to index
          %get3A_496 = arith.index_cast %add3A_480 : i32 to index
          %get3A_497 = arith.constant 0 : index
          %get3A_498 = tpu.vector_load %arg13[%get3A_495, %get3A_496, %get3A_497] {strides = array<i32>} : memref<4x640x16xf32, #tpu.memory_space<vmem>>, vector<1x1x16xf32>,
          %get3A_499 = vector.shape_cast %get3A_498 : vector<1x1x16xf32> to vector<16xf32>
          %add3A_500 = arith.addf %mul3A_493, %get3A_499 : vector<16xf32>
          %swap3A_501 = arith.index_cast %add3A_477 : i32 to index
          %swap3A_502 = arith.constant 0 : index
          %swap3A_503 = tpu.vector_load %arg10[%swap3A_501, %swap3A_502] {strides = array<i32>} : memref<128x16xf32, #tpu.memory_space<vmem>>, vector<1x16xf32>,
          %swap3A_504 = vector.shape_cast %swap3A_503 : vector<1x16xf32> to vector<16xf32>
          %swap3A_505 = vector.shape_cast %add3A_500 : vector<16xf32> to vector<1x16xf32>
          tpu.vector_store %arg10[%swap3A_501, %swap3A_502], %swap3A_505 {strides = array<i32>} : memref<128x16xf32, #tpu.memory_space<vmem>>, vector<1x16xf32>,
          %mul3A_506 = arith.constant 16 : i32
          %mul3A_507 = arith.muli %scan3A_178, %mul3A_506 : i32
          %add3A_508 = arith.constant 10 : i32
          %add3A_509 = arith.addi %mul3A_507, %add3A_508 : i32
          %mul3A_510 = arith.constant 128 : i32
          %mul3A_511 = arith.muli %scan3A_164, %mul3A_510 : i32
          %add3A_512 = arith.addi %mul3A_511, %add3A_509 : i32
          %slice3A_513 = vector.extract_strided_slice %mul3A_188 {offsets = [10], sizes = [1], strides = [1]} : vector<16xf32> to vector<1xf32>
          %squeeze3A_514 = vector.extract %slice3A_513[0] : f32 from vector<1xf32>
          %get3A_515 = arith.index_cast %add3A_509 : i32 to index
          %get3A_516 = arith.constant 0 : index
          %get3A_517 = tpu.vector_load %arg11[%get3A_515, %get3A_516] {strides = array<i32>} : memref<128x16xf32, #tpu.memory_space<vmem>>, vector<1x16xf32>,
          %get3A_518 = vector.shape_cast %get3A_517 : vector<1x16xf32> to vector<16xf32>
          %get3A_519 = arith.index_cast %add3A_509 : i32 to index
          %get3A_520 = arith.constant 0 : index
          %get3A_521 = tpu.vector_load %arg10[%get3A_519, %get3A_520] {strides = array<i32>} : memref<128x16xf32, #tpu.memory_space<vmem>>, vector<1x16xf32>,
          %get3A_522 = vector.shape_cast %get3A_521 : vector<1x16xf32> to vector<16xf32>
          %add3A_523 = arith.addf %get3A_518, %get3A_522 : vector<16xf32>
          %mul3A_524 = vector.broadcast %squeeze3A_514 : f32 to vector<16xf32>
          %mul3A_525 = arith.mulf %add3A_523, %mul3A_524 : vector<16xf32>
          %get3A_526 = arith.constant 1 : i32
          %get3A_527 = arith.index_cast %get3A_526 : i32 to index
          %get3A_528 = arith.index_cast %add3A_512 : i32 to index
          %get3A_529 = arith.constant 0 : index
          %get3A_530 = tpu.vector_load %arg13[%get3A_527, %get3A_528, %get3A_529] {strides = array<i32>} : memref<4x640x16xf32, #tpu.memory_space<vmem>>, vector<1x1x16xf32>,
          %get3A_531 = vector.shape_cast %get3A_530 : vector<1x1x16xf32> to vector<16xf32>
          %add3A_532 = arith.addf %mul3A_525, %get3A_531 : vector<16xf32>
          %swap3A_533 = arith.index_cast %add3A_509 : i32 to index
          %swap3A_534 = arith.constant 0 : index
          %swap3A_535 = tpu.vector_load %arg10[%swap3A_533, %swap3A_534] {strides = array<i32>} : memref<128x16xf32, #tpu.memory_space<vmem>>, vector<1x16xf32>,
          %swap3A_536 = vector.shape_cast %swap3A_535 : vector<1x16xf32> to vector<16xf32>
          %swap3A_537 = vector.shape_cast %add3A_532 : vector<16xf32> to vector<1x16xf32>
          tpu.vector_store %arg10[%swap3A_533, %swap3A_534], %swap3A_537 {strides = array<i32>} : memref<128x16xf32, #tpu.memory_space<vmem>>, vector<1x16xf32>,
          %mul3A_538 = arith.constant 16 : i32
          %mul3A_539 = arith.muli %scan3A_178, %mul3A_538 : i32
          %add3A_540 = arith.constant 11 : i32
          %add3A_541 = arith.addi %mul3A_539, %add3A_540 : i32
          %mul3A_542 = arith.constant 128 : i32
          %mul3A_543 = arith.muli %scan3A_164, %mul3A_542 : i32
          %add3A_544 = arith.addi %mul3A_543, %add3A_541 : i32
          %slice3A_545 = vector.extract_strided_slice %mul3A_188 {offsets = [11], sizes = [1], strides = [1]} : vector<16xf32> to vector<1xf32>
          %squeeze3A_546 = vector.extract %slice3A_545[0] : f32 from vector<1xf32>
          %get3A_547 = arith.index_cast %add3A_541 : i32 to index
          %get3A_548 = arith.constant 0 : index
          %get3A_549 = tpu.vector_load %arg11[%get3A_547, %get3A_548] {strides = array<i32>} : memref<128x16xf32, #tpu.memory_space<vmem>>, vector<1x16xf32>,
          %get3A_550 = vector.shape_cast %get3A_549 : vector<1x16xf32> to vector<16xf32>
          %get3A_551 = arith.index_cast %add3A_541 : i32 to index
          %get3A_552 = arith.constant 0 : index
          %get3A_553 = tpu.vector_load %arg10[%get3A_551, %get3A_552] {strides = array<i32>} : memref<128x16xf32, #tpu.memory_space<vmem>>, vector<1x16xf32>,
          %get3A_554 = vector.shape_cast %get3A_553 : vector<1x16xf32> to vector<16xf32>
          %add3A_555 = arith.addf %get3A_550, %get3A_554 : vector<16xf32>
          %mul3A_556 = vector.broadcast %squeeze3A_546 : f32 to vector<16xf32>
          %mul3A_557 = arith.mulf %add3A_555, %mul3A_556 : vector<16xf32>
          %get3A_558 = arith.constant 1 : i32
          %get3A_559 = arith.index_cast %get3A_558 : i32 to index
          %get3A_560 = arith.index_cast %add3A_544 : i32 to index
          %get3A_561 = arith.constant 0 : index
          %get3A_562 = tpu.vector_load %arg13[%get3A_559, %get3A_560, %get3A_561] {strides = array<i32>} : memref<4x640x16xf32, #tpu.memory_space<vmem>>, vector<1x1x16xf32>,
          %get3A_563 = vector.shape_cast %get3A_562 : vector<1x1x16xf32> to vector<16xf32>
          %add3A_564 = arith.addf %mul3A_557, %get3A_563 : vector<16xf32>
          %swap3A_565 = arith.index_cast %add3A_541 : i32 to index
          %swap3A_566 = arith.constant 0 : index
          %swap3A_567 = tpu.vector_load %arg10[%swap3A_565, %swap3A_566] {strides = array<i32>} : memref<128x16xf32, #tpu.memory_space<vmem>>, vector<1x16xf32>,
          %swap3A_568 = vector.shape_cast %swap3A_567 : vector<1x16xf32> to vector<16xf32>
          %swap3A_569 = vector.shape_cast %add3A_564 : vector<16xf32> to vector<1x16xf32>
          tpu.vector_store %arg10[%swap3A_565, %swap3A_566], %swap3A_569 {strides = array<i32>} : memref<128x16xf32, #tpu.memory_space<vmem>>, vector<1x16xf32>,
          %mul3A_570 = arith.constant 16 : i32
          %mul3A_571 = arith.muli %scan3A_178, %mul3A_570 : i32
          %add3A_572 = arith.constant 12 : i32
          %add3A_573 = arith.addi %mul3A_571, %add3A_572 : i32
          %mul3A_574 = arith.constant 128 : i32
          %mul3A_575 = arith.muli %scan3A_164, %mul3A_574 : i32
          %add3A_576 = arith.addi %mul3A_575, %add3A_573 : i32
          %slice3A_577 = vector.extract_strided_slice %mul3A_188 {offsets = [12], sizes = [1], strides = [1]} : vector<16xf32> to vector<1xf32>
          %squeeze3A_578 = vector.extract %slice3A_577[0] : f32 from vector<1xf32>
          %get3A_579 = arith.index_cast %add3A_573 : i32 to index
          %get3A_580 = arith.constant 0 : index
          %get3A_581 = tpu.vector_load %arg11[%get3A_579, %get3A_580] {strides = array<i32>} : memref<128x16xf32, #tpu.memory_space<vmem>>, vector<1x16xf32>,
          %get3A_582 = vector.shape_cast %get3A_581 : vector<1x16xf32> to vector<16xf32>
          %get3A_583 = arith.index_cast %add3A_573 : i32 to index
          %get3A_584 = arith.constant 0 : index
          %get3A_585 = tpu.vector_load %arg10[%get3A_583, %get3A_584] {strides = array<i32>} : memref<128x16xf32, #tpu.memory_space<vmem>>, vector<1x16xf32>,
          %get3A_586 = vector.shape_cast %get3A_585 : vector<1x16xf32> to vector<16xf32>
          %add3A_587 = arith.addf %get3A_582, %get3A_586 : vector<16xf32>
          %mul3A_588 = vector.broadcast %squeeze3A_578 : f32 to vector<16xf32>
          %mul3A_589 = arith.mulf %add3A_587, %mul3A_588 : vector<16xf32>
          %get3A_590 = arith.constant 1 : i32
          %get3A_591 = arith.index_cast %get3A_590 : i32 to index
          %get3A_592 = arith.index_cast %add3A_576 : i32 to index
          %get3A_593 = arith.constant 0 : index
          %get3A_594 = tpu.vector_load %arg13[%get3A_591, %get3A_592, %get3A_593] {strides = array<i32>} : memref<4x640x16xf32, #tpu.memory_space<vmem>>, vector<1x1x16xf32>,
          %get3A_595 = vector.shape_cast %get3A_594 : vector<1x1x16xf32> to vector<16xf32>
          %add3A_596 = arith.addf %mul3A_589, %get3A_595 : vector<16xf32>
          %swap3A_597 = arith.index_cast %add3A_573 : i32 to index
          %swap3A_598 = arith.constant 0 : index
          %swap3A_599 = tpu.vector_load %arg10[%swap3A_597, %swap3A_598] {strides = array<i32>} : memref<128x16xf32, #tpu.memory_space<vmem>>, vector<1x16xf32>,
          %swap3A_600 = vector.shape_cast %swap3A_599 : vector<1x16xf32> to vector<16xf32>
          %swap3A_601 = vector.shape_cast %add3A_596 : vector<16xf32> to vector<1x16xf32>
          tpu.vector_store %arg10[%swap3A_597, %swap3A_598], %swap3A_601 {strides = array<i32>} : memref<128x16xf32, #tpu.memory_space<vmem>>, vector<1x16xf32>,
          %mul3A_602 = arith.constant 16 : i32
          %mul3A_603 = arith.muli %scan3A_178, %mul3A_602 : i32
          %add3A_604 = arith.constant 13 : i32
          %add3A_605 = arith.addi %mul3A_603, %add3A_604 : i32
          %mul3A_606 = arith.constant 128 : i32
          %mul3A_607 = arith.muli %scan3A_164, %mul3A_606 : i32
          %add3A_608 = arith.addi %mul3A_607, %add3A_605 : i32
          %slice3A_609 = vector.extract_strided_slice %mul3A_188 {offsets = [13], sizes = [1], strides = [1]} : vector<16xf32> to vector<1xf32>
          %squeeze3A_610 = vector.extract %slice3A_609[0] : f32 from vector<1xf32>
          %get3A_611 = arith.index_cast %add3A_605 : i32 to index
          %get3A_612 = arith.constant 0 : index
          %get3A_613 = tpu.vector_load %arg11[%get3A_611, %get3A_612] {strides = array<i32>} : memref<128x16xf32, #tpu.memory_space<vmem>>, vector<1x16xf32>,
          %get3A_614 = vector.shape_cast %get3A_613 : vector<1x16xf32> to vector<16xf32>
          %get3A_615 = arith.index_cast %add3A_605 : i32 to index
          %get3A_616 = arith.constant 0 : index
          %get3A_617 = tpu.vector_load %arg10[%get3A_615, %get3A_616] {strides = array<i32>} : memref<128x16xf32, #tpu.memory_space<vmem>>, vector<1x16xf32>,
          %get3A_618 = vector.shape_cast %get3A_617 : vector<1x16xf32> to vector<16xf32>
          %add3A_619 = arith.addf %get3A_614, %get3A_618 : vector<16xf32>
          %mul3A_620 = vector.broadcast %squeeze3A_610 : f32 to vector<16xf32>
          %mul3A_621 = arith.mulf %add3A_619, %mul3A_620 : vector<16xf32>
          %get3A_622 = arith.constant 1 : i32
          %get3A_623 = arith.index_cast %get3A_622 : i32 to index
          %get3A_624 = arith.index_cast %add3A_608 : i32 to index
          %get3A_625 = arith.constant 0 : index
          %get3A_626 = tpu.vector_load %arg13[%get3A_623, %get3A_624, %get3A_625] {strides = array<i32>} : memref<4x640x16xf32, #tpu.memory_space<vmem>>, vector<1x1x16xf32>,
          %get3A_627 = vector.shape_cast %get3A_626 : vector<1x1x16xf32> to vector<16xf32>
          %add3A_628 = arith.addf %mul3A_621, %get3A_627 : vector<16xf32>
          %swap3A_629 = arith.index_cast %add3A_605 : i32 to index
          %swap3A_630 = arith.constant 0 : index
          %swap3A_631 = tpu.vector_load %arg10[%swap3A_629, %swap3A_630] {strides = array<i32>} : memref<128x16xf32, #tpu.memory_space<vmem>>, vector<1x16xf32>,
          %swap3A_632 = vector.shape_cast %swap3A_631 : vector<1x16xf32> to vector<16xf32>
          %swap3A_633 = vector.shape_cast %add3A_628 : vector<16xf32> to vector<1x16xf32>
          tpu.vector_store %arg10[%swap3A_629, %swap3A_630], %swap3A_633 {strides = array<i32>} : memref<128x16xf32, #tpu.memory_space<vmem>>, vector<1x16xf32>,
          %mul3A_634 = arith.constant 16 : i32
          %mul3A_635 = arith.muli %scan3A_178, %mul3A_634 : i32
          %add3A_636 = arith.constant 14 : i32
          %add3A_637 = arith.addi %mul3A_635, %add3A_636 : i32
          %mul3A_638 = arith.constant 128 : i32
          %mul3A_639 = arith.muli %scan3A_164, %mul3A_638 : i32
          %add3A_640 = arith.addi %mul3A_639, %add3A_637 : i32
          %slice3A_641 = vector.extract_strided_slice %mul3A_188 {offsets = [14], sizes = [1], strides = [1]} : vector<16xf32> to vector<1xf32>
          %squeeze3A_642 = vector.extract %slice3A_641[0] : f32 from vector<1xf32>
          %get3A_643 = arith.index_cast %add3A_637 : i32 to index
          %get3A_644 = arith.constant 0 : index
          %get3A_645 = tpu.vector_load %arg11[%get3A_643, %get3A_644] {strides = array<i32>} : memref<128x16xf32, #tpu.memory_space<vmem>>, vector<1x16xf32>,
          %get3A_646 = vector.shape_cast %get3A_645 : vector<1x16xf32> to vector<16xf32>
          %get3A_647 = arith.index_cast %add3A_637 : i32 to index
          %get3A_648 = arith.constant 0 : index
          %get3A_649 = tpu.vector_load %arg10[%get3A_647, %get3A_648] {strides = array<i32>} : memref<128x16xf32, #tpu.memory_space<vmem>>, vector<1x16xf32>,
          %get3A_650 = vector.shape_cast %get3A_649 : vector<1x16xf32> to vector<16xf32>
          %add3A_651 = arith.addf %get3A_646, %get3A_650 : vector<16xf32>
          %mul3A_652 = vector.broadcast %squeeze3A_642 : f32 to vector<16xf32>
          %mul3A_653 = arith.mulf %add3A_651, %mul3A_652 : vector<16xf32>
          %get3A_654 = arith.constant 1 : i32
          %get3A_655 = arith.index_cast %get3A_654 : i32 to index
          %get3A_656 = arith.index_cast %add3A_640 : i32 to index
          %get3A_657 = arith.constant 0 : index
          %get3A_658 = tpu.vector_load %arg13[%get3A_655, %get3A_656, %get3A_657] {strides = array<i32>} : memref<4x640x16xf32, #tpu.memory_space<vmem>>, vector<1x1x16xf32>,
          %get3A_659 = vector.shape_cast %get3A_658 : vector<1x1x16xf32> to vector<16xf32>
          %add3A_660 = arith.addf %mul3A_653, %get3A_659 : vector<16xf32>
          %swap3A_661 = arith.index_cast %add3A_637 : i32 to index
          %swap3A_662 = arith.constant 0 : index
          %swap3A_663 = tpu.vector_load %arg10[%swap3A_661, %swap3A_662] {strides = array<i32>} : memref<128x16xf32, #tpu.memory_space<vmem>>, vector<1x16xf32>,
          %swap3A_664 = vector.shape_cast %swap3A_663 : vector<1x16xf32> to vector<16xf32>
          %swap3A_665 = vector.shape_cast %add3A_660 : vector<16xf32> to vector<1x16xf32>
          tpu.vector_store %arg10[%swap3A_661, %swap3A_662], %swap3A_665 {strides = array<i32>} : memref<128x16xf32, #tpu.memory_space<vmem>>, vector<1x16xf32>,
          %mul3A_666 = arith.constant 16 : i32
          %mul3A_667 = arith.muli %scan3A_178, %mul3A_666 : i32
          %add3A_668 = arith.constant 15 : i32
          %add3A_669 = arith.addi %mul3A_667, %add3A_668 : i32
          %mul3A_670 = arith.constant 128 : i32
          %mul3A_671 = arith.muli %scan3A_164, %mul3A_670 : i32
          %add3A_672 = arith.addi %mul3A_671, %add3A_669 : i32
          %slice3A_673 = vector.extract_strided_slice %mul3A_188 {offsets = [15], sizes = [1], strides = [1]} : vector<16xf32> to vector<1xf32>
          %squeeze3A_674 = vector.extract %slice3A_673[0] : f32 from vector<1xf32>
          %get3A_675 = arith.index_cast %add3A_669 : i32 to index
          %get3A_676 = arith.constant 0 : index
          %get3A_677 = tpu.vector_load %arg11[%get3A_675, %get3A_676] {strides = array<i32>} : memref<128x16xf32, #tpu.memory_space<vmem>>, vector<1x16xf32>,
          %get3A_678 = vector.shape_cast %get3A_677 : vector<1x16xf32> to vector<16xf32>
          %get3A_679 = arith.index_cast %add3A_669 : i32 to index
          %get3A_680 = arith.constant 0 : index
          %get3A_681 = tpu.vector_load %arg10[%get3A_679, %get3A_680] {strides = array<i32>} : memref<128x16xf32, #tpu.memory_space<vmem>>, vector<1x16xf32>,
          %get3A_682 = vector.shape_cast %get3A_681 : vector<1x16xf32> to vector<16xf32>
          %add3A_683 = arith.addf %get3A_678, %get3A_682 : vector<16xf32>
          %mul3A_684 = vector.broadcast %squeeze3A_674 : f32 to vector<16xf32>
          %mul3A_685 = arith.mulf %add3A_683, %mul3A_684 : vector<16xf32>
          %get3A_686 = arith.constant 1 : i32
          %get3A_687 = arith.index_cast %get3A_686 : i32 to index
          %get3A_688 = arith.index_cast %add3A_672 : i32 to index
          %get3A_689 = arith.constant 0 : index
          %get3A_690 = tpu.vector_load %arg13[%get3A_687, %get3A_688, %get3A_689] {strides = array<i32>} : memref<4x640x16xf32, #tpu.memory_space<vmem>>, vector<1x1x16xf32>,
          %get3A_691 = vector.shape_cast %get3A_690 : vector<1x1x16xf32> to vector<16xf32>
          %add3A_692 = arith.addf %mul3A_685, %get3A_691 : vector<16xf32>
          %swap3A_693 = arith.index_cast %add3A_669 : i32 to index
          %swap3A_694 = arith.constant 0 : index
          %swap3A_695 = tpu.vector_load %arg10[%swap3A_693, %swap3A_694] {strides = array<i32>} : memref<128x16xf32, #tpu.memory_space<vmem>>, vector<1x16xf32>,
          %swap3A_696 = vector.shape_cast %swap3A_695 : vector<1x16xf32> to vector<16xf32>
          %swap3A_697 = vector.shape_cast %add3A_692 : vector<16xf32> to vector<1x16xf32>
          tpu.vector_store %arg10[%swap3A_693, %swap3A_694], %swap3A_697 {strides = array<i32>} : memref<128x16xf32, #tpu.memory_space<vmem>>, vector<1x16xf32>,
        }
        %scan3A_177 = arith.constant 8 : i32
        "tpu.region"() ({
          %run_scoped3A_178 = tpu.sem_alloc : memref<!tpu.dma_semaphore, #tpu.memory_space<semaphore_mem>>
          %dma_start3A = arith.constant 0 : i32
          %dma_start3A_179 = tpu.memref_slice %arg6[%add3A_171, %dma_start3A] : memref<81920x16xf32, #tpu.memory_space<hbm>> -> memref<128x16xf32, #tpu.memory_space<hbm>>
          %dma_start3A_180 = arith.constant 0 : i32
          %dma_start3A_181 = tpu.memref_slice %arg6[%add3A_171, %dma_start3A_180] : memref<81920x16xf32, #tpu.memory_space<hbm>> -> memref<128x16xf32, #tpu.memory_space<hbm>>
          tpu.enqueue_dma source(%arg10 : memref<128x16xf32, #tpu.memory_space<vmem>>) target(%dma_start3A_181 : memref<128x16xf32, #tpu.memory_space<hbm>>) target_semaphore(%run_scoped3A_178 : memref<!tpu.dma_semaphore, #tpu.memory_space<semaphore_mem>>)
          %dma_wait3A = arith.constant 0 : i32
          %dma_wait3A_182 = tpu.memref_slice %arg6[%add3A_171, %dma_wait3A] : memref<81920x16xf32, #tpu.memory_space<hbm>> -> memref<128x16xf32, #tpu.memory_space<hbm>>
          %dma_wait3A_183 = arith.constant 0 : i32
          %dma_wait3A_184 = tpu.memref_slice %arg6[%add3A_171, %dma_wait3A_183] : memref<81920x16xf32, #tpu.memory_space<hbm>> -> memref<128x16xf32, #tpu.memory_space<hbm>>
          tpu.wait_dma2 semaphore(%run_scoped3A_178 : memref<!tpu.dma_semaphore, #tpu.memory_space<semaphore_mem>>) src(%arg10 : memref<128x16xf32, #tpu.memory_space<vmem>>) dst(%dma_wait3A_184 : memref<128x16xf32, #tpu.memory_space<hbm>>)
          tpu.yield
        }) : () -> ()
        "tpu.region"() ({
          %run_scoped3A_178 = tpu.sem_alloc : memref<!tpu.dma_semaphore, #tpu.memory_space<semaphore_mem>>
          %dma_start3A = arith.constant 0 : i32
          %dma_start3A_179 = tpu.memref_slice %arg15[%add3A_167, %dma_start3A] : memref<10240x16xf32, #tpu.memory_space<vmem_shared>> -> memref<128x16xf32, #tpu.memory_space<vmem_shared>>
          %dma_start3A_180 = arith.constant 0 : i32
          %dma_start3A_181 = tpu.memref_slice %arg15[%add3A_167, %dma_start3A_180] : memref<10240x16xf32, #tpu.memory_space<vmem_shared>> -> memref<128x16xf32, #tpu.memory_space<vmem_shared>>
          tpu.enqueue_dma source(%arg12 : memref<128x16xf32, #tpu.memory_space<vmem>>) target(%dma_start3A_181 : memref<128x16xf32, #tpu.memory_space<vmem_shared>>) target_semaphore(%run_scoped3A_178 : memref<!tpu.dma_semaphore, #tpu.memory_space<semaphore_mem>>)
          %dma_wait3A = arith.constant 0 : i32
          %dma_wait3A_182 = tpu.memref_slice %arg15[%add3A_167, %dma_wait3A] : memref<10240x16xf32, #tpu.memory_space<vmem_shared>> -> memref<128x16xf32, #tpu.memory_space<vmem_shared>>
          %dma_wait3A_183 = arith.constant 0 : i32
          %dma_wait3A_184 = tpu.memref_slice %arg15[%add3A_167, %dma_wait3A_183] : memref<10240x16xf32, #tpu.memory_space<vmem_shared>> -> memref<128x16xf32, #tpu.memory_space<vmem_shared>>
          tpu.wait_dma2 semaphore(%run_scoped3A_178 : memref<!tpu.dma_semaphore, #tpu.memory_space<semaphore_mem>>) src(%arg12 : memref<128x16xf32, #tpu.memory_space<vmem>>) dst(%dma_wait3A_184 : memref<128x16xf32, #tpu.memory_space<vmem_shared>>)
          tpu.yield
        }) : () -> ()
      }
      %scan3A_162 = arith.constant 5 : i32
      %barrier3A_163 = arith.constant 0 : index
      tpu.barrier barrier_id(%barrier3A_163)
    }
    %scan3A_98 = arith.constant 10 : i32
    %mul3A_99 = arith.constant 4 : i32
    %mul3A_100 = arith.muli %arg0, %mul3A_99 : i32
    %add3A_101 = arith.constant 2 : i32
    %add3A_102 = arith.addi %mul3A_100, %add3A_101 : i32
    %mul3A_103 = arith.constant 10240 : i32
    %mul3A_104 = arith.muli %add3A_102, %mul3A_103 : i32
    %scan3A_105 = arith.constant 0 : i32
    %scan3A_106 = arith.constant 0 : i32
    %scan3A_107 = arith.constant 1296 : i32
    %scan3A_108 = arith.addi %scan3A_106, %scan3A_107 : i32
    %scan3A_109 = arith.constant 1 : i32
    scf.for %scan3A_149 = %scan3A_106 to %scan3A_108 step %scan3A_109  : i32 {
      %jit3A = arith.constant 8 : i32
      %div3A = arith.divsi %scan3A_149, %jit3A : i32
      %sign3A = arith.constant 0 : i32
      %sign3A_150 = arith.cmpi sgt, %scan3A_149, %sign3A : i32
      %sign3A_151 = arith.extui %sign3A_150 : i1 to i32
      %sign3A_152 = arith.constant 0 : i32
      %sign3A_153 = arith.cmpi slt, %scan3A_149, %sign3A_152 : i32
      %sign3A_154 = arith.extui %sign3A_153 : i1 to i32
      %sign3A_155 = arith.subi %sign3A_151, %sign3A_154 : i32
      %sign3A_156 = arith.constant 0 : i32
      %sign3A_157 = arith.cmpi sgt, %jit3A, %sign3A_156 : i32
      %sign3A_158 = arith.extui %sign3A_157 : i1 to i32
      %sign3A_159 = arith.constant 0 : i32
      %sign3A_160 = arith.cmpi slt, %jit3A, %sign3A_159 : i32
      %sign3A_161 = arith.extui %sign3A_160 : i1 to i32
      %sign3A_162 = arith.subi %sign3A_158, %sign3A_161 : i32
      %ne3A = arith.cmpi ne, %sign3A_155, %sign3A_162 : i32
      %rem3A = arith.remsi %scan3A_149, %jit3A : i32
      %ne3A_163 = arith.constant 0 : i32
      %ne3A_164 = arith.cmpi ne, %rem3A, %ne3A_163 : i32
      %and3A = arith.andi %ne3A, %ne3A_164 : i1
      %sub3A = arith.constant 1 : i32
      %sub3A_165 = arith.subi %div3A, %sub3A : i32
      %select_n3A = arith.select %and3A, %sub3A_165, %div3A : i32
      %jit3A_166 = arith.constant 8 : i32
      %eq3A = arith.constant 0 : i32
      %eq3A_167 = arith.cmpi eq, %jit3A_166, %eq3A : i32
      %jit3A_168 = arith.constant 1 : i32
      %select_n3A_169 = arith.select %eq3A_167, %jit3A_168, %jit3A_166 : i32
      %rem3A_170 = arith.remsi %scan3A_149, %select_n3A_169 : i32
      %ne3A_171 = arith.constant 0 : i32
      %ne3A_172 = arith.cmpi ne, %rem3A_170, %ne3A_171 : i32
      %lt3A = arith.constant 0 : i32
      %lt3A_173 = arith.cmpi slt, %rem3A_170, %lt3A : i32
      %lt3A_174 = arith.constant 0 : i32
      %lt3A_175 = arith.cmpi slt, %select_n3A_169, %lt3A_174 : i32
      %ne3A_176 = arith.xori %lt3A_173, %lt3A_175 : i1
      %and3A_177 = arith.andi %ne3A_176, %ne3A_172 : i1
      %add3A_178 = arith.addi %rem3A_170, %select_n3A_169 : i32
      %select_n3A_179 = arith.select %and3A_177, %add3A_178, %rem3A_170 : i32
      %mul3A_180 = arith.constant 16 : i32
      %mul3A_181 = arith.muli %select_n3A_179, %mul3A_180 : i32
      %get3A = arith.index_cast %select_n3A : i32 to index
      %get3A_182 = arith.index_cast %mul3A_181 : i32 to index
      %get3A_183 = tpu.vector_load %arg7[%get3A, %get3A_182] {strides = array<i32>} : memref<162x128xi32, #tpu.memory_space<vmem>>, vector<1x16xi32>,
      %get3A_184 = vector.shape_cast %get3A_183 : vector<1x16xi32> to vector<16xi32>
      %add3A_185 = arith.constant 10240 : i32
      %add3A_186 = vector.broadcast %add3A_185 : i32 to vector<16xi32>
      %add3A_187 = arith.addi %get3A_184, %add3A_186 : vector<16xi32>
      %swap3A = arith.index_cast %select_n3A : i32 to index
      %swap3A_188 = arith.index_cast %mul3A_181 : i32 to index
      %swap3A_189 = tpu.vector_load %arg7[%swap3A, %swap3A_188] {strides = array<i32>} : memref<162x128xi32, #tpu.memory_space<vmem>>, vector<1x16xi32>,
      %swap3A_190 = vector.shape_cast %swap3A_189 : vector<1x16xi32> to vector<16xi32>
      %swap3A_191 = vector.shape_cast %add3A_187 : vector<16xi32> to vector<1x16xi32>
      tpu.vector_store %arg7[%swap3A, %swap3A_188], %swap3A_191 {strides = array<i32>} : memref<162x128xi32, #tpu.memory_space<vmem>>, vector<1x16xi32>,
    }
    %scan3A_110 = arith.constant 1296 : i32
    %scan3A_111 = arith.constant 0 : i32
    %scan3A_112 = arith.constant 0 : i32
    %scan3A_113 = arith.constant 5 : i32
    %scan3A_114 = arith.addi %scan3A_112, %scan3A_113 : i32
    %scan3A_115 = arith.constant 1 : i32
    scf.for %scan3A_149 = %scan3A_112 to %scan3A_114 step %scan3A_115  : i32 {
      %mul3A_150 = arith.constant 128 : i32
      %mul3A_151 = arith.muli %scan3A_149, %mul3A_150 : i32
      %add3A_152 = arith.addi %mul3A_0, %mul3A_151 : i32
      "tpu.region"() ({
        %run_scoped3A_153 = tpu.sem_alloc : memref<!tpu.dma_semaphore, #tpu.memory_space<semaphore_mem>>
        %dma_start3A = arith.constant 0 : i32
        %dma_start3A_154 = tpu.memref_slice %arg15[%add3A_152, %dma_start3A] : memref<10240x16xf32, #tpu.memory_space<vmem_shared>> -> memref<128x16xf32, #tpu.memory_space<vmem_shared>>
        %dma_start3A_155 = arith.constant 0 : i32
        %dma_start3A_156 = tpu.memref_slice %arg15[%add3A_152, %dma_start3A_155] : memref<10240x16xf32, #tpu.memory_space<vmem_shared>> -> memref<128x16xf32, #tpu.memory_space<vmem_shared>>
        tpu.enqueue_dma source(%arg12 : memref<128x16xf32, #tpu.memory_space<vmem>>) target(%dma_start3A_156 : memref<128x16xf32, #tpu.memory_space<vmem_shared>>) target_semaphore(%run_scoped3A_153 : memref<!tpu.dma_semaphore, #tpu.memory_space<semaphore_mem>>)
        %dma_wait3A = arith.constant 0 : i32
        %dma_wait3A_157 = tpu.memref_slice %arg15[%add3A_152, %dma_wait3A] : memref<10240x16xf32, #tpu.memory_space<vmem_shared>> -> memref<128x16xf32, #tpu.memory_space<vmem_shared>>
        %dma_wait3A_158 = arith.constant 0 : i32
        %dma_wait3A_159 = tpu.memref_slice %arg15[%add3A_152, %dma_wait3A_158] : memref<10240x16xf32, #tpu.memory_space<vmem_shared>> -> memref<128x16xf32, #tpu.memory_space<vmem_shared>>
        tpu.wait_dma2 semaphore(%run_scoped3A_153 : memref<!tpu.dma_semaphore, #tpu.memory_space<semaphore_mem>>) src(%arg12 : memref<128x16xf32, #tpu.memory_space<vmem>>) dst(%dma_wait3A_159 : memref<128x16xf32, #tpu.memory_space<vmem_shared>>)
        tpu.yield
      }) : () -> ()
    }
    %scan3A_116 = arith.constant 5 : i32
    %barrier3A_117 = arith.constant 0 : index
    tpu.barrier barrier_id(%barrier3A_117)
    %scan3A_118 = arith.constant 0 : i32
    %scan3A_119 = arith.constant 0 : i32
    %scan3A_120 = arith.constant 10 : i32
    %scan3A_121 = arith.addi %scan3A_119, %scan3A_120 : i32
    %scan3A_122 = arith.constant 1 : i32
    scf.for %scan3A_149 = %scan3A_119 to %scan3A_121 step %scan3A_122  : i32 {
      %scan3A_150 = arith.constant 0 : i32
      %scan3A_151 = arith.constant 0 : i32
      %scan3A_152 = arith.constant 162 : i32
      %scan3A_153 = arith.addi %scan3A_151, %scan3A_152 : i32
      %scan3A_154 = arith.constant 1 : i32
      scf.for %scan3A_164 = %scan3A_151 to %scan3A_153 step %scan3A_154  : i32 {
        "tpu.region"() ({
          %run_scoped3A_165 = tpu.sem_alloc : memref<!tpu.dma_semaphore, #tpu.memory_space<semaphore_mem>>
          %dma_start3A = arith.constant 0 : i32
          %dma_start3A_166 = tpu.memref_slice %arg7[%scan3A_164, %dma_start3A] : memref<162x128xi32, #tpu.memory_space<vmem>> -> memref<1x128xi32, #tpu.memory_space<vmem>>
          %dma_start3A_167 = tpu.memref_squeeze %dma_start3A_166 : memref<1x128xi32, #tpu.memory_space<vmem>> -> memref<128xi32, #tpu.memory_space<vmem>>
          %dma_start3A_168 = arith.constant 0 : i32
          %dma_start3A_169 = arith.constant 0 : i32
          %dma_start3A_170 = tpu.memref_slice %arg6[%dma_start3A_168, %dma_start3A_169] : memref<81920x16xf32, #tpu.memory_space<hbm>> -> memref<81920x16xf32, #tpu.memory_space<hbm>>
          tpu.enqueue_indirect_dma source(%dma_start3A_170 : memref<81920x16xf32, #tpu.memory_space<hbm>>) target(%arg9 : memref<128x16xf32, #tpu.memory_space<vmem>>) offsets(%dma_start3A_167 : memref<128xi32, #tpu.memory_space<vmem>>) semaphore(%run_scoped3A_165 : memref<!tpu.dma_semaphore, #tpu.memory_space<semaphore_mem>>)
          %dma_wait3A = arith.constant 0 : i32
          %dma_wait3A_171 = tpu.memref_slice %arg7[%scan3A_164, %dma_wait3A] : memref<162x128xi32, #tpu.memory_space<vmem>> -> memref<1x128xi32, #tpu.memory_space<vmem>>
          %dma_wait3A_172 = tpu.memref_squeeze %dma_wait3A_171 : memref<1x128xi32, #tpu.memory_space<vmem>> -> memref<128xi32, #tpu.memory_space<vmem>>
          %dma_wait3A_173 = arith.constant 0 : i32
          %dma_wait3A_174 = arith.constant 0 : i32
          %dma_wait3A_175 = tpu.memref_slice %arg6[%dma_wait3A_173, %dma_wait3A_174] : memref<81920x16xf32, #tpu.memory_space<hbm>> -> memref<81920x16xf32, #tpu.memory_space<hbm>>
          tpu.wait_indirect_dma semaphore(%run_scoped3A_165 : memref<!tpu.dma_semaphore, #tpu.memory_space<semaphore_mem>>) src(%dma_wait3A_175 : memref<81920x16xf32, #tpu.memory_space<hbm>>) dst(%arg9 : memref<128x16xf32, #tpu.memory_space<vmem>>)
          tpu.yield
        }) : () -> ()
        "tpu.region"() ({
          %run_scoped3A_165 = tpu.sem_alloc : memref<!tpu.dma_semaphore, #tpu.memory_space<semaphore_mem>>
          %dma_start3A = arith.constant 0 : i32
          %dma_start3A_166 = tpu.memref_slice %arg8[%scan3A_164, %dma_start3A] : memref<162x128xi32, #tpu.memory_space<vmem>> -> memref<1x128xi32, #tpu.memory_space<vmem>>
          %dma_start3A_167 = tpu.memref_squeeze %dma_start3A_166 : memref<1x128xi32, #tpu.memory_space<vmem>> -> memref<128xi32, #tpu.memory_space<vmem>>
          %dma_start3A_168 = arith.constant 0 : i32
          %dma_start3A_169 = arith.constant 0 : i32
          %dma_start3A_170 = tpu.memref_slice %arg15[%dma_start3A_168, %dma_start3A_169] : memref<10240x16xf32, #tpu.memory_space<vmem_shared>> -> memref<10240x16xf32, #tpu.memory_space<vmem_shared>>
          tpu.enqueue_indirect_dma source(%arg9 : memref<128x16xf32, #tpu.memory_space<vmem>>) target(%dma_start3A_170 : memref<10240x16xf32, #tpu.memory_space<vmem_shared>>) offsets(%dma_start3A_167 : memref<128xi32, #tpu.memory_space<vmem>>) semaphore(%run_scoped3A_165 : memref<!tpu.dma_semaphore, #tpu.memory_space<semaphore_mem>>) {add = true}
          %dma_wait3A = arith.constant 0 : i32
          %dma_wait3A_171 = tpu.memref_slice %arg8[%scan3A_164, %dma_wait3A] : memref<162x128xi32, #tpu.memory_space<vmem>> -> memref<1x128xi32, #tpu.memory_space<vmem>>
          %dma_wait3A_172 = tpu.memref_squeeze %dma_wait3A_171 : memref<1x128xi32, #tpu.memory_space<vmem>> -> memref<128xi32, #tpu.memory_space<vmem>>
          %dma_wait3A_173 = arith.constant 0 : i32
          %dma_wait3A_174 = arith.constant 0 : i32
          %dma_wait3A_175 = tpu.memref_slice %arg15[%dma_wait3A_173, %dma_wait3A_174] : memref<10240x16xf32, #tpu.memory_space<vmem_shared>> -> memref<10240x16xf32, #tpu.memory_space<vmem_shared>>
          tpu.wait_indirect_dma semaphore(%run_scoped3A_165 : memref<!tpu.dma_semaphore, #tpu.memory_space<semaphore_mem>>) src(%arg9 : memref<128x16xf32, #tpu.memory_space<vmem>>) dst(%dma_wait3A_175 : memref<10240x16xf32, #tpu.memory_space<vmem_shared>>)
          tpu.yield
        }) : () -> ()
      }
      %scan3A_155 = arith.constant 162 : i32
      %barrier3A_156 = arith.constant 0 : index
      tpu.barrier barrier_id(%barrier3A_156)
      %scan3A_157 = arith.constant 0 : i32
      %scan3A_158 = arith.constant 0 : i32
      %scan3A_159 = arith.constant 5 : i32
      %scan3A_160 = arith.addi %scan3A_158, %scan3A_159 : i32
      %scan3A_161 = arith.constant 1 : i32
      scf.for %scan3A_164 = %scan3A_158 to %scan3A_160 step %scan3A_161  : i32 {
        %mul3A_165 = arith.constant 128 : i32
        %mul3A_166 = arith.muli %scan3A_164, %mul3A_165 : i32
        %add3A_167 = arith.addi %mul3A_0, %mul3A_166 : i32
        %add3A_168 = arith.addi %mul3A_104, %mul3A_0 : i32
        %mul3A_169 = arith.constant 128 : i32
        %mul3A_170 = arith.muli %scan3A_164, %mul3A_169 : i32
        %add3A_171 = arith.addi %add3A_168, %mul3A_170 : i32
        "tpu.region"() ({
          %run_scoped3A_178 = tpu.sem_alloc : memref<!tpu.dma_semaphore, #tpu.memory_space<semaphore_mem>>
          %dma_start3A = arith.constant 0 : i32
          %dma_start3A_179 = tpu.memref_slice %arg6[%add3A_171, %dma_start3A] : memref<81920x16xf32, #tpu.memory_space<hbm>> -> memref<128x16xf32, #tpu.memory_space<hbm>>
          %dma_start3A_180 = arith.constant 0 : i32
          %dma_start3A_181 = tpu.memref_slice %arg6[%add3A_171, %dma_start3A_180] : memref<81920x16xf32, #tpu.memory_space<hbm>> -> memref<128x16xf32, #tpu.memory_space<hbm>>
          tpu.enqueue_dma source(%dma_start3A_181 : memref<128x16xf32, #tpu.memory_space<hbm>>) target(%arg10 : memref<128x16xf32, #tpu.memory_space<vmem>>) target_semaphore(%run_scoped3A_178 : memref<!tpu.dma_semaphore, #tpu.memory_space<semaphore_mem>>)
          %dma_wait3A = arith.constant 0 : i32
          %dma_wait3A_182 = tpu.memref_slice %arg6[%add3A_171, %dma_wait3A] : memref<81920x16xf32, #tpu.memory_space<hbm>> -> memref<128x16xf32, #tpu.memory_space<hbm>>
          %dma_wait3A_183 = arith.constant 0 : i32
          %dma_wait3A_184 = tpu.memref_slice %arg6[%add3A_171, %dma_wait3A_183] : memref<81920x16xf32, #tpu.memory_space<hbm>> -> memref<128x16xf32, #tpu.memory_space<hbm>>
          tpu.wait_dma2 semaphore(%run_scoped3A_178 : memref<!tpu.dma_semaphore, #tpu.memory_space<semaphore_mem>>) src(%dma_wait3A_184 : memref<128x16xf32, #tpu.memory_space<hbm>>) dst(%arg10 : memref<128x16xf32, #tpu.memory_space<vmem>>)
          tpu.yield
        }) : () -> ()
        "tpu.region"() ({
          %run_scoped3A_178 = tpu.sem_alloc : memref<!tpu.dma_semaphore, #tpu.memory_space<semaphore_mem>>
          %dma_start3A = arith.constant 0 : i32
          %dma_start3A_179 = tpu.memref_slice %arg15[%add3A_167, %dma_start3A] : memref<10240x16xf32, #tpu.memory_space<vmem_shared>> -> memref<128x16xf32, #tpu.memory_space<vmem_shared>>
          %dma_start3A_180 = arith.constant 0 : i32
          %dma_start3A_181 = tpu.memref_slice %arg15[%add3A_167, %dma_start3A_180] : memref<10240x16xf32, #tpu.memory_space<vmem_shared>> -> memref<128x16xf32, #tpu.memory_space<vmem_shared>>
          tpu.enqueue_dma source(%dma_start3A_181 : memref<128x16xf32, #tpu.memory_space<vmem_shared>>) target(%arg11 : memref<128x16xf32, #tpu.memory_space<vmem>>) target_semaphore(%run_scoped3A_178 : memref<!tpu.dma_semaphore, #tpu.memory_space<semaphore_mem>>)
          %dma_wait3A = arith.constant 0 : i32
          %dma_wait3A_182 = tpu.memref_slice %arg15[%add3A_167, %dma_wait3A] : memref<10240x16xf32, #tpu.memory_space<vmem_shared>> -> memref<128x16xf32, #tpu.memory_space<vmem_shared>>
          %dma_wait3A_183 = arith.constant 0 : i32
          %dma_wait3A_184 = tpu.memref_slice %arg15[%add3A_167, %dma_wait3A_183] : memref<10240x16xf32, #tpu.memory_space<vmem_shared>> -> memref<128x16xf32, #tpu.memory_space<vmem_shared>>
          tpu.wait_dma2 semaphore(%run_scoped3A_178 : memref<!tpu.dma_semaphore, #tpu.memory_space<semaphore_mem>>) src(%dma_wait3A_184 : memref<128x16xf32, #tpu.memory_space<vmem_shared>>) dst(%arg11 : memref<128x16xf32, #tpu.memory_space<vmem>>)
          tpu.yield
        }) : () -> ()
        %scan3A_172 = arith.constant 0 : i32
        %scan3A_173 = arith.constant 0 : i32
        %scan3A_174 = arith.constant 8 : i32
        %scan3A_175 = arith.addi %scan3A_173, %scan3A_174 : i32
        %scan3A_176 = arith.constant 1 : i32
        scf.for %scan3A_178 = %scan3A_173 to %scan3A_175 step %scan3A_176  : i32 {
          %mul3A_179 = arith.constant 128 : i32
          %mul3A_180 = arith.muli %scan3A_164, %mul3A_179 : i32
          %mul3A_181 = arith.constant 16 : i32
          %mul3A_182 = arith.muli %scan3A_178, %mul3A_181 : i32
          %add3A_183 = arith.addi %mul3A_180, %mul3A_182 : i32
          %get3A = arith.index_cast %add3A_183 : i32 to index
          %get3A_184 = tpu.vector_load %arg14[%get3A] {strides = array<i32>} : memref<640xf32, #tpu.memory_space<vmem>>, vector<16xf32>,
          %get3A_185 = vector.shape_cast %get3A_184 : vector<16xf32> to vector<16xf32>
          %mul3A_186 = arith.constant 0.899999976 : f32
          %mul3A_187 = vector.broadcast %mul3A_186 : f32 to vector<16xf32>
          %mul3A_188 = arith.mulf %get3A_185, %mul3A_187 : vector<16xf32>
          %mul3A_189 = arith.constant 16 : i32
          %mul3A_190 = arith.muli %scan3A_178, %mul3A_189 : i32
          %add3A_191 = arith.constant 0 : i32
          %add3A_192 = arith.addi %mul3A_190, %add3A_191 : i32
          %mul3A_193 = arith.constant 128 : i32
          %mul3A_194 = arith.muli %scan3A_164, %mul3A_193 : i32
          %add3A_195 = arith.addi %mul3A_194, %add3A_192 : i32
          %slice3A = vector.extract_strided_slice %mul3A_188 {offsets = [0], sizes = [1], strides = [1]} : vector<16xf32> to vector<1xf32>
          %squeeze3A = vector.extract %slice3A[0] : f32 from vector<1xf32>
          %get3A_196 = arith.index_cast %add3A_192 : i32 to index
          %get3A_197 = arith.constant 0 : index
          %get3A_198 = tpu.vector_load %arg11[%get3A_196, %get3A_197] {strides = array<i32>} : memref<128x16xf32, #tpu.memory_space<vmem>>, vector<1x16xf32>,
          %get3A_199 = vector.shape_cast %get3A_198 : vector<1x16xf32> to vector<16xf32>
          %get3A_200 = arith.index_cast %add3A_192 : i32 to index
          %get3A_201 = arith.constant 0 : index
          %get3A_202 = tpu.vector_load %arg10[%get3A_200, %get3A_201] {strides = array<i32>} : memref<128x16xf32, #tpu.memory_space<vmem>>, vector<1x16xf32>,
          %get3A_203 = vector.shape_cast %get3A_202 : vector<1x16xf32> to vector<16xf32>
          %add3A_204 = arith.addf %get3A_199, %get3A_203 : vector<16xf32>
          %mul3A_205 = vector.broadcast %squeeze3A : f32 to vector<16xf32>
          %mul3A_206 = arith.mulf %add3A_204, %mul3A_205 : vector<16xf32>
          %get3A_207 = arith.constant 2 : i32
          %get3A_208 = arith.index_cast %get3A_207 : i32 to index
          %get3A_209 = arith.index_cast %add3A_195 : i32 to index
          %get3A_210 = arith.constant 0 : index
          %get3A_211 = tpu.vector_load %arg13[%get3A_208, %get3A_209, %get3A_210] {strides = array<i32>} : memref<4x640x16xf32, #tpu.memory_space<vmem>>, vector<1x1x16xf32>,
          %get3A_212 = vector.shape_cast %get3A_211 : vector<1x1x16xf32> to vector<16xf32>
          %add3A_213 = arith.addf %mul3A_206, %get3A_212 : vector<16xf32>
          %swap3A = arith.index_cast %add3A_192 : i32 to index
          %swap3A_214 = arith.constant 0 : index
          %swap3A_215 = tpu.vector_load %arg10[%swap3A, %swap3A_214] {strides = array<i32>} : memref<128x16xf32, #tpu.memory_space<vmem>>, vector<1x16xf32>,
          %swap3A_216 = vector.shape_cast %swap3A_215 : vector<1x16xf32> to vector<16xf32>
          %swap3A_217 = vector.shape_cast %add3A_213 : vector<16xf32> to vector<1x16xf32>
          tpu.vector_store %arg10[%swap3A, %swap3A_214], %swap3A_217 {strides = array<i32>} : memref<128x16xf32, #tpu.memory_space<vmem>>, vector<1x16xf32>,
          %mul3A_218 = arith.constant 16 : i32
          %mul3A_219 = arith.muli %scan3A_178, %mul3A_218 : i32
          %add3A_220 = arith.constant 1 : i32
          %add3A_221 = arith.addi %mul3A_219, %add3A_220 : i32
          %mul3A_222 = arith.constant 128 : i32
          %mul3A_223 = arith.muli %scan3A_164, %mul3A_222 : i32
          %add3A_224 = arith.addi %mul3A_223, %add3A_221 : i32
          %slice3A_225 = vector.extract_strided_slice %mul3A_188 {offsets = [1], sizes = [1], strides = [1]} : vector<16xf32> to vector<1xf32>
          %squeeze3A_226 = vector.extract %slice3A_225[0] : f32 from vector<1xf32>
          %get3A_227 = arith.index_cast %add3A_221 : i32 to index
          %get3A_228 = arith.constant 0 : index
          %get3A_229 = tpu.vector_load %arg11[%get3A_227, %get3A_228] {strides = array<i32>} : memref<128x16xf32, #tpu.memory_space<vmem>>, vector<1x16xf32>,
          %get3A_230 = vector.shape_cast %get3A_229 : vector<1x16xf32> to vector<16xf32>
          %get3A_231 = arith.index_cast %add3A_221 : i32 to index
          %get3A_232 = arith.constant 0 : index
          %get3A_233 = tpu.vector_load %arg10[%get3A_231, %get3A_232] {strides = array<i32>} : memref<128x16xf32, #tpu.memory_space<vmem>>, vector<1x16xf32>,
          %get3A_234 = vector.shape_cast %get3A_233 : vector<1x16xf32> to vector<16xf32>
          %add3A_235 = arith.addf %get3A_230, %get3A_234 : vector<16xf32>
          %mul3A_236 = vector.broadcast %squeeze3A_226 : f32 to vector<16xf32>
          %mul3A_237 = arith.mulf %add3A_235, %mul3A_236 : vector<16xf32>
          %get3A_238 = arith.constant 2 : i32
          %get3A_239 = arith.index_cast %get3A_238 : i32 to index
          %get3A_240 = arith.index_cast %add3A_224 : i32 to index
          %get3A_241 = arith.constant 0 : index
          %get3A_242 = tpu.vector_load %arg13[%get3A_239, %get3A_240, %get3A_241] {strides = array<i32>} : memref<4x640x16xf32, #tpu.memory_space<vmem>>, vector<1x1x16xf32>,
          %get3A_243 = vector.shape_cast %get3A_242 : vector<1x1x16xf32> to vector<16xf32>
          %add3A_244 = arith.addf %mul3A_237, %get3A_243 : vector<16xf32>
          %swap3A_245 = arith.index_cast %add3A_221 : i32 to index
          %swap3A_246 = arith.constant 0 : index
          %swap3A_247 = tpu.vector_load %arg10[%swap3A_245, %swap3A_246] {strides = array<i32>} : memref<128x16xf32, #tpu.memory_space<vmem>>, vector<1x16xf32>,
          %swap3A_248 = vector.shape_cast %swap3A_247 : vector<1x16xf32> to vector<16xf32>
          %swap3A_249 = vector.shape_cast %add3A_244 : vector<16xf32> to vector<1x16xf32>
          tpu.vector_store %arg10[%swap3A_245, %swap3A_246], %swap3A_249 {strides = array<i32>} : memref<128x16xf32, #tpu.memory_space<vmem>>, vector<1x16xf32>,
          %mul3A_250 = arith.constant 16 : i32
          %mul3A_251 = arith.muli %scan3A_178, %mul3A_250 : i32
          %add3A_252 = arith.constant 2 : i32
          %add3A_253 = arith.addi %mul3A_251, %add3A_252 : i32
          %mul3A_254 = arith.constant 128 : i32
          %mul3A_255 = arith.muli %scan3A_164, %mul3A_254 : i32
          %add3A_256 = arith.addi %mul3A_255, %add3A_253 : i32
          %slice3A_257 = vector.extract_strided_slice %mul3A_188 {offsets = [2], sizes = [1], strides = [1]} : vector<16xf32> to vector<1xf32>
          %squeeze3A_258 = vector.extract %slice3A_257[0] : f32 from vector<1xf32>
          %get3A_259 = arith.index_cast %add3A_253 : i32 to index
          %get3A_260 = arith.constant 0 : index
          %get3A_261 = tpu.vector_load %arg11[%get3A_259, %get3A_260] {strides = array<i32>} : memref<128x16xf32, #tpu.memory_space<vmem>>, vector<1x16xf32>,
          %get3A_262 = vector.shape_cast %get3A_261 : vector<1x16xf32> to vector<16xf32>
          %get3A_263 = arith.index_cast %add3A_253 : i32 to index
          %get3A_264 = arith.constant 0 : index
          %get3A_265 = tpu.vector_load %arg10[%get3A_263, %get3A_264] {strides = array<i32>} : memref<128x16xf32, #tpu.memory_space<vmem>>, vector<1x16xf32>,
          %get3A_266 = vector.shape_cast %get3A_265 : vector<1x16xf32> to vector<16xf32>
          %add3A_267 = arith.addf %get3A_262, %get3A_266 : vector<16xf32>
          %mul3A_268 = vector.broadcast %squeeze3A_258 : f32 to vector<16xf32>
          %mul3A_269 = arith.mulf %add3A_267, %mul3A_268 : vector<16xf32>
          %get3A_270 = arith.constant 2 : i32
          %get3A_271 = arith.index_cast %get3A_270 : i32 to index
          %get3A_272 = arith.index_cast %add3A_256 : i32 to index
          %get3A_273 = arith.constant 0 : index
          %get3A_274 = tpu.vector_load %arg13[%get3A_271, %get3A_272, %get3A_273] {strides = array<i32>} : memref<4x640x16xf32, #tpu.memory_space<vmem>>, vector<1x1x16xf32>,
          %get3A_275 = vector.shape_cast %get3A_274 : vector<1x1x16xf32> to vector<16xf32>
          %add3A_276 = arith.addf %mul3A_269, %get3A_275 : vector<16xf32>
          %swap3A_277 = arith.index_cast %add3A_253 : i32 to index
          %swap3A_278 = arith.constant 0 : index
          %swap3A_279 = tpu.vector_load %arg10[%swap3A_277, %swap3A_278] {strides = array<i32>} : memref<128x16xf32, #tpu.memory_space<vmem>>, vector<1x16xf32>,
          %swap3A_280 = vector.shape_cast %swap3A_279 : vector<1x16xf32> to vector<16xf32>
          %swap3A_281 = vector.shape_cast %add3A_276 : vector<16xf32> to vector<1x16xf32>
          tpu.vector_store %arg10[%swap3A_277, %swap3A_278], %swap3A_281 {strides = array<i32>} : memref<128x16xf32, #tpu.memory_space<vmem>>, vector<1x16xf32>,
          %mul3A_282 = arith.constant 16 : i32
          %mul3A_283 = arith.muli %scan3A_178, %mul3A_282 : i32
          %add3A_284 = arith.constant 3 : i32
          %add3A_285 = arith.addi %mul3A_283, %add3A_284 : i32
          %mul3A_286 = arith.constant 128 : i32
          %mul3A_287 = arith.muli %scan3A_164, %mul3A_286 : i32
          %add3A_288 = arith.addi %mul3A_287, %add3A_285 : i32
          %slice3A_289 = vector.extract_strided_slice %mul3A_188 {offsets = [3], sizes = [1], strides = [1]} : vector<16xf32> to vector<1xf32>
          %squeeze3A_290 = vector.extract %slice3A_289[0] : f32 from vector<1xf32>
          %get3A_291 = arith.index_cast %add3A_285 : i32 to index
          %get3A_292 = arith.constant 0 : index
          %get3A_293 = tpu.vector_load %arg11[%get3A_291, %get3A_292] {strides = array<i32>} : memref<128x16xf32, #tpu.memory_space<vmem>>, vector<1x16xf32>,
          %get3A_294 = vector.shape_cast %get3A_293 : vector<1x16xf32> to vector<16xf32>
          %get3A_295 = arith.index_cast %add3A_285 : i32 to index
          %get3A_296 = arith.constant 0 : index
          %get3A_297 = tpu.vector_load %arg10[%get3A_295, %get3A_296] {strides = array<i32>} : memref<128x16xf32, #tpu.memory_space<vmem>>, vector<1x16xf32>,
          %get3A_298 = vector.shape_cast %get3A_297 : vector<1x16xf32> to vector<16xf32>
          %add3A_299 = arith.addf %get3A_294, %get3A_298 : vector<16xf32>
          %mul3A_300 = vector.broadcast %squeeze3A_290 : f32 to vector<16xf32>
          %mul3A_301 = arith.mulf %add3A_299, %mul3A_300 : vector<16xf32>
          %get3A_302 = arith.constant 2 : i32
          %get3A_303 = arith.index_cast %get3A_302 : i32 to index
          %get3A_304 = arith.index_cast %add3A_288 : i32 to index
          %get3A_305 = arith.constant 0 : index
          %get3A_306 = tpu.vector_load %arg13[%get3A_303, %get3A_304, %get3A_305] {strides = array<i32>} : memref<4x640x16xf32, #tpu.memory_space<vmem>>, vector<1x1x16xf32>,
          %get3A_307 = vector.shape_cast %get3A_306 : vector<1x1x16xf32> to vector<16xf32>
          %add3A_308 = arith.addf %mul3A_301, %get3A_307 : vector<16xf32>
          %swap3A_309 = arith.index_cast %add3A_285 : i32 to index
          %swap3A_310 = arith.constant 0 : index
          %swap3A_311 = tpu.vector_load %arg10[%swap3A_309, %swap3A_310] {strides = array<i32>} : memref<128x16xf32, #tpu.memory_space<vmem>>, vector<1x16xf32>,
          %swap3A_312 = vector.shape_cast %swap3A_311 : vector<1x16xf32> to vector<16xf32>
          %swap3A_313 = vector.shape_cast %add3A_308 : vector<16xf32> to vector<1x16xf32>
          tpu.vector_store %arg10[%swap3A_309, %swap3A_310], %swap3A_313 {strides = array<i32>} : memref<128x16xf32, #tpu.memory_space<vmem>>, vector<1x16xf32>,
          %mul3A_314 = arith.constant 16 : i32
          %mul3A_315 = arith.muli %scan3A_178, %mul3A_314 : i32
          %add3A_316 = arith.constant 4 : i32
          %add3A_317 = arith.addi %mul3A_315, %add3A_316 : i32
          %mul3A_318 = arith.constant 128 : i32
          %mul3A_319 = arith.muli %scan3A_164, %mul3A_318 : i32
          %add3A_320 = arith.addi %mul3A_319, %add3A_317 : i32
          %slice3A_321 = vector.extract_strided_slice %mul3A_188 {offsets = [4], sizes = [1], strides = [1]} : vector<16xf32> to vector<1xf32>
          %squeeze3A_322 = vector.extract %slice3A_321[0] : f32 from vector<1xf32>
          %get3A_323 = arith.index_cast %add3A_317 : i32 to index
          %get3A_324 = arith.constant 0 : index
          %get3A_325 = tpu.vector_load %arg11[%get3A_323, %get3A_324] {strides = array<i32>} : memref<128x16xf32, #tpu.memory_space<vmem>>, vector<1x16xf32>,
          %get3A_326 = vector.shape_cast %get3A_325 : vector<1x16xf32> to vector<16xf32>
          %get3A_327 = arith.index_cast %add3A_317 : i32 to index
          %get3A_328 = arith.constant 0 : index
          %get3A_329 = tpu.vector_load %arg10[%get3A_327, %get3A_328] {strides = array<i32>} : memref<128x16xf32, #tpu.memory_space<vmem>>, vector<1x16xf32>,
          %get3A_330 = vector.shape_cast %get3A_329 : vector<1x16xf32> to vector<16xf32>
          %add3A_331 = arith.addf %get3A_326, %get3A_330 : vector<16xf32>
          %mul3A_332 = vector.broadcast %squeeze3A_322 : f32 to vector<16xf32>
          %mul3A_333 = arith.mulf %add3A_331, %mul3A_332 : vector<16xf32>
          %get3A_334 = arith.constant 2 : i32
          %get3A_335 = arith.index_cast %get3A_334 : i32 to index
          %get3A_336 = arith.index_cast %add3A_320 : i32 to index
          %get3A_337 = arith.constant 0 : index
          %get3A_338 = tpu.vector_load %arg13[%get3A_335, %get3A_336, %get3A_337] {strides = array<i32>} : memref<4x640x16xf32, #tpu.memory_space<vmem>>, vector<1x1x16xf32>,
          %get3A_339 = vector.shape_cast %get3A_338 : vector<1x1x16xf32> to vector<16xf32>
          %add3A_340 = arith.addf %mul3A_333, %get3A_339 : vector<16xf32>
          %swap3A_341 = arith.index_cast %add3A_317 : i32 to index
          %swap3A_342 = arith.constant 0 : index
          %swap3A_343 = tpu.vector_load %arg10[%swap3A_341, %swap3A_342] {strides = array<i32>} : memref<128x16xf32, #tpu.memory_space<vmem>>, vector<1x16xf32>,
          %swap3A_344 = vector.shape_cast %swap3A_343 : vector<1x16xf32> to vector<16xf32>
          %swap3A_345 = vector.shape_cast %add3A_340 : vector<16xf32> to vector<1x16xf32>
          tpu.vector_store %arg10[%swap3A_341, %swap3A_342], %swap3A_345 {strides = array<i32>} : memref<128x16xf32, #tpu.memory_space<vmem>>, vector<1x16xf32>,
          %mul3A_346 = arith.constant 16 : i32
          %mul3A_347 = arith.muli %scan3A_178, %mul3A_346 : i32
          %add3A_348 = arith.constant 5 : i32
          %add3A_349 = arith.addi %mul3A_347, %add3A_348 : i32
          %mul3A_350 = arith.constant 128 : i32
          %mul3A_351 = arith.muli %scan3A_164, %mul3A_350 : i32
          %add3A_352 = arith.addi %mul3A_351, %add3A_349 : i32
          %slice3A_353 = vector.extract_strided_slice %mul3A_188 {offsets = [5], sizes = [1], strides = [1]} : vector<16xf32> to vector<1xf32>
          %squeeze3A_354 = vector.extract %slice3A_353[0] : f32 from vector<1xf32>
          %get3A_355 = arith.index_cast %add3A_349 : i32 to index
          %get3A_356 = arith.constant 0 : index
          %get3A_357 = tpu.vector_load %arg11[%get3A_355, %get3A_356] {strides = array<i32>} : memref<128x16xf32, #tpu.memory_space<vmem>>, vector<1x16xf32>,
          %get3A_358 = vector.shape_cast %get3A_357 : vector<1x16xf32> to vector<16xf32>
          %get3A_359 = arith.index_cast %add3A_349 : i32 to index
          %get3A_360 = arith.constant 0 : index
          %get3A_361 = tpu.vector_load %arg10[%get3A_359, %get3A_360] {strides = array<i32>} : memref<128x16xf32, #tpu.memory_space<vmem>>, vector<1x16xf32>,
          %get3A_362 = vector.shape_cast %get3A_361 : vector<1x16xf32> to vector<16xf32>
          %add3A_363 = arith.addf %get3A_358, %get3A_362 : vector<16xf32>
          %mul3A_364 = vector.broadcast %squeeze3A_354 : f32 to vector<16xf32>
          %mul3A_365 = arith.mulf %add3A_363, %mul3A_364 : vector<16xf32>
          %get3A_366 = arith.constant 2 : i32
          %get3A_367 = arith.index_cast %get3A_366 : i32 to index
          %get3A_368 = arith.index_cast %add3A_352 : i32 to index
          %get3A_369 = arith.constant 0 : index
          %get3A_370 = tpu.vector_load %arg13[%get3A_367, %get3A_368, %get3A_369] {strides = array<i32>} : memref<4x640x16xf32, #tpu.memory_space<vmem>>, vector<1x1x16xf32>,
          %get3A_371 = vector.shape_cast %get3A_370 : vector<1x1x16xf32> to vector<16xf32>
          %add3A_372 = arith.addf %mul3A_365, %get3A_371 : vector<16xf32>
          %swap3A_373 = arith.index_cast %add3A_349 : i32 to index
          %swap3A_374 = arith.constant 0 : index
          %swap3A_375 = tpu.vector_load %arg10[%swap3A_373, %swap3A_374] {strides = array<i32>} : memref<128x16xf32, #tpu.memory_space<vmem>>, vector<1x16xf32>,
          %swap3A_376 = vector.shape_cast %swap3A_375 : vector<1x16xf32> to vector<16xf32>
          %swap3A_377 = vector.shape_cast %add3A_372 : vector<16xf32> to vector<1x16xf32>
          tpu.vector_store %arg10[%swap3A_373, %swap3A_374], %swap3A_377 {strides = array<i32>} : memref<128x16xf32, #tpu.memory_space<vmem>>, vector<1x16xf32>,
          %mul3A_378 = arith.constant 16 : i32
          %mul3A_379 = arith.muli %scan3A_178, %mul3A_378 : i32
          %add3A_380 = arith.constant 6 : i32
          %add3A_381 = arith.addi %mul3A_379, %add3A_380 : i32
          %mul3A_382 = arith.constant 128 : i32
          %mul3A_383 = arith.muli %scan3A_164, %mul3A_382 : i32
          %add3A_384 = arith.addi %mul3A_383, %add3A_381 : i32
          %slice3A_385 = vector.extract_strided_slice %mul3A_188 {offsets = [6], sizes = [1], strides = [1]} : vector<16xf32> to vector<1xf32>
          %squeeze3A_386 = vector.extract %slice3A_385[0] : f32 from vector<1xf32>
          %get3A_387 = arith.index_cast %add3A_381 : i32 to index
          %get3A_388 = arith.constant 0 : index
          %get3A_389 = tpu.vector_load %arg11[%get3A_387, %get3A_388] {strides = array<i32>} : memref<128x16xf32, #tpu.memory_space<vmem>>, vector<1x16xf32>,
          %get3A_390 = vector.shape_cast %get3A_389 : vector<1x16xf32> to vector<16xf32>
          %get3A_391 = arith.index_cast %add3A_381 : i32 to index
          %get3A_392 = arith.constant 0 : index
          %get3A_393 = tpu.vector_load %arg10[%get3A_391, %get3A_392] {strides = array<i32>} : memref<128x16xf32, #tpu.memory_space<vmem>>, vector<1x16xf32>,
          %get3A_394 = vector.shape_cast %get3A_393 : vector<1x16xf32> to vector<16xf32>
          %add3A_395 = arith.addf %get3A_390, %get3A_394 : vector<16xf32>
          %mul3A_396 = vector.broadcast %squeeze3A_386 : f32 to vector<16xf32>
          %mul3A_397 = arith.mulf %add3A_395, %mul3A_396 : vector<16xf32>
          %get3A_398 = arith.constant 2 : i32
          %get3A_399 = arith.index_cast %get3A_398 : i32 to index
          %get3A_400 = arith.index_cast %add3A_384 : i32 to index
          %get3A_401 = arith.constant 0 : index
          %get3A_402 = tpu.vector_load %arg13[%get3A_399, %get3A_400, %get3A_401] {strides = array<i32>} : memref<4x640x16xf32, #tpu.memory_space<vmem>>, vector<1x1x16xf32>,
          %get3A_403 = vector.shape_cast %get3A_402 : vector<1x1x16xf32> to vector<16xf32>
          %add3A_404 = arith.addf %mul3A_397, %get3A_403 : vector<16xf32>
          %swap3A_405 = arith.index_cast %add3A_381 : i32 to index
          %swap3A_406 = arith.constant 0 : index
          %swap3A_407 = tpu.vector_load %arg10[%swap3A_405, %swap3A_406] {strides = array<i32>} : memref<128x16xf32, #tpu.memory_space<vmem>>, vector<1x16xf32>,
          %swap3A_408 = vector.shape_cast %swap3A_407 : vector<1x16xf32> to vector<16xf32>
          %swap3A_409 = vector.shape_cast %add3A_404 : vector<16xf32> to vector<1x16xf32>
          tpu.vector_store %arg10[%swap3A_405, %swap3A_406], %swap3A_409 {strides = array<i32>} : memref<128x16xf32, #tpu.memory_space<vmem>>, vector<1x16xf32>,
          %mul3A_410 = arith.constant 16 : i32
          %mul3A_411 = arith.muli %scan3A_178, %mul3A_410 : i32
          %add3A_412 = arith.constant 7 : i32
          %add3A_413 = arith.addi %mul3A_411, %add3A_412 : i32
          %mul3A_414 = arith.constant 128 : i32
          %mul3A_415 = arith.muli %scan3A_164, %mul3A_414 : i32
          %add3A_416 = arith.addi %mul3A_415, %add3A_413 : i32
          %slice3A_417 = vector.extract_strided_slice %mul3A_188 {offsets = [7], sizes = [1], strides = [1]} : vector<16xf32> to vector<1xf32>
          %squeeze3A_418 = vector.extract %slice3A_417[0] : f32 from vector<1xf32>
          %get3A_419 = arith.index_cast %add3A_413 : i32 to index
          %get3A_420 = arith.constant 0 : index
          %get3A_421 = tpu.vector_load %arg11[%get3A_419, %get3A_420] {strides = array<i32>} : memref<128x16xf32, #tpu.memory_space<vmem>>, vector<1x16xf32>,
          %get3A_422 = vector.shape_cast %get3A_421 : vector<1x16xf32> to vector<16xf32>
          %get3A_423 = arith.index_cast %add3A_413 : i32 to index
          %get3A_424 = arith.constant 0 : index
          %get3A_425 = tpu.vector_load %arg10[%get3A_423, %get3A_424] {strides = array<i32>} : memref<128x16xf32, #tpu.memory_space<vmem>>, vector<1x16xf32>,
          %get3A_426 = vector.shape_cast %get3A_425 : vector<1x16xf32> to vector<16xf32>
          %add3A_427 = arith.addf %get3A_422, %get3A_426 : vector<16xf32>
          %mul3A_428 = vector.broadcast %squeeze3A_418 : f32 to vector<16xf32>
          %mul3A_429 = arith.mulf %add3A_427, %mul3A_428 : vector<16xf32>
          %get3A_430 = arith.constant 2 : i32
          %get3A_431 = arith.index_cast %get3A_430 : i32 to index
          %get3A_432 = arith.index_cast %add3A_416 : i32 to index
          %get3A_433 = arith.constant 0 : index
          %get3A_434 = tpu.vector_load %arg13[%get3A_431, %get3A_432, %get3A_433] {strides = array<i32>} : memref<4x640x16xf32, #tpu.memory_space<vmem>>, vector<1x1x16xf32>,
          %get3A_435 = vector.shape_cast %get3A_434 : vector<1x1x16xf32> to vector<16xf32>
          %add3A_436 = arith.addf %mul3A_429, %get3A_435 : vector<16xf32>
          %swap3A_437 = arith.index_cast %add3A_413 : i32 to index
          %swap3A_438 = arith.constant 0 : index
          %swap3A_439 = tpu.vector_load %arg10[%swap3A_437, %swap3A_438] {strides = array<i32>} : memref<128x16xf32, #tpu.memory_space<vmem>>, vector<1x16xf32>,
          %swap3A_440 = vector.shape_cast %swap3A_439 : vector<1x16xf32> to vector<16xf32>
          %swap3A_441 = vector.shape_cast %add3A_436 : vector<16xf32> to vector<1x16xf32>
          tpu.vector_store %arg10[%swap3A_437, %swap3A_438], %swap3A_441 {strides = array<i32>} : memref<128x16xf32, #tpu.memory_space<vmem>>, vector<1x16xf32>,
          %mul3A_442 = arith.constant 16 : i32
          %mul3A_443 = arith.muli %scan3A_178, %mul3A_442 : i32
          %add3A_444 = arith.constant 8 : i32
          %add3A_445 = arith.addi %mul3A_443, %add3A_444 : i32
          %mul3A_446 = arith.constant 128 : i32
          %mul3A_447 = arith.muli %scan3A_164, %mul3A_446 : i32
          %add3A_448 = arith.addi %mul3A_447, %add3A_445 : i32
          %slice3A_449 = vector.extract_strided_slice %mul3A_188 {offsets = [8], sizes = [1], strides = [1]} : vector<16xf32> to vector<1xf32>
          %squeeze3A_450 = vector.extract %slice3A_449[0] : f32 from vector<1xf32>
          %get3A_451 = arith.index_cast %add3A_445 : i32 to index
          %get3A_452 = arith.constant 0 : index
          %get3A_453 = tpu.vector_load %arg11[%get3A_451, %get3A_452] {strides = array<i32>} : memref<128x16xf32, #tpu.memory_space<vmem>>, vector<1x16xf32>,
          %get3A_454 = vector.shape_cast %get3A_453 : vector<1x16xf32> to vector<16xf32>
          %get3A_455 = arith.index_cast %add3A_445 : i32 to index
          %get3A_456 = arith.constant 0 : index
          %get3A_457 = tpu.vector_load %arg10[%get3A_455, %get3A_456] {strides = array<i32>} : memref<128x16xf32, #tpu.memory_space<vmem>>, vector<1x16xf32>,
          %get3A_458 = vector.shape_cast %get3A_457 : vector<1x16xf32> to vector<16xf32>
          %add3A_459 = arith.addf %get3A_454, %get3A_458 : vector<16xf32>
          %mul3A_460 = vector.broadcast %squeeze3A_450 : f32 to vector<16xf32>
          %mul3A_461 = arith.mulf %add3A_459, %mul3A_460 : vector<16xf32>
          %get3A_462 = arith.constant 2 : i32
          %get3A_463 = arith.index_cast %get3A_462 : i32 to index
          %get3A_464 = arith.index_cast %add3A_448 : i32 to index
          %get3A_465 = arith.constant 0 : index
          %get3A_466 = tpu.vector_load %arg13[%get3A_463, %get3A_464, %get3A_465] {strides = array<i32>} : memref<4x640x16xf32, #tpu.memory_space<vmem>>, vector<1x1x16xf32>,
          %get3A_467 = vector.shape_cast %get3A_466 : vector<1x1x16xf32> to vector<16xf32>
          %add3A_468 = arith.addf %mul3A_461, %get3A_467 : vector<16xf32>
          %swap3A_469 = arith.index_cast %add3A_445 : i32 to index
          %swap3A_470 = arith.constant 0 : index
          %swap3A_471 = tpu.vector_load %arg10[%swap3A_469, %swap3A_470] {strides = array<i32>} : memref<128x16xf32, #tpu.memory_space<vmem>>, vector<1x16xf32>,
          %swap3A_472 = vector.shape_cast %swap3A_471 : vector<1x16xf32> to vector<16xf32>
          %swap3A_473 = vector.shape_cast %add3A_468 : vector<16xf32> to vector<1x16xf32>
          tpu.vector_store %arg10[%swap3A_469, %swap3A_470], %swap3A_473 {strides = array<i32>} : memref<128x16xf32, #tpu.memory_space<vmem>>, vector<1x16xf32>,
          %mul3A_474 = arith.constant 16 : i32
          %mul3A_475 = arith.muli %scan3A_178, %mul3A_474 : i32
          %add3A_476 = arith.constant 9 : i32
          %add3A_477 = arith.addi %mul3A_475, %add3A_476 : i32
          %mul3A_478 = arith.constant 128 : i32
          %mul3A_479 = arith.muli %scan3A_164, %mul3A_478 : i32
          %add3A_480 = arith.addi %mul3A_479, %add3A_477 : i32
          %slice3A_481 = vector.extract_strided_slice %mul3A_188 {offsets = [9], sizes = [1], strides = [1]} : vector<16xf32> to vector<1xf32>
          %squeeze3A_482 = vector.extract %slice3A_481[0] : f32 from vector<1xf32>
          %get3A_483 = arith.index_cast %add3A_477 : i32 to index
          %get3A_484 = arith.constant 0 : index
          %get3A_485 = tpu.vector_load %arg11[%get3A_483, %get3A_484] {strides = array<i32>} : memref<128x16xf32, #tpu.memory_space<vmem>>, vector<1x16xf32>,
          %get3A_486 = vector.shape_cast %get3A_485 : vector<1x16xf32> to vector<16xf32>
          %get3A_487 = arith.index_cast %add3A_477 : i32 to index
          %get3A_488 = arith.constant 0 : index
          %get3A_489 = tpu.vector_load %arg10[%get3A_487, %get3A_488] {strides = array<i32>} : memref<128x16xf32, #tpu.memory_space<vmem>>, vector<1x16xf32>,
          %get3A_490 = vector.shape_cast %get3A_489 : vector<1x16xf32> to vector<16xf32>
          %add3A_491 = arith.addf %get3A_486, %get3A_490 : vector<16xf32>
          %mul3A_492 = vector.broadcast %squeeze3A_482 : f32 to vector<16xf32>
          %mul3A_493 = arith.mulf %add3A_491, %mul3A_492 : vector<16xf32>
          %get3A_494 = arith.constant 2 : i32
          %get3A_495 = arith.index_cast %get3A_494 : i32 to index
          %get3A_496 = arith.index_cast %add3A_480 : i32 to index
          %get3A_497 = arith.constant 0 : index
          %get3A_498 = tpu.vector_load %arg13[%get3A_495, %get3A_496, %get3A_497] {strides = array<i32>} : memref<4x640x16xf32, #tpu.memory_space<vmem>>, vector<1x1x16xf32>,
          %get3A_499 = vector.shape_cast %get3A_498 : vector<1x1x16xf32> to vector<16xf32>
          %add3A_500 = arith.addf %mul3A_493, %get3A_499 : vector<16xf32>
          %swap3A_501 = arith.index_cast %add3A_477 : i32 to index
          %swap3A_502 = arith.constant 0 : index
          %swap3A_503 = tpu.vector_load %arg10[%swap3A_501, %swap3A_502] {strides = array<i32>} : memref<128x16xf32, #tpu.memory_space<vmem>>, vector<1x16xf32>,
          %swap3A_504 = vector.shape_cast %swap3A_503 : vector<1x16xf32> to vector<16xf32>
          %swap3A_505 = vector.shape_cast %add3A_500 : vector<16xf32> to vector<1x16xf32>
          tpu.vector_store %arg10[%swap3A_501, %swap3A_502], %swap3A_505 {strides = array<i32>} : memref<128x16xf32, #tpu.memory_space<vmem>>, vector<1x16xf32>,
          %mul3A_506 = arith.constant 16 : i32
          %mul3A_507 = arith.muli %scan3A_178, %mul3A_506 : i32
          %add3A_508 = arith.constant 10 : i32
          %add3A_509 = arith.addi %mul3A_507, %add3A_508 : i32
          %mul3A_510 = arith.constant 128 : i32
          %mul3A_511 = arith.muli %scan3A_164, %mul3A_510 : i32
          %add3A_512 = arith.addi %mul3A_511, %add3A_509 : i32
          %slice3A_513 = vector.extract_strided_slice %mul3A_188 {offsets = [10], sizes = [1], strides = [1]} : vector<16xf32> to vector<1xf32>
          %squeeze3A_514 = vector.extract %slice3A_513[0] : f32 from vector<1xf32>
          %get3A_515 = arith.index_cast %add3A_509 : i32 to index
          %get3A_516 = arith.constant 0 : index
          %get3A_517 = tpu.vector_load %arg11[%get3A_515, %get3A_516] {strides = array<i32>} : memref<128x16xf32, #tpu.memory_space<vmem>>, vector<1x16xf32>,
          %get3A_518 = vector.shape_cast %get3A_517 : vector<1x16xf32> to vector<16xf32>
          %get3A_519 = arith.index_cast %add3A_509 : i32 to index
          %get3A_520 = arith.constant 0 : index
          %get3A_521 = tpu.vector_load %arg10[%get3A_519, %get3A_520] {strides = array<i32>} : memref<128x16xf32, #tpu.memory_space<vmem>>, vector<1x16xf32>,
          %get3A_522 = vector.shape_cast %get3A_521 : vector<1x16xf32> to vector<16xf32>
          %add3A_523 = arith.addf %get3A_518, %get3A_522 : vector<16xf32>
          %mul3A_524 = vector.broadcast %squeeze3A_514 : f32 to vector<16xf32>
          %mul3A_525 = arith.mulf %add3A_523, %mul3A_524 : vector<16xf32>
          %get3A_526 = arith.constant 2 : i32
          %get3A_527 = arith.index_cast %get3A_526 : i32 to index
          %get3A_528 = arith.index_cast %add3A_512 : i32 to index
          %get3A_529 = arith.constant 0 : index
          %get3A_530 = tpu.vector_load %arg13[%get3A_527, %get3A_528, %get3A_529] {strides = array<i32>} : memref<4x640x16xf32, #tpu.memory_space<vmem>>, vector<1x1x16xf32>,
          %get3A_531 = vector.shape_cast %get3A_530 : vector<1x1x16xf32> to vector<16xf32>
          %add3A_532 = arith.addf %mul3A_525, %get3A_531 : vector<16xf32>
          %swap3A_533 = arith.index_cast %add3A_509 : i32 to index
          %swap3A_534 = arith.constant 0 : index
          %swap3A_535 = tpu.vector_load %arg10[%swap3A_533, %swap3A_534] {strides = array<i32>} : memref<128x16xf32, #tpu.memory_space<vmem>>, vector<1x16xf32>,
          %swap3A_536 = vector.shape_cast %swap3A_535 : vector<1x16xf32> to vector<16xf32>
          %swap3A_537 = vector.shape_cast %add3A_532 : vector<16xf32> to vector<1x16xf32>
          tpu.vector_store %arg10[%swap3A_533, %swap3A_534], %swap3A_537 {strides = array<i32>} : memref<128x16xf32, #tpu.memory_space<vmem>>, vector<1x16xf32>,
          %mul3A_538 = arith.constant 16 : i32
          %mul3A_539 = arith.muli %scan3A_178, %mul3A_538 : i32
          %add3A_540 = arith.constant 11 : i32
          %add3A_541 = arith.addi %mul3A_539, %add3A_540 : i32
          %mul3A_542 = arith.constant 128 : i32
          %mul3A_543 = arith.muli %scan3A_164, %mul3A_542 : i32
          %add3A_544 = arith.addi %mul3A_543, %add3A_541 : i32
          %slice3A_545 = vector.extract_strided_slice %mul3A_188 {offsets = [11], sizes = [1], strides = [1]} : vector<16xf32> to vector<1xf32>
          %squeeze3A_546 = vector.extract %slice3A_545[0] : f32 from vector<1xf32>
          %get3A_547 = arith.index_cast %add3A_541 : i32 to index
          %get3A_548 = arith.constant 0 : index
          %get3A_549 = tpu.vector_load %arg11[%get3A_547, %get3A_548] {strides = array<i32>} : memref<128x16xf32, #tpu.memory_space<vmem>>, vector<1x16xf32>,
          %get3A_550 = vector.shape_cast %get3A_549 : vector<1x16xf32> to vector<16xf32>
          %get3A_551 = arith.index_cast %add3A_541 : i32 to index
          %get3A_552 = arith.constant 0 : index
          %get3A_553 = tpu.vector_load %arg10[%get3A_551, %get3A_552] {strides = array<i32>} : memref<128x16xf32, #tpu.memory_space<vmem>>, vector<1x16xf32>,
          %get3A_554 = vector.shape_cast %get3A_553 : vector<1x16xf32> to vector<16xf32>
          %add3A_555 = arith.addf %get3A_550, %get3A_554 : vector<16xf32>
          %mul3A_556 = vector.broadcast %squeeze3A_546 : f32 to vector<16xf32>
          %mul3A_557 = arith.mulf %add3A_555, %mul3A_556 : vector<16xf32>
          %get3A_558 = arith.constant 2 : i32
          %get3A_559 = arith.index_cast %get3A_558 : i32 to index
          %get3A_560 = arith.index_cast %add3A_544 : i32 to index
          %get3A_561 = arith.constant 0 : index
          %get3A_562 = tpu.vector_load %arg13[%get3A_559, %get3A_560, %get3A_561] {strides = array<i32>} : memref<4x640x16xf32, #tpu.memory_space<vmem>>, vector<1x1x16xf32>,
          %get3A_563 = vector.shape_cast %get3A_562 : vector<1x1x16xf32> to vector<16xf32>
          %add3A_564 = arith.addf %mul3A_557, %get3A_563 : vector<16xf32>
          %swap3A_565 = arith.index_cast %add3A_541 : i32 to index
          %swap3A_566 = arith.constant 0 : index
          %swap3A_567 = tpu.vector_load %arg10[%swap3A_565, %swap3A_566] {strides = array<i32>} : memref<128x16xf32, #tpu.memory_space<vmem>>, vector<1x16xf32>,
          %swap3A_568 = vector.shape_cast %swap3A_567 : vector<1x16xf32> to vector<16xf32>
          %swap3A_569 = vector.shape_cast %add3A_564 : vector<16xf32> to vector<1x16xf32>
          tpu.vector_store %arg10[%swap3A_565, %swap3A_566], %swap3A_569 {strides = array<i32>} : memref<128x16xf32, #tpu.memory_space<vmem>>, vector<1x16xf32>,
          %mul3A_570 = arith.constant 16 : i32
          %mul3A_571 = arith.muli %scan3A_178, %mul3A_570 : i32
          %add3A_572 = arith.constant 12 : i32
          %add3A_573 = arith.addi %mul3A_571, %add3A_572 : i32
          %mul3A_574 = arith.constant 128 : i32
          %mul3A_575 = arith.muli %scan3A_164, %mul3A_574 : i32
          %add3A_576 = arith.addi %mul3A_575, %add3A_573 : i32
          %slice3A_577 = vector.extract_strided_slice %mul3A_188 {offsets = [12], sizes = [1], strides = [1]} : vector<16xf32> to vector<1xf32>
          %squeeze3A_578 = vector.extract %slice3A_577[0] : f32 from vector<1xf32>
          %get3A_579 = arith.index_cast %add3A_573 : i32 to index
          %get3A_580 = arith.constant 0 : index
          %get3A_581 = tpu.vector_load %arg11[%get3A_579, %get3A_580] {strides = array<i32>} : memref<128x16xf32, #tpu.memory_space<vmem>>, vector<1x16xf32>,
          %get3A_582 = vector.shape_cast %get3A_581 : vector<1x16xf32> to vector<16xf32>
          %get3A_583 = arith.index_cast %add3A_573 : i32 to index
          %get3A_584 = arith.constant 0 : index
          %get3A_585 = tpu.vector_load %arg10[%get3A_583, %get3A_584] {strides = array<i32>} : memref<128x16xf32, #tpu.memory_space<vmem>>, vector<1x16xf32>,
          %get3A_586 = vector.shape_cast %get3A_585 : vector<1x16xf32> to vector<16xf32>
          %add3A_587 = arith.addf %get3A_582, %get3A_586 : vector<16xf32>
          %mul3A_588 = vector.broadcast %squeeze3A_578 : f32 to vector<16xf32>
          %mul3A_589 = arith.mulf %add3A_587, %mul3A_588 : vector<16xf32>
          %get3A_590 = arith.constant 2 : i32
          %get3A_591 = arith.index_cast %get3A_590 : i32 to index
          %get3A_592 = arith.index_cast %add3A_576 : i32 to index
          %get3A_593 = arith.constant 0 : index
          %get3A_594 = tpu.vector_load %arg13[%get3A_591, %get3A_592, %get3A_593] {strides = array<i32>} : memref<4x640x16xf32, #tpu.memory_space<vmem>>, vector<1x1x16xf32>,
          %get3A_595 = vector.shape_cast %get3A_594 : vector<1x1x16xf32> to vector<16xf32>
          %add3A_596 = arith.addf %mul3A_589, %get3A_595 : vector<16xf32>
          %swap3A_597 = arith.index_cast %add3A_573 : i32 to index
          %swap3A_598 = arith.constant 0 : index
          %swap3A_599 = tpu.vector_load %arg10[%swap3A_597, %swap3A_598] {strides = array<i32>} : memref<128x16xf32, #tpu.memory_space<vmem>>, vector<1x16xf32>,
          %swap3A_600 = vector.shape_cast %swap3A_599 : vector<1x16xf32> to vector<16xf32>
          %swap3A_601 = vector.shape_cast %add3A_596 : vector<16xf32> to vector<1x16xf32>
          tpu.vector_store %arg10[%swap3A_597, %swap3A_598], %swap3A_601 {strides = array<i32>} : memref<128x16xf32, #tpu.memory_space<vmem>>, vector<1x16xf32>,
          %mul3A_602 = arith.constant 16 : i32
          %mul3A_603 = arith.muli %scan3A_178, %mul3A_602 : i32
          %add3A_604 = arith.constant 13 : i32
          %add3A_605 = arith.addi %mul3A_603, %add3A_604 : i32
          %mul3A_606 = arith.constant 128 : i32
          %mul3A_607 = arith.muli %scan3A_164, %mul3A_606 : i32
          %add3A_608 = arith.addi %mul3A_607, %add3A_605 : i32
          %slice3A_609 = vector.extract_strided_slice %mul3A_188 {offsets = [13], sizes = [1], strides = [1]} : vector<16xf32> to vector<1xf32>
          %squeeze3A_610 = vector.extract %slice3A_609[0] : f32 from vector<1xf32>
          %get3A_611 = arith.index_cast %add3A_605 : i32 to index
          %get3A_612 = arith.constant 0 : index
          %get3A_613 = tpu.vector_load %arg11[%get3A_611, %get3A_612] {strides = array<i32>} : memref<128x16xf32, #tpu.memory_space<vmem>>, vector<1x16xf32>,
          %get3A_614 = vector.shape_cast %get3A_613 : vector<1x16xf32> to vector<16xf32>
          %get3A_615 = arith.index_cast %add3A_605 : i32 to index
          %get3A_616 = arith.constant 0 : index
          %get3A_617 = tpu.vector_load %arg10[%get3A_615, %get3A_616] {strides = array<i32>} : memref<128x16xf32, #tpu.memory_space<vmem>>, vector<1x16xf32>,
          %get3A_618 = vector.shape_cast %get3A_617 : vector<1x16xf32> to vector<16xf32>
          %add3A_619 = arith.addf %get3A_614, %get3A_618 : vector<16xf32>
          %mul3A_620 = vector.broadcast %squeeze3A_610 : f32 to vector<16xf32>
          %mul3A_621 = arith.mulf %add3A_619, %mul3A_620 : vector<16xf32>
          %get3A_622 = arith.constant 2 : i32
          %get3A_623 = arith.index_cast %get3A_622 : i32 to index
          %get3A_624 = arith.index_cast %add3A_608 : i32 to index
          %get3A_625 = arith.constant 0 : index
          %get3A_626 = tpu.vector_load %arg13[%get3A_623, %get3A_624, %get3A_625] {strides = array<i32>} : memref<4x640x16xf32, #tpu.memory_space<vmem>>, vector<1x1x16xf32>,
          %get3A_627 = vector.shape_cast %get3A_626 : vector<1x1x16xf32> to vector<16xf32>
          %add3A_628 = arith.addf %mul3A_621, %get3A_627 : vector<16xf32>
          %swap3A_629 = arith.index_cast %add3A_605 : i32 to index
          %swap3A_630 = arith.constant 0 : index
          %swap3A_631 = tpu.vector_load %arg10[%swap3A_629, %swap3A_630] {strides = array<i32>} : memref<128x16xf32, #tpu.memory_space<vmem>>, vector<1x16xf32>,
          %swap3A_632 = vector.shape_cast %swap3A_631 : vector<1x16xf32> to vector<16xf32>
          %swap3A_633 = vector.shape_cast %add3A_628 : vector<16xf32> to vector<1x16xf32>
          tpu.vector_store %arg10[%swap3A_629, %swap3A_630], %swap3A_633 {strides = array<i32>} : memref<128x16xf32, #tpu.memory_space<vmem>>, vector<1x16xf32>,
          %mul3A_634 = arith.constant 16 : i32
          %mul3A_635 = arith.muli %scan3A_178, %mul3A_634 : i32
          %add3A_636 = arith.constant 14 : i32
          %add3A_637 = arith.addi %mul3A_635, %add3A_636 : i32
          %mul3A_638 = arith.constant 128 : i32
          %mul3A_639 = arith.muli %scan3A_164, %mul3A_638 : i32
          %add3A_640 = arith.addi %mul3A_639, %add3A_637 : i32
          %slice3A_641 = vector.extract_strided_slice %mul3A_188 {offsets = [14], sizes = [1], strides = [1]} : vector<16xf32> to vector<1xf32>
          %squeeze3A_642 = vector.extract %slice3A_641[0] : f32 from vector<1xf32>
          %get3A_643 = arith.index_cast %add3A_637 : i32 to index
          %get3A_644 = arith.constant 0 : index
          %get3A_645 = tpu.vector_load %arg11[%get3A_643, %get3A_644] {strides = array<i32>} : memref<128x16xf32, #tpu.memory_space<vmem>>, vector<1x16xf32>,
          %get3A_646 = vector.shape_cast %get3A_645 : vector<1x16xf32> to vector<16xf32>
          %get3A_647 = arith.index_cast %add3A_637 : i32 to index
          %get3A_648 = arith.constant 0 : index
          %get3A_649 = tpu.vector_load %arg10[%get3A_647, %get3A_648] {strides = array<i32>} : memref<128x16xf32, #tpu.memory_space<vmem>>, vector<1x16xf32>,
          %get3A_650 = vector.shape_cast %get3A_649 : vector<1x16xf32> to vector<16xf32>
          %add3A_651 = arith.addf %get3A_646, %get3A_650 : vector<16xf32>
          %mul3A_652 = vector.broadcast %squeeze3A_642 : f32 to vector<16xf32>
          %mul3A_653 = arith.mulf %add3A_651, %mul3A_652 : vector<16xf32>
          %get3A_654 = arith.constant 2 : i32
          %get3A_655 = arith.index_cast %get3A_654 : i32 to index
          %get3A_656 = arith.index_cast %add3A_640 : i32 to index
          %get3A_657 = arith.constant 0 : index
          %get3A_658 = tpu.vector_load %arg13[%get3A_655, %get3A_656, %get3A_657] {strides = array<i32>} : memref<4x640x16xf32, #tpu.memory_space<vmem>>, vector<1x1x16xf32>,
          %get3A_659 = vector.shape_cast %get3A_658 : vector<1x1x16xf32> to vector<16xf32>
          %add3A_660 = arith.addf %mul3A_653, %get3A_659 : vector<16xf32>
          %swap3A_661 = arith.index_cast %add3A_637 : i32 to index
          %swap3A_662 = arith.constant 0 : index
          %swap3A_663 = tpu.vector_load %arg10[%swap3A_661, %swap3A_662] {strides = array<i32>} : memref<128x16xf32, #tpu.memory_space<vmem>>, vector<1x16xf32>,
          %swap3A_664 = vector.shape_cast %swap3A_663 : vector<1x16xf32> to vector<16xf32>
          %swap3A_665 = vector.shape_cast %add3A_660 : vector<16xf32> to vector<1x16xf32>
          tpu.vector_store %arg10[%swap3A_661, %swap3A_662], %swap3A_665 {strides = array<i32>} : memref<128x16xf32, #tpu.memory_space<vmem>>, vector<1x16xf32>,
          %mul3A_666 = arith.constant 16 : i32
          %mul3A_667 = arith.muli %scan3A_178, %mul3A_666 : i32
          %add3A_668 = arith.constant 15 : i32
          %add3A_669 = arith.addi %mul3A_667, %add3A_668 : i32
          %mul3A_670 = arith.constant 128 : i32
          %mul3A_671 = arith.muli %scan3A_164, %mul3A_670 : i32
          %add3A_672 = arith.addi %mul3A_671, %add3A_669 : i32
          %slice3A_673 = vector.extract_strided_slice %mul3A_188 {offsets = [15], sizes = [1], strides = [1]} : vector<16xf32> to vector<1xf32>
          %squeeze3A_674 = vector.extract %slice3A_673[0] : f32 from vector<1xf32>
          %get3A_675 = arith.index_cast %add3A_669 : i32 to index
          %get3A_676 = arith.constant 0 : index
          %get3A_677 = tpu.vector_load %arg11[%get3A_675, %get3A_676] {strides = array<i32>} : memref<128x16xf32, #tpu.memory_space<vmem>>, vector<1x16xf32>,
          %get3A_678 = vector.shape_cast %get3A_677 : vector<1x16xf32> to vector<16xf32>
          %get3A_679 = arith.index_cast %add3A_669 : i32 to index
          %get3A_680 = arith.constant 0 : index
          %get3A_681 = tpu.vector_load %arg10[%get3A_679, %get3A_680] {strides = array<i32>} : memref<128x16xf32, #tpu.memory_space<vmem>>, vector<1x16xf32>,
          %get3A_682 = vector.shape_cast %get3A_681 : vector<1x16xf32> to vector<16xf32>
          %add3A_683 = arith.addf %get3A_678, %get3A_682 : vector<16xf32>
          %mul3A_684 = vector.broadcast %squeeze3A_674 : f32 to vector<16xf32>
          %mul3A_685 = arith.mulf %add3A_683, %mul3A_684 : vector<16xf32>
          %get3A_686 = arith.constant 2 : i32
          %get3A_687 = arith.index_cast %get3A_686 : i32 to index
          %get3A_688 = arith.index_cast %add3A_672 : i32 to index
          %get3A_689 = arith.constant 0 : index
          %get3A_690 = tpu.vector_load %arg13[%get3A_687, %get3A_688, %get3A_689] {strides = array<i32>} : memref<4x640x16xf32, #tpu.memory_space<vmem>>, vector<1x1x16xf32>,
          %get3A_691 = vector.shape_cast %get3A_690 : vector<1x1x16xf32> to vector<16xf32>
          %add3A_692 = arith.addf %mul3A_685, %get3A_691 : vector<16xf32>
          %swap3A_693 = arith.index_cast %add3A_669 : i32 to index
          %swap3A_694 = arith.constant 0 : index
          %swap3A_695 = tpu.vector_load %arg10[%swap3A_693, %swap3A_694] {strides = array<i32>} : memref<128x16xf32, #tpu.memory_space<vmem>>, vector<1x16xf32>,
          %swap3A_696 = vector.shape_cast %swap3A_695 : vector<1x16xf32> to vector<16xf32>
          %swap3A_697 = vector.shape_cast %add3A_692 : vector<16xf32> to vector<1x16xf32>
          tpu.vector_store %arg10[%swap3A_693, %swap3A_694], %swap3A_697 {strides = array<i32>} : memref<128x16xf32, #tpu.memory_space<vmem>>, vector<1x16xf32>,
        }
        %scan3A_177 = arith.constant 8 : i32
        "tpu.region"() ({
          %run_scoped3A_178 = tpu.sem_alloc : memref<!tpu.dma_semaphore, #tpu.memory_space<semaphore_mem>>
          %dma_start3A = arith.constant 0 : i32
          %dma_start3A_179 = tpu.memref_slice %arg6[%add3A_171, %dma_start3A] : memref<81920x16xf32, #tpu.memory_space<hbm>> -> memref<128x16xf32, #tpu.memory_space<hbm>>
          %dma_start3A_180 = arith.constant 0 : i32
          %dma_start3A_181 = tpu.memref_slice %arg6[%add3A_171, %dma_start3A_180] : memref<81920x16xf32, #tpu.memory_space<hbm>> -> memref<128x16xf32, #tpu.memory_space<hbm>>
          tpu.enqueue_dma source(%arg10 : memref<128x16xf32, #tpu.memory_space<vmem>>) target(%dma_start3A_181 : memref<128x16xf32, #tpu.memory_space<hbm>>) target_semaphore(%run_scoped3A_178 : memref<!tpu.dma_semaphore, #tpu.memory_space<semaphore_mem>>)
          %dma_wait3A = arith.constant 0 : i32
          %dma_wait3A_182 = tpu.memref_slice %arg6[%add3A_171, %dma_wait3A] : memref<81920x16xf32, #tpu.memory_space<hbm>> -> memref<128x16xf32, #tpu.memory_space<hbm>>
          %dma_wait3A_183 = arith.constant 0 : i32
          %dma_wait3A_184 = tpu.memref_slice %arg6[%add3A_171, %dma_wait3A_183] : memref<81920x16xf32, #tpu.memory_space<hbm>> -> memref<128x16xf32, #tpu.memory_space<hbm>>
          tpu.wait_dma2 semaphore(%run_scoped3A_178 : memref<!tpu.dma_semaphore, #tpu.memory_space<semaphore_mem>>) src(%arg10 : memref<128x16xf32, #tpu.memory_space<vmem>>) dst(%dma_wait3A_184 : memref<128x16xf32, #tpu.memory_space<hbm>>)
          tpu.yield
        }) : () -> ()
        "tpu.region"() ({
          %run_scoped3A_178 = tpu.sem_alloc : memref<!tpu.dma_semaphore, #tpu.memory_space<semaphore_mem>>
          %dma_start3A = arith.constant 0 : i32
          %dma_start3A_179 = tpu.memref_slice %arg15[%add3A_167, %dma_start3A] : memref<10240x16xf32, #tpu.memory_space<vmem_shared>> -> memref<128x16xf32, #tpu.memory_space<vmem_shared>>
          %dma_start3A_180 = arith.constant 0 : i32
          %dma_start3A_181 = tpu.memref_slice %arg15[%add3A_167, %dma_start3A_180] : memref<10240x16xf32, #tpu.memory_space<vmem_shared>> -> memref<128x16xf32, #tpu.memory_space<vmem_shared>>
          tpu.enqueue_dma source(%arg12 : memref<128x16xf32, #tpu.memory_space<vmem>>) target(%dma_start3A_181 : memref<128x16xf32, #tpu.memory_space<vmem_shared>>) target_semaphore(%run_scoped3A_178 : memref<!tpu.dma_semaphore, #tpu.memory_space<semaphore_mem>>)
          %dma_wait3A = arith.constant 0 : i32
          %dma_wait3A_182 = tpu.memref_slice %arg15[%add3A_167, %dma_wait3A] : memref<10240x16xf32, #tpu.memory_space<vmem_shared>> -> memref<128x16xf32, #tpu.memory_space<vmem_shared>>
          %dma_wait3A_183 = arith.constant 0 : i32
          %dma_wait3A_184 = tpu.memref_slice %arg15[%add3A_167, %dma_wait3A_183] : memref<10240x16xf32, #tpu.memory_space<vmem_shared>> -> memref<128x16xf32, #tpu.memory_space<vmem_shared>>
          tpu.wait_dma2 semaphore(%run_scoped3A_178 : memref<!tpu.dma_semaphore, #tpu.memory_space<semaphore_mem>>) src(%arg12 : memref<128x16xf32, #tpu.memory_space<vmem>>) dst(%dma_wait3A_184 : memref<128x16xf32, #tpu.memory_space<vmem_shared>>)
          tpu.yield
        }) : () -> ()
      }
      %scan3A_162 = arith.constant 5 : i32
      %barrier3A_163 = arith.constant 0 : index
      tpu.barrier barrier_id(%barrier3A_163)
    }
    %scan3A_123 = arith.constant 10 : i32
    %mul3A_124 = arith.constant 4 : i32
    %mul3A_125 = arith.muli %arg0, %mul3A_124 : i32
    %add3A_126 = arith.constant 3 : i32
    %add3A_127 = arith.addi %mul3A_125, %add3A_126 : i32
    %mul3A_128 = arith.constant 10240 : i32
    %mul3A_129 = arith.muli %add3A_127, %mul3A_128 : i32
    %scan3A_130 = arith.constant 0 : i32
    %scan3A_131 = arith.constant 0 : i32
    %scan3A_132 = arith.constant 1296 : i32
    %scan3A_133 = arith.addi %scan3A_131, %scan3A_132 : i32
    %scan3A_134 = arith.constant 1 : i32
    scf.for %scan3A_149 = %scan3A_131 to %scan3A_133 step %scan3A_134  : i32 {
      %jit3A = arith.constant 8 : i32
      %div3A = arith.divsi %scan3A_149, %jit3A : i32
      %sign3A = arith.constant 0 : i32
      %sign3A_150 = arith.cmpi sgt, %scan3A_149, %sign3A : i32
      %sign3A_151 = arith.extui %sign3A_150 : i1 to i32
      %sign3A_152 = arith.constant 0 : i32
      %sign3A_153 = arith.cmpi slt, %scan3A_149, %sign3A_152 : i32
      %sign3A_154 = arith.extui %sign3A_153 : i1 to i32
      %sign3A_155 = arith.subi %sign3A_151, %sign3A_154 : i32
      %sign3A_156 = arith.constant 0 : i32
      %sign3A_157 = arith.cmpi sgt, %jit3A, %sign3A_156 : i32
      %sign3A_158 = arith.extui %sign3A_157 : i1 to i32
      %sign3A_159 = arith.constant 0 : i32
      %sign3A_160 = arith.cmpi slt, %jit3A, %sign3A_159 : i32
      %sign3A_161 = arith.extui %sign3A_160 : i1 to i32
      %sign3A_162 = arith.subi %sign3A_158, %sign3A_161 : i32
      %ne3A = arith.cmpi ne, %sign3A_155, %sign3A_162 : i32
      %rem3A = arith.remsi %scan3A_149, %jit3A : i32
      %ne3A_163 = arith.constant 0 : i32
      %ne3A_164 = arith.cmpi ne, %rem3A, %ne3A_163 : i32
      %and3A = arith.andi %ne3A, %ne3A_164 : i1
      %sub3A = arith.constant 1 : i32
      %sub3A_165 = arith.subi %div3A, %sub3A : i32
      %select_n3A = arith.select %and3A, %sub3A_165, %div3A : i32
      %jit3A_166 = arith.constant 8 : i32
      %eq3A = arith.constant 0 : i32
      %eq3A_167 = arith.cmpi eq, %jit3A_166, %eq3A : i32
      %jit3A_168 = arith.constant 1 : i32
      %select_n3A_169 = arith.select %eq3A_167, %jit3A_168, %jit3A_166 : i32
      %rem3A_170 = arith.remsi %scan3A_149, %select_n3A_169 : i32
      %ne3A_171 = arith.constant 0 : i32
      %ne3A_172 = arith.cmpi ne, %rem3A_170, %ne3A_171 : i32
      %lt3A = arith.constant 0 : i32
      %lt3A_173 = arith.cmpi slt, %rem3A_170, %lt3A : i32
      %lt3A_174 = arith.constant 0 : i32
      %lt3A_175 = arith.cmpi slt, %select_n3A_169, %lt3A_174 : i32
      %ne3A_176 = arith.xori %lt3A_173, %lt3A_175 : i1
      %and3A_177 = arith.andi %ne3A_176, %ne3A_172 : i1
      %add3A_178 = arith.addi %rem3A_170, %select_n3A_169 : i32
      %select_n3A_179 = arith.select %and3A_177, %add3A_178, %rem3A_170 : i32
      %mul3A_180 = arith.constant 16 : i32
      %mul3A_181 = arith.muli %select_n3A_179, %mul3A_180 : i32
      %get3A = arith.index_cast %select_n3A : i32 to index
      %get3A_182 = arith.index_cast %mul3A_181 : i32 to index
      %get3A_183 = tpu.vector_load %arg7[%get3A, %get3A_182] {strides = array<i32>} : memref<162x128xi32, #tpu.memory_space<vmem>>, vector<1x16xi32>,
      %get3A_184 = vector.shape_cast %get3A_183 : vector<1x16xi32> to vector<16xi32>
      %add3A_185 = arith.constant 10240 : i32
      %add3A_186 = vector.broadcast %add3A_185 : i32 to vector<16xi32>
      %add3A_187 = arith.addi %get3A_184, %add3A_186 : vector<16xi32>
      %swap3A = arith.index_cast %select_n3A : i32 to index
      %swap3A_188 = arith.index_cast %mul3A_181 : i32 to index
      %swap3A_189 = tpu.vector_load %arg7[%swap3A, %swap3A_188] {strides = array<i32>} : memref<162x128xi32, #tpu.memory_space<vmem>>, vector<1x16xi32>,
      %swap3A_190 = vector.shape_cast %swap3A_189 : vector<1x16xi32> to vector<16xi32>
      %swap3A_191 = vector.shape_cast %add3A_187 : vector<16xi32> to vector<1x16xi32>
      tpu.vector_store %arg7[%swap3A, %swap3A_188], %swap3A_191 {strides = array<i32>} : memref<162x128xi32, #tpu.memory_space<vmem>>, vector<1x16xi32>,
    }
    %scan3A_135 = arith.constant 1296 : i32
    %scan3A_136 = arith.constant 0 : i32
    %scan3A_137 = arith.constant 0 : i32
    %scan3A_138 = arith.constant 5 : i32
    %scan3A_139 = arith.addi %scan3A_137, %scan3A_138 : i32
    %scan3A_140 = arith.constant 1 : i32
    scf.for %scan3A_149 = %scan3A_137 to %scan3A_139 step %scan3A_140  : i32 {
      %mul3A_150 = arith.constant 128 : i32
      %mul3A_151 = arith.muli %scan3A_149, %mul3A_150 : i32
      %add3A_152 = arith.addi %mul3A_0, %mul3A_151 : i32
      "tpu.region"() ({
        %run_scoped3A_153 = tpu.sem_alloc : memref<!tpu.dma_semaphore, #tpu.memory_space<semaphore_mem>>
        %dma_start3A = arith.constant 0 : i32
        %dma_start3A_154 = tpu.memref_slice %arg15[%add3A_152, %dma_start3A] : memref<10240x16xf32, #tpu.memory_space<vmem_shared>> -> memref<128x16xf32, #tpu.memory_space<vmem_shared>>
        %dma_start3A_155 = arith.constant 0 : i32
        %dma_start3A_156 = tpu.memref_slice %arg15[%add3A_152, %dma_start3A_155] : memref<10240x16xf32, #tpu.memory_space<vmem_shared>> -> memref<128x16xf32, #tpu.memory_space<vmem_shared>>
        tpu.enqueue_dma source(%arg12 : memref<128x16xf32, #tpu.memory_space<vmem>>) target(%dma_start3A_156 : memref<128x16xf32, #tpu.memory_space<vmem_shared>>) target_semaphore(%run_scoped3A_153 : memref<!tpu.dma_semaphore, #tpu.memory_space<semaphore_mem>>)
        %dma_wait3A = arith.constant 0 : i32
        %dma_wait3A_157 = tpu.memref_slice %arg15[%add3A_152, %dma_wait3A] : memref<10240x16xf32, #tpu.memory_space<vmem_shared>> -> memref<128x16xf32, #tpu.memory_space<vmem_shared>>
        %dma_wait3A_158 = arith.constant 0 : i32
        %dma_wait3A_159 = tpu.memref_slice %arg15[%add3A_152, %dma_wait3A_158] : memref<10240x16xf32, #tpu.memory_space<vmem_shared>> -> memref<128x16xf32, #tpu.memory_space<vmem_shared>>
        tpu.wait_dma2 semaphore(%run_scoped3A_153 : memref<!tpu.dma_semaphore, #tpu.memory_space<semaphore_mem>>) src(%arg12 : memref<128x16xf32, #tpu.memory_space<vmem>>) dst(%dma_wait3A_159 : memref<128x16xf32, #tpu.memory_space<vmem_shared>>)
        tpu.yield
      }) : () -> ()
    }
    %scan3A_141 = arith.constant 5 : i32
    %barrier3A_142 = arith.constant 0 : index
    tpu.barrier barrier_id(%barrier3A_142)
    %scan3A_143 = arith.constant 0 : i32
    %scan3A_144 = arith.constant 0 : i32
    %scan3A_145 = arith.constant 10 : i32
    %scan3A_146 = arith.addi %scan3A_144, %scan3A_145 : i32
    %scan3A_147 = arith.constant 1 : i32
    scf.for %scan3A_149 = %scan3A_144 to %scan3A_146 step %scan3A_147  : i32 {
      %scan3A_150 = arith.constant 0 : i32
      %scan3A_151 = arith.constant 0 : i32
      %scan3A_152 = arith.constant 162 : i32
      %scan3A_153 = arith.addi %scan3A_151, %scan3A_152 : i32
      %scan3A_154 = arith.constant 1 : i32
      scf.for %scan3A_164 = %scan3A_151 to %scan3A_153 step %scan3A_154  : i32 {
        "tpu.region"() ({
          %run_scoped3A_165 = tpu.sem_alloc : memref<!tpu.dma_semaphore, #tpu.memory_space<semaphore_mem>>
          %dma_start3A = arith.constant 0 : i32
          %dma_start3A_166 = tpu.memref_slice %arg7[%scan3A_164, %dma_start3A] : memref<162x128xi32, #tpu.memory_space<vmem>> -> memref<1x128xi32, #tpu.memory_space<vmem>>
          %dma_start3A_167 = tpu.memref_squeeze %dma_start3A_166 : memref<1x128xi32, #tpu.memory_space<vmem>> -> memref<128xi32, #tpu.memory_space<vmem>>
          %dma_start3A_168 = arith.constant 0 : i32
          %dma_start3A_169 = arith.constant 0 : i32
          %dma_start3A_170 = tpu.memref_slice %arg6[%dma_start3A_168, %dma_start3A_169] : memref<81920x16xf32, #tpu.memory_space<hbm>> -> memref<81920x16xf32, #tpu.memory_space<hbm>>
          tpu.enqueue_indirect_dma source(%dma_start3A_170 : memref<81920x16xf32, #tpu.memory_space<hbm>>) target(%arg9 : memref<128x16xf32, #tpu.memory_space<vmem>>) offsets(%dma_start3A_167 : memref<128xi32, #tpu.memory_space<vmem>>) semaphore(%run_scoped3A_165 : memref<!tpu.dma_semaphore, #tpu.memory_space<semaphore_mem>>)
          %dma_wait3A = arith.constant 0 : i32
          %dma_wait3A_171 = tpu.memref_slice %arg7[%scan3A_164, %dma_wait3A] : memref<162x128xi32, #tpu.memory_space<vmem>> -> memref<1x128xi32, #tpu.memory_space<vmem>>
          %dma_wait3A_172 = tpu.memref_squeeze %dma_wait3A_171 : memref<1x128xi32, #tpu.memory_space<vmem>> -> memref<128xi32, #tpu.memory_space<vmem>>
          %dma_wait3A_173 = arith.constant 0 : i32
          %dma_wait3A_174 = arith.constant 0 : i32
          %dma_wait3A_175 = tpu.memref_slice %arg6[%dma_wait3A_173, %dma_wait3A_174] : memref<81920x16xf32, #tpu.memory_space<hbm>> -> memref<81920x16xf32, #tpu.memory_space<hbm>>
          tpu.wait_indirect_dma semaphore(%run_scoped3A_165 : memref<!tpu.dma_semaphore, #tpu.memory_space<semaphore_mem>>) src(%dma_wait3A_175 : memref<81920x16xf32, #tpu.memory_space<hbm>>) dst(%arg9 : memref<128x16xf32, #tpu.memory_space<vmem>>)
          tpu.yield
        }) : () -> ()
        "tpu.region"() ({
          %run_scoped3A_165 = tpu.sem_alloc : memref<!tpu.dma_semaphore, #tpu.memory_space<semaphore_mem>>
          %dma_start3A = arith.constant 0 : i32
          %dma_start3A_166 = tpu.memref_slice %arg8[%scan3A_164, %dma_start3A] : memref<162x128xi32, #tpu.memory_space<vmem>> -> memref<1x128xi32, #tpu.memory_space<vmem>>
          %dma_start3A_167 = tpu.memref_squeeze %dma_start3A_166 : memref<1x128xi32, #tpu.memory_space<vmem>> -> memref<128xi32, #tpu.memory_space<vmem>>
          %dma_start3A_168 = arith.constant 0 : i32
          %dma_start3A_169 = arith.constant 0 : i32
          %dma_start3A_170 = tpu.memref_slice %arg15[%dma_start3A_168, %dma_start3A_169] : memref<10240x16xf32, #tpu.memory_space<vmem_shared>> -> memref<10240x16xf32, #tpu.memory_space<vmem_shared>>
          tpu.enqueue_indirect_dma source(%arg9 : memref<128x16xf32, #tpu.memory_space<vmem>>) target(%dma_start3A_170 : memref<10240x16xf32, #tpu.memory_space<vmem_shared>>) offsets(%dma_start3A_167 : memref<128xi32, #tpu.memory_space<vmem>>) semaphore(%run_scoped3A_165 : memref<!tpu.dma_semaphore, #tpu.memory_space<semaphore_mem>>) {add = true}
          %dma_wait3A = arith.constant 0 : i32
          %dma_wait3A_171 = tpu.memref_slice %arg8[%scan3A_164, %dma_wait3A] : memref<162x128xi32, #tpu.memory_space<vmem>> -> memref<1x128xi32, #tpu.memory_space<vmem>>
          %dma_wait3A_172 = tpu.memref_squeeze %dma_wait3A_171 : memref<1x128xi32, #tpu.memory_space<vmem>> -> memref<128xi32, #tpu.memory_space<vmem>>
          %dma_wait3A_173 = arith.constant 0 : i32
          %dma_wait3A_174 = arith.constant 0 : i32
          %dma_wait3A_175 = tpu.memref_slice %arg15[%dma_wait3A_173, %dma_wait3A_174] : memref<10240x16xf32, #tpu.memory_space<vmem_shared>> -> memref<10240x16xf32, #tpu.memory_space<vmem_shared>>
          tpu.wait_indirect_dma semaphore(%run_scoped3A_165 : memref<!tpu.dma_semaphore, #tpu.memory_space<semaphore_mem>>) src(%arg9 : memref<128x16xf32, #tpu.memory_space<vmem>>) dst(%dma_wait3A_175 : memref<10240x16xf32, #tpu.memory_space<vmem_shared>>)
          tpu.yield
        }) : () -> ()
      }
      %scan3A_155 = arith.constant 162 : i32
      %barrier3A_156 = arith.constant 0 : index
      tpu.barrier barrier_id(%barrier3A_156)
      %scan3A_157 = arith.constant 0 : i32
      %scan3A_158 = arith.constant 0 : i32
      %scan3A_159 = arith.constant 5 : i32
      %scan3A_160 = arith.addi %scan3A_158, %scan3A_159 : i32
      %scan3A_161 = arith.constant 1 : i32
      scf.for %scan3A_164 = %scan3A_158 to %scan3A_160 step %scan3A_161  : i32 {
        %mul3A_165 = arith.constant 128 : i32
        %mul3A_166 = arith.muli %scan3A_164, %mul3A_165 : i32
        %add3A_167 = arith.addi %mul3A_0, %mul3A_166 : i32
        %add3A_168 = arith.addi %mul3A_129, %mul3A_0 : i32
        %mul3A_169 = arith.constant 128 : i32
        %mul3A_170 = arith.muli %scan3A_164, %mul3A_169 : i32
        %add3A_171 = arith.addi %add3A_168, %mul3A_170 : i32
        "tpu.region"() ({
          %run_scoped3A_178 = tpu.sem_alloc : memref<!tpu.dma_semaphore, #tpu.memory_space<semaphore_mem>>
          %dma_start3A = arith.constant 0 : i32
          %dma_start3A_179 = tpu.memref_slice %arg6[%add3A_171, %dma_start3A] : memref<81920x16xf32, #tpu.memory_space<hbm>> -> memref<128x16xf32, #tpu.memory_space<hbm>>
          %dma_start3A_180 = arith.constant 0 : i32
          %dma_start3A_181 = tpu.memref_slice %arg6[%add3A_171, %dma_start3A_180] : memref<81920x16xf32, #tpu.memory_space<hbm>> -> memref<128x16xf32, #tpu.memory_space<hbm>>
          tpu.enqueue_dma source(%dma_start3A_181 : memref<128x16xf32, #tpu.memory_space<hbm>>) target(%arg10 : memref<128x16xf32, #tpu.memory_space<vmem>>) target_semaphore(%run_scoped3A_178 : memref<!tpu.dma_semaphore, #tpu.memory_space<semaphore_mem>>)
          %dma_wait3A = arith.constant 0 : i32
          %dma_wait3A_182 = tpu.memref_slice %arg6[%add3A_171, %dma_wait3A] : memref<81920x16xf32, #tpu.memory_space<hbm>> -> memref<128x16xf32, #tpu.memory_space<hbm>>
          %dma_wait3A_183 = arith.constant 0 : i32
          %dma_wait3A_184 = tpu.memref_slice %arg6[%add3A_171, %dma_wait3A_183] : memref<81920x16xf32, #tpu.memory_space<hbm>> -> memref<128x16xf32, #tpu.memory_space<hbm>>
          tpu.wait_dma2 semaphore(%run_scoped3A_178 : memref<!tpu.dma_semaphore, #tpu.memory_space<semaphore_mem>>) src(%dma_wait3A_184 : memref<128x16xf32, #tpu.memory_space<hbm>>) dst(%arg10 : memref<128x16xf32, #tpu.memory_space<vmem>>)
          tpu.yield
        }) : () -> ()
        "tpu.region"() ({
          %run_scoped3A_178 = tpu.sem_alloc : memref<!tpu.dma_semaphore, #tpu.memory_space<semaphore_mem>>
          %dma_start3A = arith.constant 0 : i32
          %dma_start3A_179 = tpu.memref_slice %arg15[%add3A_167, %dma_start3A] : memref<10240x16xf32, #tpu.memory_space<vmem_shared>> -> memref<128x16xf32, #tpu.memory_space<vmem_shared>>
          %dma_start3A_180 = arith.constant 0 : i32
          %dma_start3A_181 = tpu.memref_slice %arg15[%add3A_167, %dma_start3A_180] : memref<10240x16xf32, #tpu.memory_space<vmem_shared>> -> memref<128x16xf32, #tpu.memory_space<vmem_shared>>
          tpu.enqueue_dma source(%dma_start3A_181 : memref<128x16xf32, #tpu.memory_space<vmem_shared>>) target(%arg11 : memref<128x16xf32, #tpu.memory_space<vmem>>) target_semaphore(%run_scoped3A_178 : memref<!tpu.dma_semaphore, #tpu.memory_space<semaphore_mem>>)
          %dma_wait3A = arith.constant 0 : i32
          %dma_wait3A_182 = tpu.memref_slice %arg15[%add3A_167, %dma_wait3A] : memref<10240x16xf32, #tpu.memory_space<vmem_shared>> -> memref<128x16xf32, #tpu.memory_space<vmem_shared>>
          %dma_wait3A_183 = arith.constant 0 : i32
          %dma_wait3A_184 = tpu.memref_slice %arg15[%add3A_167, %dma_wait3A_183] : memref<10240x16xf32, #tpu.memory_space<vmem_shared>> -> memref<128x16xf32, #tpu.memory_space<vmem_shared>>
          tpu.wait_dma2 semaphore(%run_scoped3A_178 : memref<!tpu.dma_semaphore, #tpu.memory_space<semaphore_mem>>) src(%dma_wait3A_184 : memref<128x16xf32, #tpu.memory_space<vmem_shared>>) dst(%arg11 : memref<128x16xf32, #tpu.memory_space<vmem>>)
          tpu.yield
        }) : () -> ()
        %scan3A_172 = arith.constant 0 : i32
        %scan3A_173 = arith.constant 0 : i32
        %scan3A_174 = arith.constant 8 : i32
        %scan3A_175 = arith.addi %scan3A_173, %scan3A_174 : i32
        %scan3A_176 = arith.constant 1 : i32
        scf.for %scan3A_178 = %scan3A_173 to %scan3A_175 step %scan3A_176  : i32 {
          %mul3A_179 = arith.constant 128 : i32
          %mul3A_180 = arith.muli %scan3A_164, %mul3A_179 : i32
          %mul3A_181 = arith.constant 16 : i32
          %mul3A_182 = arith.muli %scan3A_178, %mul3A_181 : i32
          %add3A_183 = arith.addi %mul3A_180, %mul3A_182 : i32
          %get3A = arith.index_cast %add3A_183 : i32 to index
          %get3A_184 = tpu.vector_load %arg14[%get3A] {strides = array<i32>} : memref<640xf32, #tpu.memory_space<vmem>>, vector<16xf32>,
          %get3A_185 = vector.shape_cast %get3A_184 : vector<16xf32> to vector<16xf32>
          %mul3A_186 = arith.constant 0.899999976 : f32
          %mul3A_187 = vector.broadcast %mul3A_186 : f32 to vector<16xf32>
          %mul3A_188 = arith.mulf %get3A_185, %mul3A_187 : vector<16xf32>
          %mul3A_189 = arith.constant 16 : i32
          %mul3A_190 = arith.muli %scan3A_178, %mul3A_189 : i32
          %add3A_191 = arith.constant 0 : i32
          %add3A_192 = arith.addi %mul3A_190, %add3A_191 : i32
          %mul3A_193 = arith.constant 128 : i32
          %mul3A_194 = arith.muli %scan3A_164, %mul3A_193 : i32
          %add3A_195 = arith.addi %mul3A_194, %add3A_192 : i32
          %slice3A = vector.extract_strided_slice %mul3A_188 {offsets = [0], sizes = [1], strides = [1]} : vector<16xf32> to vector<1xf32>
          %squeeze3A = vector.extract %slice3A[0] : f32 from vector<1xf32>
          %get3A_196 = arith.index_cast %add3A_192 : i32 to index
          %get3A_197 = arith.constant 0 : index
          %get3A_198 = tpu.vector_load %arg11[%get3A_196, %get3A_197] {strides = array<i32>} : memref<128x16xf32, #tpu.memory_space<vmem>>, vector<1x16xf32>,
          %get3A_199 = vector.shape_cast %get3A_198 : vector<1x16xf32> to vector<16xf32>
          %get3A_200 = arith.index_cast %add3A_192 : i32 to index
          %get3A_201 = arith.constant 0 : index
          %get3A_202 = tpu.vector_load %arg10[%get3A_200, %get3A_201] {strides = array<i32>} : memref<128x16xf32, #tpu.memory_space<vmem>>, vector<1x16xf32>,
          %get3A_203 = vector.shape_cast %get3A_202 : vector<1x16xf32> to vector<16xf32>
          %add3A_204 = arith.addf %get3A_199, %get3A_203 : vector<16xf32>
          %mul3A_205 = vector.broadcast %squeeze3A : f32 to vector<16xf32>
          %mul3A_206 = arith.mulf %add3A_204, %mul3A_205 : vector<16xf32>
          %get3A_207 = arith.constant 3 : i32
          %get3A_208 = arith.index_cast %get3A_207 : i32 to index
          %get3A_209 = arith.index_cast %add3A_195 : i32 to index
          %get3A_210 = arith.constant 0 : index
          %get3A_211 = tpu.vector_load %arg13[%get3A_208, %get3A_209, %get3A_210] {strides = array<i32>} : memref<4x640x16xf32, #tpu.memory_space<vmem>>, vector<1x1x16xf32>,
          %get3A_212 = vector.shape_cast %get3A_211 : vector<1x1x16xf32> to vector<16xf32>
          %add3A_213 = arith.addf %mul3A_206, %get3A_212 : vector<16xf32>
          %swap3A = arith.index_cast %add3A_192 : i32 to index
          %swap3A_214 = arith.constant 0 : index
          %swap3A_215 = tpu.vector_load %arg10[%swap3A, %swap3A_214] {strides = array<i32>} : memref<128x16xf32, #tpu.memory_space<vmem>>, vector<1x16xf32>,
          %swap3A_216 = vector.shape_cast %swap3A_215 : vector<1x16xf32> to vector<16xf32>
          %swap3A_217 = vector.shape_cast %add3A_213 : vector<16xf32> to vector<1x16xf32>
          tpu.vector_store %arg10[%swap3A, %swap3A_214], %swap3A_217 {strides = array<i32>} : memref<128x16xf32, #tpu.memory_space<vmem>>, vector<1x16xf32>,
          %mul3A_218 = arith.constant 16 : i32
          %mul3A_219 = arith.muli %scan3A_178, %mul3A_218 : i32
          %add3A_220 = arith.constant 1 : i32
          %add3A_221 = arith.addi %mul3A_219, %add3A_220 : i32
          %mul3A_222 = arith.constant 128 : i32
          %mul3A_223 = arith.muli %scan3A_164, %mul3A_222 : i32
          %add3A_224 = arith.addi %mul3A_223, %add3A_221 : i32
          %slice3A_225 = vector.extract_strided_slice %mul3A_188 {offsets = [1], sizes = [1], strides = [1]} : vector<16xf32> to vector<1xf32>
          %squeeze3A_226 = vector.extract %slice3A_225[0] : f32 from vector<1xf32>
          %get3A_227 = arith.index_cast %add3A_221 : i32 to index
          %get3A_228 = arith.constant 0 : index
          %get3A_229 = tpu.vector_load %arg11[%get3A_227, %get3A_228] {strides = array<i32>} : memref<128x16xf32, #tpu.memory_space<vmem>>, vector<1x16xf32>,
          %get3A_230 = vector.shape_cast %get3A_229 : vector<1x16xf32> to vector<16xf32>
          %get3A_231 = arith.index_cast %add3A_221 : i32 to index
          %get3A_232 = arith.constant 0 : index
          %get3A_233 = tpu.vector_load %arg10[%get3A_231, %get3A_232] {strides = array<i32>} : memref<128x16xf32, #tpu.memory_space<vmem>>, vector<1x16xf32>,
          %get3A_234 = vector.shape_cast %get3A_233 : vector<1x16xf32> to vector<16xf32>
          %add3A_235 = arith.addf %get3A_230, %get3A_234 : vector<16xf32>
          %mul3A_236 = vector.broadcast %squeeze3A_226 : f32 to vector<16xf32>
          %mul3A_237 = arith.mulf %add3A_235, %mul3A_236 : vector<16xf32>
          %get3A_238 = arith.constant 3 : i32
          %get3A_239 = arith.index_cast %get3A_238 : i32 to index
          %get3A_240 = arith.index_cast %add3A_224 : i32 to index
          %get3A_241 = arith.constant 0 : index
          %get3A_242 = tpu.vector_load %arg13[%get3A_239, %get3A_240, %get3A_241] {strides = array<i32>} : memref<4x640x16xf32, #tpu.memory_space<vmem>>, vector<1x1x16xf32>,
          %get3A_243 = vector.shape_cast %get3A_242 : vector<1x1x16xf32> to vector<16xf32>
          %add3A_244 = arith.addf %mul3A_237, %get3A_243 : vector<16xf32>
          %swap3A_245 = arith.index_cast %add3A_221 : i32 to index
          %swap3A_246 = arith.constant 0 : index
          %swap3A_247 = tpu.vector_load %arg10[%swap3A_245, %swap3A_246] {strides = array<i32>} : memref<128x16xf32, #tpu.memory_space<vmem>>, vector<1x16xf32>,
          %swap3A_248 = vector.shape_cast %swap3A_247 : vector<1x16xf32> to vector<16xf32>
          %swap3A_249 = vector.shape_cast %add3A_244 : vector<16xf32> to vector<1x16xf32>
          tpu.vector_store %arg10[%swap3A_245, %swap3A_246], %swap3A_249 {strides = array<i32>} : memref<128x16xf32, #tpu.memory_space<vmem>>, vector<1x16xf32>,
          %mul3A_250 = arith.constant 16 : i32
          %mul3A_251 = arith.muli %scan3A_178, %mul3A_250 : i32
          %add3A_252 = arith.constant 2 : i32
          %add3A_253 = arith.addi %mul3A_251, %add3A_252 : i32
          %mul3A_254 = arith.constant 128 : i32
          %mul3A_255 = arith.muli %scan3A_164, %mul3A_254 : i32
          %add3A_256 = arith.addi %mul3A_255, %add3A_253 : i32
          %slice3A_257 = vector.extract_strided_slice %mul3A_188 {offsets = [2], sizes = [1], strides = [1]} : vector<16xf32> to vector<1xf32>
          %squeeze3A_258 = vector.extract %slice3A_257[0] : f32 from vector<1xf32>
          %get3A_259 = arith.index_cast %add3A_253 : i32 to index
          %get3A_260 = arith.constant 0 : index
          %get3A_261 = tpu.vector_load %arg11[%get3A_259, %get3A_260] {strides = array<i32>} : memref<128x16xf32, #tpu.memory_space<vmem>>, vector<1x16xf32>,
          %get3A_262 = vector.shape_cast %get3A_261 : vector<1x16xf32> to vector<16xf32>
          %get3A_263 = arith.index_cast %add3A_253 : i32 to index
          %get3A_264 = arith.constant 0 : index
          %get3A_265 = tpu.vector_load %arg10[%get3A_263, %get3A_264] {strides = array<i32>} : memref<128x16xf32, #tpu.memory_space<vmem>>, vector<1x16xf32>,
          %get3A_266 = vector.shape_cast %get3A_265 : vector<1x16xf32> to vector<16xf32>
          %add3A_267 = arith.addf %get3A_262, %get3A_266 : vector<16xf32>
          %mul3A_268 = vector.broadcast %squeeze3A_258 : f32 to vector<16xf32>
          %mul3A_269 = arith.mulf %add3A_267, %mul3A_268 : vector<16xf32>
          %get3A_270 = arith.constant 3 : i32
          %get3A_271 = arith.index_cast %get3A_270 : i32 to index
          %get3A_272 = arith.index_cast %add3A_256 : i32 to index
          %get3A_273 = arith.constant 0 : index
          %get3A_274 = tpu.vector_load %arg13[%get3A_271, %get3A_272, %get3A_273] {strides = array<i32>} : memref<4x640x16xf32, #tpu.memory_space<vmem>>, vector<1x1x16xf32>,
          %get3A_275 = vector.shape_cast %get3A_274 : vector<1x1x16xf32> to vector<16xf32>
          %add3A_276 = arith.addf %mul3A_269, %get3A_275 : vector<16xf32>
          %swap3A_277 = arith.index_cast %add3A_253 : i32 to index
          %swap3A_278 = arith.constant 0 : index
          %swap3A_279 = tpu.vector_load %arg10[%swap3A_277, %swap3A_278] {strides = array<i32>} : memref<128x16xf32, #tpu.memory_space<vmem>>, vector<1x16xf32>,
          %swap3A_280 = vector.shape_cast %swap3A_279 : vector<1x16xf32> to vector<16xf32>
          %swap3A_281 = vector.shape_cast %add3A_276 : vector<16xf32> to vector<1x16xf32>
          tpu.vector_store %arg10[%swap3A_277, %swap3A_278], %swap3A_281 {strides = array<i32>} : memref<128x16xf32, #tpu.memory_space<vmem>>, vector<1x16xf32>,
          %mul3A_282 = arith.constant 16 : i32
          %mul3A_283 = arith.muli %scan3A_178, %mul3A_282 : i32
          %add3A_284 = arith.constant 3 : i32
          %add3A_285 = arith.addi %mul3A_283, %add3A_284 : i32
          %mul3A_286 = arith.constant 128 : i32
          %mul3A_287 = arith.muli %scan3A_164, %mul3A_286 : i32
          %add3A_288 = arith.addi %mul3A_287, %add3A_285 : i32
          %slice3A_289 = vector.extract_strided_slice %mul3A_188 {offsets = [3], sizes = [1], strides = [1]} : vector<16xf32> to vector<1xf32>
          %squeeze3A_290 = vector.extract %slice3A_289[0] : f32 from vector<1xf32>
          %get3A_291 = arith.index_cast %add3A_285 : i32 to index
          %get3A_292 = arith.constant 0 : index
          %get3A_293 = tpu.vector_load %arg11[%get3A_291, %get3A_292] {strides = array<i32>} : memref<128x16xf32, #tpu.memory_space<vmem>>, vector<1x16xf32>,
          %get3A_294 = vector.shape_cast %get3A_293 : vector<1x16xf32> to vector<16xf32>
          %get3A_295 = arith.index_cast %add3A_285 : i32 to index
          %get3A_296 = arith.constant 0 : index
          %get3A_297 = tpu.vector_load %arg10[%get3A_295, %get3A_296] {strides = array<i32>} : memref<128x16xf32, #tpu.memory_space<vmem>>, vector<1x16xf32>,
          %get3A_298 = vector.shape_cast %get3A_297 : vector<1x16xf32> to vector<16xf32>
          %add3A_299 = arith.addf %get3A_294, %get3A_298 : vector<16xf32>
          %mul3A_300 = vector.broadcast %squeeze3A_290 : f32 to vector<16xf32>
          %mul3A_301 = arith.mulf %add3A_299, %mul3A_300 : vector<16xf32>
          %get3A_302 = arith.constant 3 : i32
          %get3A_303 = arith.index_cast %get3A_302 : i32 to index
          %get3A_304 = arith.index_cast %add3A_288 : i32 to index
          %get3A_305 = arith.constant 0 : index
          %get3A_306 = tpu.vector_load %arg13[%get3A_303, %get3A_304, %get3A_305] {strides = array<i32>} : memref<4x640x16xf32, #tpu.memory_space<vmem>>, vector<1x1x16xf32>,
          %get3A_307 = vector.shape_cast %get3A_306 : vector<1x1x16xf32> to vector<16xf32>
          %add3A_308 = arith.addf %mul3A_301, %get3A_307 : vector<16xf32>
          %swap3A_309 = arith.index_cast %add3A_285 : i32 to index
          %swap3A_310 = arith.constant 0 : index
          %swap3A_311 = tpu.vector_load %arg10[%swap3A_309, %swap3A_310] {strides = array<i32>} : memref<128x16xf32, #tpu.memory_space<vmem>>, vector<1x16xf32>,
          %swap3A_312 = vector.shape_cast %swap3A_311 : vector<1x16xf32> to vector<16xf32>
          %swap3A_313 = vector.shape_cast %add3A_308 : vector<16xf32> to vector<1x16xf32>
          tpu.vector_store %arg10[%swap3A_309, %swap3A_310], %swap3A_313 {strides = array<i32>} : memref<128x16xf32, #tpu.memory_space<vmem>>, vector<1x16xf32>,
          %mul3A_314 = arith.constant 16 : i32
          %mul3A_315 = arith.muli %scan3A_178, %mul3A_314 : i32
          %add3A_316 = arith.constant 4 : i32
          %add3A_317 = arith.addi %mul3A_315, %add3A_316 : i32
          %mul3A_318 = arith.constant 128 : i32
          %mul3A_319 = arith.muli %scan3A_164, %mul3A_318 : i32
          %add3A_320 = arith.addi %mul3A_319, %add3A_317 : i32
          %slice3A_321 = vector.extract_strided_slice %mul3A_188 {offsets = [4], sizes = [1], strides = [1]} : vector<16xf32> to vector<1xf32>
          %squeeze3A_322 = vector.extract %slice3A_321[0] : f32 from vector<1xf32>
          %get3A_323 = arith.index_cast %add3A_317 : i32 to index
          %get3A_324 = arith.constant 0 : index
          %get3A_325 = tpu.vector_load %arg11[%get3A_323, %get3A_324] {strides = array<i32>} : memref<128x16xf32, #tpu.memory_space<vmem>>, vector<1x16xf32>,
          %get3A_326 = vector.shape_cast %get3A_325 : vector<1x16xf32> to vector<16xf32>
          %get3A_327 = arith.index_cast %add3A_317 : i32 to index
          %get3A_328 = arith.constant 0 : index
          %get3A_329 = tpu.vector_load %arg10[%get3A_327, %get3A_328] {strides = array<i32>} : memref<128x16xf32, #tpu.memory_space<vmem>>, vector<1x16xf32>,
          %get3A_330 = vector.shape_cast %get3A_329 : vector<1x16xf32> to vector<16xf32>
          %add3A_331 = arith.addf %get3A_326, %get3A_330 : vector<16xf32>
          %mul3A_332 = vector.broadcast %squeeze3A_322 : f32 to vector<16xf32>
          %mul3A_333 = arith.mulf %add3A_331, %mul3A_332 : vector<16xf32>
          %get3A_334 = arith.constant 3 : i32
          %get3A_335 = arith.index_cast %get3A_334 : i32 to index
          %get3A_336 = arith.index_cast %add3A_320 : i32 to index
          %get3A_337 = arith.constant 0 : index
          %get3A_338 = tpu.vector_load %arg13[%get3A_335, %get3A_336, %get3A_337] {strides = array<i32>} : memref<4x640x16xf32, #tpu.memory_space<vmem>>, vector<1x1x16xf32>,
          %get3A_339 = vector.shape_cast %get3A_338 : vector<1x1x16xf32> to vector<16xf32>
          %add3A_340 = arith.addf %mul3A_333, %get3A_339 : vector<16xf32>
          %swap3A_341 = arith.index_cast %add3A_317 : i32 to index
          %swap3A_342 = arith.constant 0 : index
          %swap3A_343 = tpu.vector_load %arg10[%swap3A_341, %swap3A_342] {strides = array<i32>} : memref<128x16xf32, #tpu.memory_space<vmem>>, vector<1x16xf32>,
          %swap3A_344 = vector.shape_cast %swap3A_343 : vector<1x16xf32> to vector<16xf32>
          %swap3A_345 = vector.shape_cast %add3A_340 : vector<16xf32> to vector<1x16xf32>
          tpu.vector_store %arg10[%swap3A_341, %swap3A_342], %swap3A_345 {strides = array<i32>} : memref<128x16xf32, #tpu.memory_space<vmem>>, vector<1x16xf32>,
          %mul3A_346 = arith.constant 16 : i32
          %mul3A_347 = arith.muli %scan3A_178, %mul3A_346 : i32
          %add3A_348 = arith.constant 5 : i32
          %add3A_349 = arith.addi %mul3A_347, %add3A_348 : i32
          %mul3A_350 = arith.constant 128 : i32
          %mul3A_351 = arith.muli %scan3A_164, %mul3A_350 : i32
          %add3A_352 = arith.addi %mul3A_351, %add3A_349 : i32
          %slice3A_353 = vector.extract_strided_slice %mul3A_188 {offsets = [5], sizes = [1], strides = [1]} : vector<16xf32> to vector<1xf32>
          %squeeze3A_354 = vector.extract %slice3A_353[0] : f32 from vector<1xf32>
          %get3A_355 = arith.index_cast %add3A_349 : i32 to index
          %get3A_356 = arith.constant 0 : index
          %get3A_357 = tpu.vector_load %arg11[%get3A_355, %get3A_356] {strides = array<i32>} : memref<128x16xf32, #tpu.memory_space<vmem>>, vector<1x16xf32>,
          %get3A_358 = vector.shape_cast %get3A_357 : vector<1x16xf32> to vector<16xf32>
          %get3A_359 = arith.index_cast %add3A_349 : i32 to index
          %get3A_360 = arith.constant 0 : index
          %get3A_361 = tpu.vector_load %arg10[%get3A_359, %get3A_360] {strides = array<i32>} : memref<128x16xf32, #tpu.memory_space<vmem>>, vector<1x16xf32>,
          %get3A_362 = vector.shape_cast %get3A_361 : vector<1x16xf32> to vector<16xf32>
          %add3A_363 = arith.addf %get3A_358, %get3A_362 : vector<16xf32>
          %mul3A_364 = vector.broadcast %squeeze3A_354 : f32 to vector<16xf32>
          %mul3A_365 = arith.mulf %add3A_363, %mul3A_364 : vector<16xf32>
          %get3A_366 = arith.constant 3 : i32
          %get3A_367 = arith.index_cast %get3A_366 : i32 to index
          %get3A_368 = arith.index_cast %add3A_352 : i32 to index
          %get3A_369 = arith.constant 0 : index
          %get3A_370 = tpu.vector_load %arg13[%get3A_367, %get3A_368, %get3A_369] {strides = array<i32>} : memref<4x640x16xf32, #tpu.memory_space<vmem>>, vector<1x1x16xf32>,
          %get3A_371 = vector.shape_cast %get3A_370 : vector<1x1x16xf32> to vector<16xf32>
          %add3A_372 = arith.addf %mul3A_365, %get3A_371 : vector<16xf32>
          %swap3A_373 = arith.index_cast %add3A_349 : i32 to index
          %swap3A_374 = arith.constant 0 : index
          %swap3A_375 = tpu.vector_load %arg10[%swap3A_373, %swap3A_374] {strides = array<i32>} : memref<128x16xf32, #tpu.memory_space<vmem>>, vector<1x16xf32>,
          %swap3A_376 = vector.shape_cast %swap3A_375 : vector<1x16xf32> to vector<16xf32>
          %swap3A_377 = vector.shape_cast %add3A_372 : vector<16xf32> to vector<1x16xf32>
          tpu.vector_store %arg10[%swap3A_373, %swap3A_374], %swap3A_377 {strides = array<i32>} : memref<128x16xf32, #tpu.memory_space<vmem>>, vector<1x16xf32>,
          %mul3A_378 = arith.constant 16 : i32
          %mul3A_379 = arith.muli %scan3A_178, %mul3A_378 : i32
          %add3A_380 = arith.constant 6 : i32
          %add3A_381 = arith.addi %mul3A_379, %add3A_380 : i32
          %mul3A_382 = arith.constant 128 : i32
          %mul3A_383 = arith.muli %scan3A_164, %mul3A_382 : i32
          %add3A_384 = arith.addi %mul3A_383, %add3A_381 : i32
          %slice3A_385 = vector.extract_strided_slice %mul3A_188 {offsets = [6], sizes = [1], strides = [1]} : vector<16xf32> to vector<1xf32>
          %squeeze3A_386 = vector.extract %slice3A_385[0] : f32 from vector<1xf32>
          %get3A_387 = arith.index_cast %add3A_381 : i32 to index
          %get3A_388 = arith.constant 0 : index
          %get3A_389 = tpu.vector_load %arg11[%get3A_387, %get3A_388] {strides = array<i32>} : memref<128x16xf32, #tpu.memory_space<vmem>>, vector<1x16xf32>,
          %get3A_390 = vector.shape_cast %get3A_389 : vector<1x16xf32> to vector<16xf32>
          %get3A_391 = arith.index_cast %add3A_381 : i32 to index
          %get3A_392 = arith.constant 0 : index
          %get3A_393 = tpu.vector_load %arg10[%get3A_391, %get3A_392] {strides = array<i32>} : memref<128x16xf32, #tpu.memory_space<vmem>>, vector<1x16xf32>,
          %get3A_394 = vector.shape_cast %get3A_393 : vector<1x16xf32> to vector<16xf32>
          %add3A_395 = arith.addf %get3A_390, %get3A_394 : vector<16xf32>
          %mul3A_396 = vector.broadcast %squeeze3A_386 : f32 to vector<16xf32>
          %mul3A_397 = arith.mulf %add3A_395, %mul3A_396 : vector<16xf32>
          %get3A_398 = arith.constant 3 : i32
          %get3A_399 = arith.index_cast %get3A_398 : i32 to index
          %get3A_400 = arith.index_cast %add3A_384 : i32 to index
          %get3A_401 = arith.constant 0 : index
          %get3A_402 = tpu.vector_load %arg13[%get3A_399, %get3A_400, %get3A_401] {strides = array<i32>} : memref<4x640x16xf32, #tpu.memory_space<vmem>>, vector<1x1x16xf32>,
          %get3A_403 = vector.shape_cast %get3A_402 : vector<1x1x16xf32> to vector<16xf32>
          %add3A_404 = arith.addf %mul3A_397, %get3A_403 : vector<16xf32>
          %swap3A_405 = arith.index_cast %add3A_381 : i32 to index
          %swap3A_406 = arith.constant 0 : index
          %swap3A_407 = tpu.vector_load %arg10[%swap3A_405, %swap3A_406] {strides = array<i32>} : memref<128x16xf32, #tpu.memory_space<vmem>>, vector<1x16xf32>,
          %swap3A_408 = vector.shape_cast %swap3A_407 : vector<1x16xf32> to vector<16xf32>
          %swap3A_409 = vector.shape_cast %add3A_404 : vector<16xf32> to vector<1x16xf32>
          tpu.vector_store %arg10[%swap3A_405, %swap3A_406], %swap3A_409 {strides = array<i32>} : memref<128x16xf32, #tpu.memory_space<vmem>>, vector<1x16xf32>,
          %mul3A_410 = arith.constant 16 : i32
          %mul3A_411 = arith.muli %scan3A_178, %mul3A_410 : i32
          %add3A_412 = arith.constant 7 : i32
          %add3A_413 = arith.addi %mul3A_411, %add3A_412 : i32
          %mul3A_414 = arith.constant 128 : i32
          %mul3A_415 = arith.muli %scan3A_164, %mul3A_414 : i32
          %add3A_416 = arith.addi %mul3A_415, %add3A_413 : i32
          %slice3A_417 = vector.extract_strided_slice %mul3A_188 {offsets = [7], sizes = [1], strides = [1]} : vector<16xf32> to vector<1xf32>
          %squeeze3A_418 = vector.extract %slice3A_417[0] : f32 from vector<1xf32>
          %get3A_419 = arith.index_cast %add3A_413 : i32 to index
          %get3A_420 = arith.constant 0 : index
          %get3A_421 = tpu.vector_load %arg11[%get3A_419, %get3A_420] {strides = array<i32>} : memref<128x16xf32, #tpu.memory_space<vmem>>, vector<1x16xf32>,
          %get3A_422 = vector.shape_cast %get3A_421 : vector<1x16xf32> to vector<16xf32>
          %get3A_423 = arith.index_cast %add3A_413 : i32 to index
          %get3A_424 = arith.constant 0 : index
          %get3A_425 = tpu.vector_load %arg10[%get3A_423, %get3A_424] {strides = array<i32>} : memref<128x16xf32, #tpu.memory_space<vmem>>, vector<1x16xf32>,
          %get3A_426 = vector.shape_cast %get3A_425 : vector<1x16xf32> to vector<16xf32>
          %add3A_427 = arith.addf %get3A_422, %get3A_426 : vector<16xf32>
          %mul3A_428 = vector.broadcast %squeeze3A_418 : f32 to vector<16xf32>
          %mul3A_429 = arith.mulf %add3A_427, %mul3A_428 : vector<16xf32>
          %get3A_430 = arith.constant 3 : i32
          %get3A_431 = arith.index_cast %get3A_430 : i32 to index
          %get3A_432 = arith.index_cast %add3A_416 : i32 to index
          %get3A_433 = arith.constant 0 : index
          %get3A_434 = tpu.vector_load %arg13[%get3A_431, %get3A_432, %get3A_433] {strides = array<i32>} : memref<4x640x16xf32, #tpu.memory_space<vmem>>, vector<1x1x16xf32>,
          %get3A_435 = vector.shape_cast %get3A_434 : vector<1x1x16xf32> to vector<16xf32>
          %add3A_436 = arith.addf %mul3A_429, %get3A_435 : vector<16xf32>
          %swap3A_437 = arith.index_cast %add3A_413 : i32 to index
          %swap3A_438 = arith.constant 0 : index
          %swap3A_439 = tpu.vector_load %arg10[%swap3A_437, %swap3A_438] {strides = array<i32>} : memref<128x16xf32, #tpu.memory_space<vmem>>, vector<1x16xf32>,
          %swap3A_440 = vector.shape_cast %swap3A_439 : vector<1x16xf32> to vector<16xf32>
          %swap3A_441 = vector.shape_cast %add3A_436 : vector<16xf32> to vector<1x16xf32>
          tpu.vector_store %arg10[%swap3A_437, %swap3A_438], %swap3A_441 {strides = array<i32>} : memref<128x16xf32, #tpu.memory_space<vmem>>, vector<1x16xf32>,
          %mul3A_442 = arith.constant 16 : i32
          %mul3A_443 = arith.muli %scan3A_178, %mul3A_442 : i32
          %add3A_444 = arith.constant 8 : i32
          %add3A_445 = arith.addi %mul3A_443, %add3A_444 : i32
          %mul3A_446 = arith.constant 128 : i32
          %mul3A_447 = arith.muli %scan3A_164, %mul3A_446 : i32
          %add3A_448 = arith.addi %mul3A_447, %add3A_445 : i32
          %slice3A_449 = vector.extract_strided_slice %mul3A_188 {offsets = [8], sizes = [1], strides = [1]} : vector<16xf32> to vector<1xf32>
          %squeeze3A_450 = vector.extract %slice3A_449[0] : f32 from vector<1xf32>
          %get3A_451 = arith.index_cast %add3A_445 : i32 to index
          %get3A_452 = arith.constant 0 : index
          %get3A_453 = tpu.vector_load %arg11[%get3A_451, %get3A_452] {strides = array<i32>} : memref<128x16xf32, #tpu.memory_space<vmem>>, vector<1x16xf32>,
          %get3A_454 = vector.shape_cast %get3A_453 : vector<1x16xf32> to vector<16xf32>
          %get3A_455 = arith.index_cast %add3A_445 : i32 to index
          %get3A_456 = arith.constant 0 : index
          %get3A_457 = tpu.vector_load %arg10[%get3A_455, %get3A_456] {strides = array<i32>} : memref<128x16xf32, #tpu.memory_space<vmem>>, vector<1x16xf32>,
          %get3A_458 = vector.shape_cast %get3A_457 : vector<1x16xf32> to vector<16xf32>
          %add3A_459 = arith.addf %get3A_454, %get3A_458 : vector<16xf32>
          %mul3A_460 = vector.broadcast %squeeze3A_450 : f32 to vector<16xf32>
          %mul3A_461 = arith.mulf %add3A_459, %mul3A_460 : vector<16xf32>
          %get3A_462 = arith.constant 3 : i32
          %get3A_463 = arith.index_cast %get3A_462 : i32 to index
          %get3A_464 = arith.index_cast %add3A_448 : i32 to index
          %get3A_465 = arith.constant 0 : index
          %get3A_466 = tpu.vector_load %arg13[%get3A_463, %get3A_464, %get3A_465] {strides = array<i32>} : memref<4x640x16xf32, #tpu.memory_space<vmem>>, vector<1x1x16xf32>,
          %get3A_467 = vector.shape_cast %get3A_466 : vector<1x1x16xf32> to vector<16xf32>
          %add3A_468 = arith.addf %mul3A_461, %get3A_467 : vector<16xf32>
          %swap3A_469 = arith.index_cast %add3A_445 : i32 to index
          %swap3A_470 = arith.constant 0 : index
          %swap3A_471 = tpu.vector_load %arg10[%swap3A_469, %swap3A_470] {strides = array<i32>} : memref<128x16xf32, #tpu.memory_space<vmem>>, vector<1x16xf32>,
          %swap3A_472 = vector.shape_cast %swap3A_471 : vector<1x16xf32> to vector<16xf32>
          %swap3A_473 = vector.shape_cast %add3A_468 : vector<16xf32> to vector<1x16xf32>
          tpu.vector_store %arg10[%swap3A_469, %swap3A_470], %swap3A_473 {strides = array<i32>} : memref<128x16xf32, #tpu.memory_space<vmem>>, vector<1x16xf32>,
          %mul3A_474 = arith.constant 16 : i32
          %mul3A_475 = arith.muli %scan3A_178, %mul3A_474 : i32
          %add3A_476 = arith.constant 9 : i32
          %add3A_477 = arith.addi %mul3A_475, %add3A_476 : i32
          %mul3A_478 = arith.constant 128 : i32
          %mul3A_479 = arith.muli %scan3A_164, %mul3A_478 : i32
          %add3A_480 = arith.addi %mul3A_479, %add3A_477 : i32
          %slice3A_481 = vector.extract_strided_slice %mul3A_188 {offsets = [9], sizes = [1], strides = [1]} : vector<16xf32> to vector<1xf32>
          %squeeze3A_482 = vector.extract %slice3A_481[0] : f32 from vector<1xf32>
          %get3A_483 = arith.index_cast %add3A_477 : i32 to index
          %get3A_484 = arith.constant 0 : index
          %get3A_485 = tpu.vector_load %arg11[%get3A_483, %get3A_484] {strides = array<i32>} : memref<128x16xf32, #tpu.memory_space<vmem>>, vector<1x16xf32>,
          %get3A_486 = vector.shape_cast %get3A_485 : vector<1x16xf32> to vector<16xf32>
          %get3A_487 = arith.index_cast %add3A_477 : i32 to index
          %get3A_488 = arith.constant 0 : index
          %get3A_489 = tpu.vector_load %arg10[%get3A_487, %get3A_488] {strides = array<i32>} : memref<128x16xf32, #tpu.memory_space<vmem>>, vector<1x16xf32>,
          %get3A_490 = vector.shape_cast %get3A_489 : vector<1x16xf32> to vector<16xf32>
          %add3A_491 = arith.addf %get3A_486, %get3A_490 : vector<16xf32>
          %mul3A_492 = vector.broadcast %squeeze3A_482 : f32 to vector<16xf32>
          %mul3A_493 = arith.mulf %add3A_491, %mul3A_492 : vector<16xf32>
          %get3A_494 = arith.constant 3 : i32
          %get3A_495 = arith.index_cast %get3A_494 : i32 to index
          %get3A_496 = arith.index_cast %add3A_480 : i32 to index
          %get3A_497 = arith.constant 0 : index
          %get3A_498 = tpu.vector_load %arg13[%get3A_495, %get3A_496, %get3A_497] {strides = array<i32>} : memref<4x640x16xf32, #tpu.memory_space<vmem>>, vector<1x1x16xf32>,
          %get3A_499 = vector.shape_cast %get3A_498 : vector<1x1x16xf32> to vector<16xf32>
          %add3A_500 = arith.addf %mul3A_493, %get3A_499 : vector<16xf32>
          %swap3A_501 = arith.index_cast %add3A_477 : i32 to index
          %swap3A_502 = arith.constant 0 : index
          %swap3A_503 = tpu.vector_load %arg10[%swap3A_501, %swap3A_502] {strides = array<i32>} : memref<128x16xf32, #tpu.memory_space<vmem>>, vector<1x16xf32>,
          %swap3A_504 = vector.shape_cast %swap3A_503 : vector<1x16xf32> to vector<16xf32>
          %swap3A_505 = vector.shape_cast %add3A_500 : vector<16xf32> to vector<1x16xf32>
          tpu.vector_store %arg10[%swap3A_501, %swap3A_502], %swap3A_505 {strides = array<i32>} : memref<128x16xf32, #tpu.memory_space<vmem>>, vector<1x16xf32>,
          %mul3A_506 = arith.constant 16 : i32
          %mul3A_507 = arith.muli %scan3A_178, %mul3A_506 : i32
          %add3A_508 = arith.constant 10 : i32
          %add3A_509 = arith.addi %mul3A_507, %add3A_508 : i32
          %mul3A_510 = arith.constant 128 : i32
          %mul3A_511 = arith.muli %scan3A_164, %mul3A_510 : i32
          %add3A_512 = arith.addi %mul3A_511, %add3A_509 : i32
          %slice3A_513 = vector.extract_strided_slice %mul3A_188 {offsets = [10], sizes = [1], strides = [1]} : vector<16xf32> to vector<1xf32>
          %squeeze3A_514 = vector.extract %slice3A_513[0] : f32 from vector<1xf32>
          %get3A_515 = arith.index_cast %add3A_509 : i32 to index
          %get3A_516 = arith.constant 0 : index
          %get3A_517 = tpu.vector_load %arg11[%get3A_515, %get3A_516] {strides = array<i32>} : memref<128x16xf32, #tpu.memory_space<vmem>>, vector<1x16xf32>,
          %get3A_518 = vector.shape_cast %get3A_517 : vector<1x16xf32> to vector<16xf32>
          %get3A_519 = arith.index_cast %add3A_509 : i32 to index
          %get3A_520 = arith.constant 0 : index
          %get3A_521 = tpu.vector_load %arg10[%get3A_519, %get3A_520] {strides = array<i32>} : memref<128x16xf32, #tpu.memory_space<vmem>>, vector<1x16xf32>,
          %get3A_522 = vector.shape_cast %get3A_521 : vector<1x16xf32> to vector<16xf32>
          %add3A_523 = arith.addf %get3A_518, %get3A_522 : vector<16xf32>
          %mul3A_524 = vector.broadcast %squeeze3A_514 : f32 to vector<16xf32>
          %mul3A_525 = arith.mulf %add3A_523, %mul3A_524 : vector<16xf32>
          %get3A_526 = arith.constant 3 : i32
          %get3A_527 = arith.index_cast %get3A_526 : i32 to index
          %get3A_528 = arith.index_cast %add3A_512 : i32 to index
          %get3A_529 = arith.constant 0 : index
          %get3A_530 = tpu.vector_load %arg13[%get3A_527, %get3A_528, %get3A_529] {strides = array<i32>} : memref<4x640x16xf32, #tpu.memory_space<vmem>>, vector<1x1x16xf32>,
          %get3A_531 = vector.shape_cast %get3A_530 : vector<1x1x16xf32> to vector<16xf32>
          %add3A_532 = arith.addf %mul3A_525, %get3A_531 : vector<16xf32>
          %swap3A_533 = arith.index_cast %add3A_509 : i32 to index
          %swap3A_534 = arith.constant 0 : index
          %swap3A_535 = tpu.vector_load %arg10[%swap3A_533, %swap3A_534] {strides = array<i32>} : memref<128x16xf32, #tpu.memory_space<vmem>>, vector<1x16xf32>,
          %swap3A_536 = vector.shape_cast %swap3A_535 : vector<1x16xf32> to vector<16xf32>
          %swap3A_537 = vector.shape_cast %add3A_532 : vector<16xf32> to vector<1x16xf32>
          tpu.vector_store %arg10[%swap3A_533, %swap3A_534], %swap3A_537 {strides = array<i32>} : memref<128x16xf32, #tpu.memory_space<vmem>>, vector<1x16xf32>,
          %mul3A_538 = arith.constant 16 : i32
          %mul3A_539 = arith.muli %scan3A_178, %mul3A_538 : i32
          %add3A_540 = arith.constant 11 : i32
          %add3A_541 = arith.addi %mul3A_539, %add3A_540 : i32
          %mul3A_542 = arith.constant 128 : i32
          %mul3A_543 = arith.muli %scan3A_164, %mul3A_542 : i32
          %add3A_544 = arith.addi %mul3A_543, %add3A_541 : i32
          %slice3A_545 = vector.extract_strided_slice %mul3A_188 {offsets = [11], sizes = [1], strides = [1]} : vector<16xf32> to vector<1xf32>
          %squeeze3A_546 = vector.extract %slice3A_545[0] : f32 from vector<1xf32>
          %get3A_547 = arith.index_cast %add3A_541 : i32 to index
          %get3A_548 = arith.constant 0 : index
          %get3A_549 = tpu.vector_load %arg11[%get3A_547, %get3A_548] {strides = array<i32>} : memref<128x16xf32, #tpu.memory_space<vmem>>, vector<1x16xf32>,
          %get3A_550 = vector.shape_cast %get3A_549 : vector<1x16xf32> to vector<16xf32>
          %get3A_551 = arith.index_cast %add3A_541 : i32 to index
          %get3A_552 = arith.constant 0 : index
          %get3A_553 = tpu.vector_load %arg10[%get3A_551, %get3A_552] {strides = array<i32>} : memref<128x16xf32, #tpu.memory_space<vmem>>, vector<1x16xf32>,
          %get3A_554 = vector.shape_cast %get3A_553 : vector<1x16xf32> to vector<16xf32>
          %add3A_555 = arith.addf %get3A_550, %get3A_554 : vector<16xf32>
          %mul3A_556 = vector.broadcast %squeeze3A_546 : f32 to vector<16xf32>
          %mul3A_557 = arith.mulf %add3A_555, %mul3A_556 : vector<16xf32>
          %get3A_558 = arith.constant 3 : i32
          %get3A_559 = arith.index_cast %get3A_558 : i32 to index
          %get3A_560 = arith.index_cast %add3A_544 : i32 to index
          %get3A_561 = arith.constant 0 : index
          %get3A_562 = tpu.vector_load %arg13[%get3A_559, %get3A_560, %get3A_561] {strides = array<i32>} : memref<4x640x16xf32, #tpu.memory_space<vmem>>, vector<1x1x16xf32>,
          %get3A_563 = vector.shape_cast %get3A_562 : vector<1x1x16xf32> to vector<16xf32>
          %add3A_564 = arith.addf %mul3A_557, %get3A_563 : vector<16xf32>
          %swap3A_565 = arith.index_cast %add3A_541 : i32 to index
          %swap3A_566 = arith.constant 0 : index
          %swap3A_567 = tpu.vector_load %arg10[%swap3A_565, %swap3A_566] {strides = array<i32>} : memref<128x16xf32, #tpu.memory_space<vmem>>, vector<1x16xf32>,
          %swap3A_568 = vector.shape_cast %swap3A_567 : vector<1x16xf32> to vector<16xf32>
          %swap3A_569 = vector.shape_cast %add3A_564 : vector<16xf32> to vector<1x16xf32>
          tpu.vector_store %arg10[%swap3A_565, %swap3A_566], %swap3A_569 {strides = array<i32>} : memref<128x16xf32, #tpu.memory_space<vmem>>, vector<1x16xf32>,
          %mul3A_570 = arith.constant 16 : i32
          %mul3A_571 = arith.muli %scan3A_178, %mul3A_570 : i32
          %add3A_572 = arith.constant 12 : i32
          %add3A_573 = arith.addi %mul3A_571, %add3A_572 : i32
          %mul3A_574 = arith.constant 128 : i32
          %mul3A_575 = arith.muli %scan3A_164, %mul3A_574 : i32
          %add3A_576 = arith.addi %mul3A_575, %add3A_573 : i32
          %slice3A_577 = vector.extract_strided_slice %mul3A_188 {offsets = [12], sizes = [1], strides = [1]} : vector<16xf32> to vector<1xf32>
          %squeeze3A_578 = vector.extract %slice3A_577[0] : f32 from vector<1xf32>
          %get3A_579 = arith.index_cast %add3A_573 : i32 to index
          %get3A_580 = arith.constant 0 : index
          %get3A_581 = tpu.vector_load %arg11[%get3A_579, %get3A_580] {strides = array<i32>} : memref<128x16xf32, #tpu.memory_space<vmem>>, vector<1x16xf32>,
          %get3A_582 = vector.shape_cast %get3A_581 : vector<1x16xf32> to vector<16xf32>
          %get3A_583 = arith.index_cast %add3A_573 : i32 to index
          %get3A_584 = arith.constant 0 : index
          %get3A_585 = tpu.vector_load %arg10[%get3A_583, %get3A_584] {strides = array<i32>} : memref<128x16xf32, #tpu.memory_space<vmem>>, vector<1x16xf32>,
          %get3A_586 = vector.shape_cast %get3A_585 : vector<1x16xf32> to vector<16xf32>
          %add3A_587 = arith.addf %get3A_582, %get3A_586 : vector<16xf32>
          %mul3A_588 = vector.broadcast %squeeze3A_578 : f32 to vector<16xf32>
          %mul3A_589 = arith.mulf %add3A_587, %mul3A_588 : vector<16xf32>
          %get3A_590 = arith.constant 3 : i32
          %get3A_591 = arith.index_cast %get3A_590 : i32 to index
          %get3A_592 = arith.index_cast %add3A_576 : i32 to index
          %get3A_593 = arith.constant 0 : index
          %get3A_594 = tpu.vector_load %arg13[%get3A_591, %get3A_592, %get3A_593] {strides = array<i32>} : memref<4x640x16xf32, #tpu.memory_space<vmem>>, vector<1x1x16xf32>,
          %get3A_595 = vector.shape_cast %get3A_594 : vector<1x1x16xf32> to vector<16xf32>
          %add3A_596 = arith.addf %mul3A_589, %get3A_595 : vector<16xf32>
          %swap3A_597 = arith.index_cast %add3A_573 : i32 to index
          %swap3A_598 = arith.constant 0 : index
          %swap3A_599 = tpu.vector_load %arg10[%swap3A_597, %swap3A_598] {strides = array<i32>} : memref<128x16xf32, #tpu.memory_space<vmem>>, vector<1x16xf32>,
          %swap3A_600 = vector.shape_cast %swap3A_599 : vector<1x16xf32> to vector<16xf32>
          %swap3A_601 = vector.shape_cast %add3A_596 : vector<16xf32> to vector<1x16xf32>
          tpu.vector_store %arg10[%swap3A_597, %swap3A_598], %swap3A_601 {strides = array<i32>} : memref<128x16xf32, #tpu.memory_space<vmem>>, vector<1x16xf32>,
          %mul3A_602 = arith.constant 16 : i32
          %mul3A_603 = arith.muli %scan3A_178, %mul3A_602 : i32
          %add3A_604 = arith.constant 13 : i32
          %add3A_605 = arith.addi %mul3A_603, %add3A_604 : i32
          %mul3A_606 = arith.constant 128 : i32
          %mul3A_607 = arith.muli %scan3A_164, %mul3A_606 : i32
          %add3A_608 = arith.addi %mul3A_607, %add3A_605 : i32
          %slice3A_609 = vector.extract_strided_slice %mul3A_188 {offsets = [13], sizes = [1], strides = [1]} : vector<16xf32> to vector<1xf32>
          %squeeze3A_610 = vector.extract %slice3A_609[0] : f32 from vector<1xf32>
          %get3A_611 = arith.index_cast %add3A_605 : i32 to index
          %get3A_612 = arith.constant 0 : index
          %get3A_613 = tpu.vector_load %arg11[%get3A_611, %get3A_612] {strides = array<i32>} : memref<128x16xf32, #tpu.memory_space<vmem>>, vector<1x16xf32>,
          %get3A_614 = vector.shape_cast %get3A_613 : vector<1x16xf32> to vector<16xf32>
          %get3A_615 = arith.index_cast %add3A_605 : i32 to index
          %get3A_616 = arith.constant 0 : index
          %get3A_617 = tpu.vector_load %arg10[%get3A_615, %get3A_616] {strides = array<i32>} : memref<128x16xf32, #tpu.memory_space<vmem>>, vector<1x16xf32>,
          %get3A_618 = vector.shape_cast %get3A_617 : vector<1x16xf32> to vector<16xf32>
          %add3A_619 = arith.addf %get3A_614, %get3A_618 : vector<16xf32>
          %mul3A_620 = vector.broadcast %squeeze3A_610 : f32 to vector<16xf32>
          %mul3A_621 = arith.mulf %add3A_619, %mul3A_620 : vector<16xf32>
          %get3A_622 = arith.constant 3 : i32
          %get3A_623 = arith.index_cast %get3A_622 : i32 to index
          %get3A_624 = arith.index_cast %add3A_608 : i32 to index
          %get3A_625 = arith.constant 0 : index
          %get3A_626 = tpu.vector_load %arg13[%get3A_623, %get3A_624, %get3A_625] {strides = array<i32>} : memref<4x640x16xf32, #tpu.memory_space<vmem>>, vector<1x1x16xf32>,
          %get3A_627 = vector.shape_cast %get3A_626 : vector<1x1x16xf32> to vector<16xf32>
          %add3A_628 = arith.addf %mul3A_621, %get3A_627 : vector<16xf32>
          %swap3A_629 = arith.index_cast %add3A_605 : i32 to index
          %swap3A_630 = arith.constant 0 : index
          %swap3A_631 = tpu.vector_load %arg10[%swap3A_629, %swap3A_630] {strides = array<i32>} : memref<128x16xf32, #tpu.memory_space<vmem>>, vector<1x16xf32>,
          %swap3A_632 = vector.shape_cast %swap3A_631 : vector<1x16xf32> to vector<16xf32>
          %swap3A_633 = vector.shape_cast %add3A_628 : vector<16xf32> to vector<1x16xf32>
          tpu.vector_store %arg10[%swap3A_629, %swap3A_630], %swap3A_633 {strides = array<i32>} : memref<128x16xf32, #tpu.memory_space<vmem>>, vector<1x16xf32>,
          %mul3A_634 = arith.constant 16 : i32
          %mul3A_635 = arith.muli %scan3A_178, %mul3A_634 : i32
          %add3A_636 = arith.constant 14 : i32
          %add3A_637 = arith.addi %mul3A_635, %add3A_636 : i32
          %mul3A_638 = arith.constant 128 : i32
          %mul3A_639 = arith.muli %scan3A_164, %mul3A_638 : i32
          %add3A_640 = arith.addi %mul3A_639, %add3A_637 : i32
          %slice3A_641 = vector.extract_strided_slice %mul3A_188 {offsets = [14], sizes = [1], strides = [1]} : vector<16xf32> to vector<1xf32>
          %squeeze3A_642 = vector.extract %slice3A_641[0] : f32 from vector<1xf32>
          %get3A_643 = arith.index_cast %add3A_637 : i32 to index
          %get3A_644 = arith.constant 0 : index
          %get3A_645 = tpu.vector_load %arg11[%get3A_643, %get3A_644] {strides = array<i32>} : memref<128x16xf32, #tpu.memory_space<vmem>>, vector<1x16xf32>,
          %get3A_646 = vector.shape_cast %get3A_645 : vector<1x16xf32> to vector<16xf32>
          %get3A_647 = arith.index_cast %add3A_637 : i32 to index
          %get3A_648 = arith.constant 0 : index
          %get3A_649 = tpu.vector_load %arg10[%get3A_647, %get3A_648] {strides = array<i32>} : memref<128x16xf32, #tpu.memory_space<vmem>>, vector<1x16xf32>,
          %get3A_650 = vector.shape_cast %get3A_649 : vector<1x16xf32> to vector<16xf32>
          %add3A_651 = arith.addf %get3A_646, %get3A_650 : vector<16xf32>
          %mul3A_652 = vector.broadcast %squeeze3A_642 : f32 to vector<16xf32>
          %mul3A_653 = arith.mulf %add3A_651, %mul3A_652 : vector<16xf32>
          %get3A_654 = arith.constant 3 : i32
          %get3A_655 = arith.index_cast %get3A_654 : i32 to index
          %get3A_656 = arith.index_cast %add3A_640 : i32 to index
          %get3A_657 = arith.constant 0 : index
          %get3A_658 = tpu.vector_load %arg13[%get3A_655, %get3A_656, %get3A_657] {strides = array<i32>} : memref<4x640x16xf32, #tpu.memory_space<vmem>>, vector<1x1x16xf32>,
          %get3A_659 = vector.shape_cast %get3A_658 : vector<1x1x16xf32> to vector<16xf32>
          %add3A_660 = arith.addf %mul3A_653, %get3A_659 : vector<16xf32>
          %swap3A_661 = arith.index_cast %add3A_637 : i32 to index
          %swap3A_662 = arith.constant 0 : index
          %swap3A_663 = tpu.vector_load %arg10[%swap3A_661, %swap3A_662] {strides = array<i32>} : memref<128x16xf32, #tpu.memory_space<vmem>>, vector<1x16xf32>,
          %swap3A_664 = vector.shape_cast %swap3A_663 : vector<1x16xf32> to vector<16xf32>
          %swap3A_665 = vector.shape_cast %add3A_660 : vector<16xf32> to vector<1x16xf32>
          tpu.vector_store %arg10[%swap3A_661, %swap3A_662], %swap3A_665 {strides = array<i32>} : memref<128x16xf32, #tpu.memory_space<vmem>>, vector<1x16xf32>,
          %mul3A_666 = arith.constant 16 : i32
          %mul3A_667 = arith.muli %scan3A_178, %mul3A_666 : i32
          %add3A_668 = arith.constant 15 : i32
          %add3A_669 = arith.addi %mul3A_667, %add3A_668 : i32
          %mul3A_670 = arith.constant 128 : i32
          %mul3A_671 = arith.muli %scan3A_164, %mul3A_670 : i32
          %add3A_672 = arith.addi %mul3A_671, %add3A_669 : i32
          %slice3A_673 = vector.extract_strided_slice %mul3A_188 {offsets = [15], sizes = [1], strides = [1]} : vector<16xf32> to vector<1xf32>
          %squeeze3A_674 = vector.extract %slice3A_673[0] : f32 from vector<1xf32>
          %get3A_675 = arith.index_cast %add3A_669 : i32 to index
          %get3A_676 = arith.constant 0 : index
          %get3A_677 = tpu.vector_load %arg11[%get3A_675, %get3A_676] {strides = array<i32>} : memref<128x16xf32, #tpu.memory_space<vmem>>, vector<1x16xf32>,
          %get3A_678 = vector.shape_cast %get3A_677 : vector<1x16xf32> to vector<16xf32>
          %get3A_679 = arith.index_cast %add3A_669 : i32 to index
          %get3A_680 = arith.constant 0 : index
          %get3A_681 = tpu.vector_load %arg10[%get3A_679, %get3A_680] {strides = array<i32>} : memref<128x16xf32, #tpu.memory_space<vmem>>, vector<1x16xf32>,
          %get3A_682 = vector.shape_cast %get3A_681 : vector<1x16xf32> to vector<16xf32>
          %add3A_683 = arith.addf %get3A_678, %get3A_682 : vector<16xf32>
          %mul3A_684 = vector.broadcast %squeeze3A_674 : f32 to vector<16xf32>
          %mul3A_685 = arith.mulf %add3A_683, %mul3A_684 : vector<16xf32>
          %get3A_686 = arith.constant 3 : i32
          %get3A_687 = arith.index_cast %get3A_686 : i32 to index
          %get3A_688 = arith.index_cast %add3A_672 : i32 to index
          %get3A_689 = arith.constant 0 : index
          %get3A_690 = tpu.vector_load %arg13[%get3A_687, %get3A_688, %get3A_689] {strides = array<i32>} : memref<4x640x16xf32, #tpu.memory_space<vmem>>, vector<1x1x16xf32>,
          %get3A_691 = vector.shape_cast %get3A_690 : vector<1x1x16xf32> to vector<16xf32>
          %add3A_692 = arith.addf %mul3A_685, %get3A_691 : vector<16xf32>
          %swap3A_693 = arith.index_cast %add3A_669 : i32 to index
          %swap3A_694 = arith.constant 0 : index
          %swap3A_695 = tpu.vector_load %arg10[%swap3A_693, %swap3A_694] {strides = array<i32>} : memref<128x16xf32, #tpu.memory_space<vmem>>, vector<1x16xf32>,
          %swap3A_696 = vector.shape_cast %swap3A_695 : vector<1x16xf32> to vector<16xf32>
          %swap3A_697 = vector.shape_cast %add3A_692 : vector<16xf32> to vector<1x16xf32>
          tpu.vector_store %arg10[%swap3A_693, %swap3A_694], %swap3A_697 {strides = array<i32>} : memref<128x16xf32, #tpu.memory_space<vmem>>, vector<1x16xf32>,
        }
        %scan3A_177 = arith.constant 8 : i32
        "tpu.region"() ({
          %run_scoped3A_178 = tpu.sem_alloc : memref<!tpu.dma_semaphore, #tpu.memory_space<semaphore_mem>>
          %dma_start3A = arith.constant 0 : i32
          %dma_start3A_179 = tpu.memref_slice %arg6[%add3A_171, %dma_start3A] : memref<81920x16xf32, #tpu.memory_space<hbm>> -> memref<128x16xf32, #tpu.memory_space<hbm>>
          %dma_start3A_180 = arith.constant 0 : i32
          %dma_start3A_181 = tpu.memref_slice %arg6[%add3A_171, %dma_start3A_180] : memref<81920x16xf32, #tpu.memory_space<hbm>> -> memref<128x16xf32, #tpu.memory_space<hbm>>
          tpu.enqueue_dma source(%arg10 : memref<128x16xf32, #tpu.memory_space<vmem>>) target(%dma_start3A_181 : memref<128x16xf32, #tpu.memory_space<hbm>>) target_semaphore(%run_scoped3A_178 : memref<!tpu.dma_semaphore, #tpu.memory_space<semaphore_mem>>)
          %dma_wait3A = arith.constant 0 : i32
          %dma_wait3A_182 = tpu.memref_slice %arg6[%add3A_171, %dma_wait3A] : memref<81920x16xf32, #tpu.memory_space<hbm>> -> memref<128x16xf32, #tpu.memory_space<hbm>>
          %dma_wait3A_183 = arith.constant 0 : i32
          %dma_wait3A_184 = tpu.memref_slice %arg6[%add3A_171, %dma_wait3A_183] : memref<81920x16xf32, #tpu.memory_space<hbm>> -> memref<128x16xf32, #tpu.memory_space<hbm>>
          tpu.wait_dma2 semaphore(%run_scoped3A_178 : memref<!tpu.dma_semaphore, #tpu.memory_space<semaphore_mem>>) src(%arg10 : memref<128x16xf32, #tpu.memory_space<vmem>>) dst(%dma_wait3A_184 : memref<128x16xf32, #tpu.memory_space<hbm>>)
          tpu.yield
        }) : () -> ()
        "tpu.region"() ({
          %run_scoped3A_178 = tpu.sem_alloc : memref<!tpu.dma_semaphore, #tpu.memory_space<semaphore_mem>>
          %dma_start3A = arith.constant 0 : i32
          %dma_start3A_179 = tpu.memref_slice %arg15[%add3A_167, %dma_start3A] : memref<10240x16xf32, #tpu.memory_space<vmem_shared>> -> memref<128x16xf32, #tpu.memory_space<vmem_shared>>
          %dma_start3A_180 = arith.constant 0 : i32
          %dma_start3A_181 = tpu.memref_slice %arg15[%add3A_167, %dma_start3A_180] : memref<10240x16xf32, #tpu.memory_space<vmem_shared>> -> memref<128x16xf32, #tpu.memory_space<vmem_shared>>
          tpu.enqueue_dma source(%arg12 : memref<128x16xf32, #tpu.memory_space<vmem>>) target(%dma_start3A_181 : memref<128x16xf32, #tpu.memory_space<vmem_shared>>) target_semaphore(%run_scoped3A_178 : memref<!tpu.dma_semaphore, #tpu.memory_space<semaphore_mem>>)
          %dma_wait3A = arith.constant 0 : i32
          %dma_wait3A_182 = tpu.memref_slice %arg15[%add3A_167, %dma_wait3A] : memref<10240x16xf32, #tpu.memory_space<vmem_shared>> -> memref<128x16xf32, #tpu.memory_space<vmem_shared>>
          %dma_wait3A_183 = arith.constant 0 : i32
          %dma_wait3A_184 = tpu.memref_slice %arg15[%add3A_167, %dma_wait3A_183] : memref<10240x16xf32, #tpu.memory_space<vmem_shared>> -> memref<128x16xf32, #tpu.memory_space<vmem_shared>>
          tpu.wait_dma2 semaphore(%run_scoped3A_178 : memref<!tpu.dma_semaphore, #tpu.memory_space<semaphore_mem>>) src(%arg12 : memref<128x16xf32, #tpu.memory_space<vmem>>) dst(%dma_wait3A_184 : memref<128x16xf32, #tpu.memory_space<vmem_shared>>)
          tpu.yield
        }) : () -> ()
      }
      %scan3A_162 = arith.constant 5 : i32
      %barrier3A_163 = arith.constant 0 : index
      tpu.barrier barrier_id(%barrier3A_163)
    }
    %scan3A_148 = arith.constant 10 : i32
    return
  }
}

#map = affine_map<(d0, d1) -> (0, 0, 0)>
#map1 = affine_map<(d0, d1) -> (0, 0)>
module attributes {stable_mosaic.version = 14 : i64} {
  func.func @_deg_body(%arg0: i32, %arg1: i32, %arg2: memref<16x162x128xi32, #tpu.memory_space<hbm>>, %arg3: memref<2x10240xf32, #tpu.memory_space<hbm>>, %arg4: memref<162x128xi32, #tpu.memory_space<vmem>>, %arg5: memref<128xf32, #tpu.memory_space<vmem>>, %arg6: memref<640xf32, #tpu.memory_space<vmem>>, %arg7: memref<10240xf32, #tpu.memory_space<vmem_shared>>) attributes {dimension_semantics = [#tpu.dimension_semantics<core_parallel>, #tpu.dimension_semantics<subcore_parallel>], iteration_bounds = array<i64: 2, 16>, scalar_prefetch = 0 : i64, scratch_operands = 4 : i64, tpu.core_type = #tpu.core_type<sc_vector_subcore>, window_params = [{transform_indices = #map}, {transform_indices = #map1}]} {
    %mul3A = arith.constant 640 : i32
    %mul3A_0 = arith.muli %arg1, %mul3A : i32
    "tpu.region"() ({
      %run_scoped3A = tpu.sem_alloc : memref<!tpu.dma_semaphore, #tpu.memory_space<semaphore_mem>>
      %dma_start3A = arith.constant 0 : i32
      %dma_start3A_19 = arith.constant 0 : i32
      %dma_start3A_20 = tpu.memref_slice %arg2[%arg1, %dma_start3A, %dma_start3A_19] : memref<16x162x128xi32, #tpu.memory_space<hbm>> -> memref<1x162x128xi32, #tpu.memory_space<hbm>>
      %dma_start3A_21 = tpu.memref_squeeze %dma_start3A_20 : memref<1x162x128xi32, #tpu.memory_space<hbm>> -> memref<162x128xi32, #tpu.memory_space<hbm>>
      %dma_start3A_22 = arith.constant 0 : i32
      %dma_start3A_23 = arith.constant 0 : i32
      %dma_start3A_24 = tpu.memref_slice %arg2[%arg1, %dma_start3A_22, %dma_start3A_23] : memref<16x162x128xi32, #tpu.memory_space<hbm>> -> memref<1x162x128xi32, #tpu.memory_space<hbm>>
      %dma_start3A_25 = tpu.memref_squeeze %dma_start3A_24 : memref<1x162x128xi32, #tpu.memory_space<hbm>> -> memref<162x128xi32, #tpu.memory_space<hbm>>
      tpu.enqueue_dma source(%dma_start3A_25 : memref<162x128xi32, #tpu.memory_space<hbm>>) target(%arg4 : memref<162x128xi32, #tpu.memory_space<vmem>>) target_semaphore(%run_scoped3A : memref<!tpu.dma_semaphore, #tpu.memory_space<semaphore_mem>>)
      %dma_wait3A = arith.constant 0 : i32
      %dma_wait3A_26 = arith.constant 0 : i32
      %dma_wait3A_27 = tpu.memref_slice %arg2[%arg1, %dma_wait3A, %dma_wait3A_26] : memref<16x162x128xi32, #tpu.memory_space<hbm>> -> memref<1x162x128xi32, #tpu.memory_space<hbm>>
      %dma_wait3A_28 = tpu.memref_squeeze %dma_wait3A_27 : memref<1x162x128xi32, #tpu.memory_space<hbm>> -> memref<162x128xi32, #tpu.memory_space<hbm>>
      %dma_wait3A_29 = arith.constant 0 : i32
      %dma_wait3A_30 = arith.constant 0 : i32
      %dma_wait3A_31 = tpu.memref_slice %arg2[%arg1, %dma_wait3A_29, %dma_wait3A_30] : memref<16x162x128xi32, #tpu.memory_space<hbm>> -> memref<1x162x128xi32, #tpu.memory_space<hbm>>
      %dma_wait3A_32 = tpu.memref_squeeze %dma_wait3A_31 : memref<1x162x128xi32, #tpu.memory_space<hbm>> -> memref<162x128xi32, #tpu.memory_space<hbm>>
      tpu.wait_dma2 semaphore(%run_scoped3A : memref<!tpu.dma_semaphore, #tpu.memory_space<semaphore_mem>>) src(%dma_wait3A_32 : memref<162x128xi32, #tpu.memory_space<hbm>>) dst(%arg4 : memref<162x128xi32, #tpu.memory_space<vmem>>)
      tpu.yield
    }) : () -> ()
    %scan3A = arith.constant 0 : i32
    %scan3A_1 = arith.constant 0 : i32
    %scan3A_2 = arith.constant 8 : i32
    %scan3A_3 = arith.addi %scan3A_1, %scan3A_2 : i32
    %scan3A_4 = arith.constant 1 : i32
    scf.for %scan3A_19 = %scan3A_1 to %scan3A_3 step %scan3A_4  : i32 {
      %broadcast_in_dim3A = arith.constant 1.000000e+00 : f32
      %broadcast_in_dim3A_20 = vector.broadcast %broadcast_in_dim3A : f32 to vector<16xf32>
      %mul3A_21 = arith.constant 16 : i32
      %mul3A_22 = arith.muli %scan3A_19, %mul3A_21 : i32
      %swap3A = arith.index_cast %mul3A_22 : i32 to index
      %swap3A_23 = tpu.vector_load %arg5[%swap3A] {strides = array<i32>} : memref<128xf32, #tpu.memory_space<vmem>>, vector<16xf32>,
      %swap3A_24 = vector.shape_cast %swap3A_23 : vector<16xf32> to vector<16xf32>
      %swap3A_25 = vector.shape_cast %broadcast_in_dim3A_20 : vector<16xf32> to vector<16xf32>
      tpu.vector_store %arg5[%swap3A], %swap3A_25 {strides = array<i32>} : memref<128xf32, #tpu.memory_space<vmem>>, vector<16xf32>,
    }
    %scan3A_5 = arith.constant 8 : i32
    %scan3A_6 = arith.constant 0 : i32
    %scan3A_7 = arith.constant 0 : i32
    %scan3A_8 = arith.constant 40 : i32
    %scan3A_9 = arith.addi %scan3A_7, %scan3A_8 : i32
    %scan3A_10 = arith.constant 1 : i32
    scf.for %scan3A_19 = %scan3A_7 to %scan3A_9 step %scan3A_10  : i32 {
      %broadcast_in_dim3A = arith.constant 0.000000e+00 : f32
      %broadcast_in_dim3A_20 = vector.broadcast %broadcast_in_dim3A : f32 to vector<16xf32>
      %mul3A_21 = arith.constant 16 : i32
      %mul3A_22 = arith.muli %scan3A_19, %mul3A_21 : i32
      %swap3A = arith.index_cast %mul3A_22 : i32 to index
      %swap3A_23 = tpu.vector_load %arg6[%swap3A] {strides = array<i32>} : memref<640xf32, #tpu.memory_space<vmem>>, vector<16xf32>,
      %swap3A_24 = vector.shape_cast %swap3A_23 : vector<16xf32> to vector<16xf32>
      %swap3A_25 = vector.shape_cast %broadcast_in_dim3A_20 : vector<16xf32> to vector<16xf32>
      tpu.vector_store %arg6[%swap3A], %swap3A_25 {strides = array<i32>} : memref<640xf32, #tpu.memory_space<vmem>>, vector<16xf32>,
    }
    %scan3A_11 = arith.constant 40 : i32
    "tpu.region"() ({
      %run_scoped3A = tpu.sem_alloc : memref<!tpu.dma_semaphore, #tpu.memory_space<semaphore_mem>>
      %dma_start3A = tpu.memref_slice %arg7[%mul3A_0] : memref<10240xf32, #tpu.memory_space<vmem_shared>> -> memref<640xf32, #tpu.memory_space<vmem_shared>>
      %dma_start3A_19 = tpu.memref_slice %arg7[%mul3A_0] : memref<10240xf32, #tpu.memory_space<vmem_shared>> -> memref<640xf32, #tpu.memory_space<vmem_shared>>
      tpu.enqueue_dma source(%arg6 : memref<640xf32, #tpu.memory_space<vmem>>) target(%dma_start3A_19 : memref<640xf32, #tpu.memory_space<vmem_shared>>) target_semaphore(%run_scoped3A : memref<!tpu.dma_semaphore, #tpu.memory_space<semaphore_mem>>)
      %dma_wait3A = tpu.memref_slice %arg7[%mul3A_0] : memref<10240xf32, #tpu.memory_space<vmem_shared>> -> memref<640xf32, #tpu.memory_space<vmem_shared>>
      %dma_wait3A_20 = tpu.memref_slice %arg7[%mul3A_0] : memref<10240xf32, #tpu.memory_space<vmem_shared>> -> memref<640xf32, #tpu.memory_space<vmem_shared>>
      tpu.wait_dma2 semaphore(%run_scoped3A : memref<!tpu.dma_semaphore, #tpu.memory_space<semaphore_mem>>) src(%arg6 : memref<640xf32, #tpu.memory_space<vmem>>) dst(%dma_wait3A_20 : memref<640xf32, #tpu.memory_space<vmem_shared>>)
      tpu.yield
    }) : () -> ()
    %barrier3A = arith.constant 0 : index
    tpu.barrier barrier_id(%barrier3A)
    %scan3A_12 = arith.constant 0 : i32
    %scan3A_13 = arith.constant 0 : i32
    %scan3A_14 = arith.constant 81 : i32
    %scan3A_15 = arith.addi %scan3A_13, %scan3A_14 : i32
    %scan3A_16 = arith.constant 1 : i32
    scf.for %scan3A_19 = %scan3A_13 to %scan3A_15 step %scan3A_16  : i32 {
      %mul3A_20 = arith.constant 81 : i32
      %mul3A_21 = arith.muli %arg0, %mul3A_20 : i32
      %add3A = arith.addi %mul3A_21, %scan3A_19 : i32
      "tpu.region"() ({
        %run_scoped3A = tpu.sem_alloc : memref<!tpu.dma_semaphore, #tpu.memory_space<semaphore_mem>>
        %dma_start3A = arith.constant 0 : i32
        %dma_start3A_22 = tpu.memref_slice %arg4[%add3A, %dma_start3A] : memref<162x128xi32, #tpu.memory_space<vmem>> -> memref<1x128xi32, #tpu.memory_space<vmem>>
        %dma_start3A_23 = tpu.memref_squeeze %dma_start3A_22 : memref<1x128xi32, #tpu.memory_space<vmem>> -> memref<128xi32, #tpu.memory_space<vmem>>
        %dma_start3A_24 = arith.constant 0 : i32
        %dma_start3A_25 = tpu.memref_slice %arg7[%dma_start3A_24] : memref<10240xf32, #tpu.memory_space<vmem_shared>> -> memref<10240xf32, #tpu.memory_space<vmem_shared>>
        tpu.enqueue_indirect_dma source(%arg5 : memref<128xf32, #tpu.memory_space<vmem>>) target(%dma_start3A_25 : memref<10240xf32, #tpu.memory_space<vmem_shared>>) offsets(%dma_start3A_23 : memref<128xi32, #tpu.memory_space<vmem>>) semaphore(%run_scoped3A : memref<!tpu.dma_semaphore, #tpu.memory_space<semaphore_mem>>) {add = true}
        %dma_wait3A = arith.constant 0 : i32
        %dma_wait3A_26 = tpu.memref_slice %arg4[%add3A, %dma_wait3A] : memref<162x128xi32, #tpu.memory_space<vmem>> -> memref<1x128xi32, #tpu.memory_space<vmem>>
        %dma_wait3A_27 = tpu.memref_squeeze %dma_wait3A_26 : memref<1x128xi32, #tpu.memory_space<vmem>> -> memref<128xi32, #tpu.memory_space<vmem>>
        %dma_wait3A_28 = arith.constant 0 : i32
        %dma_wait3A_29 = tpu.memref_slice %arg7[%dma_wait3A_28] : memref<10240xf32, #tpu.memory_space<vmem_shared>> -> memref<10240xf32, #tpu.memory_space<vmem_shared>>
        tpu.wait_indirect_dma semaphore(%run_scoped3A : memref<!tpu.dma_semaphore, #tpu.memory_space<semaphore_mem>>) src(%arg5 : memref<128xf32, #tpu.memory_space<vmem>>) dst(%dma_wait3A_29 : memref<10240xf32, #tpu.memory_space<vmem_shared>>)
        tpu.yield
      }) : () -> ()
    }
    %scan3A_17 = arith.constant 81 : i32
    %barrier3A_18 = arith.constant 0 : index
    tpu.barrier barrier_id(%barrier3A_18)
    "tpu.region"() ({
      %run_scoped3A = tpu.sem_alloc : memref<!tpu.dma_semaphore, #tpu.memory_space<semaphore_mem>>
      %dma_start3A = tpu.memref_slice %arg7[%mul3A_0] : memref<10240xf32, #tpu.memory_space<vmem_shared>> -> memref<640xf32, #tpu.memory_space<vmem_shared>>
      %dma_start3A_19 = tpu.memref_slice %arg7[%mul3A_0] : memref<10240xf32, #tpu.memory_space<vmem_shared>> -> memref<640xf32, #tpu.memory_space<vmem_shared>>
      tpu.enqueue_dma source(%dma_start3A_19 : memref<640xf32, #tpu.memory_space<vmem_shared>>) target(%arg6 : memref<640xf32, #tpu.memory_space<vmem>>) target_semaphore(%run_scoped3A : memref<!tpu.dma_semaphore, #tpu.memory_space<semaphore_mem>>)
      %dma_wait3A = tpu.memref_slice %arg7[%mul3A_0] : memref<10240xf32, #tpu.memory_space<vmem_shared>> -> memref<640xf32, #tpu.memory_space<vmem_shared>>
      %dma_wait3A_20 = tpu.memref_slice %arg7[%mul3A_0] : memref<10240xf32, #tpu.memory_space<vmem_shared>> -> memref<640xf32, #tpu.memory_space<vmem_shared>>
      tpu.wait_dma2 semaphore(%run_scoped3A : memref<!tpu.dma_semaphore, #tpu.memory_space<semaphore_mem>>) src(%dma_wait3A_20 : memref<640xf32, #tpu.memory_space<vmem_shared>>) dst(%arg6 : memref<640xf32, #tpu.memory_space<vmem>>)
      tpu.yield
    }) : () -> ()
    "tpu.region"() ({
      %run_scoped3A = tpu.sem_alloc : memref<!tpu.dma_semaphore, #tpu.memory_space<semaphore_mem>>
      %dma_start3A = tpu.memref_slice %arg3[%arg0, %mul3A_0] : memref<2x10240xf32, #tpu.memory_space<hbm>> -> memref<1x640xf32, #tpu.memory_space<hbm>>
      %dma_start3A_19 = tpu.memref_squeeze %dma_start3A : memref<1x640xf32, #tpu.memory_space<hbm>> -> memref<640xf32, #tpu.memory_space<hbm>>
      %dma_start3A_20 = tpu.memref_slice %arg3[%arg0, %mul3A_0] : memref<2x10240xf32, #tpu.memory_space<hbm>> -> memref<1x640xf32, #tpu.memory_space<hbm>>
      %dma_start3A_21 = tpu.memref_squeeze %dma_start3A_20 : memref<1x640xf32, #tpu.memory_space<hbm>> -> memref<640xf32, #tpu.memory_space<hbm>>
      tpu.enqueue_dma source(%arg6 : memref<640xf32, #tpu.memory_space<vmem>>) target(%dma_start3A_21 : memref<640xf32, #tpu.memory_space<hbm>>) target_semaphore(%run_scoped3A : memref<!tpu.dma_semaphore, #tpu.memory_space<semaphore_mem>>)
      %dma_wait3A = tpu.memref_slice %arg3[%arg0, %mul3A_0] : memref<2x10240xf32, #tpu.memory_space<hbm>> -> memref<1x640xf32, #tpu.memory_space<hbm>>
      %dma_wait3A_22 = tpu.memref_squeeze %dma_wait3A : memref<1x640xf32, #tpu.memory_space<hbm>> -> memref<640xf32, #tpu.memory_space<hbm>>
      %dma_wait3A_23 = tpu.memref_slice %arg3[%arg0, %mul3A_0] : memref<2x10240xf32, #tpu.memory_space<hbm>> -> memref<1x640xf32, #tpu.memory_space<hbm>>
      %dma_wait3A_24 = tpu.memref_squeeze %dma_wait3A_23 : memref<1x640xf32, #tpu.memory_space<hbm>> -> memref<640xf32, #tpu.memory_space<hbm>>
      tpu.wait_dma2 semaphore(%run_scoped3A : memref<!tpu.dma_semaphore, #tpu.memory_space<semaphore_mem>>) src(%arg6 : memref<640xf32, #tpu.memory_space<vmem>>) dst(%dma_wait3A_24 : memref<640xf32, #tpu.memory_space<hbm>>)
      tpu.yield
    }) : () -> ()
    return
  }
}

module attributes {stable_mosaic.version = 14 : i64} {
  func.func @_mlp_body(%arg0: i32, %arg1: memref<512x128xf32, #tpu.memory_space<vmem>>, %arg2: memref<128x128xf32, #tpu.memory_space<vmem>>, %arg3: memref<1x128xf32, #tpu.memory_space<vmem>>, %arg4: memref<128x128xf32, #tpu.memory_space<vmem>>, %arg5: memref<1x128xf32, #tpu.memory_space<vmem>>, %arg6: memref<512x128xf32, #tpu.memory_space<vmem>>) attributes {dimension_semantics = [#tpu.dimension_semantics<arbitrary>], iteration_bounds = array<i64: 20>, scalar_prefetch = 0 : i64, scratch_operands = 0 : i64, tpu.core_type = #tpu.core_type<tc>, window_params = [{transform_indices = @transform_0, window_bounds = array<i64: 512, 128>}, {pipeline_mode = #tpu.pipeline_mode<synchronous>, transform_indices = @transform_1, window_bounds = array<i64: 128, 128>}, {pipeline_mode = #tpu.pipeline_mode<synchronous>, transform_indices = @transform_2, window_bounds = array<i64: 1, 128>}, {pipeline_mode = #tpu.pipeline_mode<synchronous>, transform_indices = @transform_3, window_bounds = array<i64: 128, 128>}, {pipeline_mode = #tpu.pipeline_mode<synchronous>, transform_indices = @transform_4, window_bounds = array<i64: 1, 128>}, {transform_indices = @transform_5, window_bounds = array<i64: 512, 128>}]} {
    %get3A = arith.constant 0 : index
    %get3A_0 = arith.constant 0 : index
    %get3A_1 = vector.load %arg1[%get3A, %get3A_0] : memref<512x128xf32, #tpu.memory_space<vmem>>, vector<512x128xf32>
    %get3A_2 = arith.constant 0 : index
    %get3A_3 = arith.constant 0 : index
    %get3A_4 = vector.load %arg2[%get3A_2, %get3A_3] : memref<128x128xf32, #tpu.memory_space<vmem>>, vector<128x128xf32>
    %dot_general3A = arith.constant dense<0.000000e+00> : vector<512x128xf32>
    %dot_general3A_5 = tpu.matmul %get3A_1, %get3A_4, %dot_general3A {dimension_numbers = #tpu.dot_dimension_numbers<[1], [0], [0], [1], [0, 0, 1, 1], [], []>, transpose_lhs_hint = false} : vector<512x128xf32>, vector<128x128xf32>, vector<512x128xf32> -> vector<512x128xf32>
    %get3A_6 = arith.constant 0 : index
    %get3A_7 = arith.constant 0 : index
    %get3A_8 = vector.load %arg3[%get3A_6, %get3A_7] : memref<1x128xf32, #tpu.memory_space<vmem>>, vector<1x128xf32>
    %add3A = vector.broadcast %get3A_8 : vector<1x128xf32> to vector<512x128xf32>
    %add3A_9 = arith.addf %dot_general3A_5, %add3A : vector<512x128xf32>
    %max3A = arith.constant 0.000000e+00 : f32
    %max3A_10 = vector.broadcast %max3A : f32 to vector<512x128xf32>
    %max3A_11 = arith.maximumf %add3A_9, %max3A_10 : vector<512x128xf32>
    %get3A_12 = arith.constant 0 : index
    %get3A_13 = arith.constant 0 : index
    %get3A_14 = vector.load %arg4[%get3A_12, %get3A_13] : memref<128x128xf32, #tpu.memory_space<vmem>>, vector<128x128xf32>
    %dot_general3A_15 = arith.constant dense<0.000000e+00> : vector<512x128xf32>
    %dot_general3A_16 = tpu.matmul %max3A_11, %get3A_14, %dot_general3A_15 {dimension_numbers = #tpu.dot_dimension_numbers<[1], [0], [0], [1], [0, 0, 1, 1], [], []>, transpose_lhs_hint = false} : vector<512x128xf32>, vector<128x128xf32>, vector<512x128xf32> -> vector<512x128xf32>
    %get3A_17 = arith.constant 0 : index
    %get3A_18 = arith.constant 0 : index
    %get3A_19 = vector.load %arg5[%get3A_17, %get3A_18] : memref<1x128xf32, #tpu.memory_space<vmem>>, vector<1x128xf32>
    %add3A_20 = vector.broadcast %get3A_19 : vector<1x128xf32> to vector<512x128xf32>
    %add3A_21 = arith.addf %dot_general3A_16, %add3A_20 : vector<512x128xf32>
    %swap3A = arith.constant 0 : index
    %swap3A_22 = arith.constant 0 : index
    %swap3A_23 = vector.load %arg6[%swap3A, %swap3A_22] : memref<512x128xf32, #tpu.memory_space<vmem>>, vector<512x128xf32>
    tpu.vector_store %arg6[%swap3A, %swap3A_22], %add3A_21 {strides = array<i32>} : memref<512x128xf32, #tpu.memory_space<vmem>>, vector<512x128xf32>,
    return
  }
  func.func @transform_0(%arg0: i32) -> (i32, i32) {
    %c0_i32 = arith.constant 0 : i32
    %c0_i32_0 = arith.constant 0 : i32
    return %arg0, %c0_i32 : i32, i32
  }
  func.func @transform_1(%arg0: i32) -> (i32, i32) {
    %c0_i32 = arith.constant 0 : i32
    %c0_i32_0 = arith.constant 0 : i32
    %c0_i32_1 = arith.constant 0 : i32
    return %c0_i32, %c0_i32_0 : i32, i32
  }
  func.func @transform_2(%arg0: i32) -> (i32, i32) {
    %c0_i32 = arith.constant 0 : i32
    %c0_i32_0 = arith.constant 0 : i32
    %c0_i32_1 = arith.constant 0 : i32
    return %c0_i32, %c0_i32_0 : i32, i32
  }
  func.func @transform_3(%arg0: i32) -> (i32, i32) {
    %c0_i32 = arith.constant 0 : i32
    %c0_i32_0 = arith.constant 0 : i32
    %c0_i32_1 = arith.constant 0 : i32
    return %c0_i32, %c0_i32_0 : i32, i32
  }
  func.func @transform_4(%arg0: i32) -> (i32, i32) {
    %c0_i32 = arith.constant 0 : i32
    %c0_i32_0 = arith.constant 0 : i32
    %c0_i32_1 = arith.constant 0 : i32
    return %c0_i32, %c0_i32_0 : i32, i32
  }
  func.func @transform_5(%arg0: i32) -> (i32, i32) {
    %c0_i32 = arith.constant 0 : i32
    %c0_i32_0 = arith.constant 0 : i32
    return %arg0, %c0_i32 : i32, i32
  }
}

module attributes {stable_mosaic.version = 14 : i64} {
  func.func @_prep_body(%arg0: i32, %arg1: memref<512x2xf32, #tpu.memory_space<vmem>>, %arg2: memref<512x128xf32, #tpu.memory_space<vmem>>, %arg3: memref<512x128xf32, #tpu.memory_space<vmem>>, %arg4: memref<512x1xf32, #tpu.memory_space<vmem>>, %arg5: memref<512x1xf32, #tpu.memory_space<vmem>>) attributes {dimension_semantics = [#tpu.dimension_semantics<arbitrary>], iteration_bounds = array<i64: 20>, scalar_prefetch = 0 : i64, scratch_operands = 0 : i64, tpu.core_type = #tpu.core_type<tc>, window_params = [{transform_indices = @transform_0, window_bounds = array<i64: 512, 2>}, {transform_indices = @transform_1, window_bounds = array<i64: 512, 128>}, {transform_indices = @transform_2, window_bounds = array<i64: 512, 128>}, {transform_indices = @transform_3, window_bounds = array<i64: 512, 1>}, {transform_indices = @transform_4, window_bounds = array<i64: 512, 1>}]} {
    %iota3A = tpu.iota {dimensions = array<i32: 0>} : vector<512x1xi32>
    %mul3A = arith.constant 512 : i32
    %mul3A_0 = arith.muli %arg0, %mul3A : i32
    %add3A = vector.broadcast %mul3A_0 : i32 to vector<512x1xi32>
    %add3A_1 = arith.addi %iota3A, %add3A : vector<512x1xi32>
    %lt3A = arith.constant 10000 : i32
    %lt3A_2 = vector.broadcast %lt3A : i32 to vector<512x1xi32>
    %lt3A_3 = arith.cmpi slt, %add3A_1, %lt3A_2 : vector<512x1xi32>
    %get3A = arith.constant 0 : index
    %get3A_4 = arith.constant 0 : index
    %get3A_5 = vector.load %arg1[%get3A, %get3A_4] : memref<512x2xf32, #tpu.memory_space<vmem>>, vector<512x1xf32>
    %get3A_6 = arith.constant 0 : index
    %get3A_7 = arith.constant 1 : index
    %get3A_8 = vector.load %arg1[%get3A_6, %get3A_7] : memref<512x2xf32, #tpu.memory_space<vmem>>, vector<512x1xf32>
    %add3A_9 = arith.addf %get3A_5, %get3A_8 : vector<512x1xf32>
    %add3A_10 = arith.constant 1.000000e+00 : f32
    %add3A_11 = vector.broadcast %add3A_10 : f32 to vector<512x1xf32>
    %add3A_12 = arith.addf %add3A_9, %add3A_11 : vector<512x1xf32>
    %rsqrt3A = math.rsqrt %add3A_12 : vector<512x1xf32>
    %div3A = arith.constant 1.000000e+00 : f32
    %div3A_13 = vector.broadcast %div3A : f32 to vector<512x1xf32>
    %div3A_14 = arith.divf %div3A_13, %add3A_12 : vector<512x1xf32>
    %jit3A = arith.constant 0.000000e+00 : f32
    %broadcast_in_dim3A = vector.broadcast %jit3A : f32 to vector<512x1xf32>
    %select_n3A = arith.select %lt3A_3, %rsqrt3A, %broadcast_in_dim3A : vector<512x1xi1>, vector<512x1xf32>
    %jit3A_15 = arith.constant 0.000000e+00 : f32
    %broadcast_in_dim3A_16 = vector.broadcast %jit3A_15 : f32 to vector<512x1xf32>
    %select_n3A_17 = arith.select %lt3A_3, %div3A_14, %broadcast_in_dim3A_16 : vector<512x1xi1>, vector<512x1xf32>
    %get3A_18 = arith.constant 0 : index
    %get3A_19 = arith.constant 0 : index
    %get3A_20 = vector.load %arg2[%get3A_18, %get3A_19] : memref<512x128xf32, #tpu.memory_space<vmem>>, vector<512x128xf32>
    %mul3A_21 = vector.broadcast %select_n3A : vector<512x1xf32> to vector<512x128xf32>
    %mul3A_22 = arith.mulf %mul3A_21, %get3A_20 : vector<512x128xf32>
    %swap3A = arith.constant 0 : index
    %swap3A_23 = arith.constant 0 : index
    %swap3A_24 = vector.load %arg3[%swap3A, %swap3A_23] : memref<512x128xf32, #tpu.memory_space<vmem>>, vector<512x128xf32>
    tpu.vector_store %arg3[%swap3A, %swap3A_23], %mul3A_22 {strides = array<i32>} : memref<512x128xf32, #tpu.memory_space<vmem>>, vector<512x128xf32>,
    %swap3A_25 = arith.constant 0 : index
    %swap3A_26 = arith.constant 0 : index
    %swap3A_27 = vector.load %arg4[%swap3A_25, %swap3A_26] : memref<512x1xf32, #tpu.memory_space<vmem>>, vector<512x1xf32>
    tpu.vector_store %arg4[%swap3A_25, %swap3A_26], %select_n3A_17 {strides = array<i32>} : memref<512x1xf32, #tpu.memory_space<vmem>>, vector<512x1xf32>,
    %swap3A_28 = arith.constant 0 : index
    %swap3A_29 = arith.constant 0 : index
    %swap3A_30 = vector.load %arg5[%swap3A_28, %swap3A_29] : memref<512x1xf32, #tpu.memory_space<vmem>>, vector<512x1xf32>
    tpu.vector_store %arg5[%swap3A_28, %swap3A_29], %select_n3A {strides = array<i32>} : memref<512x1xf32, #tpu.memory_space<vmem>>, vector<512x1xf32>,
    return
  }
  func.func @transform_0(%arg0: i32) -> (i32, i32) {
    %c0_i32 = arith.constant 0 : i32
    %c0_i32_0 = arith.constant 0 : i32
    return %arg0, %c0_i32 : i32, i32
  }
  func.func @transform_1(%arg0: i32) -> (i32, i32) {
    %c0_i32 = arith.constant 0 : i32
    %c0_i32_0 = arith.constant 0 : i32
    return %arg0, %c0_i32 : i32, i32
  }
  func.func @transform_2(%arg0: i32) -> (i32, i32) {
    %c0_i32 = arith.constant 0 : i32
    %c0_i32_0 = arith.constant 0 : i32
    return %arg0, %c0_i32 : i32, i32
  }
  func.func @transform_3(%arg0: i32) -> (i32, i32) {
    %c0_i32 = arith.constant 0 : i32
    %c0_i32_0 = arith.constant 0 : i32
    return %arg0, %c0_i32 : i32, i32
  }
  func.func @transform_4(%arg0: i32) -> (i32, i32) {
    %c0_i32 = arith.constant 0 : i32
    %c0_i32_0 = arith.constant 0 : i32
    return %arg0, %c0_i32 : i32, i32
  }
}

module attributes {stable_mosaic.version = 14 : i64} {
  func.func @_out_body(%arg0: i32, %arg1: memref<400x128xf32, #tpu.memory_space<vmem>>, %arg2: memref<400x1xf32, #tpu.memory_space<vmem>>, %arg3: memref<400x128xf32, #tpu.memory_space<vmem>>) attributes {dimension_semantics = [#tpu.dimension_semantics<arbitrary>], iteration_bounds = array<i64: 25>, scalar_prefetch = 0 : i64, scratch_operands = 0 : i64, tpu.core_type = #tpu.core_type<tc>, window_params = [{transform_indices = @transform_0, window_bounds = array<i64: 400, 128>}, {transform_indices = @transform_1, window_bounds = array<i64: 400, 1>}, {transform_indices = @transform_2, window_bounds = array<i64: 400, 128>}]} {
    %get3A = arith.constant 0 : index
    %get3A_0 = arith.constant 0 : index
    %get3A_1 = vector.load %arg1[%get3A, %get3A_0] : memref<400x128xf32, #tpu.memory_space<vmem>>, vector<400x128xf32>
    %get3A_2 = arith.constant 0 : index
    %get3A_3 = arith.constant 0 : index
    %get3A_4 = vector.load %arg2[%get3A_2, %get3A_3] : memref<400x1xf32, #tpu.memory_space<vmem>>, vector<400x1xf32>
    %div3A = vector.broadcast %get3A_4 : vector<400x1xf32> to vector<400x128xf32>
    %div3A_5 = arith.divf %get3A_1, %div3A : vector<400x128xf32>
    %reduce_max3A = arith.constant dense<0xFF800000> : vector<400xf32>
    %reduce_max3A_6 = vector.multi_reduction <maximumf>, %div3A_5, %reduce_max3A [1] : vector<400x128xf32> to vector<400xf32>
    %broadcast_in_dim3A = vector.shape_cast %reduce_max3A_6 : vector<400xf32> to vector<400x1xf32>
    %sub3A = vector.broadcast %broadcast_in_dim3A : vector<400x1xf32> to vector<400x128xf32>
    %sub3A_7 = arith.subf %div3A_5, %sub3A : vector<400x128xf32>
    %exp3A = math.exp %sub3A_7 : vector<400x128xf32>
    %reduce_sum3A = arith.constant dense<0.000000e+00> : vector<400xf32>
    %reduce_sum3A_8 = vector.multi_reduction <add>, %exp3A, %reduce_sum3A [1] : vector<400x128xf32> to vector<400xf32>
    %broadcast_in_dim3A_9 = vector.shape_cast %reduce_sum3A_8 : vector<400xf32> to vector<400x1xf32>
    %log3A = math.log %broadcast_in_dim3A_9 : vector<400x1xf32>
    %sub3A_10 = vector.broadcast %log3A : vector<400x1xf32> to vector<400x128xf32>
    %sub3A_11 = arith.subf %sub3A_7, %sub3A_10 : vector<400x128xf32>
    %swap3A = arith.constant 0 : index
    %swap3A_12 = arith.constant 0 : index
    %swap3A_13 = vector.load %arg3[%swap3A, %swap3A_12] : memref<400x128xf32, #tpu.memory_space<vmem>>, vector<400x128xf32>
    tpu.vector_store %arg3[%swap3A, %swap3A_12], %sub3A_11 {strides = array<i32>} : memref<400x128xf32, #tpu.memory_space<vmem>>, vector<400x128xf32>,
    return
  }
  func.func @transform_0(%arg0: i32) -> (i32, i32) {
    %c0_i32 = arith.constant 0 : i32
    %c0_i32_0 = arith.constant 0 : i32
    return %arg0, %c0_i32 : i32, i32
  }
  func.func @transform_1(%arg0: i32) -> (i32, i32) {
    %c0_i32 = arith.constant 0 : i32
    %c0_i32_0 = arith.constant 0 : i32
    return %arg0, %c0_i32 : i32, i32
  }
  func.func @transform_2(%arg0: i32) -> (i32, i32) {
    %c0_i32 = arith.constant 0 : i32
    %c0_i32_0 = arith.constant 0 : i32
    return %arg0, %c0_i32 : i32, i32
  }
}

</mosaic_0001>

<sc_bundles>
// kernel: kernel.10.cloned.1.call-start
scs
__scs_entry_jumppad:
0x0: {  	(pc) =	sbr.rel $0x88, $3  }
0x1: {  	(tag) =	ssettag $0x0;
	lr =	simm.s32 $0x1  }
0x2: {  	[smem:$0x3F9B] =	sst lr;
	_ =	strace $0xD0000000  }
0x3: {  	_ = 	snop  }
0x4: {  	_ = 	snop  }
0x5: {  	_ = 	snop  }
0x6: {  	_ = 	snop  }
0x7: {  	_ = 	snop  }
__scs_overlays_trampoline_lowered:
0x8: {  	[smem:$0x3FAA] =	sst s0  }
0x9: {  	[smem:$0x3FAB] =	sst s1  }
0xa: {  	[smem:$0x3FAC] =	sst s2  }
0xb: {  	[smem:$0x3FAD] =	sst s3  }
0xc: {  	[smem:$0x3FAE] =	sst s4  }
0xd: {  	[smem:$0x3FAF] =	sst s5  }
0xe: {  	[smem:$0x3FB0] =	sst s6  }
0xf: {  	[smem:$0x3FB1] =	sst s7  }
0x10: {  	[smem:$0x3FB2] =	sst s8  }
0x11: {  	[smem:$0x3FB3] =	sst s9;
	s0 =	simm.s32 @!p0 $0x0  }
0x12: {  	s1 =	sld [smem:$0x3F99];
	s0 =	simm.s32 @p0 $0x1  }
0x13: {  	[smem:$0x3FB4] =	sst s0;
	s0 =	simm.s32 @!p1 $0x0  }
0x14: {  	s2 =	sld [smem:$0x3F98];
	s0 =	simm.s32 @p1 $0x1  }
0x15: {  	[smem:$0x3FB5] =	sst s0;
	s0 =	simm.s32 @!p2 $0x0  }
0x16: {  	s3 =	sld [smem:$0x3FDB];
	s0 =	simm.s32 @p2 $0x1  }
0x17: {  	s4 =	simm.s32 $0x1BF5;
	[smem:$0x3FB7] =	sst s0  }
0x18: {  	s0 =	sld [smem:$0x3F9A];
	_ =	swait.ge [sflag:s4], $0x0  }
0x19: {  	s7 =	sld [smem:$0x3F9B]  }
0x1a: {  	s8 =	sadd.s32 $0xFFFFE003, lr  }
0x1b: {  	s9 =	sadd.s32 $0xFFFFFEF7, lr;
	s5 =	simm.s32 $0xFFFFFFFF;
	p2 =	slt.u32 s8, $0xFFFFF086  }
0x1c: {  	p1 =	slt.u32 s9, $0xF7A;
	s5 =	simm.s32 @!p2 $0x0  }
0x1d: {  	s5 =	simm.s32 @p1 $0x1;
	p0 =	seq.s32 s7, s2  }
0x1e: {  	s7 =	smul.u32 @!p0 $0xF7A, s2;
	p2 =	seq.s32 @!p0 s5, $0x0  }
0x1f: {  	s9 =	smul.u32 $0xF7A, s1;
	s8 =	simm.s32 @!p0 $0x1BF5;
	p2 =	por !p2, p0  }
0x20: {  	[sflag:s8] =	ssyncset.s32 @!p0 $0xFFFFF086;
	s6 =	sadd.s32 @!p0 s3, s7;
	s7 =	simm.s32 @!p0 $0x108  }
0x21: {  	s3 =	sadd.s32 s3, s9;
	s6 =	sadd.s32 @!p0 $0x88, s6;
	s7 =	simm.s32 @p2 $0x1082  }
0x22: {  	[simem:s7], [sflag:s8] =	dma.local @!p0 [hbm:s6], $0xF7A  }
0x23: {  	s9 =	sor.u32 $0xD0000000, s2;
	s6 =	simm.s32 $0x108;
	_ =	swait.ge @!p0 [sflag:s8], $0x0  }
0x24: {  	s3 =	sadd.s32 $0x88, s3;
	s6 =	simm.s32 @!p1 $0x1082;
	[sflag:s4] =	ssyncset.s32 $0xFFFFF086  }
0x25: {  	[simem:s6], [sflag:s4] =	dma.local [hbm:s3], $0xF7A  }
0x26: {  	[smem:$0x3F9B] =	sst s1;
	(tag) =	ssettag s2;
	_ =	strace s9  }
0x27: {  	s1 =	sld [smem:$0x3FAB]  }
0x28: {  	s2 =	sld [smem:$0x3FAC]  }
0x29: {  	s4 =	sld [smem:$0x3FAE]  }
0x2a: {  	p0 =	seq.s32 s5, $0x0;
	s5 =	sld [smem:$0x3FAF]  }
0x2b: {  	s6 =	sld [smem:$0x3FB0]  }
0x2c: {  	s7 =	sld [smem:$0x3FB1]  }
0x2d: {  	s3 =	simm.s32 $0x108;
	s8 =	sld [smem:$0x3FB2]  }
0x2e: {  	s3 =	simm.s32 @!p0 $0x1082;
	s9 =	sld [smem:$0x3FB3]  }
0x2f: {  	lr =	sadd.s32 s0, s3;
	s0 =	sld [smem:$0x3FAA]  }
0x30: {  	s3 =	sld [smem:$0x3FAD]  }
0x31: {  	[smem:$0x3FB6] =	sst s10  }
0x32: {  	s10 =	sld [smem:$0x3FB4];
	_ =	sdelay $0x3  }
0x33: {  	p0 =	seq.s32 s10, $0x1;
	s10 =	sld [smem:$0x3FB6];
	_ =	sdelay $0x3  }
0x34: {  	[smem:$0x3FB6] =	sst s10  }
0x35: {  	s10 =	sld [smem:$0x3FB5];
	_ =	sdelay $0x3  }
0x36: {  	p1 =	seq.s32 s10, $0x1;
	s10 =	sld [smem:$0x3FB6];
	_ =	sdelay $0x3  }
0x37: {  	[smem:$0x3FB6] =	sst s10  }
0x38: {  	s10 =	sld [smem:$0x3FB7]  }
0x39: {  	_ = 	snop;
	(pc) =	sbr.ind lr, $3  }
0x3a: {  	_ = 	snop  }
0x3b: {  	_ = 	snop  }
0x3c: {  	p2 =	seq.s32 s10, $0x1;
	s10 =	sld [smem:$0x3FB6]  }
0x3d: {  	_ =	shalt  }
0x3e: {  	_ =	shalt  }
0x3f: {  	_ =	shalt  }
0x40: {  	_ =	shalt  }
0x41: {  	_ =	shalt  }
0x42: {  	_ =	shalt  }
0x43: {  	_ =	shalt  }
0x44: {  	_ =	shalt  }
0x45: {  	_ =	shalt  }
0x46: {  	_ =	shalt  }
0x47: {  	_ =	shalt  }
0x48: {  	_ =	shalt  }
0x49: {  	_ =	shalt  }
0x4a: {  	_ =	shalt  }
0x4b: {  	_ =	shalt  }
0x4c: {  	_ =	shalt  }
0x4d: {  	_ =	shalt  }
0x4e: {  	_ =	shalt  }
0x4f: {  	_ =	shalt  }
0x50: {  	_ =	shalt  }
0x51: {  	_ =	shalt  }
0x52: {  	_ =	shalt  }
0x53: {  	_ =	shalt  }
0x54: {  	_ =	shalt  }
0x55: {  	_ =	shalt  }
0x56: {  	_ =	shalt  }
0x57: {  	_ =	shalt  }
0x58: {  	_ =	shalt  }
0x59: {  	_ =	shalt  }
0x5a: {  	_ =	shalt  }
0x5b: {  	_ =	shalt  }
0x5c: {  	_ =	shalt  }
0x5d: {  	_ =	shalt  }
0x5e: {  	_ =	shalt  }
0x5f: {  	_ =	shalt  }
0x60: {  	_ =	shalt  }
0x61: {  	_ =	shalt  }
0x62: {  	_ =	shalt  }
0x63: {  	_ =	shalt  }
0x64: {  	_ =	shalt  }
0x65: {  	_ =	shalt  }
0x66: {  	_ =	shalt  }
0x67: {  	_ =	shalt  }
0x68: {  	_ =	shalt  }
0x69: {  	_ =	shalt  }
0x6a: {  	_ =	shalt  }
0x6b: {  	_ =	shalt  }
0x6c: {  	_ =	shalt  }
0x6d: {  	_ =	shalt  }
0x6e: {  	_ =	shalt  }
0x6f: {  	_ =	shalt  }
0x70: {  	_ =	shalt  }
0x71: {  	_ =	shalt  }
0x72: {  	_ =	shalt  }
0x73: {  	_ =	shalt  }
0x74: {  	_ =	shalt  }
0x75: {  	_ =	shalt  }
0x76: {  	_ =	shalt  }
0x77: {  	_ =	shalt  }
0x78: {  	_ =	shalt  }
0x79: {  	_ =	shalt  }
0x7a: {  	_ =	shalt  }
0x7b: {  	_ =	shalt  }
0x7c: {  	_ =	shalt  }
0x7d: {  	_ =	shalt  }
0x7e: {  	_ =	shalt  }
0x7f: {  	_ =	shalt  }
0x80: {  	_ =	shalt  }
0x81: {  	_ =	shalt  }
0x82: {  	_ =	shalt  }
0x83: {  	_ =	shalt  }
0x84: {  	_ =	shalt  }
0x85: {  	_ =	shalt  }
0x86: {  	_ =	shalt  }
0x87: {  	_ =	shalt  }
.Lfunc_end0:
.L_simem_size_0:
called_computation.1_lowered:
.L_overlay_start_0:
0x88: {  	s2 =	sld [smem:$0x3FD9]  }
0x89: {  	s3 =	sld [smem:$0x3FFE];
	_ =	sdelay $0x1  }
0x8a: {  	s1 =	srdreg.scid  }
0x8b: {  	s0 =	sand.u32 $0x1, s1  }
0x8c: {  	s17 =	sshll.u32 s0, $0xA;
	s2 =	sadd.s32 s3, s2  }
0x8d: {  	s2 =	sadd.s32 s2, s17  }
0x8e: {  	[smem:$0x3FC2] =	sst s2  }
0x8f: {  	_ = 	snop  }
0x90: {  	s2 =	sld [smem:$0x3FD0];
	(tm) =	ssettm $0x1  }
0x91: {  	s18 =	sld [smem:$0x3FFB];
	_ =	sdelay $0x3  }
0x92: {  	_ =	strace s18  }
0x93: {  	s3 =	sld [smem:$0x3FFC];
	_ =	sdelay $0x3  }
0x94: {  	_ =	strace s3  }
0x95: {  	s3 =	sld [smem:$0x3FFD];
	_ =	sdelay $0x3  }
0x96: {  	_ =	strace s3  }
0x97: {  	_ =	strace $0x8FFFFFFF  }
0x98: {  	s19 =	sld [smem:$0x3FDB];
	_ =	sdelay $0x1  }
0x99: {  	s4 =	simm.s32 $_scs_section_size  }
0x9a: {  	s5 =	simm.s32 $_size__tile_overlayer_lowered;
	s6 =	simm.s32 $_tile_overlayer_lowered  }
0x9b: {  	s22 =	simm.s32 $0x1BFF;
	s21 =	sshll.u32 s6, $0x1;
	s3 =	sadd.s32 s4, s19  }
0x9c: {  	s7 =	simm.s32 $0x0;
	s20 =	sshll.u32 s5, $0x1;
	s5 =	sadd.s32 s21, s3  }
0x9d: {  	[timem:s7], [sflag:s22] =	dma.local [hbm:s5], s20  }
0x9e: {  	_ =	swait.ge [sflag:s22], s20  }
0x9f: {  	s4 =	ssub.s32 $0x0, s20;
	[sflag:s22] =	ssyncset.done $0x0  }
0xa0: {  	[sflag:s22] =	ssyncadd.s32 s4;
	_ =	sdelay $0x1  }
0xa1: {  	s23 =	simm.s32 $0x1B8B  }
0xa2: {  	_ =	swait.ge [sflag:s23], $0x1  }
0xa3: {  	[sflag:s23] =	ssyncset.done $0x0  }
0xa4: {  	s25 =	simm.s32 $0x1B8E;
	s24 =	sld [smem:$0x3FFE];
	[sflag:s23] =	ssyncadd.s32 $0xFFFFFFFF  }
0xa5: {  	s26 =	simm.s32 $execute0_lowered;
	[smem:$0x3FD2] =	sst s25  }
0xa6: {  	s5 =	sshll.u32 s26, $0x1;
	_ =	strace $0x80000049;
	[dreg:$0x1] =	wrdreg $0xFFFFFFFF  }
0xa7: {  	s28 =	simm.s32 $_size_execute0_lowered;
	s3 =	sadd.s32 s3, s5;
	[dreg:$0x0] =	wrdreg $0x0  }
0xa8: {  	s5 =	sshll.u32 s28, $0x1;
	[dreg:$0x2] =	wrdreg s3  }
0xa9: {  	[dreg:$0x3] =	wrdreg s5  }
0xaa: {  	[dreg:$0x4] =	wrdreg $0xC0  }
0xab: {  	_ =	task [dreg:s7], $0x5FFFF  }
0xac: {  	[dreg:$0x1] =	wrdreg $0xFFFFFFFF  }
0xad: {  	[dreg:$0x0] =	wrdreg $0x60  }
0xae: {  	[dreg:$0x2] =	wrdreg s24  }
0xaf: {  	[dreg:$0x3] =	wrdreg s2  }
0xb0: {  	[dreg:$0x4] =	wrdreg $0x164800  }
0xb1: {  	[dreg:$0x5] =	wrdreg $0x9  }
0xb2: {  	_ =	task.clear_ibuf [dreg:s7], $0x6FFFF;
	_ =	strace $0x90000049  }
0xb3: {  	s29 =	simm.s32 $0x9;
	_ =	strace $0x8000004B  }
0xb4: {  	_ =	swait.ge [sflag:s29], $0x1  }
0xb5: {  	[sflag:s29] =	ssyncadd.s32 $0xFFFFFFFF  }
0xb6: {  	_ =	strace $0x9000004B  }
0xb7: {  	_ =	sfence  }
0xb8: {  	s30 =	sld [smem:$0x0];
	_ =	sdelay $0x2  }
0xb9: {  	s31 =	sshll.u32 s1, $0xD;
	s1 =	sshrl.u32 s1, $0x2  }
0xba: {  	s3 =	sand.u32 $0x4000, s31;
	s1 =	sadd.s32 s1, s30  }
0xbb: {  	s0 =	sor.u32 s3, s0;
	s1 =	sshll.u32 s1, $0x11  }
0xbc: {  	s0 =	sor.u32 s1, s0  }
0xbd: {  	s0 =	sadd.s32 $0x8F2B, s0  }
0xbe: {  	[sflag:s0] =	ssyncadd.remote.s32 $0x1  }
0xbf: {  	_ =	sfence.sel $0xFFFF  }
0xc0: {  	[dreg:$0x0] =	wrdreg $0xFFFFFFFF;
	(pc) =	sbr.abs _section_cstart, $3  }
0xc1: {  	[dreg:$0x1] =	wrdreg $0xFFFFFFFF  }
0xc2: {  	_ =	task.clear_ibuf [dreg:s7], $0x2FFFF;
	_ =	strace $0x9FFFFFFF  }
0xc3: {  	(tm) =	ssettm $0x7FFFFFFF  }
tec
execute0_lowered:
.L_overlay_start_1:
0x0: {  	(tag) =	ssettag $0x1  }
0x1: {  	s0 =	rddreg [dreg:$0x0]  }
0x2: {  	s1 =	rddreg [dreg:$0x1]  }
0x3: {  	s2 =	rddreg [dreg:$0x2];
	s3 =	simm.s32 $0x0;
	s16 =	stileid.u32  }
0x4: {  	s7 =	srdreg.scid;
	s28 =	simm.s32 $0x1;
	s4 =	smul.u32 $0x280, s16  }
0x5: {  	s30 =	simm.s32 $0xBA00;
	[smem:$0x7FF] =	sst s3;
	s6 =	smul.u32 $0xA20, s16  }
0x6: {  	s8 =	sadd.s32 $0x14BA00, s0;
	s7 =	sand.u32 $0x1, s7;
	s12 =	smul.u32 $0x2800, s16  }
0x7: {  	s31 =	simm.s32 $0x0;
	_ =	strace $0x8000004A;
	s13 =	smul.u32 $0xA0000, s7  }
0x8: {  	s11 =	ssub.s32 $0x2, s7;
	s25 =	sshll.u32 s7, $0x2;
	s14 =	smul.u32 $0xA000, s7  }
0x9: {  	s7 =	sshllo.u32 s7, $0x2;
	s5 =	sshrl.u32 s4, $0x3;
	s10 =	sadd.s32 s6, s0  }
0xa: {  	s24 =	sshrl.u32 s11, $0x1;
	s29 =	sor.u32 $0x1, s25;
	s22 =	smul.u32 $0x28000, s7  }
0xb: {  	s1 =	sadd.s32 s1, s6;
	s20 =	sor.u32 $0x2, s25;
	s23 =	smul.u32 $0x2800, s7  }
0xc: {  	s25 =	smul.u32 $0xA000, s16;
	s9 =	sadd.s32 s5, s0;
	s5 =	sadd.s32 $0xBA00, s0  }
0xd: {  	s0 =	ssub.s32 s11, s24;
	s10 =	sadd.s32 $0x1800, s10;
	s15 =	smul.u32 $0x28000, s29  }
0xe: {  	s26 =	sadd.s32 s12, s13;
	[dreg:$0x5] =	wrdreg s1;
	s18 =	smul.u32 $0x2800, s29  }
0xf: {  	s21 =	smul.u32 $0x28000, s20;
	[dreg:$0x4] =	wrdreg s10;
	s10 =	sshrl.u32 s26, $0x3  }
0x10: {  	s9 =	sadd.s32 $0xE00, s9;
	s26 =	sadd.s32 s12, s22;
	s7 =	sshrl.u32 s25, $0x2  }
0x11: {  	s0 =	smax.u32 s0, $0x1;
	[dreg:$0x6] =	wrdreg s9;
	s1 =	sadd.s32 s8, s10  }
0x12: {  	s10 =	sadd.s32 s4, s14;
	s6 =	sadd.s32 s12, s15;
	[dreg:$0xf] =	wrdreg s0  }
0x13: {  	s13 =	sadd.s32 s4, s18;
	[dreg:$0x7] =	wrdreg s1;
	s17 =	sshll.u32 s10, $0x1  }
0x14: {  	s19 =	sshrl.u32 s6, $0x3;
	s9 =	sshll.u32 s13, $0x1;
	s1 =	sadd.s32 s5, s17  }
0x15: {  	s6 =	smul.u32 $0x2800, s20;
	s9 =	sadd.s32 s5, s9;
	[dreg:$0x8] =	wrdreg s1  }
0x16: {  	s18 =	sadd.s32 s4, s23;
	s1 =	sadd.s32 s8, s19;
	[dreg:$0xa] =	wrdreg s9  }
0x17: {  	s15 =	sadd.s32 s4, s6;
	s6 =	sshll.u32 s18, $0x1;
	s9 =	simm.s32 $0xB200  }
0x18: {  	[dreg:$0x9] =	wrdreg s1;
	s1 =	sadd.s32 s12, s21;
	s24 =	sshll.u32 s15, $0x1  }
0x19: {  	s29 =	sadd.s32 s5, s6;
	s21 =	sadd.s32 s7, s2;
	s1 =	sshrl.u32 s1, $0x3  }
0x1a: {  	s6 =	simm.s32 $0x80;
	[dreg:$0xe] =	wrdreg s29;
	s1 =	sadd.s32 s8, s1  }
0x1b: {  	s7 =	simm.s32 $0xA200;
	[dreg:$0xb] =	wrdreg s1;
	s1 =	sadd.s32 s5, s24  }
0x1c: {  	s23 =	sadd.s32 $0x800, s21;
	[dreg:$0xc] =	wrdreg s1;
	s1 =	sshrl.u32 s26, $0x3  }
0x1d: {  	s25 =	sadd.s32 $0x1800, s21;
	s24 =	sadd.s32 $0x1000, s21;
	s1 =	sadd.s32 s8, s1  }
0x1e: {  	v1 =	vimm.f32 $0.0e+00;
	v0 =	vmov s14;
	s26 =	sadd.s32 $0x2000, s21;
	s8 =	simm.s32 $0xAA00;
	[dreg:$0xd] =	wrdreg s1  }
.LBB2_1:
0x1f: {  	s0 =	rddreg [dreg:$0x4]  }
0x20: {  	[tilespmem:s3], [sflag:$0x1] =	stream.linear.gather [hbm4b:s0+s3], $0x5100, $0x38;
	[tilespmem:$0x18C80] =	vst v63  }
0x21: {  	_ =	swait.ge [sflag:s28], $0x5100  }
0x22: {  	[sflag:s28] =	ssyncset.done $0x0  }
0x23: {  	s1 =	simm.s32 $0x5100;
	s16 =	rddreg [dreg:$0x5];
	[sflag:s28] =	ssyncadd.s32 $0xFFFFAF00  }
0x24: {  	[tilespmem:s1], [sflag:$0x1] =	stream.linear.gather [hbm4b:s16+s3], $0x5100, $0x38;
	[tilespmem:$0x18C80] =	vst v63  }
0x25: {  	_ =	swait.ge [sflag:s28], $0x5100  }
0x26: {  	[sflag:s28] =	ssyncset.done $0x0  }
0x27: {  	s19 =	simm.s32 $0x16200;
	s17 =	rddreg [dreg:$0x6];
	[sflag:s28] =	ssyncadd.s32 $0xFFFFAF00  }
0x28: {  	[tilespmem:s19], [sflag:$0x1] =	stream.linear.gather [hbm4b:s17+s3], $0x280, $0x38;
	[tilespmem:$0x18C80] =	vst v63  }
0x29: {  	_ =	swait.ge [sflag:s28], $0x280  }
0x2a: {  	[sflag:s28] =	ssyncset.done $0x0  }
0x2b: {  	s22 =	simm.s32 $0xC200;
	s20 =	rddreg [dreg:$0x7];
	[sflag:s28] =	ssyncadd.s32 $0xFFFFFD80  }
0x2c: {  	[tilespmem:s22], [sflag:$0x1] =	stream.linear.gather [hbm4b:s20+s3], $0x2800, $0x38;
	[tilespmem:$0x18C80] =	vst v63  }
0x2d: {  	_ =	swait.ge [sflag:s28], $0x2800  }
0x2e: {  	[sflag:s28] =	ssyncset.done $0x0  }
0x2f: {  	s29 =	rddreg [dreg:$0x8];
	[sflag:s28] =	ssyncadd.s32 $0xFFFFD800  }
0x30: {  	[hbm4b:s29+s3] =	stream.linear.scatter [tilespmem:s22], [sflag:$0x1], $0x2800, $0x38;
	[tilespmem:$0x18C80] =	vst v63  }
0x31: {  	_ =	swait.ge [sflag:s28], $0x2800  }
0x32: {  	[sflag:s28] =	ssyncset.done $0x0  }
0x33: {  	s12 =	simm.s32 $0xEA00;
	s11 =	rddreg [dreg:$0x9];
	[sflag:s28] =	ssyncadd.s32 $0xFFFFD800  }
0x34: {  	[tilespmem:s12], [sflag:$0x1] =	stream.linear.gather [hbm4b:s11+s3], $0x2800, $0x38;
	[tilespmem:$0x18C80] =	vst v63  }
0x35: {  	_ =	swait.ge [sflag:s28], $0x2800  }
0x36: {  	[sflag:s28] =	ssyncset.done $0x0  }
0x37: {  	s14 =	rddreg [dreg:$0xa];
	[sflag:s28] =	ssyncadd.s32 $0xFFFFD800  }
0x38: {  	[hbm4b:s14+s3] =	stream.linear.scatter [tilespmem:s12], [sflag:$0x1], $0x2800, $0x38;
	[tilespmem:$0x18C80] =	vst v63  }
0x39: {  	_ =	swait.ge [sflag:s28], $0x2800  }
0x3a: {  	[sflag:s28] =	ssyncset.done $0x0  }
0x3b: {  	s17 =	simm.s32 $0x11200;
	s16 =	rddreg [dreg:$0xb];
	[sflag:s28] =	ssyncadd.s32 $0xFFFFD800  }
0x3c: {  	[tilespmem:s17], [sflag:$0x1] =	stream.linear.gather [hbm4b:s16+s3], $0x2800, $0x38;
	[tilespmem:$0x18C80] =	vst v63  }
0x3d: {  	_ =	swait.ge [sflag:s28], $0x2800  }
0x3e: {  	[sflag:s28] =	ssyncset.done $0x0  }
0x3f: {  	s19 =	rddreg [dreg:$0xc];
	[sflag:s28] =	ssyncadd.s32 $0xFFFFD800  }
0x40: {  	[hbm4b:s19+s3] =	stream.linear.scatter [tilespmem:s17], [sflag:$0x1], $0x2800, $0x38;
	[tilespmem:$0x18C80] =	vst v63  }
0x41: {  	_ =	swait.ge [sflag:s28], $0x2800  }
0x42: {  	[sflag:s28] =	ssyncset.done $0x0  }
0x43: {  	s22 =	simm.s32 $0x13A00;
	s20 =	rddreg [dreg:$0xd];
	[sflag:s28] =	ssyncadd.s32 $0xFFFFD800  }
0x44: {  	[tilespmem:s22], [sflag:$0x1] =	stream.linear.gather [hbm4b:s20+s3], $0x2800, $0x38;
	[tilespmem:$0x18C80] =	vst v63  }
0x45: {  	_ =	swait.ge [sflag:s28], $0x2800  }
0x46: {  	[sflag:s28] =	ssyncset.done $0x0  }
0x47: {  	s29 =	rddreg [dreg:$0xe];
	[sflag:s28] =	ssyncadd.s32 $0xFFFFD800  }
0x48: {  	[hbm4b:s29+s3] =	stream.linear.scatter [tilespmem:s22], [sflag:$0x1], $0x2800, $0x38;
	[tilespmem:$0x18C80] =	vst v63  }
0x49: {  	_ =	swait.ge [sflag:s28], $0x2800  }
0x4a: {  	[sflag:s28] =	ssyncset.done $0x0  }
0x4b: {  	s0 =	simm.s32 $0x0;
	[sflag:s28] =	ssyncadd.s32 $0xFFFFD800  }
0x4c: {  	v2 =	vld [tilespmem:s0+$0xC200]  }
0x4d: {  	v4 =	vld [tilespmem:s0+$0xEA00]  }
0x4e: {  	s1 =	simm.s32 $0x40;
	v3 =	vld [tilespmem:s0+$0x11200]  }
.LBB2_2:
0x4f: {  	p0 =	sne.s32 s1, $0x9FC0;
	v5 =	vld [tilespmem:s0+$0x13A00];
	_ =	sdelay $0x1  }
0x50: {  	v2 =	vmul.f32 $1.000000010e-01, v2  }
.Ltmp0:
0x51: {  	v4 =	vmul.f32 $1.000000010e-01, v4;
	(pc) =	sbr.rel @p0 .LBB2_2-.Ltmp0, $4  }
0x52: {  	s11 =	sshra.s32 s1, $0x2;
	[tilespmem:s0+$0xC200] =	vst v2;
	v3 =	vmul.f32 $1.000000010e-01, v3  }
0x53: {  	v2 =	vld [tilespmem:s11+$0xC200];
	[tilespmem:s0+$0xEA00] =	vst v4;
	v5 =	vmul.f32 $1.000000010e-01, v5  }
0x54: {  	v4 =	vld [tilespmem:s11+$0xEA00];
	[tilespmem:s0+$0x11200] =	vst v3  }
0x55: {  	s1 =	sadd.s32 $0x40, s1;
	v3 =	vld [tilespmem:s11+$0x11200];
	[tilespmem:s0+$0x13A00] =	vst v5;
	s0 =	smov.u32 s11  }
0x56: {  	v5 =	vld [tilespmem:s0+$0x13A00];
	_ =	sdelay $0x1  }
0x57: {  	v2 =	vmul.f32 $1.000000010e-01, v2  }
0x58: {  	v4 =	vmul.f32 $1.000000010e-01, v4  }
0x59: {  	[tilespmem:s0+$0xC200] =	vst v2;
	v2 =	vmul.f32 $1.000000010e-01, v3  }
0x5a: {  	[tilespmem:s0+$0xEA00] =	vst v4;
	v3 =	vmul.f32 $1.000000010e-01, v5  }
0x5b: {  	[tilespmem:s0+$0x11200] =	vst v2  }
0x5c: {  	s1 =	simm.s32 $0x40;
	s11 =	simm.s32 $0x0;
	[tilespmem:s0+$0x13A00] =	vst v3;
	s0 =	simm.s32 $0x0  }
.LBB2_4:
0x5d: {  	p0 =	sne.s32 s1, $0x1FC0;
	[tilespmem:s11+$0xBA00] =	vst v1;
	s11 =	smov.u32 s1;
	s1 =	sadd.s32 $0x40, s1  }
.Ltmp1:
0x5e: {  	(pc) =	sbr.rel @p0 .LBB2_4-.Ltmp1, $2  }
0x5f: {  	_ =	sdelay $0x2  }
0x60: {  	s11 =	sshra.s32 s11, $0x2  }
0x61: {  	s1 =	sand.u32 $0x1FE00, s0  }
0x62: {  	s22 =	sand.u32 $0x70, s0;
	s1 =	sshrl.u32 s1, $0x2  }
0x63: {  	[tilespmem:s11+$0xBA00] =	vst v1;
	s0 =	sor.u32 s22, s1  }
0x64: {  	v2 =	vld [tilespmem:s0+$0x0];
	_ =	sdelay $0x2  }
0x65: {  	s29 =	simm.s32 $0x40  }
0x66: {  	s11 =	simm.s32 $0x80;
	s12 =	sand.u32 $0x1FE00, s29;
	s1 =	simm.s32 $0x10  }
.LBB2_6:
0x67: {  	p0 =	sne.s32 s11, $0x143C0;
	s14 =	sand.u32 $0x70, s1;
	s12 =	sshrl.u32 s12, $0x2;
	v2 =	vadd.s32 v0, v2  }
0x68: {  	[tilespmem:s0+$0x0] =	vst v2;
	s0 =	sor.u32 s14, s12  }
.Ltmp2:
0x69: {  	v2 =	vld [tilespmem:s0+$0x0];
	(pc) =	sbr.rel @p0 .LBB2_6-.Ltmp2, $2  }
0x6a: {  	_ =	sdelay $0x2  }
0x6b: {  	s1 =	sadd.s32 $0x10, s1;
	s12 =	sand.u32 $0x1FE00, s11;
	s11 =	sadd.s32 $0x40, s11  }
0x6c: {  	s1 =	sand.u32 $0x70, s1;
	s11 =	sshrl.u32 s12, $0x2;
	v2 =	vadd.s32 v0, v2  }
0x6d: {  	s1 =	sor.u32 s1, s11;
	[tilespmem:s0+$0x0] =	vst v2  }
0x6e: {  	v2 =	vld [tilespmem:s1+$0x0];
	_ =	sdelay $0x4  }
0x6f: {  	v2 =	vadd.s32 v0, v2  }
0x70: {  	[tilespmem:s1+$0x0] =	vst v2  }
0x71: {  	[spmem:s21] =	stream.linear.scatter [tilespmem:s30], [sflag:$0x1], $0x800, $0x38;
	[tilespmem:$0x18C80] =	vst v63  }
0x72: {  	_ =	swait.ge [sflag:s28], $0x800  }
0x73: {  	[sflag:s28] =	ssyncset.done $0x0  }
0x74: {  	[sflag:s28] =	ssyncadd.s32 $0xFFFFF800  }
0x75: {  	[spmem:s23] =	stream.linear.scatter [tilespmem:s30], [sflag:$0x1], $0x800, $0x38;
	[tilespmem:$0x18C80] =	vst v63  }
0x76: {  	_ =	swait.ge [sflag:s28], $0x800  }
0x77: {  	[sflag:s28] =	ssyncset.done $0x0  }
0x78: {  	[sflag:s28] =	ssyncadd.s32 $0xFFFFF800  }
0x79: {  	[spmem:s24] =	stream.linear.scatter [tilespmem:s30], [sflag:$0x1], $0x800, $0x38;
	[tilespmem:$0x18C80] =	vst v63  }
0x7a: {  	_ =	swait.ge [sflag:s28], $0x800  }
0x7b: {  	[sflag:s28] =	ssyncset.done $0x0  }
0x7c: {  	[sflag:s28] =	ssyncadd.s32 $0xFFFFF800  }
0x7d: {  	[spmem:s25] =	stream.linear.scatter [tilespmem:s30], [sflag:$0x1], $0x800, $0x38;
	[tilespmem:$0x18C80] =	vst v63  }
0x7e: {  	_ =	swait.ge [sflag:s28], $0x800  }
0x7f: {  	[sflag:s28] =	ssyncset.done $0x0  }
0x80: {  	[sflag:s28] =	ssyncadd.s32 $0xFFFFF800  }
0x81: {  	[spmem:s26] =	stream.linear.scatter [tilespmem:s30], [sflag:$0x1], $0x800, $0x38;
	[tilespmem:$0x18C80] =	vst v63  }
0x82: {  	_ =	swait.ge [sflag:s28], $0x800  }
0x83: {  	[sflag:s28] =	ssyncset.done $0x0  }
0x84: {  	[sflag:s28] =	ssyncadd.s32 $0xFFFFF800  }
0x85: {  	s0 =	simm.s32 $0x0;
	[bflag:$0x0] =	sbarrier.arrive $0xFFFF  }
.LBB2_8:
0x86: {  	s1 =	simm.s32 $0x0  }
0x87: {  	[tilespmem:s7], [sflag:$0x1] =	stream.indirect.gather [hbm4b:s5+s6], $0x10, s1, s6, $0xb8;
	[tilespmem:$0x18C80] =	vst v63  }
0x88: {  	_ =	swait.ge [sflag:s28], $0x800  }
0x89: {  	[sflag:s28] =	ssyncset.done $0x0  }
0x8a: {  	s29 =	simm.s32 $0x5100;
	[sflag:s28] =	ssyncadd.s32 $0xFFFFF800  }
0x8b: {  	[spmem:s2] =	stream.indirect.scatter.add.f32 [tilespmem:s7], [sflag:$0x1], $0x10, s29, s6, $0xb8;
	[tilespmem:$0x18C80] =	vst v63  }
0x8c: {  	_ =	swait.ge [sflag:s28], $0x800  }
0x8d: {  	s11 =	simm.s32 $0x400;
	s1 =	simm.s32 $0x200;
	[sflag:s28] =	ssyncset.done $0x0  }
.LBB2_9:
0x8e: {  	s12 =	sshra.s32 s1, $0x2  }
0x8f: {  	[sflag:s28] =	ssyncadd.s32 $0xFFFFF800;
	s1 =	smov.u32 s11;
	s14 =	sadd.s32 $0x200, s11  }
0x90: {  	[tilespmem:s7], [sflag:$0x1] =	stream.indirect.gather [hbm4b:s5+s6], $0x10, s12, s6, $0xb8;
	[tilespmem:$0x18C80] =	vst v63  }
0x91: {  	p0 =	sne.s32 s11, $0x14200;
	_ =	swait.ge [sflag:s28], $0x800  }
.Ltmp3:
0x92: {  	[sflag:s28] =	ssyncset.done $0x0;
	(pc) =	sbr.rel @p0 .LBB2_9-.Ltmp3, $4  }
0x93: {  	s11 =	sadd.s32 $0x5100, s12;
	[sflag:s28] =	ssyncadd.s32 $0xFFFFF800  }
0x94: {  	[spmem:s2] =	stream.indirect.scatter.add.f32 [tilespmem:s7], [sflag:$0x1], $0x10, s11, s6, $0xb8;
	[tilespmem:$0x18C80] =	vst v63  }
0x95: {  	_ =	swait.ge [sflag:s28], $0x800  }
0x96: {  	s11 =	smov.u32 s14;
	[sflag:s28] =	ssyncset.done $0x0  }
0x97: {  	s1 =	sshra.s32 s1, $0x2;
	[sflag:s28] =	ssyncadd.s32 $0xFFFFF800  }
0x98: {  	[tilespmem:s7], [sflag:$0x1] =	stream.indirect.gather [hbm4b:s5+s6], $0x10, s1, s6, $0xb8;
	[tilespmem:$0x18C80] =	vst v63  }
0x99: {  	_ =	swait.ge [sflag:s28], $0x800  }
0x9a: {  	[sflag:s28] =	ssyncset.done $0x0  }
0x9b: {  	s1 =	sadd.s32 $0x5100, s1;
	[sflag:s28] =	ssyncadd.s32 $0xFFFFF800  }
0x9c: {  	[spmem:s2] =	stream.indirect.scatter.add.f32 [tilespmem:s7], [sflag:$0x1], $0x10, s1, s6, $0xb8;
	[tilespmem:$0x18C80] =	vst v63  }
0x9d: {  	_ =	swait.ge [sflag:s28], $0x800  }
0x9e: {  	[sflag:s28] =	ssyncset.done $0x0  }
0x9f: {  	s20 =	simm.s32 $0x16200;
	s29 =	simm.s32 $0xC2F0;
	[sflag:s28] =	ssyncadd.s32 $0xFFFFF800  }
0xa0: {  	s12 =	simm.s32 $0x0;
	s1 =	simm.s32 $0x0;
	[bflag:$0x0] =	sbarrier.arrive $0xFFFF  }
.LBB2_11:
0xa1: {  	s11 =	sshll.u32 s12, $0x7  }
0xa2: {  	s14 =	sadd.s32 s10, s11  }
0xa3: {  	s14 =	sshll.u32 s14, $0x1  }
0xa4: {  	s11 =	sadd.s32 s4, s11;
	s14 =	sadd.s32 s5, s14  }
0xa5: {  	[tilespmem:s8], [sflag:$0x1] =	stream.linear.gather [hbm4b:s14+s1], $0x800, $0x38;
	[tilespmem:$0x18C80] =	vst v63  }
0xa6: {  	s11 =	sshll.u32 s11, $0x4;
	_ =	swait.ge [sflag:s28], $0x800  }
0xa7: {  	s11 =	sand.u32 $0x3FFFFFF0, s11;
	[sflag:s28] =	ssyncset.done $0x0  }
0xa8: {  	s16 =	sadd.s32 s11, s2;
	[sflag:s28] =	ssyncadd.s32 $0xFFFFF800  }
0xa9: {  	[tilespmem:s9], [sflag:$0x1] =	stream.linear.gather [spmem:s16], $0x800, $0x38;
	[tilespmem:$0x18C80] =	vst v63  }
0xaa: {  	_ =	swait.ge [sflag:s28], $0x800  }
0xab: {  	[sflag:s28] =	ssyncset.done $0x0  }
0xac: {  	[sflag:s28] =	ssyncadd.s32 $0xFFFFF800  }
0xad: {  	s17 =	simm.s32 $0x0;
	v3 =	vld [tilespmem:s20+$0x0]  }
0xae: {  	v2 =	vmov s29;
	v4 =	vld [tilespmem:s17+$0xB200]  }
0xaf: {  	v5 =	vld [tilespmem:s17+$0xAA00];
	_ =	sdelay $0x2  }
0xb0: {  	v3 =	vmul.f32 $8.999999760e-01, v3  }
0xb1: {  	v7 =	vld.idx.msk [tilespmem:v2+s17+$0xFFFFFF10 ss:$0x1], $0xffff  }
0xb2: {  	v4 =	vadd.f32 v5, v4;
	v5 =	vbroadcast v3, $0x0;
	_ =	sdelay $0x1  }
0xb3: {  	v6 =	vld [tilespmem:s17+$0xB210];
	v4 =	vmul.f32 v4, v5  }
0xb4: {  	v12 =	vld [tilespmem:s17+$0xAA10]  }
0xb5: {  	v4 =	vadd.f32 v4, v7;
	_ =	sdelay $0x1  }
0xb6: {  	[tilespmem:s17+$0xAA00] =	vst v4  }
0xb7: {  	v14 =	vld.idx.msk [tilespmem:v2+s17+$0xFFFFFF20 ss:$0x1], $0xffff  }
0xb8: {  	v6 =	vadd.f32 v12, v6;
	v16 =	vbroadcast v3, $0x1;
	_ =	sdelay $0x1  }
0xb9: {  	v8 =	vld [tilespmem:s17+$0xB220];
	v6 =	vmul.f32 v6, v16  }
0xba: {  	v18 =	vld [tilespmem:s17+$0xAA20]  }
0xbb: {  	v6 =	vadd.f32 v6, v14;
	_ =	sdelay $0x1  }
0xbc: {  	[tilespmem:s17+$0xAA10] =	vst v6  }
0xbd: {  	v6 =	vld.idx.msk [tilespmem:v2+s17+$0xFFFFFF30 ss:$0x1], $0xffff  }
0xbe: {  	v8 =	vadd.f32 v18, v8;
	v20 =	vbroadcast v3, $0x2;
	_ =	sdelay $0x1  }
0xbf: {  	v9 =	vld [tilespmem:s17+$0xB230];
	v8 =	vmul.f32 v8, v20  }
0xc0: {  	v44 =	vld [tilespmem:s17+$0xAA30]  }
0xc1: {  	v6 =	vadd.f32 v8, v6;
	_ =	sdelay $0x1  }
0xc2: {  	[tilespmem:s17+$0xAA20] =	vst v6  }
0xc3: {  	v6 =	vld.idx.msk [tilespmem:v2+s17+$0xFFFFFF40 ss:$0x1], $0xffff  }
0xc4: {  	v9 =	vadd.f32 v44, v9;
	v45 =	vbroadcast v3, $0x3;
	_ =	sdelay $0x1  }
0xc5: {  	v10 =	vld [tilespmem:s17+$0xB240];
	v8 =	vmul.f32 v9, v45  }
0xc6: {  	v46 =	vld [tilespmem:s17+$0xAA40]  }
0xc7: {  	v6 =	vadd.f32 v8, v6;
	_ =	sdelay $0x1  }
0xc8: {  	[tilespmem:s17+$0xAA30] =	vst v6  }
0xc9: {  	v6 =	vld.idx.msk [tilespmem:v2+s17+$0xFFFFFF50 ss:$0x1], $0xffff  }
0xca: {  	v47 =	vbroadcast v3, $0x4;
	v9 =	vadd.f32 v46, v10;
	_ =	sdelay $0x1  }
0xcb: {  	v11 =	vld [tilespmem:s17+$0xB250];
	v8 =	vmul.f32 v9, v47  }
0xcc: {  	v48 =	vld [tilespmem:s17+$0xAA50]  }
0xcd: {  	v6 =	vadd.f32 v8, v6;
	_ =	sdelay $0x1  }
0xce: {  	[tilespmem:s17+$0xAA40] =	vst v6  }
0xcf: {  	v6 =	vld.idx.msk [tilespmem:v2+s17+$0xFFFFFF60 ss:$0x1], $0xffff  }
0xd0: {  	v49 =	vbroadcast v3, $0x5;
	v9 =	vadd.f32 v48, v11;
	_ =	sdelay $0x1  }
0xd1: {  	v50 =	vld [tilespmem:s17+$0xAA60];
	v8 =	vmul.f32 v9, v49  }
0xd2: {  	v5 =	vld [tilespmem:s17+$0xB260]  }
0xd3: {  	v6 =	vadd.f32 v8, v6;
	_ =	sdelay $0x1  }
0xd4: {  	[tilespmem:s17+$0xAA50] =	vst v6  }
0xd5: {  	v6 =	vld.idx.msk [tilespmem:v2+s17+$0xFFFFFF70 ss:$0x1], $0xffff  }
0xd6: {  	v51 =	vbroadcast v3, $0x6;
	v5 =	vadd.f32 v50, v5;
	_ =	sdelay $0x1  }
0xd7: {  	v40 =	vld [tilespmem:s17+$0xB270];
	v5 =	vmul.f32 v5, v51  }
0xd8: {  	v52 =	vld [tilespmem:s17+$0xAA70]  }
0xd9: {  	v5 =	vadd.f32 v5, v6;
	_ =	sdelay $0x1  }
0xda: {  	[tilespmem:s17+$0xAA60] =	vst v5  }
0xdb: {  	v5 =	vld.idx.msk [tilespmem:v2+s17+$0xFFFFFF80 ss:$0x1], $0xffff  }
0xdc: {  	v53 =	vbroadcast v3, $0x7;
	v7 =	vadd.f32 v52, v40;
	_ =	sdelay $0x1  }
0xdd: {  	v13 =	vld [tilespmem:s17+$0xB280];
	v6 =	vmul.f32 v7, v53  }
0xde: {  	v54 =	vld [tilespmem:s17+$0xAA80]  }
0xdf: {  	v5 =	vadd.f32 v6, v5;
	_ =	sdelay $0x1  }
0xe0: {  	[tilespmem:s17+$0xAA70] =	vst v5  }
0xe1: {  	v5 =	vld.idx.msk [tilespmem:v2+s17+$0xFFFFFF90 ss:$0x1], $0xffff  }
0xe2: {  	v55 =	vbroadcast v3, $0x8;
	v7 =	vadd.f32 v54, v13;
	_ =	sdelay $0x1  }
0xe3: {  	v56 =	vld [tilespmem:s17+$0xAA90];
	v6 =	vmul.f32 v7, v55  }
0xe4: {  	v4 =	vld [tilespmem:s17+$0xB290]  }
0xe5: {  	v5 =	vadd.f32 v6, v5;
	_ =	sdelay $0x1  }
0xe6: {  	[tilespmem:s17+$0xAA80] =	vst v5  }
0xe7: {  	v5 =	vld.idx.msk [tilespmem:v2+s17+$0xFFFFFFA0 ss:$0x1], $0xffff  }
0xe8: {  	v57 =	vbroadcast v3, $0x9;
	v4 =	vadd.f32 v56, v4;
	_ =	sdelay $0x1  }
0xe9: {  	v15 =	vld [tilespmem:s17+$0xB2A0];
	v4 =	vmul.f32 v4, v57  }
0xea: {  	v58 =	vld [tilespmem:s17+$0xAAA0]  }
0xeb: {  	v4 =	vadd.f32 v4, v5;
	_ =	sdelay $0x1  }
0xec: {  	[tilespmem:s17+$0xAA90] =	vst v4  }
0xed: {  	v4 =	vld.idx.msk [tilespmem:v2+s17+$0xFFFFFFB0 ss:$0x1], $0xffff  }
0xee: {  	v6 =	vadd.f32 v58, v15;
	v5 =	vbroadcast v3, $0xA;
	_ =	sdelay $0x1  }
0xef: {  	v41 =	vld [tilespmem:s17+$0xB2B0];
	v5 =	vmul.f32 v6, v5  }
0xf0: {  	v59 =	vld [tilespmem:s17+$0xAAB0]  }
0xf1: {  	v4 =	vadd.f32 v5, v4;
	_ =	sdelay $0x1  }
0xf2: {  	[tilespmem:s17+$0xAAA0] =	vst v4  }
0xf3: {  	v4 =	vld.idx.msk [tilespmem:v2+s17+$0xFFFFFFC0 ss:$0x1], $0xffff  }
0xf4: {  	v6 =	vadd.f32 v59, v41;
	v5 =	vbroadcast v3, $0xB;
	_ =	sdelay $0x1  }
0xf5: {  	v17 =	vld [tilespmem:s17+$0xB2C0];
	v5 =	vmul.f32 v6, v5  }
0xf6: {  	v60 =	vld [tilespmem:s17+$0xAAC0]  }
0xf7: {  	v4 =	vadd.f32 v5, v4;
	_ =	sdelay $0x1  }
0xf8: {  	[tilespmem:s17+$0xAAB0] =	vst v4  }
0xf9: {  	v4 =	vld.idx.msk [tilespmem:v2+s17+$0xFFFFFFD0 ss:$0x1], $0xffff  }
0xfa: {  	v6 =	vadd.f32 v60, v17;
	v5 =	vbroadcast v3, $0xC;
	_ =	sdelay $0x1  }
0xfb: {  	v42 =	vld [tilespmem:s17+$0xB2D0];
	v5 =	vmul.f32 v6, v5  }
0xfc: {  	v61 =	vld [tilespmem:s17+$0xAAD0]  }
0xfd: {  	v4 =	vadd.f32 v5, v4;
	_ =	sdelay $0x1  }
0xfe: {  	[tilespmem:s17+$0xAAC0] =	vst v4  }
0xff: {  	v4 =	vld.idx.msk [tilespmem:v2+s17+$0xFFFFFFE0 ss:$0x1], $0xffff  }
0x100: {  	v6 =	vadd.f32 v61, v42;
	v5 =	vbroadcast v3, $0xD;
	_ =	sdelay $0x1  }
0x101: {  	v43 =	vld [tilespmem:s17+$0xB2E0];
	v5 =	vmul.f32 v6, v5  }
0x102: {  	v62 =	vld [tilespmem:s17+$0xAAE0]  }
0x103: {  	v4 =	vadd.f32 v5, v4;
	_ =	sdelay $0x1  }
0x104: {  	[tilespmem:s17+$0xAAD0] =	vst v4  }
0x105: {  	v4 =	vld.idx.msk [tilespmem:v2+s17+$0xFFFFFFF0 ss:$0x1], $0xffff  }
0x106: {  	v6 =	vadd.f32 v62, v43;
	v5 =	vbroadcast v3, $0xE;
	_ =	sdelay $0x1  }
0x107: {  	v19 =	vld [tilespmem:s17+$0xB2F0];
	v5 =	vmul.f32 v6, v5  }
0x108: {  	v63 =	vld [tilespmem:s17+$0xAAF0]  }
0x109: {  	v4 =	vadd.f32 v5, v4;
	_ =	sdelay $0x1  }
0x10a: {  	[tilespmem:s17+$0xAAE0] =	vst v4  }
0x10b: {  	v4 =	vld.idx.msk [tilespmem:v2+s17+$0x0 ss:$0x1], $0xffff  }
0x10c: {  	v3 =	vbroadcast v3, $0xF;
	v5 =	vadd.f32 v63, v19;
	_ =	sdelay $0x1  }
0x10d: {  	v3 =	vmul.f32 v5, v3;
	_ =	sdelay $0x1  }
0x10e: {  	s19 =	simm.s32 $0x400;
	s11 =	smov.u32 s20;
	v3 =	vadd.f32 v3, v4  }
.LBB2_12:
0x10f: {  	p0 =	sne.s32 s19, $0x1C00  }
0x110: {  	s11 =	sadd.s32 $0x10, s11;
	s22 =	smov.u32 s19;
	s19 =	sadd.s32 $0x400, s19  }
0x111: {  	[tilespmem:s17+$0xAAF0] =	vst v3  }
0x112: {  	s17 =	sshra.s32 s22, $0x2;
	v3 =	vld [tilespmem:s11+$0x0]  }
0x113: {  	v4 =	vld [tilespmem:s17+$0xB200]  }
0x114: {  	v5 =	vld [tilespmem:s17+$0xAA00]  }
0x115: {  	v7 =	vld [tilespmem:s17+$0xB210]  }
0x116: {  	v6 =	vld.idx.msk [tilespmem:v2+s17+$0xFFFFFF10 ss:$0x1], $0xffff  }
0x117: {  	v3 =	vmul.f32 $8.999999760e-01, v3;
	v18 =	vld [tilespmem:s17+$0xB220]  }
0x118: {  	v19 =	vld [tilespmem:s17+$0xB230]  }
0x119: {  	v4 =	vadd.f32 v5, v4;
	v5 =	vbroadcast v3, $0x0;
	v9 =	vbroadcast v3, $0x1;
	v20 =	vld [tilespmem:s17+$0xB240]  }
0x11a: {  	v21 =	vbroadcast v3, $0x2;
	v22 =	vbroadcast v3, $0x3;
	v23 =	vld [tilespmem:s17+$0xB250]  }
0x11b: {  	v24 =	vbroadcast v3, $0x4;
	v4 =	vmul.f32 v4, v5;
	v25 =	vld [tilespmem:s17+$0xB260]  }
0x11c: {  	v26 =	vbroadcast v3, $0x5;
	v27 =	vbroadcast v3, $0x6;
	v5 =	vld [tilespmem:s17+$0xAA10]  }
0x11d: {  	v29 =	vbroadcast v3, $0x7;
	v17 =	vbroadcast v3, $0x8;
	v4 =	vadd.f32 v4, v6;
	v28 =	vld [tilespmem:s17+$0xB270]  }
0x11e: {  	v14 =	vbroadcast v3, $0x9;
	v12 =	vbroadcast v3, $0xA;
	v30 =	vld [tilespmem:s17+$0xB280]  }
0x11f: {  	v10 =	vbroadcast v3, $0xB;
	v8 =	vbroadcast v3, $0xC;
	[tilespmem:s17+$0xAA00] =	vst v4;
	v16 =	vld [tilespmem:s17+$0xB290]  }
0x120: {  	v6 =	vbroadcast v3, $0xD;
	v4 =	vbroadcast v3, $0xE;
	v31 =	vld.idx.msk [tilespmem:v2+s17+$0xFFFFFF20 ss:$0x1], $0xffff  }
0x121: {  	v3 =	vbroadcast v3, $0xF;
	v5 =	vadd.f32 v5, v7;
	v15 =	vld [tilespmem:s17+$0xB2A0]  }
0x122: {  	v13 =	vld [tilespmem:s17+$0xB2B0]  }
0x123: {  	v5 =	vmul.f32 v5, v9;
	v11 =	vld [tilespmem:s17+$0xB2C0]  }
0x124: {  	v9 =	vld [tilespmem:s17+$0xB2D0]  }
0x125: {  	v32 =	vld [tilespmem:s17+$0xAA20]  }
0x126: {  	v31 =	vadd.f32 v5, v31;
	v7 =	vld [tilespmem:s17+$0xB2E0]  }
0x127: {  	v5 =	vld [tilespmem:s17+$0xB2F0]  }
0x128: {  	[tilespmem:s17+$0xAA10] =	vst v31  }
0x129: {  	v31 =	vld.idx.msk [tilespmem:v2+s17+$0xFFFFFF30 ss:$0x1], $0xffff  }
0x12a: {  	v18 =	vadd.f32 v32, v18;
	_ =	sdelay $0x1  }
0x12b: {  	v18 =	vmul.f32 v18, v21;
	_ =	sdelay $0x1  }
0x12c: {  	v21 =	vld [tilespmem:s17+$0xAA30]  }
0x12d: {  	v18 =	vadd.f32 v18, v31;
	_ =	sdelay $0x1  }
0x12e: {  	[tilespmem:s17+$0xAA20] =	vst v18  }
0x12f: {  	v18 =	vld.idx.msk [tilespmem:v2+s17+$0xFFFFFF40 ss:$0x1], $0xffff  }
0x130: {  	v19 =	vadd.f32 v21, v19;
	_ =	sdelay $0x1  }
0x131: {  	v19 =	vmul.f32 v19, v22;
	_ =	sdelay $0x1  }
0x132: {  	v21 =	vld [tilespmem:s17+$0xAA40]  }
0x133: {  	v18 =	vadd.f32 v19, v18;
	_ =	sdelay $0x1  }
0x134: {  	[tilespmem:s17+$0xAA30] =	vst v18  }
0x135: {  	v18 =	vld.idx.msk [tilespmem:v2+s17+$0xFFFFFF50 ss:$0x1], $0xffff  }
0x136: {  	v19 =	vadd.f32 v21, v20;
	_ =	sdelay $0x1  }
0x137: {  	v19 =	vmul.f32 v19, v24;
	_ =	sdelay $0x1  }
0x138: {  	v20 =	vld [tilespmem:s17+$0xAA50]  }
0x139: {  	v18 =	vadd.f32 v19, v18;
	_ =	sdelay $0x1  }
0x13a: {  	[tilespmem:s17+$0xAA40] =	vst v18  }
0x13b: {  	v18 =	vld.idx.msk [tilespmem:v2+s17+$0xFFFFFF60 ss:$0x1], $0xffff  }
0x13c: {  	v19 =	vadd.f32 v20, v23;
	_ =	sdelay $0x1  }
0x13d: {  	v19 =	vmul.f32 v19, v26;
	_ =	sdelay $0x1  }
0x13e: {  	v20 =	vld [tilespmem:s17+$0xAA60]  }
0x13f: {  	v18 =	vadd.f32 v19, v18;
	_ =	sdelay $0x1  }
0x140: {  	[tilespmem:s17+$0xAA50] =	vst v18  }
0x141: {  	v18 =	vld.idx.msk [tilespmem:v2+s17+$0xFFFFFF70 ss:$0x1], $0xffff  }
0x142: {  	v19 =	vadd.f32 v20, v25;
	_ =	sdelay $0x1  }
0x143: {  	v19 =	vmul.f32 v19, v27;
	_ =	sdelay $0x1  }
0x144: {  	v20 =	vld [tilespmem:s17+$0xAA70]  }
0x145: {  	v18 =	vadd.f32 v19, v18;
	_ =	sdelay $0x1  }
0x146: {  	[tilespmem:s17+$0xAA60] =	vst v18  }
0x147: {  	v18 =	vld.idx.msk [tilespmem:v2+s17+$0xFFFFFF80 ss:$0x1], $0xffff  }
0x148: {  	v19 =	vadd.f32 v20, v28;
	_ =	sdelay $0x1  }
0x149: {  	v19 =	vmul.f32 v19, v29;
	_ =	sdelay $0x1  }
0x14a: {  	v20 =	vld [tilespmem:s17+$0xAA80]  }
0x14b: {  	v18 =	vadd.f32 v19, v18;
	_ =	sdelay $0x1  }
0x14c: {  	[tilespmem:s17+$0xAA70] =	vst v18  }
0x14d: {  	v18 =	vld.idx.msk [tilespmem:v2+s17+$0xFFFFFF90 ss:$0x1], $0xffff  }
0x14e: {  	v19 =	vadd.f32 v20, v30;
	_ =	sdelay $0x1  }
0x14f: {  	v17 =	vmul.f32 v19, v17;
	_ =	sdelay $0x1  }
0x150: {  	v19 =	vld [tilespmem:s17+$0xAA90]  }
0x151: {  	v17 =	vadd.f32 v17, v18;
	_ =	sdelay $0x1  }
0x152: {  	[tilespmem:s17+$0xAA80] =	vst v17  }
0x153: {  	v17 =	vld.idx.msk [tilespmem:v2+s17+$0xFFFFFFA0 ss:$0x1], $0xffff  }
0x154: {  	v16 =	vadd.f32 v19, v16;
	_ =	sdelay $0x1  }
0x155: {  	v14 =	vmul.f32 v16, v14;
	_ =	sdelay $0x1  }
0x156: {  	v16 =	vld [tilespmem:s17+$0xAAA0]  }
0x157: {  	v14 =	vadd.f32 v14, v17;
	_ =	sdelay $0x1  }
0x158: {  	[tilespmem:s17+$0xAA90] =	vst v14  }
0x159: {  	v14 =	vld.idx.msk [tilespmem:v2+s17+$0xFFFFFFB0 ss:$0x1], $0xffff  }
0x15a: {  	v15 =	vadd.f32 v16, v15;
	_ =	sdelay $0x1  }
0x15b: {  	v12 =	vmul.f32 v15, v12;
	_ =	sdelay $0x1  }
0x15c: {  	v15 =	vld [tilespmem:s17+$0xAAB0]  }
0x15d: {  	v12 =	vadd.f32 v12, v14;
	_ =	sdelay $0x1  }
0x15e: {  	[tilespmem:s17+$0xAAA0] =	vst v12  }
0x15f: {  	v12 =	vld.idx.msk [tilespmem:v2+s17+$0xFFFFFFC0 ss:$0x1], $0xffff  }
0x160: {  	v13 =	vadd.f32 v15, v13;
	_ =	sdelay $0x1  }
0x161: {  	v10 =	vmul.f32 v13, v10;
	_ =	sdelay $0x1  }
0x162: {  	v13 =	vld [tilespmem:s17+$0xAAC0]  }
0x163: {  	v10 =	vadd.f32 v10, v12;
	_ =	sdelay $0x1  }
0x164: {  	[tilespmem:s17+$0xAAB0] =	vst v10  }
0x165: {  	v10 =	vld.idx.msk [tilespmem:v2+s17+$0xFFFFFFD0 ss:$0x1], $0xffff  }
0x166: {  	v11 =	vadd.f32 v13, v11;
	_ =	sdelay $0x1  }
0x167: {  	v8 =	vmul.f32 v11, v8;
	_ =	sdelay $0x1  }
0x168: {  	v11 =	vld [tilespmem:s17+$0xAAD0]  }
0x169: {  	v8 =	vadd.f32 v8, v10;
	_ =	sdelay $0x1  }
0x16a: {  	[tilespmem:s17+$0xAAC0] =	vst v8  }
0x16b: {  	v8 =	vld.idx.msk [tilespmem:v2+s17+$0xFFFFFFE0 ss:$0x1], $0xffff  }
0x16c: {  	v9 =	vadd.f32 v11, v9;
	_ =	sdelay $0x1  }
0x16d: {  	v6 =	vmul.f32 v9, v6;
	_ =	sdelay $0x1  }
0x16e: {  	v9 =	vld [tilespmem:s17+$0xAAE0]  }
0x16f: {  	v6 =	vadd.f32 v6, v8;
	_ =	sdelay $0x1  }
0x170: {  	[tilespmem:s17+$0xAAD0] =	vst v6  }
0x171: {  	v6 =	vld.idx.msk [tilespmem:v2+s17+$0xFFFFFFF0 ss:$0x1], $0xffff  }
0x172: {  	v7 =	vadd.f32 v9, v7;
	_ =	sdelay $0x1  }
0x173: {  	v4 =	vmul.f32 v7, v4;
	_ =	sdelay $0x1  }
0x174: {  	v7 =	vld [tilespmem:s17+$0xAAF0]  }
0x175: {  	v4 =	vadd.f32 v4, v6;
	_ =	sdelay $0x1  }
0x176: {  	[tilespmem:s17+$0xAAE0] =	vst v4  }
0x177: {  	v4 =	vld.idx.msk [tilespmem:v2+s17+$0x0 ss:$0x1], $0xffff  }
0x178: {  	v5 =	vadd.f32 v7, v5  }
.Ltmp4:
0x179: {  	(pc) =	sbr.rel @p0 .LBB2_12-.Ltmp4, $2  }
0x17a: {  	v3 =	vmul.f32 v5, v3;
	_ =	sdelay $0x2  }
0x17b: {  	v3 =	vadd.f32 v3, v4  }
0x17c: {  	_ = 	snop  }
0x17d: {  	[tilespmem:s17+$0xAAF0] =	vst v3  }
0x17e: {  	[hbm4b:s14+s3] =	stream.linear.scatter [tilespmem:s8], [sflag:$0x1], $0x800, $0x38;
	[tilespmem:$0x18C80] =	vst v63  }
0x17f: {  	s12 =	sadd.s32 $0x1, s12;
	_ =	swait.ge [sflag:s28], $0x800  }
0x180: {  	p0 =	sne.s32 s12, $0x5;
	[sflag:s28] =	ssyncset.done $0x0  }
.Ltmp5:
0x181: {  	[sflag:s28] =	ssyncadd.s32 $0xFFFFF800;
	(pc) =	sbr.rel @p0 .LBB2_11-.Ltmp5, $4  }
0x182: {  	[spmem:s16] =	stream.linear.scatter [tilespmem:s30], [sflag:$0x1], $0x800, $0x38;
	[tilespmem:$0x18C80] =	vst v63  }
0x183: {  	_ =	swait.ge [sflag:s28], $0x800  }
0x184: {  	[sflag:s28] =	ssyncset.done $0x0  }
0x185: {  	s20 =	sadd.s32 $0x80, s20;
	s29 =	sadd.s32 $0x800, s29;
	[sflag:s28] =	ssyncadd.s32 $0xFFFFF800  }
0x186: {  	s0 =	sadd.s32 $0x1, s0  }
0x187: {  	p0 =	sne.s32 s0, $0xA  }
.Ltmp6:
0x188: {  	_ = 	snop;
	(pc) =	sbr.rel @p0 .LBB2_8-.Ltmp6, $2  }
0x189: {  	_ =	sdelay $0x1  }
0x18a: {  	[bflag:$0x0] =	sbarrier.arrive $0xFFFF;
	_ =	sdelay $0x1  }
0x18b: {  	s0 =	simm.s32 $0x0  }
0x18c: {  	s1 =	sand.u32 $0x1FE00, s0  }
0x18d: {  	s0 =	sand.u32 $0x70, s0;
	s1 =	sshrl.u32 s1, $0x2  }
0x18e: {  	s0 =	sor.u32 s0, s1  }
0x18f: {  	v2 =	vld [tilespmem:s0+$0x0];
	_ =	sdelay $0x2  }
0x190: {  	s11 =	simm.s32 $0x40  }
0x191: {  	s12 =	sand.u32 $0x1FE00, s11;
	s11 =	simm.s32 $0x80;
	s1 =	simm.s32 $0x10  }
.LBB2_16:
0x192: {  	p0 =	sne.s32 s11, $0x143C0;
	s14 =	sand.u32 $0x70, s1;
	s12 =	sshrl.u32 s12, $0x2;
	v2 =	vadd.s32 $0x2800, v2  }
0x193: {  	[tilespmem:s0+$0x0] =	vst v2;
	s0 =	sor.u32 s14, s12  }
.Ltmp7:
0x194: {  	v2 =	vld [tilespmem:s0+$0x0];
	(pc) =	sbr.rel @p0 .LBB2_16-.Ltmp7, $2  }
0x195: {  	_ =	sdelay $0x2  }
0x196: {  	s1 =	sadd.s32 $0x10, s1;
	s12 =	sand.u32 $0x1FE00, s11;
	s11 =	sadd.s32 $0x40, s11  }
0x197: {  	s1 =	sand.u32 $0x70, s1;
	s11 =	sshrl.u32 s12, $0x2;
	v2 =	vadd.s32 $0x2800, v2  }
0x198: {  	s1 =	sor.u32 s1, s11;
	[tilespmem:s0+$0x0] =	vst v2  }
0x199: {  	v2 =	vld [tilespmem:s1+$0x0];
	_ =	sdelay $0x4  }
0x19a: {  	v2 =	vadd.s32 $0x2800, v2  }
0x19b: {  	[tilespmem:s1+$0x0] =	vst v2  }
0x19c: {  	[spmem:s21] =	stream.linear.scatter [tilespmem:s30], [sflag:$0x1], $0x800, $0x38;
	[tilespmem:$0x18C80] =	vst v63  }
0x19d: {  	_ =	swait.ge [sflag:s28], $0x800  }
0x19e: {  	[sflag:s28] =	ssyncset.done $0x0  }
0x19f: {  	[sflag:s28] =	ssyncadd.s32 $0xFFFFF800  }
0x1a0: {  	[spmem:s23] =	stream.linear.scatter [tilespmem:s30], [sflag:$0x1], $0x800, $0x38;
	[tilespmem:$0x18C80] =	vst v63  }
0x1a1: {  	_ =	swait.ge [sflag:s28], $0x800  }
0x1a2: {  	[sflag:s28] =	ssyncset.done $0x0  }
0x1a3: {  	[sflag:s28] =	ssyncadd.s32 $0xFFFFF800  }
0x1a4: {  	[spmem:s24] =	stream.linear.scatter [tilespmem:s30], [sflag:$0x1], $0x800, $0x38;
	[tilespmem:$0x18C80] =	vst v63  }
0x1a5: {  	_ =	swait.ge [sflag:s28], $0x800  }
0x1a6: {  	[sflag:s28] =	ssyncset.done $0x0  }
0x1a7: {  	[sflag:s28] =	ssyncadd.s32 $0xFFFFF800  }
0x1a8: {  	[spmem:s25] =	stream.linear.scatter [tilespmem:s30], [sflag:$0x1], $0x800, $0x38;
	[tilespmem:$0x18C80] =	vst v63  }
0x1a9: {  	_ =	swait.ge [sflag:s28], $0x800  }
0x1aa: {  	[sflag:s28] =	ssyncset.done $0x0  }
0x1ab: {  	[sflag:s28] =	ssyncadd.s32 $0xFFFFF800  }
0x1ac: {  	[spmem:s26] =	stream.linear.scatter [tilespmem:s30], [sflag:$0x1], $0x800, $0x38;
	[tilespmem:$0x18C80] =	vst v63  }
0x1ad: {  	_ =	swait.ge [sflag:s28], $0x800  }
0x1ae: {  	[sflag:s28] =	ssyncset.done $0x0  }
0x1af: {  	[sflag:s28] =	ssyncadd.s32 $0xFFFFF800  }
0x1b0: {  	s0 =	simm.s32 $0x0;
	[bflag:$0x0] =	sbarrier.arrive $0xFFFF  }
.LBB2_18:
0x1b1: {  	s1 =	simm.s32 $0x0  }
0x1b2: {  	[tilespmem:s7], [sflag:$0x1] =	stream.indirect.gather [hbm4b:s5+s6], $0x10, s1, s6, $0xb8;
	[tilespmem:$0x18C80] =	vst v63  }
0x1b3: {  	_ =	swait.ge [sflag:s28], $0x800  }
0x1b4: {  	[sflag:s28] =	ssyncset.done $0x0  }
0x1b5: {  	s29 =	simm.s32 $0x5100;
	[sflag:s28] =	ssyncadd.s32 $0xFFFFF800  }
0x1b6: {  	[spmem:s2] =	stream.indirect.scatter.add.f32 [tilespmem:s7], [sflag:$0x1], $0x10, s29, s6, $0xb8;
	[tilespmem:$0x18C80] =	vst v63  }
0x1b7: {  	_ =	swait.ge [sflag:s28], $0x800  }
0x1b8: {  	s11 =	simm.s32 $0x400;
	s1 =	simm.s32 $0x200;
	[sflag:s28] =	ssyncset.done $0x0  }
.LBB2_19:
0x1b9: {  	s12 =	sshra.s32 s1, $0x2  }
0x1ba: {  	[sflag:s28] =	ssyncadd.s32 $0xFFFFF800;
	s1 =	smov.u32 s11;
	s14 =	sadd.s32 $0x200, s11  }
0x1bb: {  	[tilespmem:s7], [sflag:$0x1] =	stream.indirect.gather [hbm4b:s5+s6], $0x10, s12, s6, $0xb8;
	[tilespmem:$0x18C80] =	vst v63  }
0x1bc: {  	p0 =	sne.s32 s11, $0x14200;
	_ =	swait.ge [sflag:s28], $0x800  }
.Ltmp8:
0x1bd: {  	[sflag:s28] =	ssyncset.done $0x0;
	(pc) =	sbr.rel @p0 .LBB2_19-.Ltmp8, $4  }
0x1be: {  	s11 =	sadd.s32 $0x5100, s12;
	[sflag:s28] =	ssyncadd.s32 $0xFFFFF800  }
0x1bf: {  	[spmem:s2] =	stream.indirect.scatter.add.f32 [tilespmem:s7], [sflag:$0x1], $0x10, s11, s6, $0xb8;
	[tilespmem:$0x18C80] =	vst v63  }
0x1c0: {  	_ =	swait.ge [sflag:s28], $0x800  }
0x1c1: {  	s11 =	smov.u32 s14;
	[sflag:s28] =	ssyncset.done $0x0  }
0x1c2: {  	s1 =	sshra.s32 s1, $0x2;
	[sflag:s28] =	ssyncadd.s32 $0xFFFFF800  }
0x1c3: {  	[tilespmem:s7], [sflag:$0x1] =	stream.indirect.gather [hbm4b:s5+s6], $0x10, s1, s6, $0xb8;
	[tilespmem:$0x18C80] =	vst v63  }
0x1c4: {  	_ =	swait.ge [sflag:s28], $0x800  }
0x1c5: {  	[sflag:s28] =	ssyncset.done $0x0  }
0x1c6: {  	s1 =	sadd.s32 $0x5100, s1;
	[sflag:s28] =	ssyncadd.s32 $0xFFFFF800  }
0x1c7: {  	[spmem:s2] =	stream.indirect.scatter.add.f32 [tilespmem:s7], [sflag:$0x1], $0x10, s1, s6, $0xb8;
	[tilespmem:$0x18C80] =	vst v63  }
0x1c8: {  	_ =	swait.ge [sflag:s28], $0x800  }
0x1c9: {  	[sflag:s28] =	ssyncset.done $0x0  }
0x1ca: {  	s11 =	simm.s32 $0x16200;
	s29 =	simm.s32 $0xEAF0;
	[sflag:s28] =	ssyncadd.s32 $0xFFFFF800  }
0x1cb: {  	s12 =	simm.s32 $0x0;
	s1 =	simm.s32 $0x0;
	[bflag:$0x0] =	sbarrier.arrive $0xFFFF  }
.LBB2_21:
0x1cc: {  	s14 =	sshll.u32 s12, $0x7  }
0x1cd: {  	s16 =	sadd.s32 s13, s14  }
0x1ce: {  	s16 =	sshll.u32 s16, $0x1  }
0x1cf: {  	s16 =	sand.u32 $0x1FFFFF00, s16  }
0x1d0: {  	s17 =	sadd.s32 s4, s14;
	s14 =	sadd.s32 s5, s16  }
0x1d1: {  	[tilespmem:s8], [sflag:$0x1] =	stream.linear.gather [hbm4b:s14+s1], $0x800, $0x38;
	[tilespmem:$0x18C80] =	vst v63  }
0x1d2: {  	s22 =	sshll.u32 s17, $0x4;
	_ =	swait.ge [sflag:s28], $0x800  }
0x1d3: {  	s16 =	sand.u32 $0x3FFFFFF0, s22;
	[sflag:s28] =	ssyncset.done $0x0  }
0x1d4: {  	s16 =	sadd.s32 s16, s2;
	[sflag:s28] =	ssyncadd.s32 $0xFFFFF800  }
0x1d5: {  	[tilespmem:s9], [sflag:$0x1] =	stream.linear.gather [spmem:s16], $0x800, $0x38;
	[tilespmem:$0x18C80] =	vst v63  }
0x1d6: {  	_ =	swait.ge [sflag:s28], $0x800  }
0x1d7: {  	[sflag:s28] =	ssyncset.done $0x0  }
0x1d8: {  	[sflag:s28] =	ssyncadd.s32 $0xFFFFF800  }
0x1d9: {  	s17 =	simm.s32 $0x0;
	v3 =	vld [tilespmem:s11+$0x0]  }
0x1da: {  	v2 =	vmov s29;
	v4 =	vld [tilespmem:s17+$0xB200]  }
0x1db: {  	v5 =	vld [tilespmem:s17+$0xAA00];
	_ =	sdelay $0x2  }
0x1dc: {  	v3 =	vmul.f32 $8.999999760e-01, v3  }
0x1dd: {  	v7 =	vld.idx.msk [tilespmem:v2+s17+$0xFFFFFF10 ss:$0x1], $0xffff  }
0x1de: {  	v4 =	vadd.f32 v5, v4;
	v5 =	vbroadcast v3, $0x0;
	_ =	sdelay $0x1  }
0x1df: {  	v6 =	vld [tilespmem:s17+$0xB210];
	v4 =	vmul.f32 v4, v5  }
0x1e0: {  	v12 =	vld [tilespmem:s17+$0xAA10]  }
0x1e1: {  	v4 =	vadd.f32 v4, v7;
	_ =	sdelay $0x1  }
0x1e2: {  	[tilespmem:s17+$0xAA00] =	vst v4  }
0x1e3: {  	v14 =	vld.idx.msk [tilespmem:v2+s17+$0xFFFFFF20 ss:$0x1], $0xffff  }
0x1e4: {  	v6 =	vadd.f32 v12, v6;
	v16 =	vbroadcast v3, $0x1;
	_ =	sdelay $0x1  }
0x1e5: {  	v8 =	vld [tilespmem:s17+$0xB220];
	v6 =	vmul.f32 v6, v16  }
0x1e6: {  	v18 =	vld [tilespmem:s17+$0xAA20]  }
0x1e7: {  	v6 =	vadd.f32 v6, v14;
	_ =	sdelay $0x1  }
0x1e8: {  	[tilespmem:s17+$0xAA10] =	vst v6  }
0x1e9: {  	v6 =	vld.idx.msk [tilespmem:v2+s17+$0xFFFFFF30 ss:$0x1], $0xffff  }
0x1ea: {  	v8 =	vadd.f32 v18, v8;
	v20 =	vbroadcast v3, $0x2;
	_ =	sdelay $0x1  }
0x1eb: {  	v9 =	vld [tilespmem:s17+$0xB230];
	v8 =	vmul.f32 v8, v20  }
0x1ec: {  	v44 =	vld [tilespmem:s17+$0xAA30]  }
0x1ed: {  	v6 =	vadd.f32 v8, v6;
	_ =	sdelay $0x1  }
0x1ee: {  	[tilespmem:s17+$0xAA20] =	vst v6  }
0x1ef: {  	v6 =	vld.idx.msk [tilespmem:v2+s17+$0xFFFFFF40 ss:$0x1], $0xffff  }
0x1f0: {  	v9 =	vadd.f32 v44, v9;
	v45 =	vbroadcast v3, $0x3;
	_ =	sdelay $0x1  }
0x1f1: {  	v10 =	vld [tilespmem:s17+$0xB240];
	v8 =	vmul.f32 v9, v45  }
0x1f2: {  	v46 =	vld [tilespmem:s17+$0xAA40]  }
0x1f3: {  	v6 =	vadd.f32 v8, v6;
	_ =	sdelay $0x1  }
0x1f4: {  	[tilespmem:s17+$0xAA30] =	vst v6  }
0x1f5: {  	v6 =	vld.idx.msk [tilespmem:v2+s17+$0xFFFFFF50 ss:$0x1], $0xffff  }
0x1f6: {  	v47 =	vbroadcast v3, $0x4;
	v9 =	vadd.f32 v46, v10;
	_ =	sdelay $0x1  }
0x1f7: {  	v11 =	vld [tilespmem:s17+$0xB250];
	v8 =	vmul.f32 v9, v47  }
0x1f8: {  	v48 =	vld [tilespmem:s17+$0xAA50]  }
0x1f9: {  	v6 =	vadd.f32 v8, v6;
	_ =	sdelay $0x1  }
0x1fa: {  	[tilespmem:s17+$0xAA40] =	vst v6  }
0x1fb: {  	v6 =	vld.idx.msk [tilespmem:v2+s17+$0xFFFFFF60 ss:$0x1], $0xffff  }
0x1fc: {  	v49 =	vbroadcast v3, $0x5;
	v9 =	vadd.f32 v48, v11;
	_ =	sdelay $0x1  }
0x1fd: {  	v50 =	vld [tilespmem:s17+$0xAA60];
	v8 =	vmul.f32 v9, v49  }
0x1fe: {  	v5 =	vld [tilespmem:s17+$0xB260]  }
0x1ff: {  	v6 =	vadd.f32 v8, v6;
	_ =	sdelay $0x1  }
0x200: {  	[tilespmem:s17+$0xAA50] =	vst v6  }
0x201: {  	v6 =	vld.idx.msk [tilespmem:v2+s17+$0xFFFFFF70 ss:$0x1], $0xffff  }
0x202: {  	v51 =	vbroadcast v3, $0x6;
	v5 =	vadd.f32 v50, v5;
	_ =	sdelay $0x1  }
0x203: {  	v40 =	vld [tilespmem:s17+$0xB270];
	v5 =	vmul.f32 v5, v51  }
0x204: {  	v52 =	vld [tilespmem:s17+$0xAA70]  }
0x205: {  	v5 =	vadd.f32 v5, v6;
	_ =	sdelay $0x1  }
0x206: {  	[tilespmem:s17+$0xAA60] =	vst v5  }
0x207: {  	v5 =	vld.idx.msk [tilespmem:v2+s17+$0xFFFFFF80 ss:$0x1], $0xffff  }
0x208: {  	v53 =	vbroadcast v3, $0x7;
	v7 =	vadd.f32 v52, v40;
	_ =	sdelay $0x1  }
0x209: {  	v13 =	vld [tilespmem:s17+$0xB280];
	v6 =	vmul.f32 v7, v53  }
0x20a: {  	v54 =	vld [tilespmem:s17+$0xAA80]  }
0x20b: {  	v5 =	vadd.f32 v6, v5;
	_ =	sdelay $0x1  }
0x20c: {  	[tilespmem:s17+$0xAA70] =	vst v5  }
0x20d: {  	v5 =	vld.idx.msk [tilespmem:v2+s17+$0xFFFFFF90 ss:$0x1], $0xffff  }
0x20e: {  	v55 =	vbroadcast v3, $0x8;
	v7 =	vadd.f32 v54, v13;
	_ =	sdelay $0x1  }
0x20f: {  	v56 =	vld [tilespmem:s17+$0xAA90];
	v6 =	vmul.f32 v7, v55  }
0x210: {  	v4 =	vld [tilespmem:s17+$0xB290]  }
0x211: {  	v5 =	vadd.f32 v6, v5;
	_ =	sdelay $0x1  }
0x212: {  	[tilespmem:s17+$0xAA80] =	vst v5  }
0x213: {  	v5 =	vld.idx.msk [tilespmem:v2+s17+$0xFFFFFFA0 ss:$0x1], $0xffff  }
0x214: {  	v57 =	vbroadcast v3, $0x9;
	v4 =	vadd.f32 v56, v4;
	_ =	sdelay $0x1  }
0x215: {  	v15 =	vld [tilespmem:s17+$0xB2A0];
	v4 =	vmul.f32 v4, v57  }
0x216: {  	v58 =	vld [tilespmem:s17+$0xAAA0]  }
0x217: {  	v4 =	vadd.f32 v4, v5;
	_ =	sdelay $0x1  }
0x218: {  	[tilespmem:s17+$0xAA90] =	vst v4  }
0x219: {  	v4 =	vld.idx.msk [tilespmem:v2+s17+$0xFFFFFFB0 ss:$0x1], $0xffff  }
0x21a: {  	v6 =	vadd.f32 v58, v15;
	v5 =	vbroadcast v3, $0xA;
	_ =	sdelay $0x1  }
0x21b: {  	v41 =	vld [tilespmem:s17+$0xB2B0];
	v5 =	vmul.f32 v6, v5  }
0x21c: {  	v59 =	vld [tilespmem:s17+$0xAAB0]  }
0x21d: {  	v4 =	vadd.f32 v5, v4;
	_ =	sdelay $0x1  }
0x21e: {  	[tilespmem:s17+$0xAAA0] =	vst v4  }
0x21f: {  	v4 =	vld.idx.msk [tilespmem:v2+s17+$0xFFFFFFC0 ss:$0x1], $0xffff  }
0x220: {  	v6 =	vadd.f32 v59, v41;
	v5 =	vbroadcast v3, $0xB;
	_ =	sdelay $0x1  }
0x221: {  	v17 =	vld [tilespmem:s17+$0xB2C0];
	v5 =	vmul.f32 v6, v5  }
0x222: {  	v60 =	vld [tilespmem:s17+$0xAAC0]  }
0x223: {  	v4 =	vadd.f32 v5, v4;
	_ =	sdelay $0x1  }
0x224: {  	[tilespmem:s17+$0xAAB0] =	vst v4  }
0x225: {  	v4 =	vld.idx.msk [tilespmem:v2+s17+$0xFFFFFFD0 ss:$0x1], $0xffff  }
0x226: {  	v6 =	vadd.f32 v60, v17;
	v5 =	vbroadcast v3, $0xC;
	_ =	sdelay $0x1  }
0x227: {  	v42 =	vld [tilespmem:s17+$0xB2D0];
	v5 =	vmul.f32 v6, v5  }
0x228: {  	v61 =	vld [tilespmem:s17+$0xAAD0]  }
0x229: {  	v4 =	vadd.f32 v5, v4;
	_ =	sdelay $0x1  }
0x22a: {  	[tilespmem:s17+$0xAAC0] =	vst v4  }
0x22b: {  	v4 =	vld.idx.msk [tilespmem:v2+s17+$0xFFFFFFE0 ss:$0x1], $0xffff  }
0x22c: {  	v6 =	vadd.f32 v61, v42;
	v5 =	vbroadcast v3, $0xD;
	_ =	sdelay $0x1  }
0x22d: {  	v43 =	vld [tilespmem:s17+$0xB2E0];
	v5 =	vmul.f32 v6, v5  }
0x22e: {  	v62 =	vld [tilespmem:s17+$0xAAE0]  }
0x22f: {  	v4 =	vadd.f32 v5, v4;
	_ =	sdelay $0x1  }
0x230: {  	[tilespmem:s17+$0xAAD0] =	vst v4  }
0x231: {  	v4 =	vld.idx.msk [tilespmem:v2+s17+$0xFFFFFFF0 ss:$0x1], $0xffff  }
0x232: {  	v6 =	vadd.f32 v62, v43;
	v5 =	vbroadcast v3, $0xE;
	_ =	sdelay $0x1  }
0x233: {  	v19 =	vld [tilespmem:s17+$0xB2F0];
	v5 =	vmul.f32 v6, v5  }
0x234: {  	v63 =	vld [tilespmem:s17+$0xAAF0]  }
0x235: {  	v4 =	vadd.f32 v5, v4;
	_ =	sdelay $0x1  }
0x236: {  	[tilespmem:s17+$0xAAE0] =	vst v4  }
0x237: {  	v4 =	vld.idx.msk [tilespmem:v2+s17+$0x0 ss:$0x1], $0xffff  }
0x238: {  	v3 =	vbroadcast v3, $0xF;
	v5 =	vadd.f32 v63, v19;
	_ =	sdelay $0x1  }
0x239: {  	v3 =	vmul.f32 v5, v3;
	_ =	sdelay $0x1  }
0x23a: {  	s19 =	simm.s32 $0x400;
	s20 =	smov.u32 s11;
	v3 =	vadd.f32 v3, v4  }
.LBB2_22:
0x23b: {  	p0 =	sne.s32 s19, $0x1C00  }
0x23c: {  	s20 =	sadd.s32 $0x10, s20;
	s22 =	smov.u32 s19;
	s19 =	sadd.s32 $0x400, s19  }
0x23d: {  	[tilespmem:s17+$0xAAF0] =	vst v3  }
0x23e: {  	s17 =	sshra.s32 s22, $0x2;
	v3 =	vld [tilespmem:s20+$0x0]  }
0x23f: {  	v4 =	vld [tilespmem:s17+$0xB200]  }
0x240: {  	v5 =	vld [tilespmem:s17+$0xAA00]  }
0x241: {  	v7 =	vld [tilespmem:s17+$0xB210]  }
0x242: {  	v6 =	vld.idx.msk [tilespmem:v2+s17+$0xFFFFFF10 ss:$0x1], $0xffff  }
0x243: {  	v3 =	vmul.f32 $8.999999760e-01, v3;
	v18 =	vld [tilespmem:s17+$0xB220]  }
0x244: {  	v19 =	vld [tilespmem:s17+$0xB230]  }
0x245: {  	v4 =	vadd.f32 v5, v4;
	v5 =	vbroadcast v3, $0x0;
	v9 =	vbroadcast v3, $0x1;
	v20 =	vld [tilespmem:s17+$0xB240]  }
0x246: {  	v21 =	vbroadcast v3, $0x2;
	v22 =	vbroadcast v3, $0x3;
	v23 =	vld [tilespmem:s17+$0xB250]  }
0x247: {  	v24 =	vbroadcast v3, $0x4;
	v4 =	vmul.f32 v4, v5;
	v25 =	vld [tilespmem:s17+$0xB260]  }
0x248: {  	v26 =	vbroadcast v3, $0x5;
	v27 =	vbroadcast v3, $0x6;
	v5 =	vld [tilespmem:s17+$0xAA10]  }
0x249: {  	v29 =	vbroadcast v3, $0x7;
	v17 =	vbroadcast v3, $0x8;
	v4 =	vadd.f32 v4, v6;
	v28 =	vld [tilespmem:s17+$0xB270]  }
0x24a: {  	v14 =	vbroadcast v3, $0x9;
	v12 =	vbroadcast v3, $0xA;
	v30 =	vld [tilespmem:s17+$0xB280]  }
0x24b: {  	v10 =	vbroadcast v3, $0xB;
	v8 =	vbroadcast v3, $0xC;
	[tilespmem:s17+$0xAA00] =	vst v4;
	v16 =	vld [tilespmem:s17+$0xB290]  }
0x24c: {  	v6 =	vbroadcast v3, $0xD;
	v4 =	vbroadcast v3, $0xE;
	v31 =	vld.idx.msk [tilespmem:v2+s17+$0xFFFFFF20 ss:$0x1], $0xffff  }
0x24d: {  	v3 =	vbroadcast v3, $0xF;
	v5 =	vadd.f32 v5, v7;
	v15 =	vld [tilespmem:s17+$0xB2A0]  }
0x24e: {  	v13 =	vld [tilespmem:s17+$0xB2B0]  }
0x24f: {  	v5 =	vmul.f32 v5, v9;
	v11 =	vld [tilespmem:s17+$0xB2C0]  }
0x250: {  	v9 =	vld [tilespmem:s17+$0xB2D0]  }
0x251: {  	v32 =	vld [tilespmem:s17+$0xAA20]  }
0x252: {  	v31 =	vadd.f32 v5, v31;
	v7 =	vld [tilespmem:s17+$0xB2E0]  }
0x253: {  	v5 =	vld [tilespmem:s17+$0xB2F0]  }
0x254: {  	[tilespmem:s17+$0xAA10] =	vst v31  }
0x255: {  	v31 =	vld.idx.msk [tilespmem:v2+s17+$0xFFFFFF30 ss:$0x1], $0xffff  }
0x256: {  	v18 =	vadd.f32 v32, v18;
	_ =	sdelay $0x1  }
0x257: {  	v18 =	vmul.f32 v18, v21;
	_ =	sdelay $0x1  }
0x258: {  	v21 =	vld [tilespmem:s17+$0xAA30]  }
0x259: {  	v18 =	vadd.f32 v18, v31;
	_ =	sdelay $0x1  }
0x25a: {  	[tilespmem:s17+$0xAA20] =	vst v18  }
0x25b: {  	v18 =	vld.idx.msk [tilespmem:v2+s17+$0xFFFFFF40 ss:$0x1], $0xffff  }
0x25c: {  	v19 =	vadd.f32 v21, v19;
	_ =	sdelay $0x1  }
0x25d: {  	v19 =	vmul.f32 v19, v22;
	_ =	sdelay $0x1  }
0x25e: {  	v21 =	vld [tilespmem:s17+$0xAA40]  }
0x25f: {  	v18 =	vadd.f32 v19, v18;
	_ =	sdelay $0x1  }
0x260: {  	[tilespmem:s17+$0xAA30] =	vst v18  }
0x261: {  	v18 =	vld.idx.msk [tilespmem:v2+s17+$0xFFFFFF50 ss:$0x1], $0xffff  }
0x262: {  	v19 =	vadd.f32 v21, v20;
	_ =	sdelay $0x1  }
0x263: {  	v19 =	vmul.f32 v19, v24;
	_ =	sdelay $0x1  }
0x264: {  	v20 =	vld [tilespmem:s17+$0xAA50]  }
0x265: {  	v18 =	vadd.f32 v19, v18;
	_ =	sdelay $0x1  }
0x266: {  	[tilespmem:s17+$0xAA40] =	vst v18  }
0x267: {  	v18 =	vld.idx.msk [tilespmem:v2+s17+$0xFFFFFF60 ss:$0x1], $0xffff  }
0x268: {  	v19 =	vadd.f32 v20, v23;
	_ =	sdelay $0x1  }
0x269: {  	v19 =	vmul.f32 v19, v26;
	_ =	sdelay $0x1  }
0x26a: {  	v20 =	vld [tilespmem:s17+$0xAA60]  }
0x26b: {  	v18 =	vadd.f32 v19, v18;
	_ =	sdelay $0x1  }
0x26c: {  	[tilespmem:s17+$0xAA50] =	vst v18  }
0x26d: {  	v18 =	vld.idx.msk [tilespmem:v2+s17+$0xFFFFFF70 ss:$0x1], $0xffff  }
0x26e: {  	v19 =	vadd.f32 v20, v25;
	_ =	sdelay $0x1  }
0x26f: {  	v19 =	vmul.f32 v19, v27;
	_ =	sdelay $0x1  }
0x270: {  	v20 =	vld [tilespmem:s17+$0xAA70]  }
0x271: {  	v18 =	vadd.f32 v19, v18;
	_ =	sdelay $0x1  }
0x272: {  	[tilespmem:s17+$0xAA60] =	vst v18  }
0x273: {  	v18 =	vld.idx.msk [tilespmem:v2+s17+$0xFFFFFF80 ss:$0x1], $0xffff  }
0x274: {  	v19 =	vadd.f32 v20, v28;
	_ =	sdelay $0x1  }
0x275: {  	v19 =	vmul.f32 v19, v29;
	_ =	sdelay $0x1  }
0x276: {  	v20 =	vld [tilespmem:s17+$0xAA80]  }
0x277: {  	v18 =	vadd.f32 v19, v18;
	_ =	sdelay $0x1  }
0x278: {  	[tilespmem:s17+$0xAA70] =	vst v18  }
0x279: {  	v18 =	vld.idx.msk [tilespmem:v2+s17+$0xFFFFFF90 ss:$0x1], $0xffff  }
0x27a: {  	v19 =	vadd.f32 v20, v30;
	_ =	sdelay $0x1  }
0x27b: {  	v17 =	vmul.f32 v19, v17;
	_ =	sdelay $0x1  }
0x27c: {  	v19 =	vld [tilespmem:s17+$0xAA90]  }
0x27d: {  	v17 =	vadd.f32 v17, v18;
	_ =	sdelay $0x1  }
0x27e: {  	[tilespmem:s17+$0xAA80] =	vst v17  }
0x27f: {  	v17 =	vld.idx.msk [tilespmem:v2+s17+$0xFFFFFFA0 ss:$0x1], $0xffff  }
0x280: {  	v16 =	vadd.f32 v19, v16;
	_ =	sdelay $0x1  }
0x281: {  	v14 =	vmul.f32 v16, v14;
	_ =	sdelay $0x1  }
0x282: {  	v16 =	vld [tilespmem:s17+$0xAAA0]  }
0x283: {  	v14 =	vadd.f32 v14, v17;
	_ =	sdelay $0x1  }
0x284: {  	[tilespmem:s17+$0xAA90] =	vst v14  }
0x285: {  	v14 =	vld.idx.msk [tilespmem:v2+s17+$0xFFFFFFB0 ss:$0x1], $0xffff  }
0x286: {  	v15 =	vadd.f32 v16, v15;
	_ =	sdelay $0x1  }
0x287: {  	v12 =	vmul.f32 v15, v12;
	_ =	sdelay $0x1  }
0x288: {  	v15 =	vld [tilespmem:s17+$0xAAB0]  }
0x289: {  	v12 =	vadd.f32 v12, v14;
	_ =	sdelay $0x1  }
0x28a: {  	[tilespmem:s17+$0xAAA0] =	vst v12  }
0x28b: {  	v12 =	vld.idx.msk [tilespmem:v2+s17+$0xFFFFFFC0 ss:$0x1], $0xffff  }
0x28c: {  	v13 =	vadd.f32 v15, v13;
	_ =	sdelay $0x1  }
0x28d: {  	v10 =	vmul.f32 v13, v10;
	_ =	sdelay $0x1  }
0x28e: {  	v13 =	vld [tilespmem:s17+$0xAAC0]  }
0x28f: {  	v10 =	vadd.f32 v10, v12;
	_ =	sdelay $0x1  }
0x290: {  	[tilespmem:s17+$0xAAB0] =	vst v10  }
0x291: {  	v10 =	vld.idx.msk [tilespmem:v2+s17+$0xFFFFFFD0 ss:$0x1], $0xffff  }
0x292: {  	v11 =	vadd.f32 v13, v11;
	_ =	sdelay $0x1  }
0x293: {  	v8 =	vmul.f32 v11, v8;
	_ =	sdelay $0x1  }
0x294: {  	v11 =	vld [tilespmem:s17+$0xAAD0]  }
0x295: {  	v8 =	vadd.f32 v8, v10;
	_ =	sdelay $0x1  }
0x296: {  	[tilespmem:s17+$0xAAC0] =	vst v8  }
0x297: {  	v8 =	vld.idx.msk [tilespmem:v2+s17+$0xFFFFFFE0 ss:$0x1], $0xffff  }
0x298: {  	v9 =	vadd.f32 v11, v9;
	_ =	sdelay $0x1  }
0x299: {  	v6 =	vmul.f32 v9, v6;
	_ =	sdelay $0x1  }
0x29a: {  	v9 =	vld [tilespmem:s17+$0xAAE0]  }
0x29b: {  	v6 =	vadd.f32 v6, v8;
	_ =	sdelay $0x1  }
0x29c: {  	[tilespmem:s17+$0xAAD0] =	vst v6  }
0x29d: {  	v6 =	vld.idx.msk [tilespmem:v2+s17+$0xFFFFFFF0 ss:$0x1], $0xffff  }
0x29e: {  	v7 =	vadd.f32 v9, v7;
	_ =	sdelay $0x1  }
0x29f: {  	v4 =	vmul.f32 v7, v4;
	_ =	sdelay $0x1  }
0x2a0: {  	v7 =	vld [tilespmem:s17+$0xAAF0]  }
0x2a1: {  	v4 =	vadd.f32 v4, v6;
	_ =	sdelay $0x1  }
0x2a2: {  	[tilespmem:s17+$0xAAE0] =	vst v4  }
0x2a3: {  	v4 =	vld.idx.msk [tilespmem:v2+s17+$0x0 ss:$0x1], $0xffff  }
0x2a4: {  	v5 =	vadd.f32 v7, v5  }
.Ltmp9:
0x2a5: {  	(pc) =	sbr.rel @p0 .LBB2_22-.Ltmp9, $2  }
0x2a6: {  	v3 =	vmul.f32 v5, v3;
	_ =	sdelay $0x2  }
0x2a7: {  	v3 =	vadd.f32 v3, v4  }
0x2a8: {  	_ = 	snop  }
0x2a9: {  	[tilespmem:s17+$0xAAF0] =	vst v3  }
0x2aa: {  	[hbm4b:s14+s3] =	stream.linear.scatter [tilespmem:s8], [sflag:$0x1], $0x800, $0x38;
	[tilespmem:$0x18C80] =	vst v63  }
0x2ab: {  	s12 =	sadd.s32 $0x1, s12;
	_ =	swait.ge [sflag:s28], $0x800  }
0x2ac: {  	p0 =	sne.s32 s12, $0x5;
	[sflag:s28] =	ssyncset.done $0x0  }
.Ltmp10:
0x2ad: {  	[sflag:s28] =	ssyncadd.s32 $0xFFFFF800;
	(pc) =	sbr.rel @p0 .LBB2_21-.Ltmp10, $4  }
0x2ae: {  	[spmem:s16] =	stream.linear.scatter [tilespmem:s30], [sflag:$0x1], $0x800, $0x38;
	[tilespmem:$0x18C80] =	vst v63  }
0x2af: {  	_ =	swait.ge [sflag:s28], $0x800  }
0x2b0: {  	[sflag:s28] =	ssyncset.done $0x0  }
0x2b1: {  	s11 =	sadd.s32 $0x80, s11;
	s29 =	sadd.s32 $0x800, s29;
	[sflag:s28] =	ssyncadd.s32 $0xFFFFF800  }
0x2b2: {  	s0 =	sadd.s32 $0x1, s0  }
0x2b3: {  	p0 =	sne.s32 s0, $0xA  }
.Ltmp11:
0x2b4: {  	_ = 	snop;
	(pc) =	sbr.rel @p0 .LBB2_18-.Ltmp11, $2  }
0x2b5: {  	_ =	sdelay $0x1  }
0x2b6: {  	[bflag:$0x0] =	sbarrier.arrive $0xFFFF;
	_ =	sdelay $0x1  }
0x2b7: {  	s0 =	simm.s32 $0x0  }
0x2b8: {  	s1 =	sand.u32 $0x1FE00, s0  }
0x2b9: {  	s0 =	sand.u32 $0x70, s0;
	s1 =	sshrl.u32 s1, $0x2  }
0x2ba: {  	s0 =	sor.u32 s0, s1  }
0x2bb: {  	v2 =	vld [tilespmem:s0+$0x0];
	_ =	sdelay $0x2  }
0x2bc: {  	s11 =	simm.s32 $0x40  }
0x2bd: {  	s12 =	sand.u32 $0x1FE00, s11;
	s11 =	simm.s32 $0x80;
	s1 =	simm.s32 $0x10  }
.LBB2_26:
0x2be: {  	p0 =	sne.s32 s11, $0x143C0;
	s14 =	sand.u32 $0x70, s1;
	s12 =	sshrl.u32 s12, $0x2;
	v2 =	vadd.s32 $0x2800, v2  }
0x2bf: {  	[tilespmem:s0+$0x0] =	vst v2;
	s0 =	sor.u32 s14, s12  }
.Ltmp12:
0x2c0: {  	v2 =	vld [tilespmem:s0+$0x0];
	(pc) =	sbr.rel @p0 .LBB2_26-.Ltmp12, $2  }
0x2c1: {  	_ =	sdelay $0x2  }
0x2c2: {  	s1 =	sadd.s32 $0x10, s1;
	s12 =	sand.u32 $0x1FE00, s11;
	s11 =	sadd.s32 $0x40, s11  }
0x2c3: {  	s1 =	sand.u32 $0x70, s1;
	s11 =	sshrl.u32 s12, $0x2;
	v2 =	vadd.s32 $0x2800, v2  }
0x2c4: {  	s1 =	sor.u32 s1, s11;
	[tilespmem:s0+$0x0] =	vst v2  }
0x2c5: {  	v2 =	vld [tilespmem:s1+$0x0];
	_ =	sdelay $0x4  }
0x2c6: {  	v2 =	vadd.s32 $0x2800, v2  }
0x2c7: {  	[tilespmem:s1+$0x0] =	vst v2  }
0x2c8: {  	[spmem:s21] =	stream.linear.scatter [tilespmem:s30], [sflag:$0x1], $0x800, $0x38;
	[tilespmem:$0x18C80] =	vst v63  }
0x2c9: {  	_ =	swait.ge [sflag:s28], $0x800  }
0x2ca: {  	[sflag:s28] =	ssyncset.done $0x0  }
0x2cb: {  	[sflag:s28] =	ssyncadd.s32 $0xFFFFF800  }
0x2cc: {  	[spmem:s23] =	stream.linear.scatter [tilespmem:s30], [sflag:$0x1], $0x800, $0x38;
	[tilespmem:$0x18C80] =	vst v63  }
0x2cd: {  	_ =	swait.ge [sflag:s28], $0x800  }
0x2ce: {  	[sflag:s28] =	ssyncset.done $0x0  }
0x2cf: {  	[sflag:s28] =	ssyncadd.s32 $0xFFFFF800  }
0x2d0: {  	[spmem:s24] =	stream.linear.scatter [tilespmem:s30], [sflag:$0x1], $0x800, $0x38;
	[tilespmem:$0x18C80] =	vst v63  }
0x2d1: {  	_ =	swait.ge [sflag:s28], $0x800  }
0x2d2: {  	[sflag:s28] =	ssyncset.done $0x0  }
0x2d3: {  	[sflag:s28] =	ssyncadd.s32 $0xFFFFF800  }
0x2d4: {  	[spmem:s25] =	stream.linear.scatter [tilespmem:s30], [sflag:$0x1], $0x800, $0x38;
	[tilespmem:$0x18C80] =	vst v63  }
0x2d5: {  	_ =	swait.ge [sflag:s28], $0x800  }
0x2d6: {  	[sflag:s28] =	ssyncset.done $0x0  }
0x2d7: {  	[sflag:s28] =	ssyncadd.s32 $0xFFFFF800  }
0x2d8: {  	[spmem:s26] =	stream.linear.scatter [tilespmem:s30], [sflag:$0x1], $0x800, $0x38;
	[tilespmem:$0x18C80] =	vst v63  }
0x2d9: {  	_ =	swait.ge [sflag:s28], $0x800  }
0x2da: {  	[sflag:s28] =	ssyncset.done $0x0  }
0x2db: {  	[sflag:s28] =	ssyncadd.s32 $0xFFFFF800  }
0x2dc: {  	s0 =	simm.s32 $0x0;
	[bflag:$0x0] =	sbarrier.arrive $0xFFFF  }
.LBB2_28:
0x2dd: {  	s1 =	simm.s32 $0x0  }
0x2de: {  	[tilespmem:s7], [sflag:$0x1] =	stream.indirect.gather [hbm4b:s5+s6], $0x10, s1, s6, $0xb8;
	[tilespmem:$0x18C80] =	vst v63  }
0x2df: {  	_ =	swait.ge [sflag:s28], $0x800  }
0x2e0: {  	[sflag:s28] =	ssyncset.done $0x0  }
0x2e1: {  	s29 =	simm.s32 $0x5100;
	[sflag:s28] =	ssyncadd.s32 $0xFFFFF800  }
0x2e2: {  	[spmem:s2] =	stream.indirect.scatter.add.f32 [tilespmem:s7], [sflag:$0x1], $0x10, s29, s6, $0xb8;
	[tilespmem:$0x18C80] =	vst v63  }
0x2e3: {  	_ =	swait.ge [sflag:s28], $0x800  }
0x2e4: {  	s11 =	simm.s32 $0x400;
	s1 =	simm.s32 $0x200;
	[sflag:s28] =	ssyncset.done $0x0  }
.LBB2_29:
0x2e5: {  	s12 =	sshra.s32 s1, $0x2  }
0x2e6: {  	[sflag:s28] =	ssyncadd.s32 $0xFFFFF800;
	s1 =	smov.u32 s11;
	s14 =	sadd.s32 $0x200, s11  }
0x2e7: {  	[tilespmem:s7], [sflag:$0x1] =	stream.indirect.gather [hbm4b:s5+s6], $0x10, s12, s6, $0xb8;
	[tilespmem:$0x18C80] =	vst v63  }
0x2e8: {  	p0 =	sne.s32 s11, $0x14200;
	_ =	swait.ge [sflag:s28], $0x800  }
.Ltmp13:
0x2e9: {  	[sflag:s28] =	ssyncset.done $0x0;
	(pc) =	sbr.rel @p0 .LBB2_29-.Ltmp13, $4  }
0x2ea: {  	s11 =	sadd.s32 $0x5100, s12;
	[sflag:s28] =	ssyncadd.s32 $0xFFFFF800  }
0x2eb: {  	[spmem:s2] =	stream.indirect.scatter.add.f32 [tilespmem:s7], [sflag:$0x1], $0x10, s11, s6, $0xb8;
	[tilespmem:$0x18C80] =	vst v63  }
0x2ec: {  	_ =	swait.ge [sflag:s28], $0x800  }
0x2ed: {  	s11 =	smov.u32 s14;
	[sflag:s28] =	ssyncset.done $0x0  }
0x2ee: {  	s1 =	sshra.s32 s1, $0x2;
	[sflag:s28] =	ssyncadd.s32 $0xFFFFF800  }
0x2ef: {  	[tilespmem:s7], [sflag:$0x1] =	stream.indirect.gather [hbm4b:s5+s6], $0x10, s1, s6, $0xb8;
	[tilespmem:$0x18C80] =	vst v63  }
0x2f0: {  	_ =	swait.ge [sflag:s28], $0x800  }
0x2f1: {  	[sflag:s28] =	ssyncset.done $0x0  }
0x2f2: {  	s1 =	sadd.s32 $0x5100, s1;
	[sflag:s28] =	ssyncadd.s32 $0xFFFFF800  }
0x2f3: {  	[spmem:s2] =	stream.indirect.scatter.add.f32 [tilespmem:s7], [sflag:$0x1], $0x10, s1, s6, $0xb8;
	[tilespmem:$0x18C80] =	vst v63  }
0x2f4: {  	_ =	swait.ge [sflag:s28], $0x800  }
0x2f5: {  	[sflag:s28] =	ssyncset.done $0x0  }
0x2f6: {  	s11 =	simm.s32 $0xC200;
	s29 =	simm.s32 $0x16200;
	[sflag:s28] =	ssyncadd.s32 $0xFFFFF800  }
0x2f7: {  	s12 =	simm.s32 $0x0;
	s1 =	simm.s32 $0x0;
	[bflag:$0x0] =	sbarrier.arrive $0xFFFF  }
.LBB2_31:
0x2f8: {  	s14 =	sshll.u32 s12, $0x7  }
0x2f9: {  	s16 =	sadd.s32 s15, s14  }
0x2fa: {  	s16 =	sshll.u32 s16, $0x1  }
0x2fb: {  	s16 =	sand.u32 $0x1FFFFF00, s16  }
0x2fc: {  	s17 =	sadd.s32 s4, s14;
	s14 =	sadd.s32 s5, s16  }
0x2fd: {  	[tilespmem:s8], [sflag:$0x1] =	stream.linear.gather [hbm4b:s14+s1], $0x800, $0x38;
	[tilespmem:$0x18C80] =	vst v63  }
0x2fe: {  	s22 =	sshll.u32 s17, $0x4;
	_ =	swait.ge [sflag:s28], $0x800  }
0x2ff: {  	s16 =	sand.u32 $0x3FFFFFF0, s22;
	[sflag:s28] =	ssyncset.done $0x0  }
0x300: {  	s16 =	sadd.s32 s16, s2;
	[sflag:s28] =	ssyncadd.s32 $0xFFFFF800  }
0x301: {  	[tilespmem:s9], [sflag:$0x1] =	stream.linear.gather [spmem:s16], $0x800, $0x38;
	[tilespmem:$0x18C80] =	vst v63  }
0x302: {  	_ =	swait.ge [sflag:s28], $0x800  }
0x303: {  	[sflag:s28] =	ssyncset.done $0x0  }
0x304: {  	[sflag:s28] =	ssyncadd.s32 $0xFFFFF800  }
0x305: {  	s17 =	simm.s32 $0x0;
	v3 =	vld [tilespmem:s29+$0x0]  }
0x306: {  	v2 =	vmov s11;
	v4 =	vld [tilespmem:s17+$0xB200]  }
0x307: {  	v5 =	vld [tilespmem:s17+$0xAA00];
	_ =	sdelay $0x2  }
0x308: {  	v3 =	vmul.f32 $8.999999760e-01, v3  }
0x309: {  	v7 =	vld.idx.msk [tilespmem:v2+s17+$0x5000 ss:$0x1], $0xffff  }
0x30a: {  	v4 =	vadd.f32 v5, v4;
	v5 =	vbroadcast v3, $0x0;
	_ =	sdelay $0x1  }
0x30b: {  	v6 =	vld [tilespmem:s17+$0xB210];
	v4 =	vmul.f32 v4, v5  }
0x30c: {  	v12 =	vld [tilespmem:s17+$0xAA10]  }
0x30d: {  	v4 =	vadd.f32 v4, v7;
	_ =	sdelay $0x1  }
0x30e: {  	[tilespmem:s17+$0xAA00] =	vst v4  }
0x30f: {  	v14 =	vld.idx.msk [tilespmem:v2+s17+$0x5010 ss:$0x1], $0xffff  }
0x310: {  	v6 =	vadd.f32 v12, v6;
	v16 =	vbroadcast v3, $0x1;
	_ =	sdelay $0x1  }
0x311: {  	v8 =	vld [tilespmem:s17+$0xB220];
	v6 =	vmul.f32 v6, v16  }
0x312: {  	v18 =	vld [tilespmem:s17+$0xAA20]  }
0x313: {  	v6 =	vadd.f32 v6, v14;
	_ =	sdelay $0x1  }
0x314: {  	[tilespmem:s17+$0xAA10] =	vst v6  }
0x315: {  	v6 =	vld.idx.msk [tilespmem:v2+s17+$0x5020 ss:$0x1], $0xffff  }
0x316: {  	v8 =	vadd.f32 v18, v8;
	v20 =	vbroadcast v3, $0x2;
	_ =	sdelay $0x1  }
0x317: {  	v9 =	vld [tilespmem:s17+$0xB230];
	v8 =	vmul.f32 v8, v20  }
0x318: {  	v44 =	vld [tilespmem:s17+$0xAA30]  }
0x319: {  	v6 =	vadd.f32 v8, v6;
	_ =	sdelay $0x1  }
0x31a: {  	[tilespmem:s17+$0xAA20] =	vst v6  }
0x31b: {  	v6 =	vld.idx.msk [tilespmem:v2+s17+$0x5030 ss:$0x1], $0xffff  }
0x31c: {  	v9 =	vadd.f32 v44, v9;
	v45 =	vbroadcast v3, $0x3;
	_ =	sdelay $0x1  }
0x31d: {  	v10 =	vld [tilespmem:s17+$0xB240];
	v8 =	vmul.f32 v9, v45  }
0x31e: {  	v46 =	vld [tilespmem:s17+$0xAA40]  }
0x31f: {  	v6 =	vadd.f32 v8, v6;
	_ =	sdelay $0x1  }
0x320: {  	[tilespmem:s17+$0xAA30] =	vst v6  }
0x321: {  	v6 =	vld.idx.msk [tilespmem:v2+s17+$0x5040 ss:$0x1], $0xffff  }
0x322: {  	v47 =	vbroadcast v3, $0x4;
	v9 =	vadd.f32 v46, v10;
	_ =	sdelay $0x1  }
0x323: {  	v11 =	vld [tilespmem:s17+$0xB250];
	v8 =	vmul.f32 v9, v47  }
0x324: {  	v48 =	vld [tilespmem:s17+$0xAA50]  }
0x325: {  	v6 =	vadd.f32 v8, v6;
	_ =	sdelay $0x1  }
0x326: {  	[tilespmem:s17+$0xAA40] =	vst v6  }
0x327: {  	v6 =	vld.idx.msk [tilespmem:v2+s17+$0x5050 ss:$0x1], $0xffff  }
0x328: {  	v49 =	vbroadcast v3, $0x5;
	v9 =	vadd.f32 v48, v11;
	_ =	sdelay $0x1  }
0x329: {  	v50 =	vld [tilespmem:s17+$0xAA60];
	v8 =	vmul.f32 v9, v49  }
0x32a: {  	v5 =	vld [tilespmem:s17+$0xB260]  }
0x32b: {  	v6 =	vadd.f32 v8, v6;
	_ =	sdelay $0x1  }
0x32c: {  	[tilespmem:s17+$0xAA50] =	vst v6  }
0x32d: {  	v6 =	vld.idx.msk [tilespmem:v2+s17+$0x5060 ss:$0x1], $0xffff  }
0x32e: {  	v51 =	vbroadcast v3, $0x6;
	v5 =	vadd.f32 v50, v5;
	_ =	sdelay $0x1  }
0x32f: {  	v40 =	vld [tilespmem:s17+$0xB270];
	v5 =	vmul.f32 v5, v51  }
0x330: {  	v52 =	vld [tilespmem:s17+$0xAA70]  }
0x331: {  	v5 =	vadd.f32 v5, v6;
	_ =	sdelay $0x1  }
0x332: {  	[tilespmem:s17+$0xAA60] =	vst v5  }
0x333: {  	v5 =	vld.idx.msk [tilespmem:v2+s17+$0x5070 ss:$0x1], $0xffff  }
0x334: {  	v53 =	vbroadcast v3, $0x7;
	v7 =	vadd.f32 v52, v40;
	_ =	sdelay $0x1  }
0x335: {  	v13 =	vld [tilespmem:s17+$0xB280];
	v6 =	vmul.f32 v7, v53  }
0x336: {  	v54 =	vld [tilespmem:s17+$0xAA80]  }
0x337: {  	v5 =	vadd.f32 v6, v5;
	_ =	sdelay $0x1  }
0x338: {  	[tilespmem:s17+$0xAA70] =	vst v5  }
0x339: {  	v5 =	vld.idx.msk [tilespmem:v2+s17+$0x5080 ss:$0x1], $0xffff  }
0x33a: {  	v55 =	vbroadcast v3, $0x8;
	v7 =	vadd.f32 v54, v13;
	_ =	sdelay $0x1  }
0x33b: {  	v56 =	vld [tilespmem:s17+$0xAA90];
	v6 =	vmul.f32 v7, v55  }
0x33c: {  	v4 =	vld [tilespmem:s17+$0xB290]  }
0x33d: {  	v5 =	vadd.f32 v6, v5;
	_ =	sdelay $0x1  }
0x33e: {  	[tilespmem:s17+$0xAA80] =	vst v5  }
0x33f: {  	v5 =	vld.idx.msk [tilespmem:v2+s17+$0x5090 ss:$0x1], $0xffff  }
0x340: {  	v57 =	vbroadcast v3, $0x9;
	v4 =	vadd.f32 v56, v4;
	_ =	sdelay $0x1  }
0x341: {  	v15 =	vld [tilespmem:s17+$0xB2A0];
	v4 =	vmul.f32 v4, v57  }
0x342: {  	v58 =	vld [tilespmem:s17+$0xAAA0]  }
0x343: {  	v4 =	vadd.f32 v4, v5;
	_ =	sdelay $0x1  }
0x344: {  	[tilespmem:s17+$0xAA90] =	vst v4  }
0x345: {  	v4 =	vld.idx.msk [tilespmem:v2+s17+$0x50A0 ss:$0x1], $0xffff  }
0x346: {  	v6 =	vadd.f32 v58, v15;
	v5 =	vbroadcast v3, $0xA;
	_ =	sdelay $0x1  }
0x347: {  	v41 =	vld [tilespmem:s17+$0xB2B0];
	v5 =	vmul.f32 v6, v5  }
0x348: {  	v59 =	vld [tilespmem:s17+$0xAAB0]  }
0x349: {  	v4 =	vadd.f32 v5, v4;
	_ =	sdelay $0x1  }
0x34a: {  	[tilespmem:s17+$0xAAA0] =	vst v4  }
0x34b: {  	v4 =	vld.idx.msk [tilespmem:v2+s17+$0x50B0 ss:$0x1], $0xffff  }
0x34c: {  	v6 =	vadd.f32 v59, v41;
	v5 =	vbroadcast v3, $0xB;
	_ =	sdelay $0x1  }
0x34d: {  	v17 =	vld [tilespmem:s17+$0xB2C0];
	v5 =	vmul.f32 v6, v5  }
0x34e: {  	v60 =	vld [tilespmem:s17+$0xAAC0]  }
0x34f: {  	v4 =	vadd.f32 v5, v4;
	_ =	sdelay $0x1  }
0x350: {  	[tilespmem:s17+$0xAAB0] =	vst v4  }
0x351: {  	v4 =	vld.idx.msk [tilespmem:v2+s17+$0x50C0 ss:$0x1], $0xffff  }
0x352: {  	v6 =	vadd.f32 v60, v17;
	v5 =	vbroadcast v3, $0xC;
	_ =	sdelay $0x1  }
0x353: {  	v42 =	vld [tilespmem:s17+$0xB2D0];
	v5 =	vmul.f32 v6, v5  }
0x354: {  	v61 =	vld [tilespmem:s17+$0xAAD0]  }
0x355: {  	v4 =	vadd.f32 v5, v4;
	_ =	sdelay $0x1  }
0x356: {  	[tilespmem:s17+$0xAAC0] =	vst v4  }
0x357: {  	v4 =	vld.idx.msk [tilespmem:v2+s17+$0x50D0 ss:$0x1], $0xffff  }
0x358: {  	v6 =	vadd.f32 v61, v42;
	v5 =	vbroadcast v3, $0xD;
	_ =	sdelay $0x1  }
0x359: {  	v43 =	vld [tilespmem:s17+$0xB2E0];
	v5 =	vmul.f32 v6, v5  }
0x35a: {  	v62 =	vld [tilespmem:s17+$0xAAE0]  }
0x35b: {  	v4 =	vadd.f32 v5, v4;
	_ =	sdelay $0x1  }
0x35c: {  	[tilespmem:s17+$0xAAD0] =	vst v4  }
0x35d: {  	v4 =	vld.idx.msk [tilespmem:v2+s17+$0x50E0 ss:$0x1], $0xffff  }
0x35e: {  	v6 =	vadd.f32 v62, v43;
	v5 =	vbroadcast v3, $0xE;
	_ =	sdelay $0x1  }
0x35f: {  	v19 =	vld [tilespmem:s17+$0xB2F0];
	v5 =	vmul.f32 v6, v5  }
0x360: {  	v63 =	vld [tilespmem:s17+$0xAAF0]  }
0x361: {  	v4 =	vadd.f32 v5, v4;
	_ =	sdelay $0x1  }
0x362: {  	[tilespmem:s17+$0xAAE0] =	vst v4  }
0x363: {  	v4 =	vld.idx.msk [tilespmem:v2+s17+$0x50F0 ss:$0x1], $0xffff  }
0x364: {  	v3 =	vbroadcast v3, $0xF;
	v5 =	vadd.f32 v63, v19;
	_ =	sdelay $0x1  }
0x365: {  	v3 =	vmul.f32 v5, v3;
	_ =	sdelay $0x1  }
0x366: {  	s19 =	simm.s32 $0x400;
	s20 =	smov.u32 s29;
	v3 =	vadd.f32 v3, v4  }
.LBB2_32:
0x367: {  	p0 =	sne.s32 s19, $0x1C00  }
0x368: {  	s20 =	sadd.s32 $0x10, s20;
	s22 =	smov.u32 s19;
	s19 =	sadd.s32 $0x400, s19  }
0x369: {  	[tilespmem:s17+$0xAAF0] =	vst v3  }
0x36a: {  	s17 =	sshra.s32 s22, $0x2;
	v3 =	vld [tilespmem:s20+$0x0]  }
0x36b: {  	v4 =	vld [tilespmem:s17+$0xB200]  }
0x36c: {  	v5 =	vld [tilespmem:s17+$0xAA00]  }
0x36d: {  	v7 =	vld [tilespmem:s17+$0xB210]  }
0x36e: {  	v6 =	vld.idx.msk [tilespmem:v2+s17+$0x5000 ss:$0x1], $0xffff  }
0x36f: {  	v3 =	vmul.f32 $8.999999760e-01, v3;
	v18 =	vld [tilespmem:s17+$0xB220]  }
0x370: {  	v19 =	vld [tilespmem:s17+$0xB230]  }
0x371: {  	v4 =	vadd.f32 v5, v4;
	v5 =	vbroadcast v3, $0x0;
	v9 =	vbroadcast v3, $0x1;
	v20 =	vld [tilespmem:s17+$0xB240]  }
0x372: {  	v21 =	vbroadcast v3, $0x2;
	v22 =	vbroadcast v3, $0x3;
	v23 =	vld [tilespmem:s17+$0xB250]  }
0x373: {  	v24 =	vbroadcast v3, $0x4;
	v4 =	vmul.f32 v4, v5;
	v25 =	vld [tilespmem:s17+$0xB260]  }
0x374: {  	v26 =	vbroadcast v3, $0x5;
	v27 =	vbroadcast v3, $0x6;
	v5 =	vld [tilespmem:s17+$0xAA10]  }
0x375: {  	v29 =	vbroadcast v3, $0x7;
	v17 =	vbroadcast v3, $0x8;
	v4 =	vadd.f32 v4, v6;
	v28 =	vld [tilespmem:s17+$0xB270]  }
0x376: {  	v14 =	vbroadcast v3, $0x9;
	v12 =	vbroadcast v3, $0xA;
	v30 =	vld [tilespmem:s17+$0xB280]  }
0x377: {  	v10 =	vbroadcast v3, $0xB;
	v8 =	vbroadcast v3, $0xC;
	[tilespmem:s17+$0xAA00] =	vst v4;
	v16 =	vld [tilespmem:s17+$0xB290]  }
0x378: {  	v6 =	vbroadcast v3, $0xD;
	v4 =	vbroadcast v3, $0xE;
	v31 =	vld.idx.msk [tilespmem:v2+s17+$0x5010 ss:$0x1], $0xffff  }
0x379: {  	v3 =	vbroadcast v3, $0xF;
	v5 =	vadd.f32 v5, v7;
	v15 =	vld [tilespmem:s17+$0xB2A0]  }
0x37a: {  	v13 =	vld [tilespmem:s17+$0xB2B0]  }
0x37b: {  	v5 =	vmul.f32 v5, v9;
	v11 =	vld [tilespmem:s17+$0xB2C0]  }
0x37c: {  	v9 =	vld [tilespmem:s17+$0xB2D0]  }
0x37d: {  	v32 =	vld [tilespmem:s17+$0xAA20]  }
0x37e: {  	v31 =	vadd.f32 v5, v31;
	v7 =	vld [tilespmem:s17+$0xB2E0]  }
0x37f: {  	v5 =	vld [tilespmem:s17+$0xB2F0]  }
0x380: {  	[tilespmem:s17+$0xAA10] =	vst v31  }
0x381: {  	v31 =	vld.idx.msk [tilespmem:v2+s17+$0x5020 ss:$0x1], $0xffff  }
0x382: {  	v18 =	vadd.f32 v32, v18;
	_ =	sdelay $0x1  }
0x383: {  	v18 =	vmul.f32 v18, v21;
	_ =	sdelay $0x1  }
0x384: {  	v21 =	vld [tilespmem:s17+$0xAA30]  }
0x385: {  	v18 =	vadd.f32 v18, v31;
	_ =	sdelay $0x1  }
0x386: {  	[tilespmem:s17+$0xAA20] =	vst v18  }
0x387: {  	v18 =	vld.idx.msk [tilespmem:v2+s17+$0x5030 ss:$0x1], $0xffff  }
0x388: {  	v19 =	vadd.f32 v21, v19;
	_ =	sdelay $0x1  }
0x389: {  	v19 =	vmul.f32 v19, v22;
	_ =	sdelay $0x1  }
0x38a: {  	v21 =	vld [tilespmem:s17+$0xAA40]  }
0x38b: {  	v18 =	vadd.f32 v19, v18;
	_ =	sdelay $0x1  }
0x38c: {  	[tilespmem:s17+$0xAA30] =	vst v18  }
0x38d: {  	v18 =	vld.idx.msk [tilespmem:v2+s17+$0x5040 ss:$0x1], $0xffff  }
0x38e: {  	v19 =	vadd.f32 v21, v20;
	_ =	sdelay $0x1  }
0x38f: {  	v19 =	vmul.f32 v19, v24;
	_ =	sdelay $0x1  }
0x390: {  	v20 =	vld [tilespmem:s17+$0xAA50]  }
0x391: {  	v18 =	vadd.f32 v19, v18;
	_ =	sdelay $0x1  }
0x392: {  	[tilespmem:s17+$0xAA40] =	vst v18  }
0x393: {  	v18 =	vld.idx.msk [tilespmem:v2+s17+$0x5050 ss:$0x1], $0xffff  }
0x394: {  	v19 =	vadd.f32 v20, v23;
	_ =	sdelay $0x1  }
0x395: {  	v19 =	vmul.f32 v19, v26;
	_ =	sdelay $0x1  }
0x396: {  	v20 =	vld [tilespmem:s17+$0xAA60]  }
0x397: {  	v18 =	vadd.f32 v19, v18;
	_ =	sdelay $0x1  }
0x398: {  	[tilespmem:s17+$0xAA50] =	vst v18  }
0x399: {  	v18 =	vld.idx.msk [tilespmem:v2+s17+$0x5060 ss:$0x1], $0xffff  }
0x39a: {  	v19 =	vadd.f32 v20, v25;
	_ =	sdelay $0x1  }
0x39b: {  	v19 =	vmul.f32 v19, v27;
	_ =	sdelay $0x1  }
0x39c: {  	v20 =	vld [tilespmem:s17+$0xAA70]  }
0x39d: {  	v18 =	vadd.f32 v19, v18;
	_ =	sdelay $0x1  }
0x39e: {  	[tilespmem:s17+$0xAA60] =	vst v18  }
0x39f: {  	v18 =	vld.idx.msk [tilespmem:v2+s17+$0x5070 ss:$0x1], $0xffff  }
0x3a0: {  	v19 =	vadd.f32 v20, v28;
	_ =	sdelay $0x1  }
0x3a1: {  	v19 =	vmul.f32 v19, v29;
	_ =	sdelay $0x1  }
0x3a2: {  	v20 =	vld [tilespmem:s17+$0xAA80]  }
0x3a3: {  	v18 =	vadd.f32 v19, v18;
	_ =	sdelay $0x1  }
0x3a4: {  	[tilespmem:s17+$0xAA70] =	vst v18  }
0x3a5: {  	v18 =	vld.idx.msk [tilespmem:v2+s17+$0x5080 ss:$0x1], $0xffff  }
0x3a6: {  	v19 =	vadd.f32 v20, v30;
	_ =	sdelay $0x1  }
0x3a7: {  	v17 =	vmul.f32 v19, v17;
	_ =	sdelay $0x1  }
0x3a8: {  	v19 =	vld [tilespmem:s17+$0xAA90]  }
0x3a9: {  	v17 =	vadd.f32 v17, v18;
	_ =	sdelay $0x1  }
0x3aa: {  	[tilespmem:s17+$0xAA80] =	vst v17  }
0x3ab: {  	v17 =	vld.idx.msk [tilespmem:v2+s17+$0x5090 ss:$0x1], $0xffff  }
0x3ac: {  	v16 =	vadd.f32 v19, v16;
	_ =	sdelay $0x1  }
0x3ad: {  	v14 =	vmul.f32 v16, v14;
	_ =	sdelay $0x1  }
0x3ae: {  	v16 =	vld [tilespmem:s17+$0xAAA0]  }
0x3af: {  	v14 =	vadd.f32 v14, v17;
	_ =	sdelay $0x1  }
0x3b0: {  	[tilespmem:s17+$0xAA90] =	vst v14  }
0x3b1: {  	v14 =	vld.idx.msk [tilespmem:v2+s17+$0x50A0 ss:$0x1], $0xffff  }
0x3b2: {  	v15 =	vadd.f32 v16, v15;
	_ =	sdelay $0x1  }
0x3b3: {  	v12 =	vmul.f32 v15, v12;
	_ =	sdelay $0x1  }
0x3b4: {  	v15 =	vld [tilespmem:s17+$0xAAB0]  }
0x3b5: {  	v12 =	vadd.f32 v12, v14;
	_ =	sdelay $0x1  }
0x3b6: {  	[tilespmem:s17+$0xAAA0] =	vst v12  }
0x3b7: {  	v12 =	vld.idx.msk [tilespmem:v2+s17+$0x50B0 ss:$0x1], $0xffff  }
0x3b8: {  	v13 =	vadd.f32 v15, v13;
	_ =	sdelay $0x1  }
0x3b9: {  	v10 =	vmul.f32 v13, v10;
	_ =	sdelay $0x1  }
0x3ba: {  	v13 =	vld [tilespmem:s17+$0xAAC0]  }
0x3bb: {  	v10 =	vadd.f32 v10, v12;
	_ =	sdelay $0x1  }
0x3bc: {  	[tilespmem:s17+$0xAAB0] =	vst v10  }
0x3bd: {  	v10 =	vld.idx.msk [tilespmem:v2+s17+$0x50C0 ss:$0x1], $0xffff  }
0x3be: {  	v11 =	vadd.f32 v13, v11;
	_ =	sdelay $0x1  }
0x3bf: {  	v8 =	vmul.f32 v11, v8;
	_ =	sdelay $0x1  }
0x3c0: {  	v11 =	vld [tilespmem:s17+$0xAAD0]  }
0x3c1: {  	v8 =	vadd.f32 v8, v10;
	_ =	sdelay $0x1  }
0x3c2: {  	[tilespmem:s17+$0xAAC0] =	vst v8  }
0x3c3: {  	v8 =	vld.idx.msk [tilespmem:v2+s17+$0x50D0 ss:$0x1], $0xffff  }
0x3c4: {  	v9 =	vadd.f32 v11, v9;
	_ =	sdelay $0x1  }
0x3c5: {  	v6 =	vmul.f32 v9, v6;
	_ =	sdelay $0x1  }
0x3c6: {  	v9 =	vld [tilespmem:s17+$0xAAE0]  }
0x3c7: {  	v6 =	vadd.f32 v6, v8;
	_ =	sdelay $0x1  }
0x3c8: {  	[tilespmem:s17+$0xAAD0] =	vst v6  }
0x3c9: {  	v6 =	vld.idx.msk [tilespmem:v2+s17+$0x50E0 ss:$0x1], $0xffff  }
0x3ca: {  	v7 =	vadd.f32 v9, v7;
	_ =	sdelay $0x1  }
0x3cb: {  	v4 =	vmul.f32 v7, v4;
	_ =	sdelay $0x1  }
0x3cc: {  	v7 =	vld [tilespmem:s17+$0xAAF0]  }
0x3cd: {  	v4 =	vadd.f32 v4, v6;
	_ =	sdelay $0x1  }
0x3ce: {  	[tilespmem:s17+$0xAAE0] =	vst v4  }
0x3cf: {  	v4 =	vld.idx.msk [tilespmem:v2+s17+$0x50F0 ss:$0x1], $0xffff  }
0x3d0: {  	v5 =	vadd.f32 v7, v5  }
.Ltmp14:
0x3d1: {  	(pc) =	sbr.rel @p0 .LBB2_32-.Ltmp14, $2  }
0x3d2: {  	v3 =	vmul.f32 v5, v3;
	_ =	sdelay $0x2  }
0x3d3: {  	v3 =	vadd.f32 v3, v4  }
0x3d4: {  	_ = 	snop  }
0x3d5: {  	[tilespmem:s17+$0xAAF0] =	vst v3  }
0x3d6: {  	[hbm4b:s14+s3] =	stream.linear.scatter [tilespmem:s8], [sflag:$0x1], $0x800, $0x38;
	[tilespmem:$0x18C80] =	vst v63  }
0x3d7: {  	s12 =	sadd.s32 $0x1, s12;
	_ =	swait.ge [sflag:s28], $0x800  }
0x3d8: {  	p0 =	sne.s32 s12, $0x5;
	[sflag:s28] =	ssyncset.done $0x0  }
.Ltmp15:
0x3d9: {  	[sflag:s28] =	ssyncadd.s32 $0xFFFFF800;
	(pc) =	sbr.rel @p0 .LBB2_31-.Ltmp15, $4  }
0x3da: {  	[spmem:s16] =	stream.linear.scatter [tilespmem:s30], [sflag:$0x1], $0x800, $0x38;
	[tilespmem:$0x18C80] =	vst v63  }
0x3db: {  	_ =	swait.ge [sflag:s28], $0x800  }
0x3dc: {  	[sflag:s28] =	ssyncset.done $0x0  }
0x3dd: {  	s11 =	sadd.s32 $0x800, s11;
	s29 =	sadd.s32 $0x80, s29;
	[sflag:s28] =	ssyncadd.s32 $0xFFFFF800  }
0x3de: {  	s0 =	sadd.s32 $0x1, s0  }
0x3df: {  	p0 =	sne.s32 s0, $0xA  }
.Ltmp16:
0x3e0: {  	_ = 	snop;
	(pc) =	sbr.rel @p0 .LBB2_28-.Ltmp16, $2  }
0x3e1: {  	_ =	sdelay $0x1  }
0x3e2: {  	[bflag:$0x0] =	sbarrier.arrive $0xFFFF;
	_ =	sdelay $0x1  }
0x3e3: {  	s0 =	simm.s32 $0x0  }
0x3e4: {  	s1 =	sand.u32 $0x1FE00, s0  }
0x3e5: {  	s0 =	sand.u32 $0x70, s0;
	s1 =	sshrl.u32 s1, $0x2  }
0x3e6: {  	s0 =	sor.u32 s0, s1  }
0x3e7: {  	v2 =	vld [tilespmem:s0+$0x0];
	_ =	sdelay $0x2  }
0x3e8: {  	s11 =	simm.s32 $0x40  }
0x3e9: {  	s12 =	sand.u32 $0x1FE00, s11;
	s11 =	simm.s32 $0x80;
	s1 =	simm.s32 $0x10  }
.LBB2_36:
0x3ea: {  	p0 =	sne.s32 s11, $0x143C0;
	s14 =	sand.u32 $0x70, s1;
	s12 =	sshrl.u32 s12, $0x2;
	v2 =	vadd.s32 $0x2800, v2  }
0x3eb: {  	[tilespmem:s0+$0x0] =	vst v2;
	s0 =	sor.u32 s14, s12  }
.Ltmp17:
0x3ec: {  	v2 =	vld [tilespmem:s0+$0x0];
	(pc) =	sbr.rel @p0 .LBB2_36-.Ltmp17, $2  }
0x3ed: {  	_ =	sdelay $0x2  }
0x3ee: {  	s1 =	sadd.s32 $0x10, s1;
	s12 =	sand.u32 $0x1FE00, s11;
	s11 =	sadd.s32 $0x40, s11  }
0x3ef: {  	s1 =	sand.u32 $0x70, s1;
	s11 =	sshrl.u32 s12, $0x2;
	v2 =	vadd.s32 $0x2800, v2  }
0x3f0: {  	s1 =	sor.u32 s1, s11;
	[tilespmem:s0+$0x0] =	vst v2  }
0x3f1: {  	v2 =	vld [tilespmem:s1+$0x0];
	_ =	sdelay $0x4  }
0x3f2: {  	v2 =	vadd.s32 $0x2800, v2  }
0x3f3: {  	[tilespmem:s1+$0x0] =	vst v2  }
0x3f4: {  	[spmem:s21] =	stream.linear.scatter [tilespmem:s30], [sflag:$0x1], $0x800, $0x38;
	[tilespmem:$0x18C80] =	vst v63  }
0x3f5: {  	_ =	swait.ge [sflag:s28], $0x800  }
0x3f6: {  	[sflag:s28] =	ssyncset.done $0x0  }
0x3f7: {  	[sflag:s28] =	ssyncadd.s32 $0xFFFFF800  }
0x3f8: {  	[spmem:s23] =	stream.linear.scatter [tilespmem:s30], [sflag:$0x1], $0x800, $0x38;
	[tilespmem:$0x18C80] =	vst v63  }
0x3f9: {  	_ =	swait.ge [sflag:s28], $0x800  }
0x3fa: {  	[sflag:s28] =	ssyncset.done $0x0  }
0x3fb: {  	[sflag:s28] =	ssyncadd.s32 $0xFFFFF800  }
0x3fc: {  	[spmem:s24] =	stream.linear.scatter [tilespmem:s30], [sflag:$0x1], $0x800, $0x38;
	[tilespmem:$0x18C80] =	vst v63  }
0x3fd: {  	_ =	swait.ge [sflag:s28], $0x800  }
0x3fe: {  	[sflag:s28] =	ssyncset.done $0x0  }
0x3ff: {  	[sflag:s28] =	ssyncadd.s32 $0xFFFFF800  }
0x400: {  	[spmem:s25] =	stream.linear.scatter [tilespmem:s30], [sflag:$0x1], $0x800, $0x38;
	[tilespmem:$0x18C80] =	vst v63  }
0x401: {  	_ =	swait.ge [sflag:s28], $0x800  }
0x402: {  	[sflag:s28] =	ssyncset.done $0x0  }
0x403: {  	[sflag:s28] =	ssyncadd.s32 $0xFFFFF800  }
0x404: {  	[spmem:s26] =	stream.linear.scatter [tilespmem:s30], [sflag:$0x1], $0x800, $0x38;
	[tilespmem:$0x18C80] =	vst v63  }
0x405: {  	_ =	swait.ge [sflag:s28], $0x800  }
0x406: {  	[sflag:s28] =	ssyncset.done $0x0  }
0x407: {  	[sflag:s28] =	ssyncadd.s32 $0xFFFFF800  }
0x408: {  	s0 =	simm.s32 $0x0;
	[bflag:$0x0] =	sbarrier.arrive $0xFFFF  }
.LBB2_38:
0x409: {  	s1 =	simm.s32 $0x0  }
0x40a: {  	[tilespmem:s7], [sflag:$0x1] =	stream.indirect.gather [hbm4b:s5+s6], $0x10, s1, s6, $0xb8;
	[tilespmem:$0x18C80] =	vst v63  }
0x40b: {  	_ =	swait.ge [sflag:s28], $0x800  }
0x40c: {  	[sflag:s28] =	ssyncset.done $0x0  }
0x40d: {  	s29 =	simm.s32 $0x5100;
	[sflag:s28] =	ssyncadd.s32 $0xFFFFF800  }
0x40e: {  	[spmem:s2] =	stream.indirect.scatter.add.f32 [tilespmem:s7], [sflag:$0x1], $0x10, s29, s6, $0xb8;
	[tilespmem:$0x18C80] =	vst v63  }
0x40f: {  	_ =	swait.ge [sflag:s28], $0x800  }
0x410: {  	s11 =	simm.s32 $0x400;
	s1 =	simm.s32 $0x200;
	[sflag:s28] =	ssyncset.done $0x0  }
.LBB2_39:
0x411: {  	s12 =	sshra.s32 s1, $0x2  }
0x412: {  	[sflag:s28] =	ssyncadd.s32 $0xFFFFF800;
	s1 =	smov.u32 s11;
	s14 =	sadd.s32 $0x200, s11  }
0x413: {  	[tilespmem:s7], [sflag:$0x1] =	stream.indirect.gather [hbm4b:s5+s6], $0x10, s12, s6, $0xb8;
	[tilespmem:$0x18C80] =	vst v63  }
0x414: {  	p0 =	sne.s32 s11, $0x14200;
	_ =	swait.ge [sflag:s28], $0x800  }
.Ltmp18:
0x415: {  	[sflag:s28] =	ssyncset.done $0x0;
	(pc) =	sbr.rel @p0 .LBB2_39-.Ltmp18, $4  }
0x416: {  	s11 =	sadd.s32 $0x5100, s12;
	[sflag:s28] =	ssyncadd.s32 $0xFFFFF800  }
0x417: {  	[spmem:s2] =	stream.indirect.scatter.add.f32 [tilespmem:s7], [sflag:$0x1], $0x10, s11, s6, $0xb8;
	[tilespmem:$0x18C80] =	vst v63  }
0x418: {  	_ =	swait.ge [sflag:s28], $0x800  }
0x419: {  	s11 =	smov.u32 s14;
	[sflag:s28] =	ssyncset.done $0x0  }
0x41a: {  	s1 =	sshra.s32 s1, $0x2;
	[sflag:s28] =	ssyncadd.s32 $0xFFFFF800  }
0x41b: {  	[tilespmem:s7], [sflag:$0x1] =	stream.indirect.gather [hbm4b:s5+s6], $0x10, s1, s6, $0xb8;
	[tilespmem:$0x18C80] =	vst v63  }
0x41c: {  	_ =	swait.ge [sflag:s28], $0x800  }
0x41d: {  	[sflag:s28] =	ssyncset.done $0x0  }
0x41e: {  	s1 =	sadd.s32 $0x5100, s1;
	[sflag:s28] =	ssyncadd.s32 $0xFFFFF800  }
0x41f: {  	[spmem:s2] =	stream.indirect.scatter.add.f32 [tilespmem:s7], [sflag:$0x1], $0x10, s1, s6, $0xb8;
	[tilespmem:$0x18C80] =	vst v63  }
0x420: {  	_ =	swait.ge [sflag:s28], $0x800  }
0x421: {  	[sflag:s28] =	ssyncset.done $0x0  }
0x422: {  	s11 =	simm.s32 $0xC200;
	s29 =	simm.s32 $0x16200;
	[sflag:s28] =	ssyncadd.s32 $0xFFFFF800  }
0x423: {  	s12 =	simm.s32 $0x0;
	s1 =	simm.s32 $0x0;
	[bflag:$0x0] =	sbarrier.arrive $0xFFFF  }
.LBB2_41:
0x424: {  	s14 =	sshll.u32 s12, $0x7  }
0x425: {  	s16 =	sadd.s32 s18, s14  }
0x426: {  	s16 =	sshll.u32 s16, $0x1  }
0x427: {  	s16 =	sand.u32 $0x1FFFFF00, s16  }
0x428: {  	s17 =	sadd.s32 s4, s14;
	s14 =	sadd.s32 s5, s16  }
0x429: {  	[tilespmem:s8], [sflag:$0x1] =	stream.linear.gather [hbm4b:s14+s1], $0x800, $0x38;
	[tilespmem:$0x18C80] =	vst v63  }
0x42a: {  	s22 =	sshll.u32 s17, $0x4;
	_ =	swait.ge [sflag:s28], $0x800  }
0x42b: {  	s16 =	sand.u32 $0x3FFFFFF0, s22;
	[sflag:s28] =	ssyncset.done $0x0  }
0x42c: {  	s16 =	sadd.s32 s16, s2;
	[sflag:s28] =	ssyncadd.s32 $0xFFFFF800  }
0x42d: {  	[tilespmem:s9], [sflag:$0x1] =	stream.linear.gather [spmem:s16], $0x800, $0x38;
	[tilespmem:$0x18C80] =	vst v63  }
0x42e: {  	_ =	swait.ge [sflag:s28], $0x800  }
0x42f: {  	[sflag:s28] =	ssyncset.done $0x0  }
0x430: {  	[sflag:s28] =	ssyncadd.s32 $0xFFFFF800  }
0x431: {  	s17 =	simm.s32 $0x0;
	v3 =	vld [tilespmem:s29+$0x0]  }
0x432: {  	v2 =	vmov s11;
	v4 =	vld [tilespmem:s17+$0xB200]  }
0x433: {  	v5 =	vld [tilespmem:s17+$0xAA00];
	_ =	sdelay $0x2  }
0x434: {  	v3 =	vmul.f32 $8.999999760e-01, v3  }
0x435: {  	v7 =	vld.idx.msk [tilespmem:v2+s17+$0x7800 ss:$0x1], $0xffff  }
0x436: {  	v4 =	vadd.f32 v5, v4;
	v5 =	vbroadcast v3, $0x0;
	_ =	sdelay $0x1  }
0x437: {  	v6 =	vld [tilespmem:s17+$0xB210];
	v4 =	vmul.f32 v4, v5  }
0x438: {  	v12 =	vld [tilespmem:s17+$0xAA10]  }
0x439: {  	v4 =	vadd.f32 v4, v7;
	_ =	sdelay $0x1  }
0x43a: {  	[tilespmem:s17+$0xAA00] =	vst v4  }
0x43b: {  	v14 =	vld.idx.msk [tilespmem:v2+s17+$0x7810 ss:$0x1], $0xffff  }
0x43c: {  	v6 =	vadd.f32 v12, v6;
	v16 =	vbroadcast v3, $0x1;
	_ =	sdelay $0x1  }
0x43d: {  	v8 =	vld [tilespmem:s17+$0xB220];
	v6 =	vmul.f32 v6, v16  }
0x43e: {  	v18 =	vld [tilespmem:s17+$0xAA20]  }
0x43f: {  	v6 =	vadd.f32 v6, v14;
	_ =	sdelay $0x1  }
0x440: {  	[tilespmem:s17+$0xAA10] =	vst v6  }
0x441: {  	v6 =	vld.idx.msk [tilespmem:v2+s17+$0x7820 ss:$0x1], $0xffff  }
0x442: {  	v8 =	vadd.f32 v18, v8;
	v20 =	vbroadcast v3, $0x2;
	_ =	sdelay $0x1  }
0x443: {  	v9 =	vld [tilespmem:s17+$0xB230];
	v8 =	vmul.f32 v8, v20  }
0x444: {  	v44 =	vld [tilespmem:s17+$0xAA30]  }
0x445: {  	v6 =	vadd.f32 v8, v6;
	_ =	sdelay $0x1  }
0x446: {  	[tilespmem:s17+$0xAA20] =	vst v6  }
0x447: {  	v6 =	vld.idx.msk [tilespmem:v2+s17+$0x7830 ss:$0x1], $0xffff  }
0x448: {  	v9 =	vadd.f32 v44, v9;
	v45 =	vbroadcast v3, $0x3;
	_ =	sdelay $0x1  }
0x449: {  	v10 =	vld [tilespmem:s17+$0xB240];
	v8 =	vmul.f32 v9, v45  }
0x44a: {  	v46 =	vld [tilespmem:s17+$0xAA40]  }
0x44b: {  	v6 =	vadd.f32 v8, v6;
	_ =	sdelay $0x1  }
0x44c: {  	[tilespmem:s17+$0xAA30] =	vst v6  }
0x44d: {  	v6 =	vld.idx.msk [tilespmem:v2+s17+$0x7840 ss:$0x1], $0xffff  }
0x44e: {  	v47 =	vbroadcast v3, $0x4;
	v9 =	vadd.f32 v46, v10;
	_ =	sdelay $0x1  }
0x44f: {  	v11 =	vld [tilespmem:s17+$0xB250];
	v8 =	vmul.f32 v9, v47  }
0x450: {  	v48 =	vld [tilespmem:s17+$0xAA50]  }
0x451: {  	v6 =	vadd.f32 v8, v6;
	_ =	sdelay $0x1  }
0x452: {  	[tilespmem:s17+$0xAA40] =	vst v6  }
0x453: {  	v6 =	vld.idx.msk [tilespmem:v2+s17+$0x7850 ss:$0x1], $0xffff  }
0x454: {  	v49 =	vbroadcast v3, $0x5;
	v9 =	vadd.f32 v48, v11;
	_ =	sdelay $0x1  }
0x455: {  	v50 =	vld [tilespmem:s17+$0xAA60];
	v8 =	vmul.f32 v9, v49  }
0x456: {  	v5 =	vld [tilespmem:s17+$0xB260]  }
0x457: {  	v6 =	vadd.f32 v8, v6;
	_ =	sdelay $0x1  }
0x458: {  	[tilespmem:s17+$0xAA50] =	vst v6  }
0x459: {  	v6 =	vld.idx.msk [tilespmem:v2+s17+$0x7860 ss:$0x1], $0xffff  }
0x45a: {  	v51 =	vbroadcast v3, $0x6;
	v5 =	vadd.f32 v50, v5;
	_ =	sdelay $0x1  }
0x45b: {  	v40 =	vld [tilespmem:s17+$0xB270];
	v5 =	vmul.f32 v5, v51  }
0x45c: {  	v52 =	vld [tilespmem:s17+$0xAA70]  }
0x45d: {  	v5 =	vadd.f32 v5, v6;
	_ =	sdelay $0x1  }
0x45e: {  	[tilespmem:s17+$0xAA60] =	vst v5  }
0x45f: {  	v5 =	vld.idx.msk [tilespmem:v2+s17+$0x7870 ss:$0x1], $0xffff  }
0x460: {  	v53 =	vbroadcast v3, $0x7;
	v7 =	vadd.f32 v52, v40;
	_ =	sdelay $0x1  }
0x461: {  	v13 =	vld [tilespmem:s17+$0xB280];
	v6 =	vmul.f32 v7, v53  }
0x462: {  	v54 =	vld [tilespmem:s17+$0xAA80]  }
0x463: {  	v5 =	vadd.f32 v6, v5;
	_ =	sdelay $0x1  }
0x464: {  	[tilespmem:s17+$0xAA70] =	vst v5  }
0x465: {  	v5 =	vld.idx.msk [tilespmem:v2+s17+$0x7880 ss:$0x1], $0xffff  }
0x466: {  	v55 =	vbroadcast v3, $0x8;
	v7 =	vadd.f32 v54, v13;
	_ =	sdelay $0x1  }
0x467: {  	v56 =	vld [tilespmem:s17+$0xAA90];
	v6 =	vmul.f32 v7, v55  }
0x468: {  	v4 =	vld [tilespmem:s17+$0xB290]  }
0x469: {  	v5 =	vadd.f32 v6, v5;
	_ =	sdelay $0x1  }
0x46a: {  	[tilespmem:s17+$0xAA80] =	vst v5  }
0x46b: {  	v5 =	vld.idx.msk [tilespmem:v2+s17+$0x7890 ss:$0x1], $0xffff  }
0x46c: {  	v57 =	vbroadcast v3, $0x9;
	v4 =	vadd.f32 v56, v4;
	_ =	sdelay $0x1  }
0x46d: {  	v15 =	vld [tilespmem:s17+$0xB2A0];
	v4 =	vmul.f32 v4, v57  }
0x46e: {  	v58 =	vld [tilespmem:s17+$0xAAA0]  }
0x46f: {  	v4 =	vadd.f32 v4, v5;
	_ =	sdelay $0x1  }
0x470: {  	[tilespmem:s17+$0xAA90] =	vst v4  }
0x471: {  	v4 =	vld.idx.msk [tilespmem:v2+s17+$0x78A0 ss:$0x1], $0xffff  }
0x472: {  	v6 =	vadd.f32 v58, v15;
	v5 =	vbroadcast v3, $0xA;
	_ =	sdelay $0x1  }
0x473: {  	v41 =	vld [tilespmem:s17+$0xB2B0];
	v5 =	vmul.f32 v6, v5  }
0x474: {  	v59 =	vld [tilespmem:s17+$0xAAB0]  }
0x475: {  	v4 =	vadd.f32 v5, v4;
	_ =	sdelay $0x1  }
0x476: {  	[tilespmem:s17+$0xAAA0] =	vst v4  }
0x477: {  	v4 =	vld.idx.msk [tilespmem:v2+s17+$0x78B0 ss:$0x1], $0xffff  }
0x478: {  	v6 =	vadd.f32 v59, v41;
	v5 =	vbroadcast v3, $0xB;
	_ =	sdelay $0x1  }
0x479: {  	v17 =	vld [tilespmem:s17+$0xB2C0];
	v5 =	vmul.f32 v6, v5  }
0x47a: {  	v60 =	vld [tilespmem:s17+$0xAAC0]  }
0x47b: {  	v4 =	vadd.f32 v5, v4;
	_ =	sdelay $0x1  }
0x47c: {  	[tilespmem:s17+$0xAAB0] =	vst v4  }
0x47d: {  	v4 =	vld.idx.msk [tilespmem:v2+s17+$0x78C0 ss:$0x1], $0xffff  }
0x47e: {  	v6 =	vadd.f32 v60, v17;
	v5 =	vbroadcast v3, $0xC;
	_ =	sdelay $0x1  }
0x47f: {  	v42 =	vld [tilespmem:s17+$0xB2D0];
	v5 =	vmul.f32 v6, v5  }
0x480: {  	v61 =	vld [tilespmem:s17+$0xAAD0]  }
0x481: {  	v4 =	vadd.f32 v5, v4;
	_ =	sdelay $0x1  }
0x482: {  	[tilespmem:s17+$0xAAC0] =	vst v4  }
0x483: {  	v4 =	vld.idx.msk [tilespmem:v2+s17+$0x78D0 ss:$0x1], $0xffff  }
0x484: {  	v6 =	vadd.f32 v61, v42;
	v5 =	vbroadcast v3, $0xD;
	_ =	sdelay $0x1  }
0x485: {  	v43 =	vld [tilespmem:s17+$0xB2E0];
	v5 =	vmul.f32 v6, v5  }
0x486: {  	v62 =	vld [tilespmem:s17+$0xAAE0]  }
0x487: {  	v4 =	vadd.f32 v5, v4;
	_ =	sdelay $0x1  }
0x488: {  	[tilespmem:s17+$0xAAD0] =	vst v4  }
0x489: {  	v4 =	vld.idx.msk [tilespmem:v2+s17+$0x78E0 ss:$0x1], $0xffff  }
0x48a: {  	v6 =	vadd.f32 v62, v43;
	v5 =	vbroadcast v3, $0xE;
	_ =	sdelay $0x1  }
0x48b: {  	v19 =	vld [tilespmem:s17+$0xB2F0];
	v5 =	vmul.f32 v6, v5  }
0x48c: {  	v63 =	vld [tilespmem:s17+$0xAAF0]  }
0x48d: {  	v4 =	vadd.f32 v5, v4;
	_ =	sdelay $0x1  }
0x48e: {  	[tilespmem:s17+$0xAAE0] =	vst v4  }
0x48f: {  	v4 =	vld.idx.msk [tilespmem:v2+s17+$0x78F0 ss:$0x1], $0xffff  }
0x490: {  	v3 =	vbroadcast v3, $0xF;
	v5 =	vadd.f32 v63, v19;
	_ =	sdelay $0x1  }
0x491: {  	v3 =	vmul.f32 v5, v3;
	_ =	sdelay $0x1  }
0x492: {  	s19 =	simm.s32 $0x400;
	s20 =	smov.u32 s29;
	v3 =	vadd.f32 v3, v4  }
.LBB2_42:
0x493: {  	p0 =	sne.s32 s19, $0x1C00  }
0x494: {  	s20 =	sadd.s32 $0x10, s20;
	s22 =	smov.u32 s19;
	s19 =	sadd.s32 $0x400, s19  }
0x495: {  	[tilespmem:s17+$0xAAF0] =	vst v3  }
0x496: {  	s17 =	sshra.s32 s22, $0x2;
	v3 =	vld [tilespmem:s20+$0x0]  }
0x497: {  	v4 =	vld [tilespmem:s17+$0xB200]  }
0x498: {  	v5 =	vld [tilespmem:s17+$0xAA00]  }
0x499: {  	v7 =	vld [tilespmem:s17+$0xB210]  }
0x49a: {  	v6 =	vld.idx.msk [tilespmem:v2+s17+$0x7800 ss:$0x1], $0xffff  }
0x49b: {  	v3 =	vmul.f32 $8.999999760e-01, v3;
	v18 =	vld [tilespmem:s17+$0xB220]  }
0x49c: {  	v19 =	vld [tilespmem:s17+$0xB230]  }
0x49d: {  	v4 =	vadd.f32 v5, v4;
	v5 =	vbroadcast v3, $0x0;
	v9 =	vbroadcast v3, $0x1;
	v20 =	vld [tilespmem:s17+$0xB240]  }
0x49e: {  	v21 =	vbroadcast v3, $0x2;
	v22 =	vbroadcast v3, $0x3;
	v23 =	vld [tilespmem:s17+$0xB250]  }
0x49f: {  	v24 =	vbroadcast v3, $0x4;
	v4 =	vmul.f32 v4, v5;
	v25 =	vld [tilespmem:s17+$0xB260]  }
0x4a0: {  	v26 =	vbroadcast v3, $0x5;
	v27 =	vbroadcast v3, $0x6;
	v5 =	vld [tilespmem:s17+$0xAA10]  }
0x4a1: {  	v29 =	vbroadcast v3, $0x7;
	v17 =	vbroadcast v3, $0x8;
	v4 =	vadd.f32 v4, v6;
	v28 =	vld [tilespmem:s17+$0xB270]  }
0x4a2: {  	v14 =	vbroadcast v3, $0x9;
	v12 =	vbroadcast v3, $0xA;
	v30 =	vld [tilespmem:s17+$0xB280]  }
0x4a3: {  	v10 =	vbroadcast v3, $0xB;
	v8 =	vbroadcast v3, $0xC;
	[tilespmem:s17+$0xAA00] =	vst v4;
	v16 =	vld [tilespmem:s17+$0xB290]  }
0x4a4: {  	v6 =	vbroadcast v3, $0xD;
	v4 =	vbroadcast v3, $0xE;
	v31 =	vld.idx.msk [tilespmem:v2+s17+$0x7810 ss:$0x1], $0xffff  }
0x4a5: {  	v3 =	vbroadcast v3, $0xF;
	v5 =	vadd.f32 v5, v7;
	v15 =	vld [tilespmem:s17+$0xB2A0]  }
0x4a6: {  	v13 =	vld [tilespmem:s17+$0xB2B0]  }
0x4a7: {  	v5 =	vmul.f32 v5, v9;
	v11 =	vld [tilespmem:s17+$0xB2C0]  }
0x4a8: {  	v9 =	vld [tilespmem:s17+$0xB2D0]  }
0x4a9: {  	v32 =	vld [tilespmem:s17+$0xAA20]  }
0x4aa: {  	v31 =	vadd.f32 v5, v31;
	v7 =	vld [tilespmem:s17+$0xB2E0]  }
0x4ab: {  	v5 =	vld [tilespmem:s17+$0xB2F0]  }
0x4ac: {  	[tilespmem:s17+$0xAA10] =	vst v31  }
0x4ad: {  	v31 =	vld.idx.msk [tilespmem:v2+s17+$0x7820 ss:$0x1], $0xffff  }
0x4ae: {  	v18 =	vadd.f32 v32, v18;
	_ =	sdelay $0x1  }
0x4af: {  	v18 =	vmul.f32 v18, v21;
	_ =	sdelay $0x1  }
0x4b0: {  	v21 =	vld [tilespmem:s17+$0xAA30]  }
0x4b1: {  	v18 =	vadd.f32 v18, v31;
	_ =	sdelay $0x1  }
0x4b2: {  	[tilespmem:s17+$0xAA20] =	vst v18  }
0x4b3: {  	v18 =	vld.idx.msk [tilespmem:v2+s17+$0x7830 ss:$0x1], $0xffff  }
0x4b4: {  	v19 =	vadd.f32 v21, v19;
	_ =	sdelay $0x1  }
0x4b5: {  	v19 =	vmul.f32 v19, v22;
	_ =	sdelay $0x1  }
0x4b6: {  	v21 =	vld [tilespmem:s17+$0xAA40]  }
0x4b7: {  	v18 =	vadd.f32 v19, v18;
	_ =	sdelay $0x1  }
0x4b8: {  	[tilespmem:s17+$0xAA30] =	vst v18  }
0x4b9: {  	v18 =	vld.idx.msk [tilespmem:v2+s17+$0x7840 ss:$0x1], $0xffff  }
0x4ba: {  	v19 =	vadd.f32 v21, v20;
	_ =	sdelay $0x1  }
0x4bb: {  	v19 =	vmul.f32 v19, v24;
	_ =	sdelay $0x1  }
0x4bc: {  	v20 =	vld [tilespmem:s17+$0xAA50]  }
0x4bd: {  	v18 =	vadd.f32 v19, v18;
	_ =	sdelay $0x1  }
0x4be: {  	[tilespmem:s17+$0xAA40] =	vst v18  }
0x4bf: {  	v18 =	vld.idx.msk [tilespmem:v2+s17+$0x7850 ss:$0x1], $0xffff  }
0x4c0: {  	v19 =	vadd.f32 v20, v23;
	_ =	sdelay $0x1  }
0x4c1: {  	v19 =	vmul.f32 v19, v26;
	_ =	sdelay $0x1  }
0x4c2: {  	v20 =	vld [tilespmem:s17+$0xAA60]  }
0x4c3: {  	v18 =	vadd.f32 v19, v18;
	_ =	sdelay $0x1  }
0x4c4: {  	[tilespmem:s17+$0xAA50] =	vst v18  }
0x4c5: {  	v18 =	vld.idx.msk [tilespmem:v2+s17+$0x7860 ss:$0x1], $0xffff  }
0x4c6: {  	v19 =	vadd.f32 v20, v25;
	_ =	sdelay $0x1  }
0x4c7: {  	v19 =	vmul.f32 v19, v27;
	_ =	sdelay $0x1  }
0x4c8: {  	v20 =	vld [tilespmem:s17+$0xAA70]  }
0x4c9: {  	v18 =	vadd.f32 v19, v18;
	_ =	sdelay $0x1  }
0x4ca: {  	[tilespmem:s17+$0xAA60] =	vst v18  }
0x4cb: {  	v18 =	vld.idx.msk [tilespmem:v2+s17+$0x7870 ss:$0x1], $0xffff  }
0x4cc: {  	v19 =	vadd.f32 v20, v28;
	_ =	sdelay $0x1  }
0x4cd: {  	v19 =	vmul.f32 v19, v29;
	_ =	sdelay $0x1  }
0x4ce: {  	v20 =	vld [tilespmem:s17+$0xAA80]  }
0x4cf: {  	v18 =	vadd.f32 v19, v18;
	_ =	sdelay $0x1  }
0x4d0: {  	[tilespmem:s17+$0xAA70] =	vst v18  }
0x4d1: {  	v18 =	vld.idx.msk [tilespmem:v2+s17+$0x7880 ss:$0x1], $0xffff  }
0x4d2: {  	v19 =	vadd.f32 v20, v30;
	_ =	sdelay $0x1  }
0x4d3: {  	v17 =	vmul.f32 v19, v17;
	_ =	sdelay $0x1  }
0x4d4: {  	v19 =	vld [tilespmem:s17+$0xAA90]  }
0x4d5: {  	v17 =	vadd.f32 v17, v18;
	_ =	sdelay $0x1  }
0x4d6: {  	[tilespmem:s17+$0xAA80] =	vst v17  }
0x4d7: {  	v17 =	vld.idx.msk [tilespmem:v2+s17+$0x7890 ss:$0x1], $0xffff  }
0x4d8: {  	v16 =	vadd.f32 v19, v16;
	_ =	sdelay $0x1  }
0x4d9: {  	v14 =	vmul.f32 v16, v14;
	_ =	sdelay $0x1  }
0x4da: {  	v16 =	vld [tilespmem:s17+$0xAAA0]  }
0x4db: {  	v14 =	vadd.f32 v14, v17;
	_ =	sdelay $0x1  }
0x4dc: {  	[tilespmem:s17+$0xAA90] =	vst v14  }
0x4dd: {  	v14 =	vld.idx.msk [tilespmem:v2+s17+$0x78A0 ss:$0x1], $0xffff  }
0x4de: {  	v15 =	vadd.f32 v16, v15;
	_ =	sdelay $0x1  }
0x4df: {  	v12 =	vmul.f32 v15, v12;
	_ =	sdelay $0x1  }
0x4e0: {  	v15 =	vld [tilespmem:s17+$0xAAB0]  }
0x4e1: {  	v12 =	vadd.f32 v12, v14;
	_ =	sdelay $0x1  }
0x4e2: {  	[tilespmem:s17+$0xAAA0] =	vst v12  }
0x4e3: {  	v12 =	vld.idx.msk [tilespmem:v2+s17+$0x78B0 ss:$0x1], $0xffff  }
0x4e4: {  	v13 =	vadd.f32 v15, v13;
	_ =	sdelay $0x1  }
0x4e5: {  	v10 =	vmul.f32 v13, v10;
	_ =	sdelay $0x1  }
0x4e6: {  	v13 =	vld [tilespmem:s17+$0xAAC0]  }
0x4e7: {  	v10 =	vadd.f32 v10, v12;
	_ =	sdelay $0x1  }
0x4e8: {  	[tilespmem:s17+$0xAAB0] =	vst v10  }
0x4e9: {  	v10 =	vld.idx.msk [tilespmem:v2+s17+$0x78C0 ss:$0x1], $0xffff  }
0x4ea: {  	v11 =	vadd.f32 v13, v11;
	_ =	sdelay $0x1  }
0x4eb: {  	v8 =	vmul.f32 v11, v8;
	_ =	sdelay $0x1  }
0x4ec: {  	v11 =	vld [tilespmem:s17+$0xAAD0]  }
0x4ed: {  	v8 =	vadd.f32 v8, v10;
	_ =	sdelay $0x1  }
0x4ee: {  	[tilespmem:s17+$0xAAC0] =	vst v8  }
0x4ef: {  	v8 =	vld.idx.msk [tilespmem:v2+s17+$0x78D0 ss:$0x1], $0xffff  }
0x4f0: {  	v9 =	vadd.f32 v11, v9;
	_ =	sdelay $0x1  }
0x4f1: {  	v6 =	vmul.f32 v9, v6;
	_ =	sdelay $0x1  }
0x4f2: {  	v9 =	vld [tilespmem:s17+$0xAAE0]  }
0x4f3: {  	v6 =	vadd.f32 v6, v8;
	_ =	sdelay $0x1  }
0x4f4: {  	[tilespmem:s17+$0xAAD0] =	vst v6  }
0x4f5: {  	v6 =	vld.idx.msk [tilespmem:v2+s17+$0x78E0 ss:$0x1], $0xffff  }
0x4f6: {  	v7 =	vadd.f32 v9, v7;
	_ =	sdelay $0x1  }
0x4f7: {  	v4 =	vmul.f32 v7, v4;
	_ =	sdelay $0x1  }
0x4f8: {  	v7 =	vld [tilespmem:s17+$0xAAF0]  }
0x4f9: {  	v4 =	vadd.f32 v4, v6;
	_ =	sdelay $0x1  }
0x4fa: {  	[tilespmem:s17+$0xAAE0] =	vst v4  }
0x4fb: {  	v4 =	vld.idx.msk [tilespmem:v2+s17+$0x78F0 ss:$0x1], $0xffff  }
0x4fc: {  	v5 =	vadd.f32 v7, v5  }
.Ltmp19:
0x4fd: {  	(pc) =	sbr.rel @p0 .LBB2_42-.Ltmp19, $2  }
0x4fe: {  	v3 =	vmul.f32 v5, v3;
	_ =	sdelay $0x2  }
0x4ff: {  	v3 =	vadd.f32 v3, v4  }
0x500: {  	_ = 	snop  }
0x501: {  	[tilespmem:s17+$0xAAF0] =	vst v3  }
0x502: {  	[hbm4b:s14+s3] =	stream.linear.scatter [tilespmem:s8], [sflag:$0x1], $0x800, $0x38;
	[tilespmem:$0x18C80] =	vst v63  }
0x503: {  	s12 =	sadd.s32 $0x1, s12;
	_ =	swait.ge [sflag:s28], $0x800  }
0x504: {  	p0 =	sne.s32 s12, $0x5;
	[sflag:s28] =	ssyncset.done $0x0  }
.Ltmp20:
0x505: {  	[sflag:s28] =	ssyncadd.s32 $0xFFFFF800;
	(pc) =	sbr.rel @p0 .LBB2_41-.Ltmp20, $4  }
0x506: {  	[spmem:s16] =	stream.linear.scatter [tilespmem:s30], [sflag:$0x1], $0x800, $0x38;
	[tilespmem:$0x18C80] =	vst v63  }
0x507: {  	_ =	swait.ge [sflag:s28], $0x800  }
0x508: {  	[sflag:s28] =	ssyncset.done $0x0  }
0x509: {  	s11 =	sadd.s32 $0x800, s11;
	s29 =	sadd.s32 $0x80, s29;
	[sflag:s28] =	ssyncadd.s32 $0xFFFFF800  }
0x50a: {  	s0 =	sadd.s32 $0x1, s0  }
0x50b: {  	p0 =	sne.s32 s0, $0xA  }
.Ltmp21:
0x50c: {  	_ = 	snop;
	(pc) =	sbr.rel @p0 .LBB2_38-.Ltmp21, $2  }
0x50d: {  	_ =	sdelay $0x1  }
0x50e: {  	[bflag:$0x0] =	sbarrier.arrive $0xFFFF;
	_ =	sdelay $0x1  }
0x50f: {  	s31 =	sadd.s32 $0x1, s31;
	s0 =	rddreg [dreg:$0xf]  }
0x510: {  	p0 =	sne.s32 s31, s0  }
.Ltmp22:
0x511: {  	_ = 	snop;
	(pc) =	sbr.rel @p0 .LBB2_1-.Ltmp22, $1  }
0x512: {  	_ =	sdelay $0x3  }
0x513: {  	_ =	sfence.sel $0x180000  }
0x514: {  	[bflag:$0x0] =	sbarrier.arrive $0xFFFF  }
0x515: {  	_ =	strace $0x9000004A  }
0x516: {  	s0 =	stileid.u32;
	[bflag:$0x2] =	sbarrier.arrive $0xFFFF  }
0x517: {  	p0 =	sne.s32 s0, $0x0;
	s0 =	rddreg [dreg:$0x3]  }
0x518: {  	s0 =	sadd.s32 @!p0 $0x100000, s0  }
0x519: {  	[sflag:s0] =	ssyncadd.tile.s32 @!p0 $0x1;
	_ =	shalt  }
.Lfunc_end2:
_tile_overlayer_lowered:
.L_overlay_start_2:
0x51a: {  	(tag) =	ssettag $0x2  }
0x51b: {  	s0 =	rddreg [dreg:$0x0];
	s2 =	stileid.u32  }
0x51c: {  	s1 =	rddreg [dreg:$0x1];
	p0 =	sne.s32 s2, $0x0  }
0x51d: {  	s3 =	rddreg [dreg:$0x2];
	[bflag:$0x3] =	sbarrier.arrive $0xFFFF;
	s2 =	simm.s32 @!p0 $0x1C01  }
0x51e: {  	[timem:s3], [sflag:s2] =	dma.local @!p0 [hbm:s0], s1  }
0x51f: {  	s0 =	simm.s32 @!p0 $0x1  }
0x520: {  	_ =	swait.ge @!p0 [sflag:s0], s1  }
0x521: {  	s1 =	ssub.s32 @!p0 $0x0, s1;
	[sflag:s0] =	ssyncset.done @!p0 $0x0  }
0x522: {  	[sflag:s0] =	ssyncadd.s32 @!p0 s1  }
0x523: {  	[bflag:$0x3] =	sbarrier.arrive $0xFFFF  }
0x524: {  	_ =	shalt  }

// kernel: kernel.7.cloned.1.call-start
scs
__scs_entry_jumppad:
0x0: {  	(pc) =	sbr.rel $0x88, $3  }
0x1: {  	(tag) =	ssettag $0x0;
	lr =	simm.s32 $0x1  }
0x2: {  	[smem:$0x3F9B] =	sst lr;
	_ =	strace $0xD0000000  }
0x3: {  	_ = 	snop  }
0x4: {  	_ = 	snop  }
0x5: {  	_ = 	snop  }
0x6: {  	_ = 	snop  }
0x7: {  	_ = 	snop  }
__scs_overlays_trampoline_lowered:
0x8: {  	[smem:$0x3FAA] =	sst s0  }
0x9: {  	[smem:$0x3FAB] =	sst s1  }
0xa: {  	[smem:$0x3FAC] =	sst s2  }
0xb: {  	[smem:$0x3FAD] =	sst s3  }
0xc: {  	[smem:$0x3FAE] =	sst s4  }
0xd: {  	[smem:$0x3FAF] =	sst s5  }
0xe: {  	[smem:$0x3FB0] =	sst s6  }
0xf: {  	[smem:$0x3FB1] =	sst s7  }
0x10: {  	[smem:$0x3FB2] =	sst s8  }
0x11: {  	[smem:$0x3FB3] =	sst s9;
	s0 =	simm.s32 @!p0 $0x0  }
0x12: {  	s1 =	sld [smem:$0x3F99];
	s0 =	simm.s32 @p0 $0x1  }
0x13: {  	[smem:$0x3FB4] =	sst s0;
	s0 =	simm.s32 @!p1 $0x0  }
0x14: {  	s2 =	sld [smem:$0x3F98];
	s0 =	simm.s32 @p1 $0x1  }
0x15: {  	[smem:$0x3FB5] =	sst s0;
	s0 =	simm.s32 @!p2 $0x0  }
0x16: {  	s3 =	sld [smem:$0x3FDB];
	s0 =	simm.s32 @p2 $0x1  }
0x17: {  	s4 =	simm.s32 $0x1BF5;
	[smem:$0x3FB7] =	sst s0  }
0x18: {  	s0 =	sld [smem:$0x3F9A];
	_ =	swait.ge [sflag:s4], $0x0  }
0x19: {  	s7 =	sld [smem:$0x3F9B]  }
0x1a: {  	s8 =	sadd.s32 $0xFFFFE003, lr  }
0x1b: {  	s9 =	sadd.s32 $0xFFFFFEF7, lr;
	s5 =	simm.s32 $0xFFFFFFFF;
	p2 =	slt.u32 s8, $0xFFFFF086  }
0x1c: {  	p1 =	slt.u32 s9, $0xF7A;
	s5 =	simm.s32 @!p2 $0x0  }
0x1d: {  	s5 =	simm.s32 @p1 $0x1;
	p0 =	seq.s32 s7, s2  }
0x1e: {  	s7 =	smul.u32 @!p0 $0xF7A, s2;
	p2 =	seq.s32 @!p0 s5, $0x0  }
0x1f: {  	s9 =	smul.u32 $0xF7A, s1;
	s8 =	simm.s32 @!p0 $0x1BF5;
	p2 =	por !p2, p0  }
0x20: {  	[sflag:s8] =	ssyncset.s32 @!p0 $0xFFFFF086;
	s6 =	sadd.s32 @!p0 s3, s7;
	s7 =	simm.s32 @!p0 $0x108  }
0x21: {  	s3 =	sadd.s32 s3, s9;
	s6 =	sadd.s32 @!p0 $0x88, s6;
	s7 =	simm.s32 @p2 $0x1082  }
0x22: {  	[simem:s7], [sflag:s8] =	dma.local @!p0 [hbm:s6], $0xF7A  }
0x23: {  	s9 =	sor.u32 $0xD0000000, s2;
	s6 =	simm.s32 $0x108;
	_ =	swait.ge @!p0 [sflag:s8], $0x0  }
0x24: {  	s3 =	sadd.s32 $0x88, s3;
	s6 =	simm.s32 @!p1 $0x1082;
	[sflag:s4] =	ssyncset.s32 $0xFFFFF086  }
0x25: {  	[simem:s6], [sflag:s4] =	dma.local [hbm:s3], $0xF7A  }
0x26: {  	[smem:$0x3F9B] =	sst s1;
	(tag) =	ssettag s2;
	_ =	strace s9  }
0x27: {  	s1 =	sld [smem:$0x3FAB]  }
0x28: {  	s2 =	sld [smem:$0x3FAC]  }
0x29: {  	s4 =	sld [smem:$0x3FAE]  }
0x2a: {  	p0 =	seq.s32 s5, $0x0;
	s5 =	sld [smem:$0x3FAF]  }
0x2b: {  	s6 =	sld [smem:$0x3FB0]  }
0x2c: {  	s7 =	sld [smem:$0x3FB1]  }
0x2d: {  	s3 =	simm.s32 $0x108;
	s8 =	sld [smem:$0x3FB2]  }
0x2e: {  	s3 =	simm.s32 @!p0 $0x1082;
	s9 =	sld [smem:$0x3FB3]  }
0x2f: {  	lr =	sadd.s32 s0, s3;
	s0 =	sld [smem:$0x3FAA]  }
0x30: {  	s3 =	sld [smem:$0x3FAD]  }
0x31: {  	[smem:$0x3FB6] =	sst s10  }
0x32: {  	s10 =	sld [smem:$0x3FB4];
	_ =	sdelay $0x3  }
0x33: {  	p0 =	seq.s32 s10, $0x1;
	s10 =	sld [smem:$0x3FB6];
	_ =	sdelay $0x3  }
0x34: {  	[smem:$0x3FB6] =	sst s10  }
0x35: {  	s10 =	sld [smem:$0x3FB5];
	_ =	sdelay $0x3  }
0x36: {  	p1 =	seq.s32 s10, $0x1;
	s10 =	sld [smem:$0x3FB6];
	_ =	sdelay $0x3  }
0x37: {  	[smem:$0x3FB6] =	sst s10  }
0x38: {  	s10 =	sld [smem:$0x3FB7]  }
0x39: {  	_ = 	snop;
	(pc) =	sbr.ind lr, $3  }
0x3a: {  	_ = 	snop  }
0x3b: {  	_ = 	snop  }
0x3c: {  	p2 =	seq.s32 s10, $0x1;
	s10 =	sld [smem:$0x3FB6]  }
0x3d: {  	_ =	shalt  }
0x3e: {  	_ =	shalt  }
0x3f: {  	_ =	shalt  }
0x40: {  	_ =	shalt  }
0x41: {  	_ =	shalt  }
0x42: {  	_ =	shalt  }
0x43: {  	_ =	shalt  }
0x44: {  	_ =	shalt  }
0x45: {  	_ =	shalt  }
0x46: {  	_ =	shalt  }
0x47: {  	_ =	shalt  }
0x48: {  	_ =	shalt  }
0x49: {  	_ =	shalt  }
0x4a: {  	_ =	shalt  }
0x4b: {  	_ =	shalt  }
0x4c: {  	_ =	shalt  }
0x4d: {  	_ =	shalt  }
0x4e: {  	_ =	shalt  }
0x4f: {  	_ =	shalt  }
0x50: {  	_ =	shalt  }
0x51: {  	_ =	shalt  }
0x52: {  	_ =	shalt  }
0x53: {  	_ =	shalt  }
0x54: {  	_ =	shalt  }
0x55: {  	_ =	shalt  }
0x56: {  	_ =	shalt  }
0x57: {  	_ =	shalt  }
0x58: {  	_ =	shalt  }
0x59: {  	_ =	shalt  }
0x5a: {  	_ =	shalt  }
0x5b: {  	_ =	shalt  }
0x5c: {  	_ =	shalt  }
0x5d: {  	_ =	shalt  }
0x5e: {  	_ =	shalt  }
0x5f: {  	_ =	shalt  }
0x60: {  	_ =	shalt  }
0x61: {  	_ =	shalt  }
0x62: {  	_ =	shalt  }
0x63: {  	_ =	shalt  }
0x64: {  	_ =	shalt  }
0x65: {  	_ =	shalt  }
0x66: {  	_ =	shalt  }
0x67: {  	_ =	shalt  }
0x68: {  	_ =	shalt  }
0x69: {  	_ =	shalt  }
0x6a: {  	_ =	shalt  }
0x6b: {  	_ =	shalt  }
0x6c: {  	_ =	shalt  }
0x6d: {  	_ =	shalt  }
0x6e: {  	_ =	shalt  }
0x6f: {  	_ =	shalt  }
0x70: {  	_ =	shalt  }
0x71: {  	_ =	shalt  }
0x72: {  	_ =	shalt  }
0x73: {  	_ =	shalt  }
0x74: {  	_ =	shalt  }
0x75: {  	_ =	shalt  }
0x76: {  	_ =	shalt  }
0x77: {  	_ =	shalt  }
0x78: {  	_ =	shalt  }
0x79: {  	_ =	shalt  }
0x7a: {  	_ =	shalt  }
0x7b: {  	_ =	shalt  }
0x7c: {  	_ =	shalt  }
0x7d: {  	_ =	shalt  }
0x7e: {  	_ =	shalt  }
0x7f: {  	_ =	shalt  }
0x80: {  	_ =	shalt  }
0x81: {  	_ =	shalt  }
0x82: {  	_ =	shalt  }
0x83: {  	_ =	shalt  }
0x84: {  	_ =	shalt  }
0x85: {  	_ =	shalt  }
0x86: {  	_ =	shalt  }
0x87: {  	_ =	shalt  }
.Lfunc_end0:
.L_simem_size_0:
called_computation_lowered:
.L_overlay_start_0:
0x88: {  	s2 =	sld [smem:$0x3FD9]  }
0x89: {  	s3 =	sld [smem:$0x3FFE];
	_ =	sdelay $0x1  }
0x8a: {  	s1 =	srdreg.scid  }
0x8b: {  	s0 =	sand.u32 $0x1, s1  }
0x8c: {  	s17 =	sshll.u32 s0, $0xA;
	s2 =	sadd.s32 s3, s2  }
0x8d: {  	s2 =	sadd.s32 s2, s17  }
0x8e: {  	[smem:$0x3FC2] =	sst s2  }
0x8f: {  	_ = 	snop  }
0x90: {  	s2 =	sld [smem:$0x3FD0];
	(tm) =	ssettm $0x1  }
0x91: {  	s18 =	sld [smem:$0x3FFB];
	_ =	sdelay $0x3  }
0x92: {  	_ =	strace s18  }
0x93: {  	s3 =	sld [smem:$0x3FFC];
	_ =	sdelay $0x3  }
0x94: {  	_ =	strace s3  }
0x95: {  	s3 =	sld [smem:$0x3FFD];
	_ =	sdelay $0x3  }
0x96: {  	_ =	strace s3  }
0x97: {  	_ =	strace $0x8FFFFFFF  }
0x98: {  	s19 =	sld [smem:$0x3FDB];
	_ =	sdelay $0x1  }
0x99: {  	s4 =	simm.s32 $_scs_section_size  }
0x9a: {  	s5 =	simm.s32 $_size__tile_overlayer_lowered;
	s6 =	simm.s32 $_tile_overlayer_lowered  }
0x9b: {  	s22 =	simm.s32 $0x1BFF;
	s21 =	sshll.u32 s6, $0x1;
	s3 =	sadd.s32 s4, s19  }
0x9c: {  	s7 =	simm.s32 $0x0;
	s20 =	sshll.u32 s5, $0x1;
	s5 =	sadd.s32 s21, s3  }
0x9d: {  	[timem:s7], [sflag:s22] =	dma.local [hbm:s5], s20  }
0x9e: {  	_ =	swait.ge [sflag:s22], s20  }
0x9f: {  	s4 =	ssub.s32 $0x0, s20;
	[sflag:s22] =	ssyncset.done $0x0  }
0xa0: {  	[sflag:s22] =	ssyncadd.s32 s4;
	_ =	sdelay $0x1  }
0xa1: {  	s23 =	simm.s32 $0x1B8B  }
0xa2: {  	_ =	swait.ge [sflag:s23], $0x1  }
0xa3: {  	[sflag:s23] =	ssyncset.done $0x0  }
0xa4: {  	s25 =	simm.s32 $0x1B8E;
	s24 =	sld [smem:$0x3FFE];
	[sflag:s23] =	ssyncadd.s32 $0xFFFFFFFF  }
0xa5: {  	s26 =	simm.s32 $execute0_lowered;
	[smem:$0x3FD2] =	sst s25  }
0xa6: {  	s5 =	sshll.u32 s26, $0x1;
	_ =	strace $0x80000046;
	[dreg:$0x1] =	wrdreg $0xFFFFFFFF  }
0xa7: {  	s28 =	simm.s32 $_size_execute0_lowered;
	s3 =	sadd.s32 s3, s5;
	[dreg:$0x0] =	wrdreg $0x0  }
0xa8: {  	s5 =	sshll.u32 s28, $0x1;
	[dreg:$0x2] =	wrdreg s3  }
0xa9: {  	[dreg:$0x3] =	wrdreg s5  }
0xaa: {  	[dreg:$0x4] =	wrdreg $0xC0  }
0xab: {  	_ =	task [dreg:s7], $0x5FFFF  }
0xac: {  	[dreg:$0x1] =	wrdreg $0xFFFFFFFF  }
0xad: {  	[dreg:$0x0] =	wrdreg $0x60  }
0xae: {  	[dreg:$0x2] =	wrdreg s2  }
0xaf: {  	[dreg:$0x3] =	wrdreg s24  }
0xb0: {  	[dreg:$0x4] =	wrdreg $0x54000  }
0xb1: {  	[dreg:$0x5] =	wrdreg $0x9  }
0xb2: {  	_ =	task.clear_ibuf [dreg:s7], $0x6FFFF;
	_ =	strace $0x90000046  }
0xb3: {  	s29 =	simm.s32 $0x9;
	_ =	strace $0x80000048  }
0xb4: {  	_ =	swait.ge [sflag:s29], $0x1  }
0xb5: {  	[sflag:s29] =	ssyncadd.s32 $0xFFFFFFFF  }
0xb6: {  	_ =	strace $0x90000048  }
0xb7: {  	_ =	sfence  }
0xb8: {  	s30 =	sld [smem:$0x0];
	_ =	sdelay $0x2  }
0xb9: {  	s31 =	sshll.u32 s1, $0xD;
	s1 =	sshrl.u32 s1, $0x2  }
0xba: {  	s3 =	sand.u32 $0x4000, s31;
	s1 =	sadd.s32 s1, s30  }
0xbb: {  	s0 =	sor.u32 s3, s0;
	s1 =	sshll.u32 s1, $0x11  }
0xbc: {  	s0 =	sor.u32 s1, s0  }
0xbd: {  	s0 =	sadd.s32 $0x8F2B, s0  }
0xbe: {  	[sflag:s0] =	ssyncadd.remote.s32 $0x1  }
0xbf: {  	_ =	sfence.sel $0xFFFF  }
0xc0: {  	[dreg:$0x0] =	wrdreg $0xFFFFFFFF;
	(pc) =	sbr.abs _section_cstart, $3  }
0xc1: {  	[dreg:$0x1] =	wrdreg $0xFFFFFFFF  }
0xc2: {  	_ =	task.clear_ibuf [dreg:s7], $0x2FFFF;
	_ =	strace $0x9FFFFFFF  }
0xc3: {  	(tm) =	ssettm $0x7FFFFFFF  }
tec
execute0_lowered:
.L_overlay_start_1:
0x0: {  	(tag) =	ssettag $0x1  }
0x1: {  	s4 =	rddreg [dreg:$0x0]  }
0x2: {  	s1 =	srdreg.scid;
	s5 =	rddreg [dreg:$0x1]  }
0x3: {  	s0 =	stileid.u32;
	s2 =	rddreg [dreg:$0x2];
	s3 =	simm.s32 $0x0  }
0x4: {  	s11 =	simm.s32 $0x80;
	s12 =	simm.s32 $0x5100;
	s7 =	smul.u32 $0x280, s0  }
0x5: {  	s6 =	sand.u32 $0x1, s1;
	s1 =	rddreg [dreg:$0x3];
	s10 =	smul.u32 $0xA20, s0  }
0x6: {  	s13 =	simm.s32 $0x0;
	[smem:$0x7FF] =	sst s3;
	s8 =	smul.u32 $0x2800, s6  }
0x7: {  	s9 =	ssub.s32 $0x2, s6;
	_ =	strace $0x80000047;
	s31 =	smul.u32 $0xA200, s6  }
0x8: {  	s30 =	sshrl.u32 s9, $0x1;
	s4 =	sadd.s32 s4, s10;
	s8 =	sadd.s32 s7, s8  }
0x9: {  	s10 =	simm.s32 $0x5180;
	s9 =	ssub.s32 s9, s30;
	s8 =	sshrl.u32 s8, $0x3  }
0xa: {  	s8 =	sadd.s32 s8, s5;
	s5 =	sadd.s32 s7, s2;
	s7 =	smax.u32 s9, $0x1  }
0xb: {  	v0 =	vimm.f32 $1.000000000e+00;
	v1 =	vimm.f32 $0.0e+00;
	s9 =	simm.s32 $0x1;
	s6 =	sadd.s32 $0xE00, s8;
	s8 =	sshrl.u32 s31, $0x2  }
.LBB2_1:
0xc: {  	[tilespmem:s3], [sflag:$0x1] =	stream.linear.gather [hbm4b:s4+s3], $0x5100, $0x38;
	[tilespmem:$0x5680] =	vst v63  }
0xd: {  	_ =	swait.ge [sflag:s9], $0x5100  }
0xe: {  	[sflag:s9] =	ssyncset.done $0x0  }
0xf: {  	[sflag:s9] =	ssyncadd.s32 $0xFFFFAF00  }
0x10: {  	[tilespmem:$0x5100] =	vst v0  }
0x11: {  	[tilespmem:$0x5110] =	vst v0  }
0x12: {  	[tilespmem:$0x5120] =	vst v0  }
0x13: {  	[tilespmem:$0x5130] =	vst v0  }
0x14: {  	[tilespmem:$0x5140] =	vst v0  }
0x15: {  	[tilespmem:$0x5150] =	vst v0  }
0x16: {  	[tilespmem:$0x5160] =	vst v0  }
0x17: {  	[tilespmem:$0x5170] =	vst v0  }
0x18: {  	[tilespmem:$0x5180] =	vst v1  }
0x19: {  	[tilespmem:$0x5190] =	vst v1  }
0x1a: {  	[tilespmem:$0x51A0] =	vst v1  }
0x1b: {  	[tilespmem:$0x51B0] =	vst v1  }
0x1c: {  	[tilespmem:$0x51C0] =	vst v1  }
0x1d: {  	[tilespmem:$0x51D0] =	vst v1  }
0x1e: {  	[tilespmem:$0x51E0] =	vst v1  }
0x1f: {  	[tilespmem:$0x51F0] =	vst v1  }
0x20: {  	[tilespmem:$0x5200] =	vst v1  }
0x21: {  	[tilespmem:$0x5210] =	vst v1  }
0x22: {  	[tilespmem:$0x5220] =	vst v1  }
0x23: {  	[tilespmem:$0x5230] =	vst v1  }
0x24: {  	[tilespmem:$0x5240] =	vst v1  }
0x25: {  	[tilespmem:$0x5250] =	vst v1  }
0x26: {  	[tilespmem:$0x5260] =	vst v1  }
0x27: {  	[tilespmem:$0x5270] =	vst v1  }
0x28: {  	[tilespmem:$0x5280] =	vst v1  }
0x29: {  	[tilespmem:$0x5290] =	vst v1  }
0x2a: {  	[tilespmem:$0x52A0] =	vst v1  }
0x2b: {  	[tilespmem:$0x52B0] =	vst v1  }
0x2c: {  	[tilespmem:$0x52C0] =	vst v1  }
0x2d: {  	[tilespmem:$0x52D0] =	vst v1  }
0x2e: {  	[tilespmem:$0x52E0] =	vst v1  }
0x2f: {  	[tilespmem:$0x52F0] =	vst v1  }
0x30: {  	[tilespmem:$0x5300] =	vst v1  }
0x31: {  	[tilespmem:$0x5310] =	vst v1  }
0x32: {  	[tilespmem:$0x5320] =	vst v1  }
0x33: {  	[tilespmem:$0x5330] =	vst v1  }
0x34: {  	[tilespmem:$0x5340] =	vst v1  }
0x35: {  	[tilespmem:$0x5350] =	vst v1  }
0x36: {  	[tilespmem:$0x5360] =	vst v1  }
0x37: {  	[tilespmem:$0x5370] =	vst v1  }
0x38: {  	[tilespmem:$0x5380] =	vst v1  }
0x39: {  	[tilespmem:$0x5390] =	vst v1  }
0x3a: {  	[tilespmem:$0x53A0] =	vst v1  }
0x3b: {  	[tilespmem:$0x53B0] =	vst v1  }
0x3c: {  	[tilespmem:$0x53C0] =	vst v1  }
0x3d: {  	[tilespmem:$0x53D0] =	vst v1  }
0x3e: {  	[tilespmem:$0x53E0] =	vst v1  }
0x3f: {  	[tilespmem:$0x53F0] =	vst v1  }
0x40: {  	[spmem:s5] =	stream.linear.scatter [tilespmem:s10], [sflag:$0x1], $0x280, $0x38;
	[tilespmem:$0x5680] =	vst v63  }
0x41: {  	_ =	swait.ge [sflag:s9], $0x280  }
0x42: {  	[sflag:s9] =	ssyncset.done $0x0  }
0x43: {  	[sflag:s9] =	ssyncadd.s32 $0xFFFFFD80  }
0x44: {  	s14 =	sadd.s32 $0x0, s8;
	[bflag:$0x0] =	sbarrier.arrive $0xFFFF  }
0x45: {  	[spmem:s2] =	stream.indirect.scatter.add.f32 [tilespmem:s12], [sflag:$0x1], $0x1, s14, s11, $0xb8;
	[tilespmem:$0x5680] =	vst v63  }
0x46: {  	s14 =	simm.s32 $0x200;
	_ =	swait.ge [sflag:s9], $0x80  }
.LBB2_2:
0x47: {  	s15 =	sshra.s32 s14, $0x2;
	[sflag:s9] =	ssyncset.done $0x0;
	p0 =	sne.s32 s14, $0xA000  }
.Ltmp0:
0x48: {  	s15 =	sadd.s32 s15, s8;
	[sflag:s9] =	ssyncadd.s32 $0xFFFFFF80;
	(pc) =	sbr.rel @p0 .LBB2_2-.Ltmp0, $3  }
0x49: {  	[spmem:s2] =	stream.indirect.scatter.add.f32 [tilespmem:s12], [sflag:$0x1], $0x1, s15, s11, $0xb8;
	[tilespmem:$0x5680] =	vst v63  }
0x4a: {  	s14 =	sadd.s32 $0x200, s14;
	_ =	sdelay $0x1  }
0x4b: {  	_ =	swait.ge [sflag:s9], $0x80  }
0x4c: {  	[sflag:s9] =	ssyncset.done $0x0  }
0x4d: {  	[sflag:s9] =	ssyncadd.s32 $0xFFFFFF80  }
0x4e: {  	[bflag:$0x0] =	sbarrier.arrive $0xFFFF  }
0x4f: {  	[tilespmem:s10], [sflag:$0x1] =	stream.linear.gather [spmem:s5], $0x280, $0x38;
	[tilespmem:$0x5680] =	vst v63  }
0x50: {  	s13 =	sadd.s32 $0x1, s13;
	_ =	swait.ge [sflag:s9], $0x280  }
0x51: {  	p0 =	sne.s32 s13, s7;
	[sflag:s9] =	ssyncset.done $0x0  }
.Ltmp1:
0x52: {  	[sflag:s9] =	ssyncadd.s32 $0xFFFFFD80;
	(pc) =	sbr.rel @p0 .LBB2_1-.Ltmp1, $4  }
0x53: {  	[hbm4b:s6+s3] =	stream.linear.scatter [tilespmem:s10], [sflag:$0x1], $0x280, $0x38;
	[tilespmem:$0x5680] =	vst v63  }
0x54: {  	_ =	swait.ge [sflag:s9], $0x280  }
0x55: {  	[sflag:s9] =	ssyncset.done $0x0  }
0x56: {  	[sflag:s9] =	ssyncadd.s32 $0xFFFFFD80  }
0x57: {  	_ =	sfence.sel $0x180000  }
0x58: {  	[bflag:$0x0] =	sbarrier.arrive $0xFFFF  }
0x59: {  	p0 =	sne.s32 s0, $0x0;
	_ =	strace $0x90000047  }
0x5a: {  	s0 =	sadd.s32 @!p0 $0x100000, s1;
	[bflag:$0x2] =	sbarrier.arrive $0xFFFF  }
0x5b: {  	[sflag:s0] =	ssyncadd.tile.s32 @!p0 $0x1;
	_ =	shalt  }
.Lfunc_end2:
_tile_overlayer_lowered:
.L_overlay_start_2:
0x5c: {  	(tag) =	ssettag $0x2  }
0x5d: {  	s0 =	rddreg [dreg:$0x0];
	s2 =	stileid.u32  }
0x5e: {  	s1 =	rddreg [dreg:$0x1];
	p0 =	sne.s32 s2, $0x0  }
0x5f: {  	s3 =	rddreg [dreg:$0x2];
	[bflag:$0x3] =	sbarrier.arrive $0xFFFF;
	s2 =	simm.s32 @!p0 $0x1C01  }
0x60: {  	[timem:s3], [sflag:s2] =	dma.local @!p0 [hbm:s0], s1  }
0x61: {  	s0 =	simm.s32 @!p0 $0x1  }
0x62: {  	_ =	swait.ge @!p0 [sflag:s0], s1  }
0x63: {  	s1 =	ssub.s32 @!p0 $0x0, s1;
	[sflag:s0] =	ssyncset.done @!p0 $0x0  }
0x64: {  	[sflag:s0] =	ssyncadd.s32 @!p0 s1  }
0x65: {  	[bflag:$0x3] =	sbarrier.arrive $0xFFFF  }
0x66: {  	_ =	shalt  }

</sc_bundles>
